<compile_context>
chip_gen: v7x
topology: tpu7x:2x2x1
jax: 0.10.2.dev20260603
libtpu: 0.0.44.dev20260713+nightly
codegen_flags: <defaults>
</compile_context>

<pallas_src>
import functools

import jax
import jax.numpy as jnp
from jax import lax
from jax.experimental import pallas as pl
from jax.experimental.pallas import tpu as pltpu
from jax.experimental.pallas import tpu_sc as plsc

_NUM_CORES = 2
_NUM_SUBCORES = 16
_NUM_WORKERS = _NUM_CORES * _NUM_SUBCORES
_LANES = 16
_CHUNK = 256
_PACK = 4


def _mf_forward(user_idx, item_idx, W, H):
    B = user_idx.shape[0]
    K = W.shape[1]
    b_per_w = B // _NUM_WORKERS
    n_chunks = b_per_w // _CHUNK
    groups = _CHUNK // _LANES

    mesh = plsc.VectorSubcoreMesh(core_axis_name="c", subcore_axis_name="s")

    @functools.partial(
        pl.kernel,
        mesh=mesh,
        out_type=jax.ShapeDtypeStruct((B,), jnp.float32),
        scratch_types=[
            pltpu.VMEM((b_per_w,), jnp.int32),
            pltpu.VMEM((b_per_w,), jnp.int32),
            pltpu.VMEM((_CHUNK // _PACK, _PACK * K), jnp.float32),
            pltpu.VMEM((_CHUNK // _PACK, _PACK * K), jnp.float32),
            pltpu.VMEM((_CHUNK // _PACK, _PACK * K), jnp.float32),
            pltpu.VMEM((_CHUNK // _PACK, _PACK * K), jnp.float32),
            pltpu.VMEM((b_per_w,), jnp.float32),
            pltpu.SemaphoreType.DMA,
            pltpu.SemaphoreType.DMA,
        ],
        compiler_params=pltpu.CompilerParams(needs_layout_passes=False),
    )
    def mf_kernel(uidx_hbm, vidx_hbm, w_hbm, h_hbm, out_hbm,
                  uidx_v, vidx_v, u_a, v_a, u_b, v_b, out_v, sem_a, sem_b):
        wid = lax.axis_index("s") * _NUM_CORES + lax.axis_index("c")
        base = wid * b_per_w

        pltpu.sync_copy(uidx_hbm.at[pl.ds(base, b_per_w)], uidx_v)
        pltpu.sync_copy(vidx_hbm.at[pl.ds(base, b_per_w)], vidx_v)

        lane = lax.iota(jnp.int32, _LANES)

        def fire(cbase, u_rows, v_rows, sem):
            def fetch_body(g, inner):
                u16 = uidx_v[pl.ds(cbase + g * _LANES, _LANES)]
                v16 = vidx_v[pl.ds(cbase + g * _LANES, _LANES)]
                for j in range(_LANES):
                    r = g * _LANES + j
                    dst_row = r // _PACK
                    dst_col = pl.ds((r % _PACK) * K, K)
                    pltpu.async_copy(w_hbm.at[u16[j]],
                                     u_rows.at[dst_row, dst_col], sem)
                    pltpu.async_copy(h_hbm.at[v16[j]],
                                     v_rows.at[dst_row, dst_col], sem)
                return inner

            lax.fori_loop(0, _CHUNK // _LANES, fetch_body, 0)

        def drain(sem):
            n_waits = (2 * _CHUNK * K) // b_per_w
            for _ in range(n_waits):
                pltpu.make_async_copy(out_hbm.at[pl.ds(0, b_per_w)],
                                      out_v, sem).wait()

        def compute(cbase, u_rows, v_rows):
            def group_body(g, inner):
                rows = g * _LANES + lane
                prow = rows // _PACK
                pbase = (rows % _PACK) * K
                acc = jnp.zeros((_LANES,), jnp.float32)
                for kk in range(K):
                    col = pbase + ((lane + kk) & (K - 1))
                    u = plsc.load_gather(u_rows, [prow, col])
                    v = plsc.load_gather(v_rows, [prow, col])
                    acc = acc + u * v
                out_v[pl.ds(cbase + g * _LANES, _LANES)] = (
                    1.0 / (1.0 + jnp.exp(-acc)))
                return inner

            lax.fori_loop(0, groups, group_body, 0)

        fire(0, u_a, v_a, sem_a)
        fire(_CHUNK, u_b, v_b, sem_b)
        drain(sem_a)
        compute(0, u_a, v_a)
        drain(sem_b)
        compute(_CHUNK, u_b, v_b)
        pltpu.sync_copy(out_v, out_hbm.at[pl.ds(base, b_per_w)])

    return mf_kernel(user_idx, item_idx, W, H)


def kernel(x, W, H):
    user_idx = x[:, 0].astype(jnp.int32)
    item_idx = x[:, 1].astype(jnp.int32)
    return _mf_forward(user_idx, item_idx, W, H)

# --- scband reference (transcript-rebuilt; emitter-appended) ---
"""Pipeline reference for scband-mf-dr-34608846471489 (READ-ONLY COPY).

The authoritative reference and input builder live on the scoring server;
editing this copy changes nothing except your own understanding.
"""

import jax, jax.numpy as jnp
import numpy as np

NUM_USERS = 1000000
NUM_ITEMS = 1000000
EMBED_K = 32
BATCH = 16384

def setup_inputs(seed: int = 0) -> dict:
    key = jax.random.key(seed)
    k_x, k_w, k_h = jax.random.split(key, 3)
    x = jax.random.randint(k_x, (BATCH, 2), 0, NUM_USERS, dtype=jnp.int64) if jax.config.jax_enable_x64 else jax.random.randint(k_x, (BATCH, 2), 0, NUM_USERS, dtype=jnp.int32)
    # torch.nn.Embedding default init: N(0, 1)
    W = jax.random.normal(k_w, (NUM_USERS, EMBED_K), dtype=jnp.float32)
    H = jax.random.normal(k_h, (NUM_ITEMS, EMBED_K), dtype=jnp.float32)
    return {"x": x, "W": W, "H": H}

def reference(x, W, H):
    # MF_DR.prediction_model (MF_BaseModel) forward:
    # U_emb = W(user_idx); V_emb = H(item_idx); out = sigmoid(sum(U*V, dim=1))
    user_idx = x[:, 0]
    item_idx = x[:, 1]
    U_emb = jnp.take(W, user_idx, axis=0)
    V_emb = jnp.take(H, item_idx, axis=0)
    out = jax.nn.sigmoid(jnp.sum(U_emb * V_emb, axis=1))
    return out

if __name__ == "__main__":
    import jax
    _d = setup_inputs()
    print(jax.jit(kernel)(*tuple(_d.values())))

</pallas_src>

<mosaic_0001>
#map = affine_map<(d0, d1) -> (0)>
#map1 = affine_map<(d0, d1) -> (0, 0)>
module attributes {stable_mosaic.version = 14 : i64} {
  func.func @mf_kernel(%arg0: i32, %arg1: i32, %arg2: memref<16384xi32, #tpu.memory_space<hbm>>, %arg3: memref<16384xi32, #tpu.memory_space<hbm>>, %arg4: memref<1000000x32xf32, #tpu.memory_space<hbm>>, %arg5: memref<1000000x32xf32, #tpu.memory_space<hbm>>, %arg6: memref<16384xf32, #tpu.memory_space<hbm>>, %arg7: memref<512xi32, #tpu.memory_space<vmem>>, %arg8: memref<512xi32, #tpu.memory_space<vmem>>, %arg9: memref<64x128xf32, #tpu.memory_space<vmem>>, %arg10: memref<64x128xf32, #tpu.memory_space<vmem>>, %arg11: memref<64x128xf32, #tpu.memory_space<vmem>>, %arg12: memref<64x128xf32, #tpu.memory_space<vmem>>, %arg13: memref<512xf32, #tpu.memory_space<vmem>>, %arg14: memref<!tpu.dma_semaphore, #tpu.memory_space<semaphore_mem>>, %arg15: memref<!tpu.dma_semaphore, #tpu.memory_space<semaphore_mem>>) attributes {dimension_semantics = [#tpu.dimension_semantics<core_parallel>, #tpu.dimension_semantics<subcore_parallel>], iteration_bounds = array<i64: 2, 16>, scalar_prefetch = 0 : i64, scratch_operands = 9 : i64, tpu.core_type = #tpu.core_type<sc_vector_subcore>, window_params = [{transform_indices = #map}, {transform_indices = #map}, {transform_indices = #map1}, {transform_indices = #map1}, {transform_indices = #map}]} {
    %mul3A = arith.constant 2 : i32
    %mul3A_0 = arith.muli %arg1, %mul3A : i32
    %add3A = arith.addi %mul3A_0, %arg0 : i32
    %mul3A_1 = arith.constant 512 : i32
    %mul3A_2 = arith.muli %add3A, %mul3A_1 : i32
    "tpu.region"() ({
      %run_scoped3A = tpu.sem_alloc : memref<!tpu.dma_semaphore, #tpu.memory_space<semaphore_mem>>
      %dma_start3A = tpu.memref_slice %arg2[%mul3A_2] : memref<16384xi32, #tpu.memory_space<hbm>> -> memref<512xi32, #tpu.memory_space<hbm>>
      %dma_start3A_281 = tpu.memref_slice %arg2[%mul3A_2] : memref<16384xi32, #tpu.memory_space<hbm>> -> memref<512xi32, #tpu.memory_space<hbm>>
      tpu.enqueue_dma source(%dma_start3A_281 : memref<512xi32, #tpu.memory_space<hbm>>) target(%arg7 : memref<512xi32, #tpu.memory_space<vmem>>) target_semaphore(%run_scoped3A : memref<!tpu.dma_semaphore, #tpu.memory_space<semaphore_mem>>)
      %dma_wait3A_282 = tpu.memref_slice %arg2[%mul3A_2] : memref<16384xi32, #tpu.memory_space<hbm>> -> memref<512xi32, #tpu.memory_space<hbm>>
      %dma_wait3A_283 = tpu.memref_slice %arg2[%mul3A_2] : memref<16384xi32, #tpu.memory_space<hbm>> -> memref<512xi32, #tpu.memory_space<hbm>>
      tpu.wait_dma2 semaphore(%run_scoped3A : memref<!tpu.dma_semaphore, #tpu.memory_space<semaphore_mem>>) src(%dma_wait3A_283 : memref<512xi32, #tpu.memory_space<hbm>>) dst(%arg7 : memref<512xi32, #tpu.memory_space<vmem>>)
      tpu.yield
    }) : () -> ()
    "tpu.region"() ({
      %run_scoped3A = tpu.sem_alloc : memref<!tpu.dma_semaphore, #tpu.memory_space<semaphore_mem>>
      %dma_start3A = tpu.memref_slice %arg3[%mul3A_2] : memref<16384xi32, #tpu.memory_space<hbm>> -> memref<512xi32, #tpu.memory_space<hbm>>
      %dma_start3A_281 = tpu.memref_slice %arg3[%mul3A_2] : memref<16384xi32, #tpu.memory_space<hbm>> -> memref<512xi32, #tpu.memory_space<hbm>>
      tpu.enqueue_dma source(%dma_start3A_281 : memref<512xi32, #tpu.memory_space<hbm>>) target(%arg8 : memref<512xi32, #tpu.memory_space<vmem>>) target_semaphore(%run_scoped3A : memref<!tpu.dma_semaphore, #tpu.memory_space<semaphore_mem>>)
      %dma_wait3A_282 = tpu.memref_slice %arg3[%mul3A_2] : memref<16384xi32, #tpu.memory_space<hbm>> -> memref<512xi32, #tpu.memory_space<hbm>>
      %dma_wait3A_283 = tpu.memref_slice %arg3[%mul3A_2] : memref<16384xi32, #tpu.memory_space<hbm>> -> memref<512xi32, #tpu.memory_space<hbm>>
      tpu.wait_dma2 semaphore(%run_scoped3A : memref<!tpu.dma_semaphore, #tpu.memory_space<semaphore_mem>>) src(%dma_wait3A_283 : memref<512xi32, #tpu.memory_space<hbm>>) dst(%arg8 : memref<512xi32, #tpu.memory_space<vmem>>)
      tpu.yield
    }) : () -> ()
    %iota3A = tpu.iota {dimensions = array<i32: 0>} : vector<16xi32>
    %scan3A = arith.constant 0 : i32
    %scan3A_3 = arith.constant 0 : i32
    %scan3A_4 = arith.constant 16 : i32
    %scan3A_5 = arith.addi %scan3A_3, %scan3A_4 : i32
    %scan3A_6 = arith.constant 1 : i32
    scf.for %scan3A_281 = %scan3A_3 to %scan3A_5 step %scan3A_6  : i32 {
      %mul3A_282 = arith.constant 16 : i32
      %mul3A_283 = arith.muli %scan3A_281, %mul3A_282 : i32
      %add3A_284 = arith.constant 0 : i32
      %add3A_285 = arith.addi %add3A_284, %mul3A_283 : i32
      %get3A = arith.index_cast %add3A_285 : i32 to index
      %get3A_286 = tpu.vector_load %arg7[%get3A] {strides = array<i32>} : memref<512xi32, #tpu.memory_space<vmem>>, vector<16xi32>,
      %mul3A_287 = arith.constant 16 : i32
      %mul3A_288 = arith.muli %scan3A_281, %mul3A_287 : i32
      %add3A_289 = arith.constant 0 : i32
      %add3A_290 = arith.addi %add3A_289, %mul3A_288 : i32
      %get3A_291 = arith.index_cast %add3A_290 : i32 to index
      %get3A_292 = tpu.vector_load %arg8[%get3A_291] {strides = array<i32>} : memref<512xi32, #tpu.memory_space<vmem>>, vector<16xi32>,
      %mul3A_293 = arith.constant 16 : i32
      %mul3A_294 = arith.muli %scan3A_281, %mul3A_293 : i32
      %add3A_295 = arith.constant 0 : i32
      %add3A_296 = arith.addi %mul3A_294, %add3A_295 : i32
      %jit3A = arith.constant 4 : i32
      %div3A = arith.divsi %add3A_296, %jit3A : i32
      %sign3A = arith.constant 0 : i32
      %sign3A_297 = arith.cmpi sgt, %add3A_296, %sign3A : i32
      %sign3A_298 = arith.extui %sign3A_297 : i1 to i32
      %sign3A_299 = arith.constant 0 : i32
      %sign3A_300 = arith.cmpi slt, %add3A_296, %sign3A_299 : i32
      %sign3A_301 = arith.extui %sign3A_300 : i1 to i32
      %sign3A_302 = arith.subi %sign3A_298, %sign3A_301 : i32
      %sign3A_303 = arith.constant 0 : i32
      %sign3A_304 = arith.cmpi sgt, %jit3A, %sign3A_303 : i32
      %sign3A_305 = arith.extui %sign3A_304 : i1 to i32
      %sign3A_306 = arith.constant 0 : i32
      %sign3A_307 = arith.cmpi slt, %jit3A, %sign3A_306 : i32
      %sign3A_308 = arith.extui %sign3A_307 : i1 to i32
      %sign3A_309 = arith.subi %sign3A_305, %sign3A_308 : i32
      %ne3A = arith.cmpi ne, %sign3A_302, %sign3A_309 : i32
      %rem3A = arith.remsi %add3A_296, %jit3A : i32
      %ne3A_310 = arith.constant 0 : i32
      %ne3A_311 = arith.cmpi ne, %rem3A, %ne3A_310 : i32
      %and3A = arith.andi %ne3A, %ne3A_311 : i1
      %sub3A = arith.constant 1 : i32
      %sub3A_312 = arith.subi %div3A, %sub3A : i32
      %select_n3A = arith.select %and3A, %sub3A_312, %div3A : i32
      %jit3A_313 = arith.constant 4 : i32
      %eq3A = arith.constant 0 : i32
      %eq3A_314 = arith.cmpi eq, %jit3A_313, %eq3A : i32
      %jit3A_315 = arith.constant 1 : i32
      %select_n3A_316 = arith.select %eq3A_314, %jit3A_315, %jit3A_313 : i32
      %rem3A_317 = arith.remsi %add3A_296, %select_n3A_316 : i32
      %ne3A_318 = arith.constant 0 : i32
      %ne3A_319 = arith.cmpi ne, %rem3A_317, %ne3A_318 : i32
      %lt3A = arith.constant 0 : i32
      %lt3A_320 = arith.cmpi slt, %rem3A_317, %lt3A : i32
      %lt3A_321 = arith.constant 0 : i32
      %lt3A_322 = arith.cmpi slt, %select_n3A_316, %lt3A_321 : i32
      %ne3A_323 = arith.xori %lt3A_320, %lt3A_322 : i1
      %and3A_324 = arith.andi %ne3A_323, %ne3A_319 : i1
      %add3A_325 = arith.addi %rem3A_317, %select_n3A_316 : i32
      %select_n3A_326 = arith.select %and3A_324, %add3A_325, %rem3A_317 : i32
      %mul3A_327 = arith.constant 32 : i32
      %mul3A_328 = arith.muli %select_n3A_326, %mul3A_327 : i32
      %slice3A = vector.extract_strided_slice %get3A_286 {offsets = [0], sizes = [1], strides = [1]} : vector<16xi32> to vector<1xi32>
      %squeeze3A = vector.extract %slice3A[0] : i32 from vector<1xi32>
      %dma_start3A = tpu.memref_slice %arg9[%select_n3A, %mul3A_328] : memref<64x128xf32, #tpu.memory_space<vmem>> -> memref<1x32xf32, #tpu.memory_space<vmem>>
      %dma_start3A_329 = tpu.memref_squeeze %dma_start3A : memref<1x32xf32, #tpu.memory_space<vmem>> -> memref<32xf32, #tpu.memory_space<vmem>>
      %dma_start3A_330 = arith.constant 0 : i32
      %dma_start3A_331 = tpu.memref_slice %arg4[%squeeze3A, %dma_start3A_330] : memref<1000000x32xf32, #tpu.memory_space<hbm>> -> memref<1x32xf32, #tpu.memory_space<hbm>>
      %dma_start3A_332 = tpu.memref_squeeze %dma_start3A_331 : memref<1x32xf32, #tpu.memory_space<hbm>> -> memref<32xf32, #tpu.memory_space<hbm>>
      %dma_start3A_333 = tpu.memref_slice %arg9[%select_n3A, %mul3A_328] : memref<64x128xf32, #tpu.memory_space<vmem>> -> memref<1x32xf32, #tpu.memory_space<vmem>>
      %dma_start3A_334 = tpu.memref_squeeze %dma_start3A_333 : memref<1x32xf32, #tpu.memory_space<vmem>> -> memref<32xf32, #tpu.memory_space<vmem>>
      %dma_start3A_335 = arith.constant 0 : i32
      %dma_start3A_336 = tpu.memref_slice %arg4[%squeeze3A, %dma_start3A_335] : memref<1000000x32xf32, #tpu.memory_space<hbm>> -> memref<1x32xf32, #tpu.memory_space<hbm>>
      %dma_start3A_337 = tpu.memref_squeeze %dma_start3A_336 : memref<1x32xf32, #tpu.memory_space<hbm>> -> memref<32xf32, #tpu.memory_space<hbm>>
      tpu.enqueue_dma source(%dma_start3A_337 : memref<32xf32, #tpu.memory_space<hbm>>) target(%dma_start3A_334 : memref<32xf32, #tpu.memory_space<vmem>>) target_semaphore(%arg14 : memref<!tpu.dma_semaphore, #tpu.memory_space<semaphore_mem>>)
      %slice3A_338 = vector.extract_strided_slice %get3A_292 {offsets = [0], sizes = [1], strides = [1]} : vector<16xi32> to vector<1xi32>
      %squeeze3A_339 = vector.extract %slice3A_338[0] : i32 from vector<1xi32>
      %dma_start3A_340 = tpu.memref_slice %arg10[%select_n3A, %mul3A_328] : memref<64x128xf32, #tpu.memory_space<vmem>> -> memref<1x32xf32, #tpu.memory_space<vmem>>
      %dma_start3A_341 = tpu.memref_squeeze %dma_start3A_340 : memref<1x32xf32, #tpu.memory_space<vmem>> -> memref<32xf32, #tpu.memory_space<vmem>>
      %dma_start3A_342 = arith.constant 0 : i32
      %dma_start3A_343 = tpu.memref_slice %arg5[%squeeze3A_339, %dma_start3A_342] : memref<1000000x32xf32, #tpu.memory_space<hbm>> -> memref<1x32xf32, #tpu.memory_space<hbm>>
      %dma_start3A_344 = tpu.memref_squeeze %dma_start3A_343 : memref<1x32xf32, #tpu.memory_space<hbm>> -> memref<32xf32, #tpu.memory_space<hbm>>
      %dma_start3A_345 = tpu.memref_slice %arg10[%select_n3A, %mul3A_328] : memref<64x128xf32, #tpu.memory_space<vmem>> -> memref<1x32xf32, #tpu.memory_space<vmem>>
      %dma_start3A_346 = tpu.memref_squeeze %dma_start3A_345 : memref<1x32xf32, #tpu.memory_space<vmem>> -> memref<32xf32, #tpu.memory_space<vmem>>
      %dma_start3A_347 = arith.constant 0 : i32
      %dma_start3A_348 = tpu.memref_slice %arg5[%squeeze3A_339, %dma_start3A_347] : memref<1000000x32xf32, #tpu.memory_space<hbm>> -> memref<1x32xf32, #tpu.memory_space<hbm>>
      %dma_start3A_349 = tpu.memref_squeeze %dma_start3A_348 : memref<1x32xf32, #tpu.memory_space<hbm>> -> memref<32xf32, #tpu.memory_space<hbm>>
      tpu.enqueue_dma source(%dma_start3A_349 : memref<32xf32, #tpu.memory_space<hbm>>) target(%dma_start3A_346 : memref<32xf32, #tpu.memory_space<vmem>>) target_semaphore(%arg14 : memref<!tpu.dma_semaphore, #tpu.memory_space<semaphore_mem>>)
      %mul3A_350 = arith.constant 16 : i32
      %mul3A_351 = arith.muli %scan3A_281, %mul3A_350 : i32
      %add3A_352 = arith.constant 1 : i32
      %add3A_353 = arith.addi %mul3A_351, %add3A_352 : i32
      %jit3A_354 = arith.constant 4 : i32
      %div3A_355 = arith.divsi %add3A_353, %jit3A_354 : i32
      %sign3A_356 = arith.constant 0 : i32
      %sign3A_357 = arith.cmpi sgt, %add3A_353, %sign3A_356 : i32
      %sign3A_358 = arith.extui %sign3A_357 : i1 to i32
      %sign3A_359 = arith.constant 0 : i32
      %sign3A_360 = arith.cmpi slt, %add3A_353, %sign3A_359 : i32
      %sign3A_361 = arith.extui %sign3A_360 : i1 to i32
      %sign3A_362 = arith.subi %sign3A_358, %sign3A_361 : i32
      %sign3A_363 = arith.constant 0 : i32
      %sign3A_364 = arith.cmpi sgt, %jit3A_354, %sign3A_363 : i32
      %sign3A_365 = arith.extui %sign3A_364 : i1 to i32
      %sign3A_366 = arith.constant 0 : i32
      %sign3A_367 = arith.cmpi slt, %jit3A_354, %sign3A_366 : i32
      %sign3A_368 = arith.extui %sign3A_367 : i1 to i32
      %sign3A_369 = arith.subi %sign3A_365, %sign3A_368 : i32
      %ne3A_370 = arith.cmpi ne, %sign3A_362, %sign3A_369 : i32
      %rem3A_371 = arith.remsi %add3A_353, %jit3A_354 : i32
      %ne3A_372 = arith.constant 0 : i32
      %ne3A_373 = arith.cmpi ne, %rem3A_371, %ne3A_372 : i32
      %and3A_374 = arith.andi %ne3A_370, %ne3A_373 : i1
      %sub3A_375 = arith.constant 1 : i32
      %sub3A_376 = arith.subi %div3A_355, %sub3A_375 : i32
      %select_n3A_377 = arith.select %and3A_374, %sub3A_376, %div3A_355 : i32
      %jit3A_378 = arith.constant 4 : i32
      %eq3A_379 = arith.constant 0 : i32
      %eq3A_380 = arith.cmpi eq, %jit3A_378, %eq3A_379 : i32
      %jit3A_381 = arith.constant 1 : i32
      %select_n3A_382 = arith.select %eq3A_380, %jit3A_381, %jit3A_378 : i32
      %rem3A_383 = arith.remsi %add3A_353, %select_n3A_382 : i32
      %ne3A_384 = arith.constant 0 : i32
      %ne3A_385 = arith.cmpi ne, %rem3A_383, %ne3A_384 : i32
      %lt3A_386 = arith.constant 0 : i32
      %lt3A_387 = arith.cmpi slt, %rem3A_383, %lt3A_386 : i32
      %lt3A_388 = arith.constant 0 : i32
      %lt3A_389 = arith.cmpi slt, %select_n3A_382, %lt3A_388 : i32
      %ne3A_390 = arith.xori %lt3A_387, %lt3A_389 : i1
      %and3A_391 = arith.andi %ne3A_390, %ne3A_385 : i1
      %add3A_392 = arith.addi %rem3A_383, %select_n3A_382 : i32
      %select_n3A_393 = arith.select %and3A_391, %add3A_392, %rem3A_383 : i32
      %mul3A_394 = arith.constant 32 : i32
      %mul3A_395 = arith.muli %select_n3A_393, %mul3A_394 : i32
      %slice3A_396 = vector.extract_strided_slice %get3A_286 {offsets = [1], sizes = [1], strides = [1]} : vector<16xi32> to vector<1xi32>
      %squeeze3A_397 = vector.extract %slice3A_396[0] : i32 from vector<1xi32>
      %dma_start3A_398 = tpu.memref_slice %arg9[%select_n3A_377, %mul3A_395] : memref<64x128xf32, #tpu.memory_space<vmem>> -> memref<1x32xf32, #tpu.memory_space<vmem>>
      %dma_start3A_399 = tpu.memref_squeeze %dma_start3A_398 : memref<1x32xf32, #tpu.memory_space<vmem>> -> memref<32xf32, #tpu.memory_space<vmem>>
      %dma_start3A_400 = arith.constant 0 : i32
      %dma_start3A_401 = tpu.memref_slice %arg4[%squeeze3A_397, %dma_start3A_400] : memref<1000000x32xf32, #tpu.memory_space<hbm>> -> memref<1x32xf32, #tpu.memory_space<hbm>>
      %dma_start3A_402 = tpu.memref_squeeze %dma_start3A_401 : memref<1x32xf32, #tpu.memory_space<hbm>> -> memref<32xf32, #tpu.memory_space<hbm>>
      %dma_start3A_403 = tpu.memref_slice %arg9[%select_n3A_377, %mul3A_395] : memref<64x128xf32, #tpu.memory_space<vmem>> -> memref<1x32xf32, #tpu.memory_space<vmem>>
      %dma_start3A_404 = tpu.memref_squeeze %dma_start3A_403 : memref<1x32xf32, #tpu.memory_space<vmem>> -> memref<32xf32, #tpu.memory_space<vmem>>
      %dma_start3A_405 = arith.constant 0 : i32
      %dma_start3A_406 = tpu.memref_slice %arg4[%squeeze3A_397, %dma_start3A_405] : memref<1000000x32xf32, #tpu.memory_space<hbm>> -> memref<1x32xf32, #tpu.memory_space<hbm>>
      %dma_start3A_407 = tpu.memref_squeeze %dma_start3A_406 : memref<1x32xf32, #tpu.memory_space<hbm>> -> memref<32xf32, #tpu.memory_space<hbm>>
      tpu.enqueue_dma source(%dma_start3A_407 : memref<32xf32, #tpu.memory_space<hbm>>) target(%dma_start3A_404 : memref<32xf32, #tpu.memory_space<vmem>>) target_semaphore(%arg14 : memref<!tpu.dma_semaphore, #tpu.memory_space<semaphore_mem>>)
      %slice3A_408 = vector.extract_strided_slice %get3A_292 {offsets = [1], sizes = [1], strides = [1]} : vector<16xi32> to vector<1xi32>
      %squeeze3A_409 = vector.extract %slice3A_408[0] : i32 from vector<1xi32>
      %dma_start3A_410 = tpu.memref_slice %arg10[%select_n3A_377, %mul3A_395] : memref<64x128xf32, #tpu.memory_space<vmem>> -> memref<1x32xf32, #tpu.memory_space<vmem>>
      %dma_start3A_411 = tpu.memref_squeeze %dma_start3A_410 : memref<1x32xf32, #tpu.memory_space<vmem>> -> memref<32xf32, #tpu.memory_space<vmem>>
      %dma_start3A_412 = arith.constant 0 : i32
      %dma_start3A_413 = tpu.memref_slice %arg5[%squeeze3A_409, %dma_start3A_412] : memref<1000000x32xf32, #tpu.memory_space<hbm>> -> memref<1x32xf32, #tpu.memory_space<hbm>>
      %dma_start3A_414 = tpu.memref_squeeze %dma_start3A_413 : memref<1x32xf32, #tpu.memory_space<hbm>> -> memref<32xf32, #tpu.memory_space<hbm>>
      %dma_start3A_415 = tpu.memref_slice %arg10[%select_n3A_377, %mul3A_395] : memref<64x128xf32, #tpu.memory_space<vmem>> -> memref<1x32xf32, #tpu.memory_space<vmem>>
      %dma_start3A_416 = tpu.memref_squeeze %dma_start3A_415 : memref<1x32xf32, #tpu.memory_space<vmem>> -> memref<32xf32, #tpu.memory_space<vmem>>
      %dma_start3A_417 = arith.constant 0 : i32
      %dma_start3A_418 = tpu.memref_slice %arg5[%squeeze3A_409, %dma_start3A_417] : memref<1000000x32xf32, #tpu.memory_space<hbm>> -> memref<1x32xf32, #tpu.memory_space<hbm>>
      %dma_start3A_419 = tpu.memref_squeeze %dma_start3A_418 : memref<1x32xf32, #tpu.memory_space<hbm>> -> memref<32xf32, #tpu.memory_space<hbm>>
      tpu.enqueue_dma source(%dma_start3A_419 : memref<32xf32, #tpu.memory_space<hbm>>) target(%dma_start3A_416 : memref<32xf32, #tpu.memory_space<vmem>>) target_semaphore(%arg14 : memref<!tpu.dma_semaphore, #tpu.memory_space<semaphore_mem>>)
      %mul3A_420 = arith.constant 16 : i32
      %mul3A_421 = arith.muli %scan3A_281, %mul3A_420 : i32
      %add3A_422 = arith.constant 2 : i32
      %add3A_423 = arith.addi %mul3A_421, %add3A_422 : i32
      %jit3A_424 = arith.constant 4 : i32
      %div3A_425 = arith.divsi %add3A_423, %jit3A_424 : i32
      %sign3A_426 = arith.constant 0 : i32
      %sign3A_427 = arith.cmpi sgt, %add3A_423, %sign3A_426 : i32
      %sign3A_428 = arith.extui %sign3A_427 : i1 to i32
      %sign3A_429 = arith.constant 0 : i32
      %sign3A_430 = arith.cmpi slt, %add3A_423, %sign3A_429 : i32
      %sign3A_431 = arith.extui %sign3A_430 : i1 to i32
      %sign3A_432 = arith.subi %sign3A_428, %sign3A_431 : i32
      %sign3A_433 = arith.constant 0 : i32
      %sign3A_434 = arith.cmpi sgt, %jit3A_424, %sign3A_433 : i32
      %sign3A_435 = arith.extui %sign3A_434 : i1 to i32
      %sign3A_436 = arith.constant 0 : i32
      %sign3A_437 = arith.cmpi slt, %jit3A_424, %sign3A_436 : i32
      %sign3A_438 = arith.extui %sign3A_437 : i1 to i32
      %sign3A_439 = arith.subi %sign3A_435, %sign3A_438 : i32
      %ne3A_440 = arith.cmpi ne, %sign3A_432, %sign3A_439 : i32
      %rem3A_441 = arith.remsi %add3A_423, %jit3A_424 : i32
      %ne3A_442 = arith.constant 0 : i32
      %ne3A_443 = arith.cmpi ne, %rem3A_441, %ne3A_442 : i32
      %and3A_444 = arith.andi %ne3A_440, %ne3A_443 : i1
      %sub3A_445 = arith.constant 1 : i32
      %sub3A_446 = arith.subi %div3A_425, %sub3A_445 : i32
      %select_n3A_447 = arith.select %and3A_444, %sub3A_446, %div3A_425 : i32
      %jit3A_448 = arith.constant 4 : i32
      %eq3A_449 = arith.constant 0 : i32
      %eq3A_450 = arith.cmpi eq, %jit3A_448, %eq3A_449 : i32
      %jit3A_451 = arith.constant 1 : i32
      %select_n3A_452 = arith.select %eq3A_450, %jit3A_451, %jit3A_448 : i32
      %rem3A_453 = arith.remsi %add3A_423, %select_n3A_452 : i32
      %ne3A_454 = arith.constant 0 : i32
      %ne3A_455 = arith.cmpi ne, %rem3A_453, %ne3A_454 : i32
      %lt3A_456 = arith.constant 0 : i32
      %lt3A_457 = arith.cmpi slt, %rem3A_453, %lt3A_456 : i32
      %lt3A_458 = arith.constant 0 : i32
      %lt3A_459 = arith.cmpi slt, %select_n3A_452, %lt3A_458 : i32
      %ne3A_460 = arith.xori %lt3A_457, %lt3A_459 : i1
      %and3A_461 = arith.andi %ne3A_460, %ne3A_455 : i1
      %add3A_462 = arith.addi %rem3A_453, %select_n3A_452 : i32
      %select_n3A_463 = arith.select %and3A_461, %add3A_462, %rem3A_453 : i32
      %mul3A_464 = arith.constant 32 : i32
      %mul3A_465 = arith.muli %select_n3A_463, %mul3A_464 : i32
      %slice3A_466 = vector.extract_strided_slice %get3A_286 {offsets = [2], sizes = [1], strides = [1]} : vector<16xi32> to vector<1xi32>
      %squeeze3A_467 = vector.extract %slice3A_466[0] : i32 from vector<1xi32>
      %dma_start3A_468 = tpu.memref_slice %arg9[%select_n3A_447, %mul3A_465] : memref<64x128xf32, #tpu.memory_space<vmem>> -> memref<1x32xf32, #tpu.memory_space<vmem>>
      %dma_start3A_469 = tpu.memref_squeeze %dma_start3A_468 : memref<1x32xf32, #tpu.memory_space<vmem>> -> memref<32xf32, #tpu.memory_space<vmem>>
      %dma_start3A_470 = arith.constant 0 : i32
      %dma_start3A_471 = tpu.memref_slice %arg4[%squeeze3A_467, %dma_start3A_470] : memref<1000000x32xf32, #tpu.memory_space<hbm>> -> memref<1x32xf32, #tpu.memory_space<hbm>>
      %dma_start3A_472 = tpu.memref_squeeze %dma_start3A_471 : memref<1x32xf32, #tpu.memory_space<hbm>> -> memref<32xf32, #tpu.memory_space<hbm>>
      %dma_start3A_473 = tpu.memref_slice %arg9[%select_n3A_447, %mul3A_465] : memref<64x128xf32, #tpu.memory_space<vmem>> -> memref<1x32xf32, #tpu.memory_space<vmem>>
      %dma_start3A_474 = tpu.memref_squeeze %dma_start3A_473 : memref<1x32xf32, #tpu.memory_space<vmem>> -> memref<32xf32, #tpu.memory_space<vmem>>
      %dma_start3A_475 = arith.constant 0 : i32
      %dma_start3A_476 = tpu.memref_slice %arg4[%squeeze3A_467, %dma_start3A_475] : memref<1000000x32xf32, #tpu.memory_space<hbm>> -> memref<1x32xf32, #tpu.memory_space<hbm>>
      %dma_start3A_477 = tpu.memref_squeeze %dma_start3A_476 : memref<1x32xf32, #tpu.memory_space<hbm>> -> memref<32xf32, #tpu.memory_space<hbm>>
      tpu.enqueue_dma source(%dma_start3A_477 : memref<32xf32, #tpu.memory_space<hbm>>) target(%dma_start3A_474 : memref<32xf32, #tpu.memory_space<vmem>>) target_semaphore(%arg14 : memref<!tpu.dma_semaphore, #tpu.memory_space<semaphore_mem>>)
      %slice3A_478 = vector.extract_strided_slice %get3A_292 {offsets = [2], sizes = [1], strides = [1]} : vector<16xi32> to vector<1xi32>
      %squeeze3A_479 = vector.extract %slice3A_478[0] : i32 from vector<1xi32>
      %dma_start3A_480 = tpu.memref_slice %arg10[%select_n3A_447, %mul3A_465] : memref<64x128xf32, #tpu.memory_space<vmem>> -> memref<1x32xf32, #tpu.memory_space<vmem>>
      %dma_start3A_481 = tpu.memref_squeeze %dma_start3A_480 : memref<1x32xf32, #tpu.memory_space<vmem>> -> memref<32xf32, #tpu.memory_space<vmem>>
      %dma_start3A_482 = arith.constant 0 : i32
      %dma_start3A_483 = tpu.memref_slice %arg5[%squeeze3A_479, %dma_start3A_482] : memref<1000000x32xf32, #tpu.memory_space<hbm>> -> memref<1x32xf32, #tpu.memory_space<hbm>>
      %dma_start3A_484 = tpu.memref_squeeze %dma_start3A_483 : memref<1x32xf32, #tpu.memory_space<hbm>> -> memref<32xf32, #tpu.memory_space<hbm>>
      %dma_start3A_485 = tpu.memref_slice %arg10[%select_n3A_447, %mul3A_465] : memref<64x128xf32, #tpu.memory_space<vmem>> -> memref<1x32xf32, #tpu.memory_space<vmem>>
      %dma_start3A_486 = tpu.memref_squeeze %dma_start3A_485 : memref<1x32xf32, #tpu.memory_space<vmem>> -> memref<32xf32, #tpu.memory_space<vmem>>
      %dma_start3A_487 = arith.constant 0 : i32
      %dma_start3A_488 = tpu.memref_slice %arg5[%squeeze3A_479, %dma_start3A_487] : memref<1000000x32xf32, #tpu.memory_space<hbm>> -> memref<1x32xf32, #tpu.memory_space<hbm>>
      %dma_start3A_489 = tpu.memref_squeeze %dma_start3A_488 : memref<1x32xf32, #tpu.memory_space<hbm>> -> memref<32xf32, #tpu.memory_space<hbm>>
      tpu.enqueue_dma source(%dma_start3A_489 : memref<32xf32, #tpu.memory_space<hbm>>) target(%dma_start3A_486 : memref<32xf32, #tpu.memory_space<vmem>>) target_semaphore(%arg14 : memref<!tpu.dma_semaphore, #tpu.memory_space<semaphore_mem>>)
      %mul3A_490 = arith.constant 16 : i32
      %mul3A_491 = arith.muli %scan3A_281, %mul3A_490 : i32
      %add3A_492 = arith.constant 3 : i32
      %add3A_493 = arith.addi %mul3A_491, %add3A_492 : i32
      %jit3A_494 = arith.constant 4 : i32
      %div3A_495 = arith.divsi %add3A_493, %jit3A_494 : i32
      %sign3A_496 = arith.constant 0 : i32
      %sign3A_497 = arith.cmpi sgt, %add3A_493, %sign3A_496 : i32
      %sign3A_498 = arith.extui %sign3A_497 : i1 to i32
      %sign3A_499 = arith.constant 0 : i32
      %sign3A_500 = arith.cmpi slt, %add3A_493, %sign3A_499 : i32
      %sign3A_501 = arith.extui %sign3A_500 : i1 to i32
      %sign3A_502 = arith.subi %sign3A_498, %sign3A_501 : i32
      %sign3A_503 = arith.constant 0 : i32
      %sign3A_504 = arith.cmpi sgt, %jit3A_494, %sign3A_503 : i32
      %sign3A_505 = arith.extui %sign3A_504 : i1 to i32
      %sign3A_506 = arith.constant 0 : i32
      %sign3A_507 = arith.cmpi slt, %jit3A_494, %sign3A_506 : i32
      %sign3A_508 = arith.extui %sign3A_507 : i1 to i32
      %sign3A_509 = arith.subi %sign3A_505, %sign3A_508 : i32
      %ne3A_510 = arith.cmpi ne, %sign3A_502, %sign3A_509 : i32
      %rem3A_511 = arith.remsi %add3A_493, %jit3A_494 : i32
      %ne3A_512 = arith.constant 0 : i32
      %ne3A_513 = arith.cmpi ne, %rem3A_511, %ne3A_512 : i32
      %and3A_514 = arith.andi %ne3A_510, %ne3A_513 : i1
      %sub3A_515 = arith.constant 1 : i32
      %sub3A_516 = arith.subi %div3A_495, %sub3A_515 : i32
      %select_n3A_517 = arith.select %and3A_514, %sub3A_516, %div3A_495 : i32
      %jit3A_518 = arith.constant 4 : i32
      %eq3A_519 = arith.constant 0 : i32
      %eq3A_520 = arith.cmpi eq, %jit3A_518, %eq3A_519 : i32
      %jit3A_521 = arith.constant 1 : i32
      %select_n3A_522 = arith.select %eq3A_520, %jit3A_521, %jit3A_518 : i32
      %rem3A_523 = arith.remsi %add3A_493, %select_n3A_522 : i32
      %ne3A_524 = arith.constant 0 : i32
      %ne3A_525 = arith.cmpi ne, %rem3A_523, %ne3A_524 : i32
      %lt3A_526 = arith.constant 0 : i32
      %lt3A_527 = arith.cmpi slt, %rem3A_523, %lt3A_526 : i32
      %lt3A_528 = arith.constant 0 : i32
      %lt3A_529 = arith.cmpi slt, %select_n3A_522, %lt3A_528 : i32
      %ne3A_530 = arith.xori %lt3A_527, %lt3A_529 : i1
      %and3A_531 = arith.andi %ne3A_530, %ne3A_525 : i1
      %add3A_532 = arith.addi %rem3A_523, %select_n3A_522 : i32
      %select_n3A_533 = arith.select %and3A_531, %add3A_532, %rem3A_523 : i32
      %mul3A_534 = arith.constant 32 : i32
      %mul3A_535 = arith.muli %select_n3A_533, %mul3A_534 : i32
      %slice3A_536 = vector.extract_strided_slice %get3A_286 {offsets = [3], sizes = [1], strides = [1]} : vector<16xi32> to vector<1xi32>
      %squeeze3A_537 = vector.extract %slice3A_536[0] : i32 from vector<1xi32>
      %dma_start3A_538 = tpu.memref_slice %arg9[%select_n3A_517, %mul3A_535] : memref<64x128xf32, #tpu.memory_space<vmem>> -> memref<1x32xf32, #tpu.memory_space<vmem>>
      %dma_start3A_539 = tpu.memref_squeeze %dma_start3A_538 : memref<1x32xf32, #tpu.memory_space<vmem>> -> memref<32xf32, #tpu.memory_space<vmem>>
      %dma_start3A_540 = arith.constant 0 : i32
      %dma_start3A_541 = tpu.memref_slice %arg4[%squeeze3A_537, %dma_start3A_540] : memref<1000000x32xf32, #tpu.memory_space<hbm>> -> memref<1x32xf32, #tpu.memory_space<hbm>>
      %dma_start3A_542 = tpu.memref_squeeze %dma_start3A_541 : memref<1x32xf32, #tpu.memory_space<hbm>> -> memref<32xf32, #tpu.memory_space<hbm>>
      %dma_start3A_543 = tpu.memref_slice %arg9[%select_n3A_517, %mul3A_535] : memref<64x128xf32, #tpu.memory_space<vmem>> -> memref<1x32xf32, #tpu.memory_space<vmem>>
      %dma_start3A_544 = tpu.memref_squeeze %dma_start3A_543 : memref<1x32xf32, #tpu.memory_space<vmem>> -> memref<32xf32, #tpu.memory_space<vmem>>
      %dma_start3A_545 = arith.constant 0 : i32
      %dma_start3A_546 = tpu.memref_slice %arg4[%squeeze3A_537, %dma_start3A_545] : memref<1000000x32xf32, #tpu.memory_space<hbm>> -> memref<1x32xf32, #tpu.memory_space<hbm>>
      %dma_start3A_547 = tpu.memref_squeeze %dma_start3A_546 : memref<1x32xf32, #tpu.memory_space<hbm>> -> memref<32xf32, #tpu.memory_space<hbm>>
      tpu.enqueue_dma source(%dma_start3A_547 : memref<32xf32, #tpu.memory_space<hbm>>) target(%dma_start3A_544 : memref<32xf32, #tpu.memory_space<vmem>>) target_semaphore(%arg14 : memref<!tpu.dma_semaphore, #tpu.memory_space<semaphore_mem>>)
      %slice3A_548 = vector.extract_strided_slice %get3A_292 {offsets = [3], sizes = [1], strides = [1]} : vector<16xi32> to vector<1xi32>
      %squeeze3A_549 = vector.extract %slice3A_548[0] : i32 from vector<1xi32>
      %dma_start3A_550 = tpu.memref_slice %arg10[%select_n3A_517, %mul3A_535] : memref<64x128xf32, #tpu.memory_space<vmem>> -> memref<1x32xf32, #tpu.memory_space<vmem>>
      %dma_start3A_551 = tpu.memref_squeeze %dma_start3A_550 : memref<1x32xf32, #tpu.memory_space<vmem>> -> memref<32xf32, #tpu.memory_space<vmem>>
      %dma_start3A_552 = arith.constant 0 : i32
      %dma_start3A_553 = tpu.memref_slice %arg5[%squeeze3A_549, %dma_start3A_552] : memref<1000000x32xf32, #tpu.memory_space<hbm>> -> memref<1x32xf32, #tpu.memory_space<hbm>>
      %dma_start3A_554 = tpu.memref_squeeze %dma_start3A_553 : memref<1x32xf32, #tpu.memory_space<hbm>> -> memref<32xf32, #tpu.memory_space<hbm>>
      %dma_start3A_555 = tpu.memref_slice %arg10[%select_n3A_517, %mul3A_535] : memref<64x128xf32, #tpu.memory_space<vmem>> -> memref<1x32xf32, #tpu.memory_space<vmem>>
      %dma_start3A_556 = tpu.memref_squeeze %dma_start3A_555 : memref<1x32xf32, #tpu.memory_space<vmem>> -> memref<32xf32, #tpu.memory_space<vmem>>
      %dma_start3A_557 = arith.constant 0 : i32
      %dma_start3A_558 = tpu.memref_slice %arg5[%squeeze3A_549, %dma_start3A_557] : memref<1000000x32xf32, #tpu.memory_space<hbm>> -> memref<1x32xf32, #tpu.memory_space<hbm>>
      %dma_start3A_559 = tpu.memref_squeeze %dma_start3A_558 : memref<1x32xf32, #tpu.memory_space<hbm>> -> memref<32xf32, #tpu.memory_space<hbm>>
      tpu.enqueue_dma source(%dma_start3A_559 : memref<32xf32, #tpu.memory_space<hbm>>) target(%dma_start3A_556 : memref<32xf32, #tpu.memory_space<vmem>>) target_semaphore(%arg14 : memref<!tpu.dma_semaphore, #tpu.memory_space<semaphore_mem>>)
      %mul3A_560 = arith.constant 16 : i32
      %mul3A_561 = arith.muli %scan3A_281, %mul3A_560 : i32
      %add3A_562 = arith.constant 4 : i32
      %add3A_563 = arith.addi %mul3A_561, %add3A_562 : i32
      %jit3A_564 = arith.constant 4 : i32
      %div3A_565 = arith.divsi %add3A_563, %jit3A_564 : i32
      %sign3A_566 = arith.constant 0 : i32
      %sign3A_567 = arith.cmpi sgt, %add3A_563, %sign3A_566 : i32
      %sign3A_568 = arith.extui %sign3A_567 : i1 to i32
      %sign3A_569 = arith.constant 0 : i32
      %sign3A_570 = arith.cmpi slt, %add3A_563, %sign3A_569 : i32
      %sign3A_571 = arith.extui %sign3A_570 : i1 to i32
      %sign3A_572 = arith.subi %sign3A_568, %sign3A_571 : i32
      %sign3A_573 = arith.constant 0 : i32
      %sign3A_574 = arith.cmpi sgt, %jit3A_564, %sign3A_573 : i32
      %sign3A_575 = arith.extui %sign3A_574 : i1 to i32
      %sign3A_576 = arith.constant 0 : i32
      %sign3A_577 = arith.cmpi slt, %jit3A_564, %sign3A_576 : i32
      %sign3A_578 = arith.extui %sign3A_577 : i1 to i32
      %sign3A_579 = arith.subi %sign3A_575, %sign3A_578 : i32
      %ne3A_580 = arith.cmpi ne, %sign3A_572, %sign3A_579 : i32
      %rem3A_581 = arith.remsi %add3A_563, %jit3A_564 : i32
      %ne3A_582 = arith.constant 0 : i32
      %ne3A_583 = arith.cmpi ne, %rem3A_581, %ne3A_582 : i32
      %and3A_584 = arith.andi %ne3A_580, %ne3A_583 : i1
      %sub3A_585 = arith.constant 1 : i32
      %sub3A_586 = arith.subi %div3A_565, %sub3A_585 : i32
      %select_n3A_587 = arith.select %and3A_584, %sub3A_586, %div3A_565 : i32
      %jit3A_588 = arith.constant 4 : i32
      %eq3A_589 = arith.constant 0 : i32
      %eq3A_590 = arith.cmpi eq, %jit3A_588, %eq3A_589 : i32
      %jit3A_591 = arith.constant 1 : i32
      %select_n3A_592 = arith.select %eq3A_590, %jit3A_591, %jit3A_588 : i32
      %rem3A_593 = arith.remsi %add3A_563, %select_n3A_592 : i32
      %ne3A_594 = arith.constant 0 : i32
      %ne3A_595 = arith.cmpi ne, %rem3A_593, %ne3A_594 : i32
      %lt3A_596 = arith.constant 0 : i32
      %lt3A_597 = arith.cmpi slt, %rem3A_593, %lt3A_596 : i32
      %lt3A_598 = arith.constant 0 : i32
      %lt3A_599 = arith.cmpi slt, %select_n3A_592, %lt3A_598 : i32
      %ne3A_600 = arith.xori %lt3A_597, %lt3A_599 : i1
      %and3A_601 = arith.andi %ne3A_600, %ne3A_595 : i1
      %add3A_602 = arith.addi %rem3A_593, %select_n3A_592 : i32
      %select_n3A_603 = arith.select %and3A_601, %add3A_602, %rem3A_593 : i32
      %mul3A_604 = arith.constant 32 : i32
      %mul3A_605 = arith.muli %select_n3A_603, %mul3A_604 : i32
      %slice3A_606 = vector.extract_strided_slice %get3A_286 {offsets = [4], sizes = [1], strides = [1]} : vector<16xi32> to vector<1xi32>
      %squeeze3A_607 = vector.extract %slice3A_606[0] : i32 from vector<1xi32>
      %dma_start3A_608 = tpu.memref_slice %arg9[%select_n3A_587, %mul3A_605] : memref<64x128xf32, #tpu.memory_space<vmem>> -> memref<1x32xf32, #tpu.memory_space<vmem>>
      %dma_start3A_609 = tpu.memref_squeeze %dma_start3A_608 : memref<1x32xf32, #tpu.memory_space<vmem>> -> memref<32xf32, #tpu.memory_space<vmem>>
      %dma_start3A_610 = arith.constant 0 : i32
      %dma_start3A_611 = tpu.memref_slice %arg4[%squeeze3A_607, %dma_start3A_610] : memref<1000000x32xf32, #tpu.memory_space<hbm>> -> memref<1x32xf32, #tpu.memory_space<hbm>>
      %dma_start3A_612 = tpu.memref_squeeze %dma_start3A_611 : memref<1x32xf32, #tpu.memory_space<hbm>> -> memref<32xf32, #tpu.memory_space<hbm>>
      %dma_start3A_613 = tpu.memref_slice %arg9[%select_n3A_587, %mul3A_605] : memref<64x128xf32, #tpu.memory_space<vmem>> -> memref<1x32xf32, #tpu.memory_space<vmem>>
      %dma_start3A_614 = tpu.memref_squeeze %dma_start3A_613 : memref<1x32xf32, #tpu.memory_space<vmem>> -> memref<32xf32, #tpu.memory_space<vmem>>
      %dma_start3A_615 = arith.constant 0 : i32
      %dma_start3A_616 = tpu.memref_slice %arg4[%squeeze3A_607, %dma_start3A_615] : memref<1000000x32xf32, #tpu.memory_space<hbm>> -> memref<1x32xf32, #tpu.memory_space<hbm>>
      %dma_start3A_617 = tpu.memref_squeeze %dma_start3A_616 : memref<1x32xf32, #tpu.memory_space<hbm>> -> memref<32xf32, #tpu.memory_space<hbm>>
      tpu.enqueue_dma source(%dma_start3A_617 : memref<32xf32, #tpu.memory_space<hbm>>) target(%dma_start3A_614 : memref<32xf32, #tpu.memory_space<vmem>>) target_semaphore(%arg14 : memref<!tpu.dma_semaphore, #tpu.memory_space<semaphore_mem>>)
      %slice3A_618 = vector.extract_strided_slice %get3A_292 {offsets = [4], sizes = [1], strides = [1]} : vector<16xi32> to vector<1xi32>
      %squeeze3A_619 = vector.extract %slice3A_618[0] : i32 from vector<1xi32>
      %dma_start3A_620 = tpu.memref_slice %arg10[%select_n3A_587, %mul3A_605] : memref<64x128xf32, #tpu.memory_space<vmem>> -> memref<1x32xf32, #tpu.memory_space<vmem>>
      %dma_start3A_621 = tpu.memref_squeeze %dma_start3A_620 : memref<1x32xf32, #tpu.memory_space<vmem>> -> memref<32xf32, #tpu.memory_space<vmem>>
      %dma_start3A_622 = arith.constant 0 : i32
      %dma_start3A_623 = tpu.memref_slice %arg5[%squeeze3A_619, %dma_start3A_622] : memref<1000000x32xf32, #tpu.memory_space<hbm>> -> memref<1x32xf32, #tpu.memory_space<hbm>>
      %dma_start3A_624 = tpu.memref_squeeze %dma_start3A_623 : memref<1x32xf32, #tpu.memory_space<hbm>> -> memref<32xf32, #tpu.memory_space<hbm>>
      %dma_start3A_625 = tpu.memref_slice %arg10[%select_n3A_587, %mul3A_605] : memref<64x128xf32, #tpu.memory_space<vmem>> -> memref<1x32xf32, #tpu.memory_space<vmem>>
      %dma_start3A_626 = tpu.memref_squeeze %dma_start3A_625 : memref<1x32xf32, #tpu.memory_space<vmem>> -> memref<32xf32, #tpu.memory_space<vmem>>
      %dma_start3A_627 = arith.constant 0 : i32
      %dma_start3A_628 = tpu.memref_slice %arg5[%squeeze3A_619, %dma_start3A_627] : memref<1000000x32xf32, #tpu.memory_space<hbm>> -> memref<1x32xf32, #tpu.memory_space<hbm>>
      %dma_start3A_629 = tpu.memref_squeeze %dma_start3A_628 : memref<1x32xf32, #tpu.memory_space<hbm>> -> memref<32xf32, #tpu.memory_space<hbm>>
      tpu.enqueue_dma source(%dma_start3A_629 : memref<32xf32, #tpu.memory_space<hbm>>) target(%dma_start3A_626 : memref<32xf32, #tpu.memory_space<vmem>>) target_semaphore(%arg14 : memref<!tpu.dma_semaphore, #tpu.memory_space<semaphore_mem>>)
      %mul3A_630 = arith.constant 16 : i32
      %mul3A_631 = arith.muli %scan3A_281, %mul3A_630 : i32
      %add3A_632 = arith.constant 5 : i32
      %add3A_633 = arith.addi %mul3A_631, %add3A_632 : i32
      %jit3A_634 = arith.constant 4 : i32
      %div3A_635 = arith.divsi %add3A_633, %jit3A_634 : i32
      %sign3A_636 = arith.constant 0 : i32
      %sign3A_637 = arith.cmpi sgt, %add3A_633, %sign3A_636 : i32
      %sign3A_638 = arith.extui %sign3A_637 : i1 to i32
      %sign3A_639 = arith.constant 0 : i32
      %sign3A_640 = arith.cmpi slt, %add3A_633, %sign3A_639 : i32
      %sign3A_641 = arith.extui %sign3A_640 : i1 to i32
      %sign3A_642 = arith.subi %sign3A_638, %sign3A_641 : i32
      %sign3A_643 = arith.constant 0 : i32
      %sign3A_644 = arith.cmpi sgt, %jit3A_634, %sign3A_643 : i32
      %sign3A_645 = arith.extui %sign3A_644 : i1 to i32
      %sign3A_646 = arith.constant 0 : i32
      %sign3A_647 = arith.cmpi slt, %jit3A_634, %sign3A_646 : i32
      %sign3A_648 = arith.extui %sign3A_647 : i1 to i32
      %sign3A_649 = arith.subi %sign3A_645, %sign3A_648 : i32
      %ne3A_650 = arith.cmpi ne, %sign3A_642, %sign3A_649 : i32
      %rem3A_651 = arith.remsi %add3A_633, %jit3A_634 : i32
      %ne3A_652 = arith.constant 0 : i32
      %ne3A_653 = arith.cmpi ne, %rem3A_651, %ne3A_652 : i32
      %and3A_654 = arith.andi %ne3A_650, %ne3A_653 : i1
      %sub3A_655 = arith.constant 1 : i32
      %sub3A_656 = arith.subi %div3A_635, %sub3A_655 : i32
      %select_n3A_657 = arith.select %and3A_654, %sub3A_656, %div3A_635 : i32
      %jit3A_658 = arith.constant 4 : i32
      %eq3A_659 = arith.constant 0 : i32
      %eq3A_660 = arith.cmpi eq, %jit3A_658, %eq3A_659 : i32
      %jit3A_661 = arith.constant 1 : i32
      %select_n3A_662 = arith.select %eq3A_660, %jit3A_661, %jit3A_658 : i32
      %rem3A_663 = arith.remsi %add3A_633, %select_n3A_662 : i32
      %ne3A_664 = arith.constant 0 : i32
      %ne3A_665 = arith.cmpi ne, %rem3A_663, %ne3A_664 : i32
      %lt3A_666 = arith.constant 0 : i32
      %lt3A_667 = arith.cmpi slt, %rem3A_663, %lt3A_666 : i32
      %lt3A_668 = arith.constant 0 : i32
      %lt3A_669 = arith.cmpi slt, %select_n3A_662, %lt3A_668 : i32
      %ne3A_670 = arith.xori %lt3A_667, %lt3A_669 : i1
      %and3A_671 = arith.andi %ne3A_670, %ne3A_665 : i1
      %add3A_672 = arith.addi %rem3A_663, %select_n3A_662 : i32
      %select_n3A_673 = arith.select %and3A_671, %add3A_672, %rem3A_663 : i32
      %mul3A_674 = arith.constant 32 : i32
      %mul3A_675 = arith.muli %select_n3A_673, %mul3A_674 : i32
      %slice3A_676 = vector.extract_strided_slice %get3A_286 {offsets = [5], sizes = [1], strides = [1]} : vector<16xi32> to vector<1xi32>
      %squeeze3A_677 = vector.extract %slice3A_676[0] : i32 from vector<1xi32>
      %dma_start3A_678 = tpu.memref_slice %arg9[%select_n3A_657, %mul3A_675] : memref<64x128xf32, #tpu.memory_space<vmem>> -> memref<1x32xf32, #tpu.memory_space<vmem>>
      %dma_start3A_679 = tpu.memref_squeeze %dma_start3A_678 : memref<1x32xf32, #tpu.memory_space<vmem>> -> memref<32xf32, #tpu.memory_space<vmem>>
      %dma_start3A_680 = arith.constant 0 : i32
      %dma_start3A_681 = tpu.memref_slice %arg4[%squeeze3A_677, %dma_start3A_680] : memref<1000000x32xf32, #tpu.memory_space<hbm>> -> memref<1x32xf32, #tpu.memory_space<hbm>>
      %dma_start3A_682 = tpu.memref_squeeze %dma_start3A_681 : memref<1x32xf32, #tpu.memory_space<hbm>> -> memref<32xf32, #tpu.memory_space<hbm>>
      %dma_start3A_683 = tpu.memref_slice %arg9[%select_n3A_657, %mul3A_675] : memref<64x128xf32, #tpu.memory_space<vmem>> -> memref<1x32xf32, #tpu.memory_space<vmem>>
      %dma_start3A_684 = tpu.memref_squeeze %dma_start3A_683 : memref<1x32xf32, #tpu.memory_space<vmem>> -> memref<32xf32, #tpu.memory_space<vmem>>
      %dma_start3A_685 = arith.constant 0 : i32
      %dma_start3A_686 = tpu.memref_slice %arg4[%squeeze3A_677, %dma_start3A_685] : memref<1000000x32xf32, #tpu.memory_space<hbm>> -> memref<1x32xf32, #tpu.memory_space<hbm>>
      %dma_start3A_687 = tpu.memref_squeeze %dma_start3A_686 : memref<1x32xf32, #tpu.memory_space<hbm>> -> memref<32xf32, #tpu.memory_space<hbm>>
      tpu.enqueue_dma source(%dma_start3A_687 : memref<32xf32, #tpu.memory_space<hbm>>) target(%dma_start3A_684 : memref<32xf32, #tpu.memory_space<vmem>>) target_semaphore(%arg14 : memref<!tpu.dma_semaphore, #tpu.memory_space<semaphore_mem>>)
      %slice3A_688 = vector.extract_strided_slice %get3A_292 {offsets = [5], sizes = [1], strides = [1]} : vector<16xi32> to vector<1xi32>
      %squeeze3A_689 = vector.extract %slice3A_688[0] : i32 from vector<1xi32>
      %dma_start3A_690 = tpu.memref_slice %arg10[%select_n3A_657, %mul3A_675] : memref<64x128xf32, #tpu.memory_space<vmem>> -> memref<1x32xf32, #tpu.memory_space<vmem>>
      %dma_start3A_691 = tpu.memref_squeeze %dma_start3A_690 : memref<1x32xf32, #tpu.memory_space<vmem>> -> memref<32xf32, #tpu.memory_space<vmem>>
      %dma_start3A_692 = arith.constant 0 : i32
      %dma_start3A_693 = tpu.memref_slice %arg5[%squeeze3A_689, %dma_start3A_692] : memref<1000000x32xf32, #tpu.memory_space<hbm>> -> memref<1x32xf32, #tpu.memory_space<hbm>>
      %dma_start3A_694 = tpu.memref_squeeze %dma_start3A_693 : memref<1x32xf32, #tpu.memory_space<hbm>> -> memref<32xf32, #tpu.memory_space<hbm>>
      %dma_start3A_695 = tpu.memref_slice %arg10[%select_n3A_657, %mul3A_675] : memref<64x128xf32, #tpu.memory_space<vmem>> -> memref<1x32xf32, #tpu.memory_space<vmem>>
      %dma_start3A_696 = tpu.memref_squeeze %dma_start3A_695 : memref<1x32xf32, #tpu.memory_space<vmem>> -> memref<32xf32, #tpu.memory_space<vmem>>
      %dma_start3A_697 = arith.constant 0 : i32
      %dma_start3A_698 = tpu.memref_slice %arg5[%squeeze3A_689, %dma_start3A_697] : memref<1000000x32xf32, #tpu.memory_space<hbm>> -> memref<1x32xf32, #tpu.memory_space<hbm>>
      %dma_start3A_699 = tpu.memref_squeeze %dma_start3A_698 : memref<1x32xf32, #tpu.memory_space<hbm>> -> memref<32xf32, #tpu.memory_space<hbm>>
      tpu.enqueue_dma source(%dma_start3A_699 : memref<32xf32, #tpu.memory_space<hbm>>) target(%dma_start3A_696 : memref<32xf32, #tpu.memory_space<vmem>>) target_semaphore(%arg14 : memref<!tpu.dma_semaphore, #tpu.memory_space<semaphore_mem>>)
      %mul3A_700 = arith.constant 16 : i32
      %mul3A_701 = arith.muli %scan3A_281, %mul3A_700 : i32
      %add3A_702 = arith.constant 6 : i32
      %add3A_703 = arith.addi %mul3A_701, %add3A_702 : i32
      %jit3A_704 = arith.constant 4 : i32
      %div3A_705 = arith.divsi %add3A_703, %jit3A_704 : i32
      %sign3A_706 = arith.constant 0 : i32
      %sign3A_707 = arith.cmpi sgt, %add3A_703, %sign3A_706 : i32
      %sign3A_708 = arith.extui %sign3A_707 : i1 to i32
      %sign3A_709 = arith.constant 0 : i32
      %sign3A_710 = arith.cmpi slt, %add3A_703, %sign3A_709 : i32
      %sign3A_711 = arith.extui %sign3A_710 : i1 to i32
      %sign3A_712 = arith.subi %sign3A_708, %sign3A_711 : i32
      %sign3A_713 = arith.constant 0 : i32
      %sign3A_714 = arith.cmpi sgt, %jit3A_704, %sign3A_713 : i32
      %sign3A_715 = arith.extui %sign3A_714 : i1 to i32
      %sign3A_716 = arith.constant 0 : i32
      %sign3A_717 = arith.cmpi slt, %jit3A_704, %sign3A_716 : i32
      %sign3A_718 = arith.extui %sign3A_717 : i1 to i32
      %sign3A_719 = arith.subi %sign3A_715, %sign3A_718 : i32
      %ne3A_720 = arith.cmpi ne, %sign3A_712, %sign3A_719 : i32
      %rem3A_721 = arith.remsi %add3A_703, %jit3A_704 : i32
      %ne3A_722 = arith.constant 0 : i32
      %ne3A_723 = arith.cmpi ne, %rem3A_721, %ne3A_722 : i32
      %and3A_724 = arith.andi %ne3A_720, %ne3A_723 : i1
      %sub3A_725 = arith.constant 1 : i32
      %sub3A_726 = arith.subi %div3A_705, %sub3A_725 : i32
      %select_n3A_727 = arith.select %and3A_724, %sub3A_726, %div3A_705 : i32
      %jit3A_728 = arith.constant 4 : i32
      %eq3A_729 = arith.constant 0 : i32
      %eq3A_730 = arith.cmpi eq, %jit3A_728, %eq3A_729 : i32
      %jit3A_731 = arith.constant 1 : i32
      %select_n3A_732 = arith.select %eq3A_730, %jit3A_731, %jit3A_728 : i32
      %rem3A_733 = arith.remsi %add3A_703, %select_n3A_732 : i32
      %ne3A_734 = arith.constant 0 : i32
      %ne3A_735 = arith.cmpi ne, %rem3A_733, %ne3A_734 : i32
      %lt3A_736 = arith.constant 0 : i32
      %lt3A_737 = arith.cmpi slt, %rem3A_733, %lt3A_736 : i32
      %lt3A_738 = arith.constant 0 : i32
      %lt3A_739 = arith.cmpi slt, %select_n3A_732, %lt3A_738 : i32
      %ne3A_740 = arith.xori %lt3A_737, %lt3A_739 : i1
      %and3A_741 = arith.andi %ne3A_740, %ne3A_735 : i1
      %add3A_742 = arith.addi %rem3A_733, %select_n3A_732 : i32
      %select_n3A_743 = arith.select %and3A_741, %add3A_742, %rem3A_733 : i32
      %mul3A_744 = arith.constant 32 : i32
      %mul3A_745 = arith.muli %select_n3A_743, %mul3A_744 : i32
      %slice3A_746 = vector.extract_strided_slice %get3A_286 {offsets = [6], sizes = [1], strides = [1]} : vector<16xi32> to vector<1xi32>
      %squeeze3A_747 = vector.extract %slice3A_746[0] : i32 from vector<1xi32>
      %dma_start3A_748 = tpu.memref_slice %arg9[%select_n3A_727, %mul3A_745] : memref<64x128xf32, #tpu.memory_space<vmem>> -> memref<1x32xf32, #tpu.memory_space<vmem>>
      %dma_start3A_749 = tpu.memref_squeeze %dma_start3A_748 : memref<1x32xf32, #tpu.memory_space<vmem>> -> memref<32xf32, #tpu.memory_space<vmem>>
      %dma_start3A_750 = arith.constant 0 : i32
      %dma_start3A_751 = tpu.memref_slice %arg4[%squeeze3A_747, %dma_start3A_750] : memref<1000000x32xf32, #tpu.memory_space<hbm>> -> memref<1x32xf32, #tpu.memory_space<hbm>>
      %dma_start3A_752 = tpu.memref_squeeze %dma_start3A_751 : memref<1x32xf32, #tpu.memory_space<hbm>> -> memref<32xf32, #tpu.memory_space<hbm>>
      %dma_start3A_753 = tpu.memref_slice %arg9[%select_n3A_727, %mul3A_745] : memref<64x128xf32, #tpu.memory_space<vmem>> -> memref<1x32xf32, #tpu.memory_space<vmem>>
      %dma_start3A_754 = tpu.memref_squeeze %dma_start3A_753 : memref<1x32xf32, #tpu.memory_space<vmem>> -> memref<32xf32, #tpu.memory_space<vmem>>
      %dma_start3A_755 = arith.constant 0 : i32
      %dma_start3A_756 = tpu.memref_slice %arg4[%squeeze3A_747, %dma_start3A_755] : memref<1000000x32xf32, #tpu.memory_space<hbm>> -> memref<1x32xf32, #tpu.memory_space<hbm>>
      %dma_start3A_757 = tpu.memref_squeeze %dma_start3A_756 : memref<1x32xf32, #tpu.memory_space<hbm>> -> memref<32xf32, #tpu.memory_space<hbm>>
      tpu.enqueue_dma source(%dma_start3A_757 : memref<32xf32, #tpu.memory_space<hbm>>) target(%dma_start3A_754 : memref<32xf32, #tpu.memory_space<vmem>>) target_semaphore(%arg14 : memref<!tpu.dma_semaphore, #tpu.memory_space<semaphore_mem>>)
      %slice3A_758 = vector.extract_strided_slice %get3A_292 {offsets = [6], sizes = [1], strides = [1]} : vector<16xi32> to vector<1xi32>
      %squeeze3A_759 = vector.extract %slice3A_758[0] : i32 from vector<1xi32>
      %dma_start3A_760 = tpu.memref_slice %arg10[%select_n3A_727, %mul3A_745] : memref<64x128xf32, #tpu.memory_space<vmem>> -> memref<1x32xf32, #tpu.memory_space<vmem>>
      %dma_start3A_761 = tpu.memref_squeeze %dma_start3A_760 : memref<1x32xf32, #tpu.memory_space<vmem>> -> memref<32xf32, #tpu.memory_space<vmem>>
      %dma_start3A_762 = arith.constant 0 : i32
      %dma_start3A_763 = tpu.memref_slice %arg5[%squeeze3A_759, %dma_start3A_762] : memref<1000000x32xf32, #tpu.memory_space<hbm>> -> memref<1x32xf32, #tpu.memory_space<hbm>>
      %dma_start3A_764 = tpu.memref_squeeze %dma_start3A_763 : memref<1x32xf32, #tpu.memory_space<hbm>> -> memref<32xf32, #tpu.memory_space<hbm>>
      %dma_start3A_765 = tpu.memref_slice %arg10[%select_n3A_727, %mul3A_745] : memref<64x128xf32, #tpu.memory_space<vmem>> -> memref<1x32xf32, #tpu.memory_space<vmem>>
      %dma_start3A_766 = tpu.memref_squeeze %dma_start3A_765 : memref<1x32xf32, #tpu.memory_space<vmem>> -> memref<32xf32, #tpu.memory_space<vmem>>
      %dma_start3A_767 = arith.constant 0 : i32
      %dma_start3A_768 = tpu.memref_slice %arg5[%squeeze3A_759, %dma_start3A_767] : memref<1000000x32xf32, #tpu.memory_space<hbm>> -> memref<1x32xf32, #tpu.memory_space<hbm>>
      %dma_start3A_769 = tpu.memref_squeeze %dma_start3A_768 : memref<1x32xf32, #tpu.memory_space<hbm>> -> memref<32xf32, #tpu.memory_space<hbm>>
      tpu.enqueue_dma source(%dma_start3A_769 : memref<32xf32, #tpu.memory_space<hbm>>) target(%dma_start3A_766 : memref<32xf32, #tpu.memory_space<vmem>>) target_semaphore(%arg14 : memref<!tpu.dma_semaphore, #tpu.memory_space<semaphore_mem>>)
      %mul3A_770 = arith.constant 16 : i32
      %mul3A_771 = arith.muli %scan3A_281, %mul3A_770 : i32
      %add3A_772 = arith.constant 7 : i32
      %add3A_773 = arith.addi %mul3A_771, %add3A_772 : i32
      %jit3A_774 = arith.constant 4 : i32
      %div3A_775 = arith.divsi %add3A_773, %jit3A_774 : i32
      %sign3A_776 = arith.constant 0 : i32
      %sign3A_777 = arith.cmpi sgt, %add3A_773, %sign3A_776 : i32
      %sign3A_778 = arith.extui %sign3A_777 : i1 to i32
      %sign3A_779 = arith.constant 0 : i32
      %sign3A_780 = arith.cmpi slt, %add3A_773, %sign3A_779 : i32
      %sign3A_781 = arith.extui %sign3A_780 : i1 to i32
      %sign3A_782 = arith.subi %sign3A_778, %sign3A_781 : i32
      %sign3A_783 = arith.constant 0 : i32
      %sign3A_784 = arith.cmpi sgt, %jit3A_774, %sign3A_783 : i32
      %sign3A_785 = arith.extui %sign3A_784 : i1 to i32
      %sign3A_786 = arith.constant 0 : i32
      %sign3A_787 = arith.cmpi slt, %jit3A_774, %sign3A_786 : i32
      %sign3A_788 = arith.extui %sign3A_787 : i1 to i32
      %sign3A_789 = arith.subi %sign3A_785, %sign3A_788 : i32
      %ne3A_790 = arith.cmpi ne, %sign3A_782, %sign3A_789 : i32
      %rem3A_791 = arith.remsi %add3A_773, %jit3A_774 : i32
      %ne3A_792 = arith.constant 0 : i32
      %ne3A_793 = arith.cmpi ne, %rem3A_791, %ne3A_792 : i32
      %and3A_794 = arith.andi %ne3A_790, %ne3A_793 : i1
      %sub3A_795 = arith.constant 1 : i32
      %sub3A_796 = arith.subi %div3A_775, %sub3A_795 : i32
      %select_n3A_797 = arith.select %and3A_794, %sub3A_796, %div3A_775 : i32
      %jit3A_798 = arith.constant 4 : i32
      %eq3A_799 = arith.constant 0 : i32
      %eq3A_800 = arith.cmpi eq, %jit3A_798, %eq3A_799 : i32
      %jit3A_801 = arith.constant 1 : i32
      %select_n3A_802 = arith.select %eq3A_800, %jit3A_801, %jit3A_798 : i32
      %rem3A_803 = arith.remsi %add3A_773, %select_n3A_802 : i32
      %ne3A_804 = arith.constant 0 : i32
      %ne3A_805 = arith.cmpi ne, %rem3A_803, %ne3A_804 : i32
      %lt3A_806 = arith.constant 0 : i32
      %lt3A_807 = arith.cmpi slt, %rem3A_803, %lt3A_806 : i32
      %lt3A_808 = arith.constant 0 : i32
      %lt3A_809 = arith.cmpi slt, %select_n3A_802, %lt3A_808 : i32
      %ne3A_810 = arith.xori %lt3A_807, %lt3A_809 : i1
      %and3A_811 = arith.andi %ne3A_810, %ne3A_805 : i1
      %add3A_812 = arith.addi %rem3A_803, %select_n3A_802 : i32
      %select_n3A_813 = arith.select %and3A_811, %add3A_812, %rem3A_803 : i32
      %mul3A_814 = arith.constant 32 : i32
      %mul3A_815 = arith.muli %select_n3A_813, %mul3A_814 : i32
      %slice3A_816 = vector.extract_strided_slice %get3A_286 {offsets = [7], sizes = [1], strides = [1]} : vector<16xi32> to vector<1xi32>
      %squeeze3A_817 = vector.extract %slice3A_816[0] : i32 from vector<1xi32>
      %dma_start3A_818 = tpu.memref_slice %arg9[%select_n3A_797, %mul3A_815] : memref<64x128xf32, #tpu.memory_space<vmem>> -> memref<1x32xf32, #tpu.memory_space<vmem>>
      %dma_start3A_819 = tpu.memref_squeeze %dma_start3A_818 : memref<1x32xf32, #tpu.memory_space<vmem>> -> memref<32xf32, #tpu.memory_space<vmem>>
      %dma_start3A_820 = arith.constant 0 : i32
      %dma_start3A_821 = tpu.memref_slice %arg4[%squeeze3A_817, %dma_start3A_820] : memref<1000000x32xf32, #tpu.memory_space<hbm>> -> memref<1x32xf32, #tpu.memory_space<hbm>>
      %dma_start3A_822 = tpu.memref_squeeze %dma_start3A_821 : memref<1x32xf32, #tpu.memory_space<hbm>> -> memref<32xf32, #tpu.memory_space<hbm>>
      %dma_start3A_823 = tpu.memref_slice %arg9[%select_n3A_797, %mul3A_815] : memref<64x128xf32, #tpu.memory_space<vmem>> -> memref<1x32xf32, #tpu.memory_space<vmem>>
      %dma_start3A_824 = tpu.memref_squeeze %dma_start3A_823 : memref<1x32xf32, #tpu.memory_space<vmem>> -> memref<32xf32, #tpu.memory_space<vmem>>
      %dma_start3A_825 = arith.constant 0 : i32
      %dma_start3A_826 = tpu.memref_slice %arg4[%squeeze3A_817, %dma_start3A_825] : memref<1000000x32xf32, #tpu.memory_space<hbm>> -> memref<1x32xf32, #tpu.memory_space<hbm>>
      %dma_start3A_827 = tpu.memref_squeeze %dma_start3A_826 : memref<1x32xf32, #tpu.memory_space<hbm>> -> memref<32xf32, #tpu.memory_space<hbm>>
      tpu.enqueue_dma source(%dma_start3A_827 : memref<32xf32, #tpu.memory_space<hbm>>) target(%dma_start3A_824 : memref<32xf32, #tpu.memory_space<vmem>>) target_semaphore(%arg14 : memref<!tpu.dma_semaphore, #tpu.memory_space<semaphore_mem>>)
      %slice3A_828 = vector.extract_strided_slice %get3A_292 {offsets = [7], sizes = [1], strides = [1]} : vector<16xi32> to vector<1xi32>
      %squeeze3A_829 = vector.extract %slice3A_828[0] : i32 from vector<1xi32>
      %dma_start3A_830 = tpu.memref_slice %arg10[%select_n3A_797, %mul3A_815] : memref<64x128xf32, #tpu.memory_space<vmem>> -> memref<1x32xf32, #tpu.memory_space<vmem>>
      %dma_start3A_831 = tpu.memref_squeeze %dma_start3A_830 : memref<1x32xf32, #tpu.memory_space<vmem>> -> memref<32xf32, #tpu.memory_space<vmem>>
      %dma_start3A_832 = arith.constant 0 : i32
      %dma_start3A_833 = tpu.memref_slice %arg5[%squeeze3A_829, %dma_start3A_832] : memref<1000000x32xf32, #tpu.memory_space<hbm>> -> memref<1x32xf32, #tpu.memory_space<hbm>>
      %dma_start3A_834 = tpu.memref_squeeze %dma_start3A_833 : memref<1x32xf32, #tpu.memory_space<hbm>> -> memref<32xf32, #tpu.memory_space<hbm>>
      %dma_start3A_835 = tpu.memref_slice %arg10[%select_n3A_797, %mul3A_815] : memref<64x128xf32, #tpu.memory_space<vmem>> -> memref<1x32xf32, #tpu.memory_space<vmem>>
      %dma_start3A_836 = tpu.memref_squeeze %dma_start3A_835 : memref<1x32xf32, #tpu.memory_space<vmem>> -> memref<32xf32, #tpu.memory_space<vmem>>
      %dma_start3A_837 = arith.constant 0 : i32
      %dma_start3A_838 = tpu.memref_slice %arg5[%squeeze3A_829, %dma_start3A_837] : memref<1000000x32xf32, #tpu.memory_space<hbm>> -> memref<1x32xf32, #tpu.memory_space<hbm>>
      %dma_start3A_839 = tpu.memref_squeeze %dma_start3A_838 : memref<1x32xf32, #tpu.memory_space<hbm>> -> memref<32xf32, #tpu.memory_space<hbm>>
      tpu.enqueue_dma source(%dma_start3A_839 : memref<32xf32, #tpu.memory_space<hbm>>) target(%dma_start3A_836 : memref<32xf32, #tpu.memory_space<vmem>>) target_semaphore(%arg14 : memref<!tpu.dma_semaphore, #tpu.memory_space<semaphore_mem>>)
      %mul3A_840 = arith.constant 16 : i32
      %mul3A_841 = arith.muli %scan3A_281, %mul3A_840 : i32
      %add3A_842 = arith.constant 8 : i32
      %add3A_843 = arith.addi %mul3A_841, %add3A_842 : i32
      %jit3A_844 = arith.constant 4 : i32
      %div3A_845 = arith.divsi %add3A_843, %jit3A_844 : i32
      %sign3A_846 = arith.constant 0 : i32
      %sign3A_847 = arith.cmpi sgt, %add3A_843, %sign3A_846 : i32
      %sign3A_848 = arith.extui %sign3A_847 : i1 to i32
      %sign3A_849 = arith.constant 0 : i32
      %sign3A_850 = arith.cmpi slt, %add3A_843, %sign3A_849 : i32
      %sign3A_851 = arith.extui %sign3A_850 : i1 to i32
      %sign3A_852 = arith.subi %sign3A_848, %sign3A_851 : i32
      %sign3A_853 = arith.constant 0 : i32
      %sign3A_854 = arith.cmpi sgt, %jit3A_844, %sign3A_853 : i32
      %sign3A_855 = arith.extui %sign3A_854 : i1 to i32
      %sign3A_856 = arith.constant 0 : i32
      %sign3A_857 = arith.cmpi slt, %jit3A_844, %sign3A_856 : i32
      %sign3A_858 = arith.extui %sign3A_857 : i1 to i32
      %sign3A_859 = arith.subi %sign3A_855, %sign3A_858 : i32
      %ne3A_860 = arith.cmpi ne, %sign3A_852, %sign3A_859 : i32
      %rem3A_861 = arith.remsi %add3A_843, %jit3A_844 : i32
      %ne3A_862 = arith.constant 0 : i32
      %ne3A_863 = arith.cmpi ne, %rem3A_861, %ne3A_862 : i32
      %and3A_864 = arith.andi %ne3A_860, %ne3A_863 : i1
      %sub3A_865 = arith.constant 1 : i32
      %sub3A_866 = arith.subi %div3A_845, %sub3A_865 : i32
      %select_n3A_867 = arith.select %and3A_864, %sub3A_866, %div3A_845 : i32
      %jit3A_868 = arith.constant 4 : i32
      %eq3A_869 = arith.constant 0 : i32
      %eq3A_870 = arith.cmpi eq, %jit3A_868, %eq3A_869 : i32
      %jit3A_871 = arith.constant 1 : i32
      %select_n3A_872 = arith.select %eq3A_870, %jit3A_871, %jit3A_868 : i32
      %rem3A_873 = arith.remsi %add3A_843, %select_n3A_872 : i32
      %ne3A_874 = arith.constant 0 : i32
      %ne3A_875 = arith.cmpi ne, %rem3A_873, %ne3A_874 : i32
      %lt3A_876 = arith.constant 0 : i32
      %lt3A_877 = arith.cmpi slt, %rem3A_873, %lt3A_876 : i32
      %lt3A_878 = arith.constant 0 : i32
      %lt3A_879 = arith.cmpi slt, %select_n3A_872, %lt3A_878 : i32
      %ne3A_880 = arith.xori %lt3A_877, %lt3A_879 : i1
      %and3A_881 = arith.andi %ne3A_880, %ne3A_875 : i1
      %add3A_882 = arith.addi %rem3A_873, %select_n3A_872 : i32
      %select_n3A_883 = arith.select %and3A_881, %add3A_882, %rem3A_873 : i32
      %mul3A_884 = arith.constant 32 : i32
      %mul3A_885 = arith.muli %select_n3A_883, %mul3A_884 : i32
      %slice3A_886 = vector.extract_strided_slice %get3A_286 {offsets = [8], sizes = [1], strides = [1]} : vector<16xi32> to vector<1xi32>
      %squeeze3A_887 = vector.extract %slice3A_886[0] : i32 from vector<1xi32>
      %dma_start3A_888 = tpu.memref_slice %arg9[%select_n3A_867, %mul3A_885] : memref<64x128xf32, #tpu.memory_space<vmem>> -> memref<1x32xf32, #tpu.memory_space<vmem>>
      %dma_start3A_889 = tpu.memref_squeeze %dma_start3A_888 : memref<1x32xf32, #tpu.memory_space<vmem>> -> memref<32xf32, #tpu.memory_space<vmem>>
      %dma_start3A_890 = arith.constant 0 : i32
      %dma_start3A_891 = tpu.memref_slice %arg4[%squeeze3A_887, %dma_start3A_890] : memref<1000000x32xf32, #tpu.memory_space<hbm>> -> memref<1x32xf32, #tpu.memory_space<hbm>>
      %dma_start3A_892 = tpu.memref_squeeze %dma_start3A_891 : memref<1x32xf32, #tpu.memory_space<hbm>> -> memref<32xf32, #tpu.memory_space<hbm>>
      %dma_start3A_893 = tpu.memref_slice %arg9[%select_n3A_867, %mul3A_885] : memref<64x128xf32, #tpu.memory_space<vmem>> -> memref<1x32xf32, #tpu.memory_space<vmem>>
      %dma_start3A_894 = tpu.memref_squeeze %dma_start3A_893 : memref<1x32xf32, #tpu.memory_space<vmem>> -> memref<32xf32, #tpu.memory_space<vmem>>
      %dma_start3A_895 = arith.constant 0 : i32
      %dma_start3A_896 = tpu.memref_slice %arg4[%squeeze3A_887, %dma_start3A_895] : memref<1000000x32xf32, #tpu.memory_space<hbm>> -> memref<1x32xf32, #tpu.memory_space<hbm>>
      %dma_start3A_897 = tpu.memref_squeeze %dma_start3A_896 : memref<1x32xf32, #tpu.memory_space<hbm>> -> memref<32xf32, #tpu.memory_space<hbm>>
      tpu.enqueue_dma source(%dma_start3A_897 : memref<32xf32, #tpu.memory_space<hbm>>) target(%dma_start3A_894 : memref<32xf32, #tpu.memory_space<vmem>>) target_semaphore(%arg14 : memref<!tpu.dma_semaphore, #tpu.memory_space<semaphore_mem>>)
      %slice3A_898 = vector.extract_strided_slice %get3A_292 {offsets = [8], sizes = [1], strides = [1]} : vector<16xi32> to vector<1xi32>
      %squeeze3A_899 = vector.extract %slice3A_898[0] : i32 from vector<1xi32>
      %dma_start3A_900 = tpu.memref_slice %arg10[%select_n3A_867, %mul3A_885] : memref<64x128xf32, #tpu.memory_space<vmem>> -> memref<1x32xf32, #tpu.memory_space<vmem>>
      %dma_start3A_901 = tpu.memref_squeeze %dma_start3A_900 : memref<1x32xf32, #tpu.memory_space<vmem>> -> memref<32xf32, #tpu.memory_space<vmem>>
      %dma_start3A_902 = arith.constant 0 : i32
      %dma_start3A_903 = tpu.memref_slice %arg5[%squeeze3A_899, %dma_start3A_902] : memref<1000000x32xf32, #tpu.memory_space<hbm>> -> memref<1x32xf32, #tpu.memory_space<hbm>>
      %dma_start3A_904 = tpu.memref_squeeze %dma_start3A_903 : memref<1x32xf32, #tpu.memory_space<hbm>> -> memref<32xf32, #tpu.memory_space<hbm>>
      %dma_start3A_905 = tpu.memref_slice %arg10[%select_n3A_867, %mul3A_885] : memref<64x128xf32, #tpu.memory_space<vmem>> -> memref<1x32xf32, #tpu.memory_space<vmem>>
      %dma_start3A_906 = tpu.memref_squeeze %dma_start3A_905 : memref<1x32xf32, #tpu.memory_space<vmem>> -> memref<32xf32, #tpu.memory_space<vmem>>
      %dma_start3A_907 = arith.constant 0 : i32
      %dma_start3A_908 = tpu.memref_slice %arg5[%squeeze3A_899, %dma_start3A_907] : memref<1000000x32xf32, #tpu.memory_space<hbm>> -> memref<1x32xf32, #tpu.memory_space<hbm>>
      %dma_start3A_909 = tpu.memref_squeeze %dma_start3A_908 : memref<1x32xf32, #tpu.memory_space<hbm>> -> memref<32xf32, #tpu.memory_space<hbm>>
      tpu.enqueue_dma source(%dma_start3A_909 : memref<32xf32, #tpu.memory_space<hbm>>) target(%dma_start3A_906 : memref<32xf32, #tpu.memory_space<vmem>>) target_semaphore(%arg14 : memref<!tpu.dma_semaphore, #tpu.memory_space<semaphore_mem>>)
      %mul3A_910 = arith.constant 16 : i32
      %mul3A_911 = arith.muli %scan3A_281, %mul3A_910 : i32
      %add3A_912 = arith.constant 9 : i32
      %add3A_913 = arith.addi %mul3A_911, %add3A_912 : i32
      %jit3A_914 = arith.constant 4 : i32
      %div3A_915 = arith.divsi %add3A_913, %jit3A_914 : i32
      %sign3A_916 = arith.constant 0 : i32
      %sign3A_917 = arith.cmpi sgt, %add3A_913, %sign3A_916 : i32
      %sign3A_918 = arith.extui %sign3A_917 : i1 to i32
      %sign3A_919 = arith.constant 0 : i32
      %sign3A_920 = arith.cmpi slt, %add3A_913, %sign3A_919 : i32
      %sign3A_921 = arith.extui %sign3A_920 : i1 to i32
      %sign3A_922 = arith.subi %sign3A_918, %sign3A_921 : i32
      %sign3A_923 = arith.constant 0 : i32
      %sign3A_924 = arith.cmpi sgt, %jit3A_914, %sign3A_923 : i32
      %sign3A_925 = arith.extui %sign3A_924 : i1 to i32
      %sign3A_926 = arith.constant 0 : i32
      %sign3A_927 = arith.cmpi slt, %jit3A_914, %sign3A_926 : i32
      %sign3A_928 = arith.extui %sign3A_927 : i1 to i32
      %sign3A_929 = arith.subi %sign3A_925, %sign3A_928 : i32
      %ne3A_930 = arith.cmpi ne, %sign3A_922, %sign3A_929 : i32
      %rem3A_931 = arith.remsi %add3A_913, %jit3A_914 : i32
      %ne3A_932 = arith.constant 0 : i32
      %ne3A_933 = arith.cmpi ne, %rem3A_931, %ne3A_932 : i32
      %and3A_934 = arith.andi %ne3A_930, %ne3A_933 : i1
      %sub3A_935 = arith.constant 1 : i32
      %sub3A_936 = arith.subi %div3A_915, %sub3A_935 : i32
      %select_n3A_937 = arith.select %and3A_934, %sub3A_936, %div3A_915 : i32
      %jit3A_938 = arith.constant 4 : i32
      %eq3A_939 = arith.constant 0 : i32
      %eq3A_940 = arith.cmpi eq, %jit3A_938, %eq3A_939 : i32
      %jit3A_941 = arith.constant 1 : i32
      %select_n3A_942 = arith.select %eq3A_940, %jit3A_941, %jit3A_938 : i32
      %rem3A_943 = arith.remsi %add3A_913, %select_n3A_942 : i32
      %ne3A_944 = arith.constant 0 : i32
      %ne3A_945 = arith.cmpi ne, %rem3A_943, %ne3A_944 : i32
      %lt3A_946 = arith.constant 0 : i32
      %lt3A_947 = arith.cmpi slt, %rem3A_943, %lt3A_946 : i32
      %lt3A_948 = arith.constant 0 : i32
      %lt3A_949 = arith.cmpi slt, %select_n3A_942, %lt3A_948 : i32
      %ne3A_950 = arith.xori %lt3A_947, %lt3A_949 : i1
      %and3A_951 = arith.andi %ne3A_950, %ne3A_945 : i1
      %add3A_952 = arith.addi %rem3A_943, %select_n3A_942 : i32
      %select_n3A_953 = arith.select %and3A_951, %add3A_952, %rem3A_943 : i32
      %mul3A_954 = arith.constant 32 : i32
      %mul3A_955 = arith.muli %select_n3A_953, %mul3A_954 : i32
      %slice3A_956 = vector.extract_strided_slice %get3A_286 {offsets = [9], sizes = [1], strides = [1]} : vector<16xi32> to vector<1xi32>
      %squeeze3A_957 = vector.extract %slice3A_956[0] : i32 from vector<1xi32>
      %dma_start3A_958 = tpu.memref_slice %arg9[%select_n3A_937, %mul3A_955] : memref<64x128xf32, #tpu.memory_space<vmem>> -> memref<1x32xf32, #tpu.memory_space<vmem>>
      %dma_start3A_959 = tpu.memref_squeeze %dma_start3A_958 : memref<1x32xf32, #tpu.memory_space<vmem>> -> memref<32xf32, #tpu.memory_space<vmem>>
      %dma_start3A_960 = arith.constant 0 : i32
      %dma_start3A_961 = tpu.memref_slice %arg4[%squeeze3A_957, %dma_start3A_960] : memref<1000000x32xf32, #tpu.memory_space<hbm>> -> memref<1x32xf32, #tpu.memory_space<hbm>>
      %dma_start3A_962 = tpu.memref_squeeze %dma_start3A_961 : memref<1x32xf32, #tpu.memory_space<hbm>> -> memref<32xf32, #tpu.memory_space<hbm>>
      %dma_start3A_963 = tpu.memref_slice %arg9[%select_n3A_937, %mul3A_955] : memref<64x128xf32, #tpu.memory_space<vmem>> -> memref<1x32xf32, #tpu.memory_space<vmem>>
      %dma_start3A_964 = tpu.memref_squeeze %dma_start3A_963 : memref<1x32xf32, #tpu.memory_space<vmem>> -> memref<32xf32, #tpu.memory_space<vmem>>
      %dma_start3A_965 = arith.constant 0 : i32
      %dma_start3A_966 = tpu.memref_slice %arg4[%squeeze3A_957, %dma_start3A_965] : memref<1000000x32xf32, #tpu.memory_space<hbm>> -> memref<1x32xf32, #tpu.memory_space<hbm>>
      %dma_start3A_967 = tpu.memref_squeeze %dma_start3A_966 : memref<1x32xf32, #tpu.memory_space<hbm>> -> memref<32xf32, #tpu.memory_space<hbm>>
      tpu.enqueue_dma source(%dma_start3A_967 : memref<32xf32, #tpu.memory_space<hbm>>) target(%dma_start3A_964 : memref<32xf32, #tpu.memory_space<vmem>>) target_semaphore(%arg14 : memref<!tpu.dma_semaphore, #tpu.memory_space<semaphore_mem>>)
      %slice3A_968 = vector.extract_strided_slice %get3A_292 {offsets = [9], sizes = [1], strides = [1]} : vector<16xi32> to vector<1xi32>
      %squeeze3A_969 = vector.extract %slice3A_968[0] : i32 from vector<1xi32>
      %dma_start3A_970 = tpu.memref_slice %arg10[%select_n3A_937, %mul3A_955] : memref<64x128xf32, #tpu.memory_space<vmem>> -> memref<1x32xf32, #tpu.memory_space<vmem>>
      %dma_start3A_971 = tpu.memref_squeeze %dma_start3A_970 : memref<1x32xf32, #tpu.memory_space<vmem>> -> memref<32xf32, #tpu.memory_space<vmem>>
      %dma_start3A_972 = arith.constant 0 : i32
      %dma_start3A_973 = tpu.memref_slice %arg5[%squeeze3A_969, %dma_start3A_972] : memref<1000000x32xf32, #tpu.memory_space<hbm>> -> memref<1x32xf32, #tpu.memory_space<hbm>>
      %dma_start3A_974 = tpu.memref_squeeze %dma_start3A_973 : memref<1x32xf32, #tpu.memory_space<hbm>> -> memref<32xf32, #tpu.memory_space<hbm>>
      %dma_start3A_975 = tpu.memref_slice %arg10[%select_n3A_937, %mul3A_955] : memref<64x128xf32, #tpu.memory_space<vmem>> -> memref<1x32xf32, #tpu.memory_space<vmem>>
      %dma_start3A_976 = tpu.memref_squeeze %dma_start3A_975 : memref<1x32xf32, #tpu.memory_space<vmem>> -> memref<32xf32, #tpu.memory_space<vmem>>
      %dma_start3A_977 = arith.constant 0 : i32
      %dma_start3A_978 = tpu.memref_slice %arg5[%squeeze3A_969, %dma_start3A_977] : memref<1000000x32xf32, #tpu.memory_space<hbm>> -> memref<1x32xf32, #tpu.memory_space<hbm>>
      %dma_start3A_979 = tpu.memref_squeeze %dma_start3A_978 : memref<1x32xf32, #tpu.memory_space<hbm>> -> memref<32xf32, #tpu.memory_space<hbm>>
      tpu.enqueue_dma source(%dma_start3A_979 : memref<32xf32, #tpu.memory_space<hbm>>) target(%dma_start3A_976 : memref<32xf32, #tpu.memory_space<vmem>>) target_semaphore(%arg14 : memref<!tpu.dma_semaphore, #tpu.memory_space<semaphore_mem>>)
      %mul3A_980 = arith.constant 16 : i32
      %mul3A_981 = arith.muli %scan3A_281, %mul3A_980 : i32
      %add3A_982 = arith.constant 10 : i32
      %add3A_983 = arith.addi %mul3A_981, %add3A_982 : i32
      %jit3A_984 = arith.constant 4 : i32
      %div3A_985 = arith.divsi %add3A_983, %jit3A_984 : i32
      %sign3A_986 = arith.constant 0 : i32
      %sign3A_987 = arith.cmpi sgt, %add3A_983, %sign3A_986 : i32
      %sign3A_988 = arith.extui %sign3A_987 : i1 to i32
      %sign3A_989 = arith.constant 0 : i32
      %sign3A_990 = arith.cmpi slt, %add3A_983, %sign3A_989 : i32
      %sign3A_991 = arith.extui %sign3A_990 : i1 to i32
      %sign3A_992 = arith.subi %sign3A_988, %sign3A_991 : i32
      %sign3A_993 = arith.constant 0 : i32
      %sign3A_994 = arith.cmpi sgt, %jit3A_984, %sign3A_993 : i32
      %sign3A_995 = arith.extui %sign3A_994 : i1 to i32
      %sign3A_996 = arith.constant 0 : i32
      %sign3A_997 = arith.cmpi slt, %jit3A_984, %sign3A_996 : i32
      %sign3A_998 = arith.extui %sign3A_997 : i1 to i32
      %sign3A_999 = arith.subi %sign3A_995, %sign3A_998 : i32
      %ne3A_1000 = arith.cmpi ne, %sign3A_992, %sign3A_999 : i32
      %rem3A_1001 = arith.remsi %add3A_983, %jit3A_984 : i32
      %ne3A_1002 = arith.constant 0 : i32
      %ne3A_1003 = arith.cmpi ne, %rem3A_1001, %ne3A_1002 : i32
      %and3A_1004 = arith.andi %ne3A_1000, %ne3A_1003 : i1
      %sub3A_1005 = arith.constant 1 : i32
      %sub3A_1006 = arith.subi %div3A_985, %sub3A_1005 : i32
      %select_n3A_1007 = arith.select %and3A_1004, %sub3A_1006, %div3A_985 : i32
      %jit3A_1008 = arith.constant 4 : i32
      %eq3A_1009 = arith.constant 0 : i32
      %eq3A_1010 = arith.cmpi eq, %jit3A_1008, %eq3A_1009 : i32
      %jit3A_1011 = arith.constant 1 : i32
      %select_n3A_1012 = arith.select %eq3A_1010, %jit3A_1011, %jit3A_1008 : i32
      %rem3A_1013 = arith.remsi %add3A_983, %select_n3A_1012 : i32
      %ne3A_1014 = arith.constant 0 : i32
      %ne3A_1015 = arith.cmpi ne, %rem3A_1013, %ne3A_1014 : i32
      %lt3A_1016 = arith.constant 0 : i32
      %lt3A_1017 = arith.cmpi slt, %rem3A_1013, %lt3A_1016 : i32
      %lt3A_1018 = arith.constant 0 : i32
      %lt3A_1019 = arith.cmpi slt, %select_n3A_1012, %lt3A_1018 : i32
      %ne3A_1020 = arith.xori %lt3A_1017, %lt3A_1019 : i1
      %and3A_1021 = arith.andi %ne3A_1020, %ne3A_1015 : i1
      %add3A_1022 = arith.addi %rem3A_1013, %select_n3A_1012 : i32
      %select_n3A_1023 = arith.select %and3A_1021, %add3A_1022, %rem3A_1013 : i32
      %mul3A_1024 = arith.constant 32 : i32
      %mul3A_1025 = arith.muli %select_n3A_1023, %mul3A_1024 : i32
      %slice3A_1026 = vector.extract_strided_slice %get3A_286 {offsets = [10], sizes = [1], strides = [1]} : vector<16xi32> to vector<1xi32>
      %squeeze3A_1027 = vector.extract %slice3A_1026[0] : i32 from vector<1xi32>
      %dma_start3A_1028 = tpu.memref_slice %arg9[%select_n3A_1007, %mul3A_1025] : memref<64x128xf32, #tpu.memory_space<vmem>> -> memref<1x32xf32, #tpu.memory_space<vmem>>
      %dma_start3A_1029 = tpu.memref_squeeze %dma_start3A_1028 : memref<1x32xf32, #tpu.memory_space<vmem>> -> memref<32xf32, #tpu.memory_space<vmem>>
      %dma_start3A_1030 = arith.constant 0 : i32
      %dma_start3A_1031 = tpu.memref_slice %arg4[%squeeze3A_1027, %dma_start3A_1030] : memref<1000000x32xf32, #tpu.memory_space<hbm>> -> memref<1x32xf32, #tpu.memory_space<hbm>>
      %dma_start3A_1032 = tpu.memref_squeeze %dma_start3A_1031 : memref<1x32xf32, #tpu.memory_space<hbm>> -> memref<32xf32, #tpu.memory_space<hbm>>
      %dma_start3A_1033 = tpu.memref_slice %arg9[%select_n3A_1007, %mul3A_1025] : memref<64x128xf32, #tpu.memory_space<vmem>> -> memref<1x32xf32, #tpu.memory_space<vmem>>
      %dma_start3A_1034 = tpu.memref_squeeze %dma_start3A_1033 : memref<1x32xf32, #tpu.memory_space<vmem>> -> memref<32xf32, #tpu.memory_space<vmem>>
      %dma_start3A_1035 = arith.constant 0 : i32
      %dma_start3A_1036 = tpu.memref_slice %arg4[%squeeze3A_1027, %dma_start3A_1035] : memref<1000000x32xf32, #tpu.memory_space<hbm>> -> memref<1x32xf32, #tpu.memory_space<hbm>>
      %dma_start3A_1037 = tpu.memref_squeeze %dma_start3A_1036 : memref<1x32xf32, #tpu.memory_space<hbm>> -> memref<32xf32, #tpu.memory_space<hbm>>
      tpu.enqueue_dma source(%dma_start3A_1037 : memref<32xf32, #tpu.memory_space<hbm>>) target(%dma_start3A_1034 : memref<32xf32, #tpu.memory_space<vmem>>) target_semaphore(%arg14 : memref<!tpu.dma_semaphore, #tpu.memory_space<semaphore_mem>>)
      %slice3A_1038 = vector.extract_strided_slice %get3A_292 {offsets = [10], sizes = [1], strides = [1]} : vector<16xi32> to vector<1xi32>
      %squeeze3A_1039 = vector.extract %slice3A_1038[0] : i32 from vector<1xi32>
      %dma_start3A_1040 = tpu.memref_slice %arg10[%select_n3A_1007, %mul3A_1025] : memref<64x128xf32, #tpu.memory_space<vmem>> -> memref<1x32xf32, #tpu.memory_space<vmem>>
      %dma_start3A_1041 = tpu.memref_squeeze %dma_start3A_1040 : memref<1x32xf32, #tpu.memory_space<vmem>> -> memref<32xf32, #tpu.memory_space<vmem>>
      %dma_start3A_1042 = arith.constant 0 : i32
      %dma_start3A_1043 = tpu.memref_slice %arg5[%squeeze3A_1039, %dma_start3A_1042] : memref<1000000x32xf32, #tpu.memory_space<hbm>> -> memref<1x32xf32, #tpu.memory_space<hbm>>
      %dma_start3A_1044 = tpu.memref_squeeze %dma_start3A_1043 : memref<1x32xf32, #tpu.memory_space<hbm>> -> memref<32xf32, #tpu.memory_space<hbm>>
      %dma_start3A_1045 = tpu.memref_slice %arg10[%select_n3A_1007, %mul3A_1025] : memref<64x128xf32, #tpu.memory_space<vmem>> -> memref<1x32xf32, #tpu.memory_space<vmem>>
      %dma_start3A_1046 = tpu.memref_squeeze %dma_start3A_1045 : memref<1x32xf32, #tpu.memory_space<vmem>> -> memref<32xf32, #tpu.memory_space<vmem>>
      %dma_start3A_1047 = arith.constant 0 : i32
      %dma_start3A_1048 = tpu.memref_slice %arg5[%squeeze3A_1039, %dma_start3A_1047] : memref<1000000x32xf32, #tpu.memory_space<hbm>> -> memref<1x32xf32, #tpu.memory_space<hbm>>
      %dma_start3A_1049 = tpu.memref_squeeze %dma_start3A_1048 : memref<1x32xf32, #tpu.memory_space<hbm>> -> memref<32xf32, #tpu.memory_space<hbm>>
      tpu.enqueue_dma source(%dma_start3A_1049 : memref<32xf32, #tpu.memory_space<hbm>>) target(%dma_start3A_1046 : memref<32xf32, #tpu.memory_space<vmem>>) target_semaphore(%arg14 : memref<!tpu.dma_semaphore, #tpu.memory_space<semaphore_mem>>)
      %mul3A_1050 = arith.constant 16 : i32
      %mul3A_1051 = arith.muli %scan3A_281, %mul3A_1050 : i32
      %add3A_1052 = arith.constant 11 : i32
      %add3A_1053 = arith.addi %mul3A_1051, %add3A_1052 : i32
      %jit3A_1054 = arith.constant 4 : i32
      %div3A_1055 = arith.divsi %add3A_1053, %jit3A_1054 : i32
      %sign3A_1056 = arith.constant 0 : i32
      %sign3A_1057 = arith.cmpi sgt, %add3A_1053, %sign3A_1056 : i32
      %sign3A_1058 = arith.extui %sign3A_1057 : i1 to i32
      %sign3A_1059 = arith.constant 0 : i32
      %sign3A_1060 = arith.cmpi slt, %add3A_1053, %sign3A_1059 : i32
      %sign3A_1061 = arith.extui %sign3A_1060 : i1 to i32
      %sign3A_1062 = arith.subi %sign3A_1058, %sign3A_1061 : i32
      %sign3A_1063 = arith.constant 0 : i32
      %sign3A_1064 = arith.cmpi sgt, %jit3A_1054, %sign3A_1063 : i32
      %sign3A_1065 = arith.extui %sign3A_1064 : i1 to i32
      %sign3A_1066 = arith.constant 0 : i32
      %sign3A_1067 = arith.cmpi slt, %jit3A_1054, %sign3A_1066 : i32
      %sign3A_1068 = arith.extui %sign3A_1067 : i1 to i32
      %sign3A_1069 = arith.subi %sign3A_1065, %sign3A_1068 : i32
      %ne3A_1070 = arith.cmpi ne, %sign3A_1062, %sign3A_1069 : i32
      %rem3A_1071 = arith.remsi %add3A_1053, %jit3A_1054 : i32
      %ne3A_1072 = arith.constant 0 : i32
      %ne3A_1073 = arith.cmpi ne, %rem3A_1071, %ne3A_1072 : i32
      %and3A_1074 = arith.andi %ne3A_1070, %ne3A_1073 : i1
      %sub3A_1075 = arith.constant 1 : i32
      %sub3A_1076 = arith.subi %div3A_1055, %sub3A_1075 : i32
      %select_n3A_1077 = arith.select %and3A_1074, %sub3A_1076, %div3A_1055 : i32
      %jit3A_1078 = arith.constant 4 : i32
      %eq3A_1079 = arith.constant 0 : i32
      %eq3A_1080 = arith.cmpi eq, %jit3A_1078, %eq3A_1079 : i32
      %jit3A_1081 = arith.constant 1 : i32
      %select_n3A_1082 = arith.select %eq3A_1080, %jit3A_1081, %jit3A_1078 : i32
      %rem3A_1083 = arith.remsi %add3A_1053, %select_n3A_1082 : i32
      %ne3A_1084 = arith.constant 0 : i32
      %ne3A_1085 = arith.cmpi ne, %rem3A_1083, %ne3A_1084 : i32
      %lt3A_1086 = arith.constant 0 : i32
      %lt3A_1087 = arith.cmpi slt, %rem3A_1083, %lt3A_1086 : i32
      %lt3A_1088 = arith.constant 0 : i32
      %lt3A_1089 = arith.cmpi slt, %select_n3A_1082, %lt3A_1088 : i32
      %ne3A_1090 = arith.xori %lt3A_1087, %lt3A_1089 : i1
      %and3A_1091 = arith.andi %ne3A_1090, %ne3A_1085 : i1
      %add3A_1092 = arith.addi %rem3A_1083, %select_n3A_1082 : i32
      %select_n3A_1093 = arith.select %and3A_1091, %add3A_1092, %rem3A_1083 : i32
      %mul3A_1094 = arith.constant 32 : i32
      %mul3A_1095 = arith.muli %select_n3A_1093, %mul3A_1094 : i32
      %slice3A_1096 = vector.extract_strided_slice %get3A_286 {offsets = [11], sizes = [1], strides = [1]} : vector<16xi32> to vector<1xi32>
      %squeeze3A_1097 = vector.extract %slice3A_1096[0] : i32 from vector<1xi32>
      %dma_start3A_1098 = tpu.memref_slice %arg9[%select_n3A_1077, %mul3A_1095] : memref<64x128xf32, #tpu.memory_space<vmem>> -> memref<1x32xf32, #tpu.memory_space<vmem>>
      %dma_start3A_1099 = tpu.memref_squeeze %dma_start3A_1098 : memref<1x32xf32, #tpu.memory_space<vmem>> -> memref<32xf32, #tpu.memory_space<vmem>>
      %dma_start3A_1100 = arith.constant 0 : i32
      %dma_start3A_1101 = tpu.memref_slice %arg4[%squeeze3A_1097, %dma_start3A_1100] : memref<1000000x32xf32, #tpu.memory_space<hbm>> -> memref<1x32xf32, #tpu.memory_space<hbm>>
      %dma_start3A_1102 = tpu.memref_squeeze %dma_start3A_1101 : memref<1x32xf32, #tpu.memory_space<hbm>> -> memref<32xf32, #tpu.memory_space<hbm>>
      %dma_start3A_1103 = tpu.memref_slice %arg9[%select_n3A_1077, %mul3A_1095] : memref<64x128xf32, #tpu.memory_space<vmem>> -> memref<1x32xf32, #tpu.memory_space<vmem>>
      %dma_start3A_1104 = tpu.memref_squeeze %dma_start3A_1103 : memref<1x32xf32, #tpu.memory_space<vmem>> -> memref<32xf32, #tpu.memory_space<vmem>>
      %dma_start3A_1105 = arith.constant 0 : i32
      %dma_start3A_1106 = tpu.memref_slice %arg4[%squeeze3A_1097, %dma_start3A_1105] : memref<1000000x32xf32, #tpu.memory_space<hbm>> -> memref<1x32xf32, #tpu.memory_space<hbm>>
      %dma_start3A_1107 = tpu.memref_squeeze %dma_start3A_1106 : memref<1x32xf32, #tpu.memory_space<hbm>> -> memref<32xf32, #tpu.memory_space<hbm>>
      tpu.enqueue_dma source(%dma_start3A_1107 : memref<32xf32, #tpu.memory_space<hbm>>) target(%dma_start3A_1104 : memref<32xf32, #tpu.memory_space<vmem>>) target_semaphore(%arg14 : memref<!tpu.dma_semaphore, #tpu.memory_space<semaphore_mem>>)
      %slice3A_1108 = vector.extract_strided_slice %get3A_292 {offsets = [11], sizes = [1], strides = [1]} : vector<16xi32> to vector<1xi32>
      %squeeze3A_1109 = vector.extract %slice3A_1108[0] : i32 from vector<1xi32>
      %dma_start3A_1110 = tpu.memref_slice %arg10[%select_n3A_1077, %mul3A_1095] : memref<64x128xf32, #tpu.memory_space<vmem>> -> memref<1x32xf32, #tpu.memory_space<vmem>>
      %dma_start3A_1111 = tpu.memref_squeeze %dma_start3A_1110 : memref<1x32xf32, #tpu.memory_space<vmem>> -> memref<32xf32, #tpu.memory_space<vmem>>
      %dma_start3A_1112 = arith.constant 0 : i32
      %dma_start3A_1113 = tpu.memref_slice %arg5[%squeeze3A_1109, %dma_start3A_1112] : memref<1000000x32xf32, #tpu.memory_space<hbm>> -> memref<1x32xf32, #tpu.memory_space<hbm>>
      %dma_start3A_1114 = tpu.memref_squeeze %dma_start3A_1113 : memref<1x32xf32, #tpu.memory_space<hbm>> -> memref<32xf32, #tpu.memory_space<hbm>>
      %dma_start3A_1115 = tpu.memref_slice %arg10[%select_n3A_1077, %mul3A_1095] : memref<64x128xf32, #tpu.memory_space<vmem>> -> memref<1x32xf32, #tpu.memory_space<vmem>>
      %dma_start3A_1116 = tpu.memref_squeeze %dma_start3A_1115 : memref<1x32xf32, #tpu.memory_space<vmem>> -> memref<32xf32, #tpu.memory_space<vmem>>
      %dma_start3A_1117 = arith.constant 0 : i32
      %dma_start3A_1118 = tpu.memref_slice %arg5[%squeeze3A_1109, %dma_start3A_1117] : memref<1000000x32xf32, #tpu.memory_space<hbm>> -> memref<1x32xf32, #tpu.memory_space<hbm>>
      %dma_start3A_1119 = tpu.memref_squeeze %dma_start3A_1118 : memref<1x32xf32, #tpu.memory_space<hbm>> -> memref<32xf32, #tpu.memory_space<hbm>>
      tpu.enqueue_dma source(%dma_start3A_1119 : memref<32xf32, #tpu.memory_space<hbm>>) target(%dma_start3A_1116 : memref<32xf32, #tpu.memory_space<vmem>>) target_semaphore(%arg14 : memref<!tpu.dma_semaphore, #tpu.memory_space<semaphore_mem>>)
      %mul3A_1120 = arith.constant 16 : i32
      %mul3A_1121 = arith.muli %scan3A_281, %mul3A_1120 : i32
      %add3A_1122 = arith.constant 12 : i32
      %add3A_1123 = arith.addi %mul3A_1121, %add3A_1122 : i32
      %jit3A_1124 = arith.constant 4 : i32
      %div3A_1125 = arith.divsi %add3A_1123, %jit3A_1124 : i32
      %sign3A_1126 = arith.constant 0 : i32
      %sign3A_1127 = arith.cmpi sgt, %add3A_1123, %sign3A_1126 : i32
      %sign3A_1128 = arith.extui %sign3A_1127 : i1 to i32
      %sign3A_1129 = arith.constant 0 : i32
      %sign3A_1130 = arith.cmpi slt, %add3A_1123, %sign3A_1129 : i32
      %sign3A_1131 = arith.extui %sign3A_1130 : i1 to i32
      %sign3A_1132 = arith.subi %sign3A_1128, %sign3A_1131 : i32
      %sign3A_1133 = arith.constant 0 : i32
      %sign3A_1134 = arith.cmpi sgt, %jit3A_1124, %sign3A_1133 : i32
      %sign3A_1135 = arith.extui %sign3A_1134 : i1 to i32
      %sign3A_1136 = arith.constant 0 : i32
      %sign3A_1137 = arith.cmpi slt, %jit3A_1124, %sign3A_1136 : i32
      %sign3A_1138 = arith.extui %sign3A_1137 : i1 to i32
      %sign3A_1139 = arith.subi %sign3A_1135, %sign3A_1138 : i32
      %ne3A_1140 = arith.cmpi ne, %sign3A_1132, %sign3A_1139 : i32
      %rem3A_1141 = arith.remsi %add3A_1123, %jit3A_1124 : i32
      %ne3A_1142 = arith.constant 0 : i32
      %ne3A_1143 = arith.cmpi ne, %rem3A_1141, %ne3A_1142 : i32
      %and3A_1144 = arith.andi %ne3A_1140, %ne3A_1143 : i1
      %sub3A_1145 = arith.constant 1 : i32
      %sub3A_1146 = arith.subi %div3A_1125, %sub3A_1145 : i32
      %select_n3A_1147 = arith.select %and3A_1144, %sub3A_1146, %div3A_1125 : i32
      %jit3A_1148 = arith.constant 4 : i32
      %eq3A_1149 = arith.constant 0 : i32
      %eq3A_1150 = arith.cmpi eq, %jit3A_1148, %eq3A_1149 : i32
      %jit3A_1151 = arith.constant 1 : i32
      %select_n3A_1152 = arith.select %eq3A_1150, %jit3A_1151, %jit3A_1148 : i32
      %rem3A_1153 = arith.remsi %add3A_1123, %select_n3A_1152 : i32
      %ne3A_1154 = arith.constant 0 : i32
      %ne3A_1155 = arith.cmpi ne, %rem3A_1153, %ne3A_1154 : i32
      %lt3A_1156 = arith.constant 0 : i32
      %lt3A_1157 = arith.cmpi slt, %rem3A_1153, %lt3A_1156 : i32
      %lt3A_1158 = arith.constant 0 : i32
      %lt3A_1159 = arith.cmpi slt, %select_n3A_1152, %lt3A_1158 : i32
      %ne3A_1160 = arith.xori %lt3A_1157, %lt3A_1159 : i1
      %and3A_1161 = arith.andi %ne3A_1160, %ne3A_1155 : i1
      %add3A_1162 = arith.addi %rem3A_1153, %select_n3A_1152 : i32
      %select_n3A_1163 = arith.select %and3A_1161, %add3A_1162, %rem3A_1153 : i32
      %mul3A_1164 = arith.constant 32 : i32
      %mul3A_1165 = arith.muli %select_n3A_1163, %mul3A_1164 : i32
      %slice3A_1166 = vector.extract_strided_slice %get3A_286 {offsets = [12], sizes = [1], strides = [1]} : vector<16xi32> to vector<1xi32>
      %squeeze3A_1167 = vector.extract %slice3A_1166[0] : i32 from vector<1xi32>
      %dma_start3A_1168 = tpu.memref_slice %arg9[%select_n3A_1147, %mul3A_1165] : memref<64x128xf32, #tpu.memory_space<vmem>> -> memref<1x32xf32, #tpu.memory_space<vmem>>
      %dma_start3A_1169 = tpu.memref_squeeze %dma_start3A_1168 : memref<1x32xf32, #tpu.memory_space<vmem>> -> memref<32xf32, #tpu.memory_space<vmem>>
      %dma_start3A_1170 = arith.constant 0 : i32
      %dma_start3A_1171 = tpu.memref_slice %arg4[%squeeze3A_1167, %dma_start3A_1170] : memref<1000000x32xf32, #tpu.memory_space<hbm>> -> memref<1x32xf32, #tpu.memory_space<hbm>>
      %dma_start3A_1172 = tpu.memref_squeeze %dma_start3A_1171 : memref<1x32xf32, #tpu.memory_space<hbm>> -> memref<32xf32, #tpu.memory_space<hbm>>
      %dma_start3A_1173 = tpu.memref_slice %arg9[%select_n3A_1147, %mul3A_1165] : memref<64x128xf32, #tpu.memory_space<vmem>> -> memref<1x32xf32, #tpu.memory_space<vmem>>
      %dma_start3A_1174 = tpu.memref_squeeze %dma_start3A_1173 : memref<1x32xf32, #tpu.memory_space<vmem>> -> memref<32xf32, #tpu.memory_space<vmem>>
      %dma_start3A_1175 = arith.constant 0 : i32
      %dma_start3A_1176 = tpu.memref_slice %arg4[%squeeze3A_1167, %dma_start3A_1175] : memref<1000000x32xf32, #tpu.memory_space<hbm>> -> memref<1x32xf32, #tpu.memory_space<hbm>>
      %dma_start3A_1177 = tpu.memref_squeeze %dma_start3A_1176 : memref<1x32xf32, #tpu.memory_space<hbm>> -> memref<32xf32, #tpu.memory_space<hbm>>
      tpu.enqueue_dma source(%dma_start3A_1177 : memref<32xf32, #tpu.memory_space<hbm>>) target(%dma_start3A_1174 : memref<32xf32, #tpu.memory_space<vmem>>) target_semaphore(%arg14 : memref<!tpu.dma_semaphore, #tpu.memory_space<semaphore_mem>>)
      %slice3A_1178 = vector.extract_strided_slice %get3A_292 {offsets = [12], sizes = [1], strides = [1]} : vector<16xi32> to vector<1xi32>
      %squeeze3A_1179 = vector.extract %slice3A_1178[0] : i32 from vector<1xi32>
      %dma_start3A_1180 = tpu.memref_slice %arg10[%select_n3A_1147, %mul3A_1165] : memref<64x128xf32, #tpu.memory_space<vmem>> -> memref<1x32xf32, #tpu.memory_space<vmem>>
      %dma_start3A_1181 = tpu.memref_squeeze %dma_start3A_1180 : memref<1x32xf32, #tpu.memory_space<vmem>> -> memref<32xf32, #tpu.memory_space<vmem>>
      %dma_start3A_1182 = arith.constant 0 : i32
      %dma_start3A_1183 = tpu.memref_slice %arg5[%squeeze3A_1179, %dma_start3A_1182] : memref<1000000x32xf32, #tpu.memory_space<hbm>> -> memref<1x32xf32, #tpu.memory_space<hbm>>
      %dma_start3A_1184 = tpu.memref_squeeze %dma_start3A_1183 : memref<1x32xf32, #tpu.memory_space<hbm>> -> memref<32xf32, #tpu.memory_space<hbm>>
      %dma_start3A_1185 = tpu.memref_slice %arg10[%select_n3A_1147, %mul3A_1165] : memref<64x128xf32, #tpu.memory_space<vmem>> -> memref<1x32xf32, #tpu.memory_space<vmem>>
      %dma_start3A_1186 = tpu.memref_squeeze %dma_start3A_1185 : memref<1x32xf32, #tpu.memory_space<vmem>> -> memref<32xf32, #tpu.memory_space<vmem>>
      %dma_start3A_1187 = arith.constant 0 : i32
      %dma_start3A_1188 = tpu.memref_slice %arg5[%squeeze3A_1179, %dma_start3A_1187] : memref<1000000x32xf32, #tpu.memory_space<hbm>> -> memref<1x32xf32, #tpu.memory_space<hbm>>
      %dma_start3A_1189 = tpu.memref_squeeze %dma_start3A_1188 : memref<1x32xf32, #tpu.memory_space<hbm>> -> memref<32xf32, #tpu.memory_space<hbm>>
      tpu.enqueue_dma source(%dma_start3A_1189 : memref<32xf32, #tpu.memory_space<hbm>>) target(%dma_start3A_1186 : memref<32xf32, #tpu.memory_space<vmem>>) target_semaphore(%arg14 : memref<!tpu.dma_semaphore, #tpu.memory_space<semaphore_mem>>)
      %mul3A_1190 = arith.constant 16 : i32
      %mul3A_1191 = arith.muli %scan3A_281, %mul3A_1190 : i32
      %add3A_1192 = arith.constant 13 : i32
      %add3A_1193 = arith.addi %mul3A_1191, %add3A_1192 : i32
      %jit3A_1194 = arith.constant 4 : i32
      %div3A_1195 = arith.divsi %add3A_1193, %jit3A_1194 : i32
      %sign3A_1196 = arith.constant 0 : i32
      %sign3A_1197 = arith.cmpi sgt, %add3A_1193, %sign3A_1196 : i32
      %sign3A_1198 = arith.extui %sign3A_1197 : i1 to i32
      %sign3A_1199 = arith.constant 0 : i32
      %sign3A_1200 = arith.cmpi slt, %add3A_1193, %sign3A_1199 : i32
      %sign3A_1201 = arith.extui %sign3A_1200 : i1 to i32
      %sign3A_1202 = arith.subi %sign3A_1198, %sign3A_1201 : i32
      %sign3A_1203 = arith.constant 0 : i32
      %sign3A_1204 = arith.cmpi sgt, %jit3A_1194, %sign3A_1203 : i32
      %sign3A_1205 = arith.extui %sign3A_1204 : i1 to i32
      %sign3A_1206 = arith.constant 0 : i32
      %sign3A_1207 = arith.cmpi slt, %jit3A_1194, %sign3A_1206 : i32
      %sign3A_1208 = arith.extui %sign3A_1207 : i1 to i32
      %sign3A_1209 = arith.subi %sign3A_1205, %sign3A_1208 : i32
      %ne3A_1210 = arith.cmpi ne, %sign3A_1202, %sign3A_1209 : i32
      %rem3A_1211 = arith.remsi %add3A_1193, %jit3A_1194 : i32
      %ne3A_1212 = arith.constant 0 : i32
      %ne3A_1213 = arith.cmpi ne, %rem3A_1211, %ne3A_1212 : i32
      %and3A_1214 = arith.andi %ne3A_1210, %ne3A_1213 : i1
      %sub3A_1215 = arith.constant 1 : i32
      %sub3A_1216 = arith.subi %div3A_1195, %sub3A_1215 : i32
      %select_n3A_1217 = arith.select %and3A_1214, %sub3A_1216, %div3A_1195 : i32
      %jit3A_1218 = arith.constant 4 : i32
      %eq3A_1219 = arith.constant 0 : i32
      %eq3A_1220 = arith.cmpi eq, %jit3A_1218, %eq3A_1219 : i32
      %jit3A_1221 = arith.constant 1 : i32
      %select_n3A_1222 = arith.select %eq3A_1220, %jit3A_1221, %jit3A_1218 : i32
      %rem3A_1223 = arith.remsi %add3A_1193, %select_n3A_1222 : i32
      %ne3A_1224 = arith.constant 0 : i32
      %ne3A_1225 = arith.cmpi ne, %rem3A_1223, %ne3A_1224 : i32
      %lt3A_1226 = arith.constant 0 : i32
      %lt3A_1227 = arith.cmpi slt, %rem3A_1223, %lt3A_1226 : i32
      %lt3A_1228 = arith.constant 0 : i32
      %lt3A_1229 = arith.cmpi slt, %select_n3A_1222, %lt3A_1228 : i32
      %ne3A_1230 = arith.xori %lt3A_1227, %lt3A_1229 : i1
      %and3A_1231 = arith.andi %ne3A_1230, %ne3A_1225 : i1
      %add3A_1232 = arith.addi %rem3A_1223, %select_n3A_1222 : i32
      %select_n3A_1233 = arith.select %and3A_1231, %add3A_1232, %rem3A_1223 : i32
      %mul3A_1234 = arith.constant 32 : i32
      %mul3A_1235 = arith.muli %select_n3A_1233, %mul3A_1234 : i32
      %slice3A_1236 = vector.extract_strided_slice %get3A_286 {offsets = [13], sizes = [1], strides = [1]} : vector<16xi32> to vector<1xi32>
      %squeeze3A_1237 = vector.extract %slice3A_1236[0] : i32 from vector<1xi32>
      %dma_start3A_1238 = tpu.memref_slice %arg9[%select_n3A_1217, %mul3A_1235] : memref<64x128xf32, #tpu.memory_space<vmem>> -> memref<1x32xf32, #tpu.memory_space<vmem>>
      %dma_start3A_1239 = tpu.memref_squeeze %dma_start3A_1238 : memref<1x32xf32, #tpu.memory_space<vmem>> -> memref<32xf32, #tpu.memory_space<vmem>>
      %dma_start3A_1240 = arith.constant 0 : i32
      %dma_start3A_1241 = tpu.memref_slice %arg4[%squeeze3A_1237, %dma_start3A_1240] : memref<1000000x32xf32, #tpu.memory_space<hbm>> -> memref<1x32xf32, #tpu.memory_space<hbm>>
      %dma_start3A_1242 = tpu.memref_squeeze %dma_start3A_1241 : memref<1x32xf32, #tpu.memory_space<hbm>> -> memref<32xf32, #tpu.memory_space<hbm>>
      %dma_start3A_1243 = tpu.memref_slice %arg9[%select_n3A_1217, %mul3A_1235] : memref<64x128xf32, #tpu.memory_space<vmem>> -> memref<1x32xf32, #tpu.memory_space<vmem>>
      %dma_start3A_1244 = tpu.memref_squeeze %dma_start3A_1243 : memref<1x32xf32, #tpu.memory_space<vmem>> -> memref<32xf32, #tpu.memory_space<vmem>>
      %dma_start3A_1245 = arith.constant 0 : i32
      %dma_start3A_1246 = tpu.memref_slice %arg4[%squeeze3A_1237, %dma_start3A_1245] : memref<1000000x32xf32, #tpu.memory_space<hbm>> -> memref<1x32xf32, #tpu.memory_space<hbm>>
      %dma_start3A_1247 = tpu.memref_squeeze %dma_start3A_1246 : memref<1x32xf32, #tpu.memory_space<hbm>> -> memref<32xf32, #tpu.memory_space<hbm>>
      tpu.enqueue_dma source(%dma_start3A_1247 : memref<32xf32, #tpu.memory_space<hbm>>) target(%dma_start3A_1244 : memref<32xf32, #tpu.memory_space<vmem>>) target_semaphore(%arg14 : memref<!tpu.dma_semaphore, #tpu.memory_space<semaphore_mem>>)
      %slice3A_1248 = vector.extract_strided_slice %get3A_292 {offsets = [13], sizes = [1], strides = [1]} : vector<16xi32> to vector<1xi32>
      %squeeze3A_1249 = vector.extract %slice3A_1248[0] : i32 from vector<1xi32>
      %dma_start3A_1250 = tpu.memref_slice %arg10[%select_n3A_1217, %mul3A_1235] : memref<64x128xf32, #tpu.memory_space<vmem>> -> memref<1x32xf32, #tpu.memory_space<vmem>>
      %dma_start3A_1251 = tpu.memref_squeeze %dma_start3A_1250 : memref<1x32xf32, #tpu.memory_space<vmem>> -> memref<32xf32, #tpu.memory_space<vmem>>
      %dma_start3A_1252 = arith.constant 0 : i32
      %dma_start3A_1253 = tpu.memref_slice %arg5[%squeeze3A_1249, %dma_start3A_1252] : memref<1000000x32xf32, #tpu.memory_space<hbm>> -> memref<1x32xf32, #tpu.memory_space<hbm>>
      %dma_start3A_1254 = tpu.memref_squeeze %dma_start3A_1253 : memref<1x32xf32, #tpu.memory_space<hbm>> -> memref<32xf32, #tpu.memory_space<hbm>>
      %dma_start3A_1255 = tpu.memref_slice %arg10[%select_n3A_1217, %mul3A_1235] : memref<64x128xf32, #tpu.memory_space<vmem>> -> memref<1x32xf32, #tpu.memory_space<vmem>>
      %dma_start3A_1256 = tpu.memref_squeeze %dma_start3A_1255 : memref<1x32xf32, #tpu.memory_space<vmem>> -> memref<32xf32, #tpu.memory_space<vmem>>
      %dma_start3A_1257 = arith.constant 0 : i32
      %dma_start3A_1258 = tpu.memref_slice %arg5[%squeeze3A_1249, %dma_start3A_1257] : memref<1000000x32xf32, #tpu.memory_space<hbm>> -> memref<1x32xf32, #tpu.memory_space<hbm>>
      %dma_start3A_1259 = tpu.memref_squeeze %dma_start3A_1258 : memref<1x32xf32, #tpu.memory_space<hbm>> -> memref<32xf32, #tpu.memory_space<hbm>>
      tpu.enqueue_dma source(%dma_start3A_1259 : memref<32xf32, #tpu.memory_space<hbm>>) target(%dma_start3A_1256 : memref<32xf32, #tpu.memory_space<vmem>>) target_semaphore(%arg14 : memref<!tpu.dma_semaphore, #tpu.memory_space<semaphore_mem>>)
      %mul3A_1260 = arith.constant 16 : i32
      %mul3A_1261 = arith.muli %scan3A_281, %mul3A_1260 : i32
      %add3A_1262 = arith.constant 14 : i32
      %add3A_1263 = arith.addi %mul3A_1261, %add3A_1262 : i32
      %jit3A_1264 = arith.constant 4 : i32
      %div3A_1265 = arith.divsi %add3A_1263, %jit3A_1264 : i32
      %sign3A_1266 = arith.constant 0 : i32
      %sign3A_1267 = arith.cmpi sgt, %add3A_1263, %sign3A_1266 : i32
      %sign3A_1268 = arith.extui %sign3A_1267 : i1 to i32
      %sign3A_1269 = arith.constant 0 : i32
      %sign3A_1270 = arith.cmpi slt, %add3A_1263, %sign3A_1269 : i32
      %sign3A_1271 = arith.extui %sign3A_1270 : i1 to i32
      %sign3A_1272 = arith.subi %sign3A_1268, %sign3A_1271 : i32
      %sign3A_1273 = arith.constant 0 : i32
      %sign3A_1274 = arith.cmpi sgt, %jit3A_1264, %sign3A_1273 : i32
      %sign3A_1275 = arith.extui %sign3A_1274 : i1 to i32
      %sign3A_1276 = arith.constant 0 : i32
      %sign3A_1277 = arith.cmpi slt, %jit3A_1264, %sign3A_1276 : i32
      %sign3A_1278 = arith.extui %sign3A_1277 : i1 to i32
      %sign3A_1279 = arith.subi %sign3A_1275, %sign3A_1278 : i32
      %ne3A_1280 = arith.cmpi ne, %sign3A_1272, %sign3A_1279 : i32
      %rem3A_1281 = arith.remsi %add3A_1263, %jit3A_1264 : i32
      %ne3A_1282 = arith.constant 0 : i32
      %ne3A_1283 = arith.cmpi ne, %rem3A_1281, %ne3A_1282 : i32
      %and3A_1284 = arith.andi %ne3A_1280, %ne3A_1283 : i1
      %sub3A_1285 = arith.constant 1 : i32
      %sub3A_1286 = arith.subi %div3A_1265, %sub3A_1285 : i32
      %select_n3A_1287 = arith.select %and3A_1284, %sub3A_1286, %div3A_1265 : i32
      %jit3A_1288 = arith.constant 4 : i32
      %eq3A_1289 = arith.constant 0 : i32
      %eq3A_1290 = arith.cmpi eq, %jit3A_1288, %eq3A_1289 : i32
      %jit3A_1291 = arith.constant 1 : i32
      %select_n3A_1292 = arith.select %eq3A_1290, %jit3A_1291, %jit3A_1288 : i32
      %rem3A_1293 = arith.remsi %add3A_1263, %select_n3A_1292 : i32
      %ne3A_1294 = arith.constant 0 : i32
      %ne3A_1295 = arith.cmpi ne, %rem3A_1293, %ne3A_1294 : i32
      %lt3A_1296 = arith.constant 0 : i32
      %lt3A_1297 = arith.cmpi slt, %rem3A_1293, %lt3A_1296 : i32
      %lt3A_1298 = arith.constant 0 : i32
      %lt3A_1299 = arith.cmpi slt, %select_n3A_1292, %lt3A_1298 : i32
      %ne3A_1300 = arith.xori %lt3A_1297, %lt3A_1299 : i1
      %and3A_1301 = arith.andi %ne3A_1300, %ne3A_1295 : i1
      %add3A_1302 = arith.addi %rem3A_1293, %select_n3A_1292 : i32
      %select_n3A_1303 = arith.select %and3A_1301, %add3A_1302, %rem3A_1293 : i32
      %mul3A_1304 = arith.constant 32 : i32
      %mul3A_1305 = arith.muli %select_n3A_1303, %mul3A_1304 : i32
      %slice3A_1306 = vector.extract_strided_slice %get3A_286 {offsets = [14], sizes = [1], strides = [1]} : vector<16xi32> to vector<1xi32>
      %squeeze3A_1307 = vector.extract %slice3A_1306[0] : i32 from vector<1xi32>
      %dma_start3A_1308 = tpu.memref_slice %arg9[%select_n3A_1287, %mul3A_1305] : memref<64x128xf32, #tpu.memory_space<vmem>> -> memref<1x32xf32, #tpu.memory_space<vmem>>
      %dma_start3A_1309 = tpu.memref_squeeze %dma_start3A_1308 : memref<1x32xf32, #tpu.memory_space<vmem>> -> memref<32xf32, #tpu.memory_space<vmem>>
      %dma_start3A_1310 = arith.constant 0 : i32
      %dma_start3A_1311 = tpu.memref_slice %arg4[%squeeze3A_1307, %dma_start3A_1310] : memref<1000000x32xf32, #tpu.memory_space<hbm>> -> memref<1x32xf32, #tpu.memory_space<hbm>>
      %dma_start3A_1312 = tpu.memref_squeeze %dma_start3A_1311 : memref<1x32xf32, #tpu.memory_space<hbm>> -> memref<32xf32, #tpu.memory_space<hbm>>
      %dma_start3A_1313 = tpu.memref_slice %arg9[%select_n3A_1287, %mul3A_1305] : memref<64x128xf32, #tpu.memory_space<vmem>> -> memref<1x32xf32, #tpu.memory_space<vmem>>
      %dma_start3A_1314 = tpu.memref_squeeze %dma_start3A_1313 : memref<1x32xf32, #tpu.memory_space<vmem>> -> memref<32xf32, #tpu.memory_space<vmem>>
      %dma_start3A_1315 = arith.constant 0 : i32
      %dma_start3A_1316 = tpu.memref_slice %arg4[%squeeze3A_1307, %dma_start3A_1315] : memref<1000000x32xf32, #tpu.memory_space<hbm>> -> memref<1x32xf32, #tpu.memory_space<hbm>>
      %dma_start3A_1317 = tpu.memref_squeeze %dma_start3A_1316 : memref<1x32xf32, #tpu.memory_space<hbm>> -> memref<32xf32, #tpu.memory_space<hbm>>
      tpu.enqueue_dma source(%dma_start3A_1317 : memref<32xf32, #tpu.memory_space<hbm>>) target(%dma_start3A_1314 : memref<32xf32, #tpu.memory_space<vmem>>) target_semaphore(%arg14 : memref<!tpu.dma_semaphore, #tpu.memory_space<semaphore_mem>>)
      %slice3A_1318 = vector.extract_strided_slice %get3A_292 {offsets = [14], sizes = [1], strides = [1]} : vector<16xi32> to vector<1xi32>
      %squeeze3A_1319 = vector.extract %slice3A_1318[0] : i32 from vector<1xi32>
      %dma_start3A_1320 = tpu.memref_slice %arg10[%select_n3A_1287, %mul3A_1305] : memref<64x128xf32, #tpu.memory_space<vmem>> -> memref<1x32xf32, #tpu.memory_space<vmem>>
      %dma_start3A_1321 = tpu.memref_squeeze %dma_start3A_1320 : memref<1x32xf32, #tpu.memory_space<vmem>> -> memref<32xf32, #tpu.memory_space<vmem>>
      %dma_start3A_1322 = arith.constant 0 : i32
      %dma_start3A_1323 = tpu.memref_slice %arg5[%squeeze3A_1319, %dma_start3A_1322] : memref<1000000x32xf32, #tpu.memory_space<hbm>> -> memref<1x32xf32, #tpu.memory_space<hbm>>
      %dma_start3A_1324 = tpu.memref_squeeze %dma_start3A_1323 : memref<1x32xf32, #tpu.memory_space<hbm>> -> memref<32xf32, #tpu.memory_space<hbm>>
      %dma_start3A_1325 = tpu.memref_slice %arg10[%select_n3A_1287, %mul3A_1305] : memref<64x128xf32, #tpu.memory_space<vmem>> -> memref<1x32xf32, #tpu.memory_space<vmem>>
      %dma_start3A_1326 = tpu.memref_squeeze %dma_start3A_1325 : memref<1x32xf32, #tpu.memory_space<vmem>> -> memref<32xf32, #tpu.memory_space<vmem>>
      %dma_start3A_1327 = arith.constant 0 : i32
      %dma_start3A_1328 = tpu.memref_slice %arg5[%squeeze3A_1319, %dma_start3A_1327] : memref<1000000x32xf32, #tpu.memory_space<hbm>> -> memref<1x32xf32, #tpu.memory_space<hbm>>
      %dma_start3A_1329 = tpu.memref_squeeze %dma_start3A_1328 : memref<1x32xf32, #tpu.memory_space<hbm>> -> memref<32xf32, #tpu.memory_space<hbm>>
      tpu.enqueue_dma source(%dma_start3A_1329 : memref<32xf32, #tpu.memory_space<hbm>>) target(%dma_start3A_1326 : memref<32xf32, #tpu.memory_space<vmem>>) target_semaphore(%arg14 : memref<!tpu.dma_semaphore, #tpu.memory_space<semaphore_mem>>)
      %mul3A_1330 = arith.constant 16 : i32
      %mul3A_1331 = arith.muli %scan3A_281, %mul3A_1330 : i32
      %add3A_1332 = arith.constant 15 : i32
      %add3A_1333 = arith.addi %mul3A_1331, %add3A_1332 : i32
      %jit3A_1334 = arith.constant 4 : i32
      %div3A_1335 = arith.divsi %add3A_1333, %jit3A_1334 : i32
      %sign3A_1336 = arith.constant 0 : i32
      %sign3A_1337 = arith.cmpi sgt, %add3A_1333, %sign3A_1336 : i32
      %sign3A_1338 = arith.extui %sign3A_1337 : i1 to i32
      %sign3A_1339 = arith.constant 0 : i32
      %sign3A_1340 = arith.cmpi slt, %add3A_1333, %sign3A_1339 : i32
      %sign3A_1341 = arith.extui %sign3A_1340 : i1 to i32
      %sign3A_1342 = arith.subi %sign3A_1338, %sign3A_1341 : i32
      %sign3A_1343 = arith.constant 0 : i32
      %sign3A_1344 = arith.cmpi sgt, %jit3A_1334, %sign3A_1343 : i32
      %sign3A_1345 = arith.extui %sign3A_1344 : i1 to i32
      %sign3A_1346 = arith.constant 0 : i32
      %sign3A_1347 = arith.cmpi slt, %jit3A_1334, %sign3A_1346 : i32
      %sign3A_1348 = arith.extui %sign3A_1347 : i1 to i32
      %sign3A_1349 = arith.subi %sign3A_1345, %sign3A_1348 : i32
      %ne3A_1350 = arith.cmpi ne, %sign3A_1342, %sign3A_1349 : i32
      %rem3A_1351 = arith.remsi %add3A_1333, %jit3A_1334 : i32
      %ne3A_1352 = arith.constant 0 : i32
      %ne3A_1353 = arith.cmpi ne, %rem3A_1351, %ne3A_1352 : i32
      %and3A_1354 = arith.andi %ne3A_1350, %ne3A_1353 : i1
      %sub3A_1355 = arith.constant 1 : i32
      %sub3A_1356 = arith.subi %div3A_1335, %sub3A_1355 : i32
      %select_n3A_1357 = arith.select %and3A_1354, %sub3A_1356, %div3A_1335 : i32
      %jit3A_1358 = arith.constant 4 : i32
      %eq3A_1359 = arith.constant 0 : i32
      %eq3A_1360 = arith.cmpi eq, %jit3A_1358, %eq3A_1359 : i32
      %jit3A_1361 = arith.constant 1 : i32
      %select_n3A_1362 = arith.select %eq3A_1360, %jit3A_1361, %jit3A_1358 : i32
      %rem3A_1363 = arith.remsi %add3A_1333, %select_n3A_1362 : i32
      %ne3A_1364 = arith.constant 0 : i32
      %ne3A_1365 = arith.cmpi ne, %rem3A_1363, %ne3A_1364 : i32
      %lt3A_1366 = arith.constant 0 : i32
      %lt3A_1367 = arith.cmpi slt, %rem3A_1363, %lt3A_1366 : i32
      %lt3A_1368 = arith.constant 0 : i32
      %lt3A_1369 = arith.cmpi slt, %select_n3A_1362, %lt3A_1368 : i32
      %ne3A_1370 = arith.xori %lt3A_1367, %lt3A_1369 : i1
      %and3A_1371 = arith.andi %ne3A_1370, %ne3A_1365 : i1
      %add3A_1372 = arith.addi %rem3A_1363, %select_n3A_1362 : i32
      %select_n3A_1373 = arith.select %and3A_1371, %add3A_1372, %rem3A_1363 : i32
      %mul3A_1374 = arith.constant 32 : i32
      %mul3A_1375 = arith.muli %select_n3A_1373, %mul3A_1374 : i32
      %slice3A_1376 = vector.extract_strided_slice %get3A_286 {offsets = [15], sizes = [1], strides = [1]} : vector<16xi32> to vector<1xi32>
      %squeeze3A_1377 = vector.extract %slice3A_1376[0] : i32 from vector<1xi32>
      %dma_start3A_1378 = tpu.memref_slice %arg9[%select_n3A_1357, %mul3A_1375] : memref<64x128xf32, #tpu.memory_space<vmem>> -> memref<1x32xf32, #tpu.memory_space<vmem>>
      %dma_start3A_1379 = tpu.memref_squeeze %dma_start3A_1378 : memref<1x32xf32, #tpu.memory_space<vmem>> -> memref<32xf32, #tpu.memory_space<vmem>>
      %dma_start3A_1380 = arith.constant 0 : i32
      %dma_start3A_1381 = tpu.memref_slice %arg4[%squeeze3A_1377, %dma_start3A_1380] : memref<1000000x32xf32, #tpu.memory_space<hbm>> -> memref<1x32xf32, #tpu.memory_space<hbm>>
      %dma_start3A_1382 = tpu.memref_squeeze %dma_start3A_1381 : memref<1x32xf32, #tpu.memory_space<hbm>> -> memref<32xf32, #tpu.memory_space<hbm>>
      %dma_start3A_1383 = tpu.memref_slice %arg9[%select_n3A_1357, %mul3A_1375] : memref<64x128xf32, #tpu.memory_space<vmem>> -> memref<1x32xf32, #tpu.memory_space<vmem>>
      %dma_start3A_1384 = tpu.memref_squeeze %dma_start3A_1383 : memref<1x32xf32, #tpu.memory_space<vmem>> -> memref<32xf32, #tpu.memory_space<vmem>>
      %dma_start3A_1385 = arith.constant 0 : i32
      %dma_start3A_1386 = tpu.memref_slice %arg4[%squeeze3A_1377, %dma_start3A_1385] : memref<1000000x32xf32, #tpu.memory_space<hbm>> -> memref<1x32xf32, #tpu.memory_space<hbm>>
      %dma_start3A_1387 = tpu.memref_squeeze %dma_start3A_1386 : memref<1x32xf32, #tpu.memory_space<hbm>> -> memref<32xf32, #tpu.memory_space<hbm>>
      tpu.enqueue_dma source(%dma_start3A_1387 : memref<32xf32, #tpu.memory_space<hbm>>) target(%dma_start3A_1384 : memref<32xf32, #tpu.memory_space<vmem>>) target_semaphore(%arg14 : memref<!tpu.dma_semaphore, #tpu.memory_space<semaphore_mem>>)
      %slice3A_1388 = vector.extract_strided_slice %get3A_292 {offsets = [15], sizes = [1], strides = [1]} : vector<16xi32> to vector<1xi32>
      %squeeze3A_1389 = vector.extract %slice3A_1388[0] : i32 from vector<1xi32>
      %dma_start3A_1390 = tpu.memref_slice %arg10[%select_n3A_1357, %mul3A_1375] : memref<64x128xf32, #tpu.memory_space<vmem>> -> memref<1x32xf32, #tpu.memory_space<vmem>>
      %dma_start3A_1391 = tpu.memref_squeeze %dma_start3A_1390 : memref<1x32xf32, #tpu.memory_space<vmem>> -> memref<32xf32, #tpu.memory_space<vmem>>
      %dma_start3A_1392 = arith.constant 0 : i32
      %dma_start3A_1393 = tpu.memref_slice %arg5[%squeeze3A_1389, %dma_start3A_1392] : memref<1000000x32xf32, #tpu.memory_space<hbm>> -> memref<1x32xf32, #tpu.memory_space<hbm>>
      %dma_start3A_1394 = tpu.memref_squeeze %dma_start3A_1393 : memref<1x32xf32, #tpu.memory_space<hbm>> -> memref<32xf32, #tpu.memory_space<hbm>>
      %dma_start3A_1395 = tpu.memref_slice %arg10[%select_n3A_1357, %mul3A_1375] : memref<64x128xf32, #tpu.memory_space<vmem>> -> memref<1x32xf32, #tpu.memory_space<vmem>>
      %dma_start3A_1396 = tpu.memref_squeeze %dma_start3A_1395 : memref<1x32xf32, #tpu.memory_space<vmem>> -> memref<32xf32, #tpu.memory_space<vmem>>
      %dma_start3A_1397 = arith.constant 0 : i32
      %dma_start3A_1398 = tpu.memref_slice %arg5[%squeeze3A_1389, %dma_start3A_1397] : memref<1000000x32xf32, #tpu.memory_space<hbm>> -> memref<1x32xf32, #tpu.memory_space<hbm>>
      %dma_start3A_1399 = tpu.memref_squeeze %dma_start3A_1398 : memref<1x32xf32, #tpu.memory_space<hbm>> -> memref<32xf32, #tpu.memory_space<hbm>>
      tpu.enqueue_dma source(%dma_start3A_1399 : memref<32xf32, #tpu.memory_space<hbm>>) target(%dma_start3A_1396 : memref<32xf32, #tpu.memory_space<vmem>>) target_semaphore(%arg14 : memref<!tpu.dma_semaphore, #tpu.memory_space<semaphore_mem>>)
    }
    %scan3A_7 = arith.constant 16 : i32
    %scan3A_8 = arith.constant 0 : i32
    %scan3A_9 = arith.constant 0 : i32
    %scan3A_10 = arith.constant 16 : i32
    %scan3A_11 = arith.addi %scan3A_9, %scan3A_10 : i32
    %scan3A_12 = arith.constant 1 : i32
    scf.for %scan3A_281 = %scan3A_9 to %scan3A_11 step %scan3A_12  : i32 {
      %mul3A_282 = arith.constant 16 : i32
      %mul3A_283 = arith.muli %scan3A_281, %mul3A_282 : i32
      %add3A_284 = arith.constant 256 : i32
      %add3A_285 = arith.addi %add3A_284, %mul3A_283 : i32
      %get3A = arith.index_cast %add3A_285 : i32 to index
      %get3A_286 = tpu.vector_load %arg7[%get3A] {strides = array<i32>} : memref<512xi32, #tpu.memory_space<vmem>>, vector<16xi32>,
      %mul3A_287 = arith.constant 16 : i32
      %mul3A_288 = arith.muli %scan3A_281, %mul3A_287 : i32
      %add3A_289 = arith.constant 256 : i32
      %add3A_290 = arith.addi %add3A_289, %mul3A_288 : i32
      %get3A_291 = arith.index_cast %add3A_290 : i32 to index
      %get3A_292 = tpu.vector_load %arg8[%get3A_291] {strides = array<i32>} : memref<512xi32, #tpu.memory_space<vmem>>, vector<16xi32>,
      %mul3A_293 = arith.constant 16 : i32
      %mul3A_294 = arith.muli %scan3A_281, %mul3A_293 : i32
      %add3A_295 = arith.constant 0 : i32
      %add3A_296 = arith.addi %mul3A_294, %add3A_295 : i32
      %jit3A = arith.constant 4 : i32
      %div3A = arith.divsi %add3A_296, %jit3A : i32
      %sign3A = arith.constant 0 : i32
      %sign3A_297 = arith.cmpi sgt, %add3A_296, %sign3A : i32
      %sign3A_298 = arith.extui %sign3A_297 : i1 to i32
      %sign3A_299 = arith.constant 0 : i32
      %sign3A_300 = arith.cmpi slt, %add3A_296, %sign3A_299 : i32
      %sign3A_301 = arith.extui %sign3A_300 : i1 to i32
      %sign3A_302 = arith.subi %sign3A_298, %sign3A_301 : i32
      %sign3A_303 = arith.constant 0 : i32
      %sign3A_304 = arith.cmpi sgt, %jit3A, %sign3A_303 : i32
      %sign3A_305 = arith.extui %sign3A_304 : i1 to i32
      %sign3A_306 = arith.constant 0 : i32
      %sign3A_307 = arith.cmpi slt, %jit3A, %sign3A_306 : i32
      %sign3A_308 = arith.extui %sign3A_307 : i1 to i32
      %sign3A_309 = arith.subi %sign3A_305, %sign3A_308 : i32
      %ne3A = arith.cmpi ne, %sign3A_302, %sign3A_309 : i32
      %rem3A = arith.remsi %add3A_296, %jit3A : i32
      %ne3A_310 = arith.constant 0 : i32
      %ne3A_311 = arith.cmpi ne, %rem3A, %ne3A_310 : i32
      %and3A = arith.andi %ne3A, %ne3A_311 : i1
      %sub3A = arith.constant 1 : i32
      %sub3A_312 = arith.subi %div3A, %sub3A : i32
      %select_n3A = arith.select %and3A, %sub3A_312, %div3A : i32
      %jit3A_313 = arith.constant 4 : i32
      %eq3A = arith.constant 0 : i32
      %eq3A_314 = arith.cmpi eq, %jit3A_313, %eq3A : i32
      %jit3A_315 = arith.constant 1 : i32
      %select_n3A_316 = arith.select %eq3A_314, %jit3A_315, %jit3A_313 : i32
      %rem3A_317 = arith.remsi %add3A_296, %select_n3A_316 : i32
      %ne3A_318 = arith.constant 0 : i32
      %ne3A_319 = arith.cmpi ne, %rem3A_317, %ne3A_318 : i32
      %lt3A = arith.constant 0 : i32
      %lt3A_320 = arith.cmpi slt, %rem3A_317, %lt3A : i32
      %lt3A_321 = arith.constant 0 : i32
      %lt3A_322 = arith.cmpi slt, %select_n3A_316, %lt3A_321 : i32
      %ne3A_323 = arith.xori %lt3A_320, %lt3A_322 : i1
      %and3A_324 = arith.andi %ne3A_323, %ne3A_319 : i1
      %add3A_325 = arith.addi %rem3A_317, %select_n3A_316 : i32
      %select_n3A_326 = arith.select %and3A_324, %add3A_325, %rem3A_317 : i32
      %mul3A_327 = arith.constant 32 : i32
      %mul3A_328 = arith.muli %select_n3A_326, %mul3A_327 : i32
      %slice3A = vector.extract_strided_slice %get3A_286 {offsets = [0], sizes = [1], strides = [1]} : vector<16xi32> to vector<1xi32>
      %squeeze3A = vector.extract %slice3A[0] : i32 from vector<1xi32>
      %dma_start3A = tpu.memref_slice %arg11[%select_n3A, %mul3A_328] : memref<64x128xf32, #tpu.memory_space<vmem>> -> memref<1x32xf32, #tpu.memory_space<vmem>>
      %dma_start3A_329 = tpu.memref_squeeze %dma_start3A : memref<1x32xf32, #tpu.memory_space<vmem>> -> memref<32xf32, #tpu.memory_space<vmem>>
      %dma_start3A_330 = arith.constant 0 : i32
      %dma_start3A_331 = tpu.memref_slice %arg4[%squeeze3A, %dma_start3A_330] : memref<1000000x32xf32, #tpu.memory_space<hbm>> -> memref<1x32xf32, #tpu.memory_space<hbm>>
      %dma_start3A_332 = tpu.memref_squeeze %dma_start3A_331 : memref<1x32xf32, #tpu.memory_space<hbm>> -> memref<32xf32, #tpu.memory_space<hbm>>
      %dma_start3A_333 = tpu.memref_slice %arg11[%select_n3A, %mul3A_328] : memref<64x128xf32, #tpu.memory_space<vmem>> -> memref<1x32xf32, #tpu.memory_space<vmem>>
      %dma_start3A_334 = tpu.memref_squeeze %dma_start3A_333 : memref<1x32xf32, #tpu.memory_space<vmem>> -> memref<32xf32, #tpu.memory_space<vmem>>
      %dma_start3A_335 = arith.constant 0 : i32
      %dma_start3A_336 = tpu.memref_slice %arg4[%squeeze3A, %dma_start3A_335] : memref<1000000x32xf32, #tpu.memory_space<hbm>> -> memref<1x32xf32, #tpu.memory_space<hbm>>
      %dma_start3A_337 = tpu.memref_squeeze %dma_start3A_336 : memref<1x32xf32, #tpu.memory_space<hbm>> -> memref<32xf32, #tpu.memory_space<hbm>>
      tpu.enqueue_dma source(%dma_start3A_337 : memref<32xf32, #tpu.memory_space<hbm>>) target(%dma_start3A_334 : memref<32xf32, #tpu.memory_space<vmem>>) target_semaphore(%arg15 : memref<!tpu.dma_semaphore, #tpu.memory_space<semaphore_mem>>)
      %slice3A_338 = vector.extract_strided_slice %get3A_292 {offsets = [0], sizes = [1], strides = [1]} : vector<16xi32> to vector<1xi32>
      %squeeze3A_339 = vector.extract %slice3A_338[0] : i32 from vector<1xi32>
      %dma_start3A_340 = tpu.memref_slice %arg12[%select_n3A, %mul3A_328] : memref<64x128xf32, #tpu.memory_space<vmem>> -> memref<1x32xf32, #tpu.memory_space<vmem>>
      %dma_start3A_341 = tpu.memref_squeeze %dma_start3A_340 : memref<1x32xf32, #tpu.memory_space<vmem>> -> memref<32xf32, #tpu.memory_space<vmem>>
      %dma_start3A_342 = arith.constant 0 : i32
      %dma_start3A_343 = tpu.memref_slice %arg5[%squeeze3A_339, %dma_start3A_342] : memref<1000000x32xf32, #tpu.memory_space<hbm>> -> memref<1x32xf32, #tpu.memory_space<hbm>>
      %dma_start3A_344 = tpu.memref_squeeze %dma_start3A_343 : memref<1x32xf32, #tpu.memory_space<hbm>> -> memref<32xf32, #tpu.memory_space<hbm>>
      %dma_start3A_345 = tpu.memref_slice %arg12[%select_n3A, %mul3A_328] : memref<64x128xf32, #tpu.memory_space<vmem>> -> memref<1x32xf32, #tpu.memory_space<vmem>>
      %dma_start3A_346 = tpu.memref_squeeze %dma_start3A_345 : memref<1x32xf32, #tpu.memory_space<vmem>> -> memref<32xf32, #tpu.memory_space<vmem>>
      %dma_start3A_347 = arith.constant 0 : i32
      %dma_start3A_348 = tpu.memref_slice %arg5[%squeeze3A_339, %dma_start3A_347] : memref<1000000x32xf32, #tpu.memory_space<hbm>> -> memref<1x32xf32, #tpu.memory_space<hbm>>
      %dma_start3A_349 = tpu.memref_squeeze %dma_start3A_348 : memref<1x32xf32, #tpu.memory_space<hbm>> -> memref<32xf32, #tpu.memory_space<hbm>>
      tpu.enqueue_dma source(%dma_start3A_349 : memref<32xf32, #tpu.memory_space<hbm>>) target(%dma_start3A_346 : memref<32xf32, #tpu.memory_space<vmem>>) target_semaphore(%arg15 : memref<!tpu.dma_semaphore, #tpu.memory_space<semaphore_mem>>)
      %mul3A_350 = arith.constant 16 : i32
      %mul3A_351 = arith.muli %scan3A_281, %mul3A_350 : i32
      %add3A_352 = arith.constant 1 : i32
      %add3A_353 = arith.addi %mul3A_351, %add3A_352 : i32
      %jit3A_354 = arith.constant 4 : i32
      %div3A_355 = arith.divsi %add3A_353, %jit3A_354 : i32
      %sign3A_356 = arith.constant 0 : i32
      %sign3A_357 = arith.cmpi sgt, %add3A_353, %sign3A_356 : i32
      %sign3A_358 = arith.extui %sign3A_357 : i1 to i32
      %sign3A_359 = arith.constant 0 : i32
      %sign3A_360 = arith.cmpi slt, %add3A_353, %sign3A_359 : i32
      %sign3A_361 = arith.extui %sign3A_360 : i1 to i32
      %sign3A_362 = arith.subi %sign3A_358, %sign3A_361 : i32
      %sign3A_363 = arith.constant 0 : i32
      %sign3A_364 = arith.cmpi sgt, %jit3A_354, %sign3A_363 : i32
      %sign3A_365 = arith.extui %sign3A_364 : i1 to i32
      %sign3A_366 = arith.constant 0 : i32
      %sign3A_367 = arith.cmpi slt, %jit3A_354, %sign3A_366 : i32
      %sign3A_368 = arith.extui %sign3A_367 : i1 to i32
      %sign3A_369 = arith.subi %sign3A_365, %sign3A_368 : i32
      %ne3A_370 = arith.cmpi ne, %sign3A_362, %sign3A_369 : i32
      %rem3A_371 = arith.remsi %add3A_353, %jit3A_354 : i32
      %ne3A_372 = arith.constant 0 : i32
      %ne3A_373 = arith.cmpi ne, %rem3A_371, %ne3A_372 : i32
      %and3A_374 = arith.andi %ne3A_370, %ne3A_373 : i1
      %sub3A_375 = arith.constant 1 : i32
      %sub3A_376 = arith.subi %div3A_355, %sub3A_375 : i32
      %select_n3A_377 = arith.select %and3A_374, %sub3A_376, %div3A_355 : i32
      %jit3A_378 = arith.constant 4 : i32
      %eq3A_379 = arith.constant 0 : i32
      %eq3A_380 = arith.cmpi eq, %jit3A_378, %eq3A_379 : i32
      %jit3A_381 = arith.constant 1 : i32
      %select_n3A_382 = arith.select %eq3A_380, %jit3A_381, %jit3A_378 : i32
      %rem3A_383 = arith.remsi %add3A_353, %select_n3A_382 : i32
      %ne3A_384 = arith.constant 0 : i32
      %ne3A_385 = arith.cmpi ne, %rem3A_383, %ne3A_384 : i32
      %lt3A_386 = arith.constant 0 : i32
      %lt3A_387 = arith.cmpi slt, %rem3A_383, %lt3A_386 : i32
      %lt3A_388 = arith.constant 0 : i32
      %lt3A_389 = arith.cmpi slt, %select_n3A_382, %lt3A_388 : i32
      %ne3A_390 = arith.xori %lt3A_387, %lt3A_389 : i1
      %and3A_391 = arith.andi %ne3A_390, %ne3A_385 : i1
      %add3A_392 = arith.addi %rem3A_383, %select_n3A_382 : i32
      %select_n3A_393 = arith.select %and3A_391, %add3A_392, %rem3A_383 : i32
      %mul3A_394 = arith.constant 32 : i32
      %mul3A_395 = arith.muli %select_n3A_393, %mul3A_394 : i32
      %slice3A_396 = vector.extract_strided_slice %get3A_286 {offsets = [1], sizes = [1], strides = [1]} : vector<16xi32> to vector<1xi32>
      %squeeze3A_397 = vector.extract %slice3A_396[0] : i32 from vector<1xi32>
      %dma_start3A_398 = tpu.memref_slice %arg11[%select_n3A_377, %mul3A_395] : memref<64x128xf32, #tpu.memory_space<vmem>> -> memref<1x32xf32, #tpu.memory_space<vmem>>
      %dma_start3A_399 = tpu.memref_squeeze %dma_start3A_398 : memref<1x32xf32, #tpu.memory_space<vmem>> -> memref<32xf32, #tpu.memory_space<vmem>>
      %dma_start3A_400 = arith.constant 0 : i32
      %dma_start3A_401 = tpu.memref_slice %arg4[%squeeze3A_397, %dma_start3A_400] : memref<1000000x32xf32, #tpu.memory_space<hbm>> -> memref<1x32xf32, #tpu.memory_space<hbm>>
      %dma_start3A_402 = tpu.memref_squeeze %dma_start3A_401 : memref<1x32xf32, #tpu.memory_space<hbm>> -> memref<32xf32, #tpu.memory_space<hbm>>
      %dma_start3A_403 = tpu.memref_slice %arg11[%select_n3A_377, %mul3A_395] : memref<64x128xf32, #tpu.memory_space<vmem>> -> memref<1x32xf32, #tpu.memory_space<vmem>>
      %dma_start3A_404 = tpu.memref_squeeze %dma_start3A_403 : memref<1x32xf32, #tpu.memory_space<vmem>> -> memref<32xf32, #tpu.memory_space<vmem>>
      %dma_start3A_405 = arith.constant 0 : i32
      %dma_start3A_406 = tpu.memref_slice %arg4[%squeeze3A_397, %dma_start3A_405] : memref<1000000x32xf32, #tpu.memory_space<hbm>> -> memref<1x32xf32, #tpu.memory_space<hbm>>
      %dma_start3A_407 = tpu.memref_squeeze %dma_start3A_406 : memref<1x32xf32, #tpu.memory_space<hbm>> -> memref<32xf32, #tpu.memory_space<hbm>>
      tpu.enqueue_dma source(%dma_start3A_407 : memref<32xf32, #tpu.memory_space<hbm>>) target(%dma_start3A_404 : memref<32xf32, #tpu.memory_space<vmem>>) target_semaphore(%arg15 : memref<!tpu.dma_semaphore, #tpu.memory_space<semaphore_mem>>)
      %slice3A_408 = vector.extract_strided_slice %get3A_292 {offsets = [1], sizes = [1], strides = [1]} : vector<16xi32> to vector<1xi32>
      %squeeze3A_409 = vector.extract %slice3A_408[0] : i32 from vector<1xi32>
      %dma_start3A_410 = tpu.memref_slice %arg12[%select_n3A_377, %mul3A_395] : memref<64x128xf32, #tpu.memory_space<vmem>> -> memref<1x32xf32, #tpu.memory_space<vmem>>
      %dma_start3A_411 = tpu.memref_squeeze %dma_start3A_410 : memref<1x32xf32, #tpu.memory_space<vmem>> -> memref<32xf32, #tpu.memory_space<vmem>>
      %dma_start3A_412 = arith.constant 0 : i32
      %dma_start3A_413 = tpu.memref_slice %arg5[%squeeze3A_409, %dma_start3A_412] : memref<1000000x32xf32, #tpu.memory_space<hbm>> -> memref<1x32xf32, #tpu.memory_space<hbm>>
      %dma_start3A_414 = tpu.memref_squeeze %dma_start3A_413 : memref<1x32xf32, #tpu.memory_space<hbm>> -> memref<32xf32, #tpu.memory_space<hbm>>
      %dma_start3A_415 = tpu.memref_slice %arg12[%select_n3A_377, %mul3A_395] : memref<64x128xf32, #tpu.memory_space<vmem>> -> memref<1x32xf32, #tpu.memory_space<vmem>>
      %dma_start3A_416 = tpu.memref_squeeze %dma_start3A_415 : memref<1x32xf32, #tpu.memory_space<vmem>> -> memref<32xf32, #tpu.memory_space<vmem>>
      %dma_start3A_417 = arith.constant 0 : i32
      %dma_start3A_418 = tpu.memref_slice %arg5[%squeeze3A_409, %dma_start3A_417] : memref<1000000x32xf32, #tpu.memory_space<hbm>> -> memref<1x32xf32, #tpu.memory_space<hbm>>
      %dma_start3A_419 = tpu.memref_squeeze %dma_start3A_418 : memref<1x32xf32, #tpu.memory_space<hbm>> -> memref<32xf32, #tpu.memory_space<hbm>>
      tpu.enqueue_dma source(%dma_start3A_419 : memref<32xf32, #tpu.memory_space<hbm>>) target(%dma_start3A_416 : memref<32xf32, #tpu.memory_space<vmem>>) target_semaphore(%arg15 : memref<!tpu.dma_semaphore, #tpu.memory_space<semaphore_mem>>)
      %mul3A_420 = arith.constant 16 : i32
      %mul3A_421 = arith.muli %scan3A_281, %mul3A_420 : i32
      %add3A_422 = arith.constant 2 : i32
      %add3A_423 = arith.addi %mul3A_421, %add3A_422 : i32
      %jit3A_424 = arith.constant 4 : i32
      %div3A_425 = arith.divsi %add3A_423, %jit3A_424 : i32
      %sign3A_426 = arith.constant 0 : i32
      %sign3A_427 = arith.cmpi sgt, %add3A_423, %sign3A_426 : i32
      %sign3A_428 = arith.extui %sign3A_427 : i1 to i32
      %sign3A_429 = arith.constant 0 : i32
      %sign3A_430 = arith.cmpi slt, %add3A_423, %sign3A_429 : i32
      %sign3A_431 = arith.extui %sign3A_430 : i1 to i32
      %sign3A_432 = arith.subi %sign3A_428, %sign3A_431 : i32
      %sign3A_433 = arith.constant 0 : i32
      %sign3A_434 = arith.cmpi sgt, %jit3A_424, %sign3A_433 : i32
      %sign3A_435 = arith.extui %sign3A_434 : i1 to i32
      %sign3A_436 = arith.constant 0 : i32
      %sign3A_437 = arith.cmpi slt, %jit3A_424, %sign3A_436 : i32
      %sign3A_438 = arith.extui %sign3A_437 : i1 to i32
      %sign3A_439 = arith.subi %sign3A_435, %sign3A_438 : i32
      %ne3A_440 = arith.cmpi ne, %sign3A_432, %sign3A_439 : i32
      %rem3A_441 = arith.remsi %add3A_423, %jit3A_424 : i32
      %ne3A_442 = arith.constant 0 : i32
      %ne3A_443 = arith.cmpi ne, %rem3A_441, %ne3A_442 : i32
      %and3A_444 = arith.andi %ne3A_440, %ne3A_443 : i1
      %sub3A_445 = arith.constant 1 : i32
      %sub3A_446 = arith.subi %div3A_425, %sub3A_445 : i32
      %select_n3A_447 = arith.select %and3A_444, %sub3A_446, %div3A_425 : i32
      %jit3A_448 = arith.constant 4 : i32
      %eq3A_449 = arith.constant 0 : i32
      %eq3A_450 = arith.cmpi eq, %jit3A_448, %eq3A_449 : i32
      %jit3A_451 = arith.constant 1 : i32
      %select_n3A_452 = arith.select %eq3A_450, %jit3A_451, %jit3A_448 : i32
      %rem3A_453 = arith.remsi %add3A_423, %select_n3A_452 : i32
      %ne3A_454 = arith.constant 0 : i32
      %ne3A_455 = arith.cmpi ne, %rem3A_453, %ne3A_454 : i32
      %lt3A_456 = arith.constant 0 : i32
      %lt3A_457 = arith.cmpi slt, %rem3A_453, %lt3A_456 : i32
      %lt3A_458 = arith.constant 0 : i32
      %lt3A_459 = arith.cmpi slt, %select_n3A_452, %lt3A_458 : i32
      %ne3A_460 = arith.xori %lt3A_457, %lt3A_459 : i1
      %and3A_461 = arith.andi %ne3A_460, %ne3A_455 : i1
      %add3A_462 = arith.addi %rem3A_453, %select_n3A_452 : i32
      %select_n3A_463 = arith.select %and3A_461, %add3A_462, %rem3A_453 : i32
      %mul3A_464 = arith.constant 32 : i32
      %mul3A_465 = arith.muli %select_n3A_463, %mul3A_464 : i32
      %slice3A_466 = vector.extract_strided_slice %get3A_286 {offsets = [2], sizes = [1], strides = [1]} : vector<16xi32> to vector<1xi32>
      %squeeze3A_467 = vector.extract %slice3A_466[0] : i32 from vector<1xi32>
      %dma_start3A_468 = tpu.memref_slice %arg11[%select_n3A_447, %mul3A_465] : memref<64x128xf32, #tpu.memory_space<vmem>> -> memref<1x32xf32, #tpu.memory_space<vmem>>
      %dma_start3A_469 = tpu.memref_squeeze %dma_start3A_468 : memref<1x32xf32, #tpu.memory_space<vmem>> -> memref<32xf32, #tpu.memory_space<vmem>>
      %dma_start3A_470 = arith.constant 0 : i32
      %dma_start3A_471 = tpu.memref_slice %arg4[%squeeze3A_467, %dma_start3A_470] : memref<1000000x32xf32, #tpu.memory_space<hbm>> -> memref<1x32xf32, #tpu.memory_space<hbm>>
      %dma_start3A_472 = tpu.memref_squeeze %dma_start3A_471 : memref<1x32xf32, #tpu.memory_space<hbm>> -> memref<32xf32, #tpu.memory_space<hbm>>
      %dma_start3A_473 = tpu.memref_slice %arg11[%select_n3A_447, %mul3A_465] : memref<64x128xf32, #tpu.memory_space<vmem>> -> memref<1x32xf32, #tpu.memory_space<vmem>>
      %dma_start3A_474 = tpu.memref_squeeze %dma_start3A_473 : memref<1x32xf32, #tpu.memory_space<vmem>> -> memref<32xf32, #tpu.memory_space<vmem>>
      %dma_start3A_475 = arith.constant 0 : i32
      %dma_start3A_476 = tpu.memref_slice %arg4[%squeeze3A_467, %dma_start3A_475] : memref<1000000x32xf32, #tpu.memory_space<hbm>> -> memref<1x32xf32, #tpu.memory_space<hbm>>
      %dma_start3A_477 = tpu.memref_squeeze %dma_start3A_476 : memref<1x32xf32, #tpu.memory_space<hbm>> -> memref<32xf32, #tpu.memory_space<hbm>>
      tpu.enqueue_dma source(%dma_start3A_477 : memref<32xf32, #tpu.memory_space<hbm>>) target(%dma_start3A_474 : memref<32xf32, #tpu.memory_space<vmem>>) target_semaphore(%arg15 : memref<!tpu.dma_semaphore, #tpu.memory_space<semaphore_mem>>)
      %slice3A_478 = vector.extract_strided_slice %get3A_292 {offsets = [2], sizes = [1], strides = [1]} : vector<16xi32> to vector<1xi32>
      %squeeze3A_479 = vector.extract %slice3A_478[0] : i32 from vector<1xi32>
      %dma_start3A_480 = tpu.memref_slice %arg12[%select_n3A_447, %mul3A_465] : memref<64x128xf32, #tpu.memory_space<vmem>> -> memref<1x32xf32, #tpu.memory_space<vmem>>
      %dma_start3A_481 = tpu.memref_squeeze %dma_start3A_480 : memref<1x32xf32, #tpu.memory_space<vmem>> -> memref<32xf32, #tpu.memory_space<vmem>>
      %dma_start3A_482 = arith.constant 0 : i32
      %dma_start3A_483 = tpu.memref_slice %arg5[%squeeze3A_479, %dma_start3A_482] : memref<1000000x32xf32, #tpu.memory_space<hbm>> -> memref<1x32xf32, #tpu.memory_space<hbm>>
      %dma_start3A_484 = tpu.memref_squeeze %dma_start3A_483 : memref<1x32xf32, #tpu.memory_space<hbm>> -> memref<32xf32, #tpu.memory_space<hbm>>
      %dma_start3A_485 = tpu.memref_slice %arg12[%select_n3A_447, %mul3A_465] : memref<64x128xf32, #tpu.memory_space<vmem>> -> memref<1x32xf32, #tpu.memory_space<vmem>>
      %dma_start3A_486 = tpu.memref_squeeze %dma_start3A_485 : memref<1x32xf32, #tpu.memory_space<vmem>> -> memref<32xf32, #tpu.memory_space<vmem>>
      %dma_start3A_487 = arith.constant 0 : i32
      %dma_start3A_488 = tpu.memref_slice %arg5[%squeeze3A_479, %dma_start3A_487] : memref<1000000x32xf32, #tpu.memory_space<hbm>> -> memref<1x32xf32, #tpu.memory_space<hbm>>
      %dma_start3A_489 = tpu.memref_squeeze %dma_start3A_488 : memref<1x32xf32, #tpu.memory_space<hbm>> -> memref<32xf32, #tpu.memory_space<hbm>>
      tpu.enqueue_dma source(%dma_start3A_489 : memref<32xf32, #tpu.memory_space<hbm>>) target(%dma_start3A_486 : memref<32xf32, #tpu.memory_space<vmem>>) target_semaphore(%arg15 : memref<!tpu.dma_semaphore, #tpu.memory_space<semaphore_mem>>)
      %mul3A_490 = arith.constant 16 : i32
      %mul3A_491 = arith.muli %scan3A_281, %mul3A_490 : i32
      %add3A_492 = arith.constant 3 : i32
      %add3A_493 = arith.addi %mul3A_491, %add3A_492 : i32
      %jit3A_494 = arith.constant 4 : i32
      %div3A_495 = arith.divsi %add3A_493, %jit3A_494 : i32
      %sign3A_496 = arith.constant 0 : i32
      %sign3A_497 = arith.cmpi sgt, %add3A_493, %sign3A_496 : i32
      %sign3A_498 = arith.extui %sign3A_497 : i1 to i32
      %sign3A_499 = arith.constant 0 : i32
      %sign3A_500 = arith.cmpi slt, %add3A_493, %sign3A_499 : i32
      %sign3A_501 = arith.extui %sign3A_500 : i1 to i32
      %sign3A_502 = arith.subi %sign3A_498, %sign3A_501 : i32
      %sign3A_503 = arith.constant 0 : i32
      %sign3A_504 = arith.cmpi sgt, %jit3A_494, %sign3A_503 : i32
      %sign3A_505 = arith.extui %sign3A_504 : i1 to i32
      %sign3A_506 = arith.constant 0 : i32
      %sign3A_507 = arith.cmpi slt, %jit3A_494, %sign3A_506 : i32
      %sign3A_508 = arith.extui %sign3A_507 : i1 to i32
      %sign3A_509 = arith.subi %sign3A_505, %sign3A_508 : i32
      %ne3A_510 = arith.cmpi ne, %sign3A_502, %sign3A_509 : i32
      %rem3A_511 = arith.remsi %add3A_493, %jit3A_494 : i32
      %ne3A_512 = arith.constant 0 : i32
      %ne3A_513 = arith.cmpi ne, %rem3A_511, %ne3A_512 : i32
      %and3A_514 = arith.andi %ne3A_510, %ne3A_513 : i1
      %sub3A_515 = arith.constant 1 : i32
      %sub3A_516 = arith.subi %div3A_495, %sub3A_515 : i32
      %select_n3A_517 = arith.select %and3A_514, %sub3A_516, %div3A_495 : i32
      %jit3A_518 = arith.constant 4 : i32
      %eq3A_519 = arith.constant 0 : i32
      %eq3A_520 = arith.cmpi eq, %jit3A_518, %eq3A_519 : i32
      %jit3A_521 = arith.constant 1 : i32
      %select_n3A_522 = arith.select %eq3A_520, %jit3A_521, %jit3A_518 : i32
      %rem3A_523 = arith.remsi %add3A_493, %select_n3A_522 : i32
      %ne3A_524 = arith.constant 0 : i32
      %ne3A_525 = arith.cmpi ne, %rem3A_523, %ne3A_524 : i32
      %lt3A_526 = arith.constant 0 : i32
      %lt3A_527 = arith.cmpi slt, %rem3A_523, %lt3A_526 : i32
      %lt3A_528 = arith.constant 0 : i32
      %lt3A_529 = arith.cmpi slt, %select_n3A_522, %lt3A_528 : i32
      %ne3A_530 = arith.xori %lt3A_527, %lt3A_529 : i1
      %and3A_531 = arith.andi %ne3A_530, %ne3A_525 : i1
      %add3A_532 = arith.addi %rem3A_523, %select_n3A_522 : i32
      %select_n3A_533 = arith.select %and3A_531, %add3A_532, %rem3A_523 : i32
      %mul3A_534 = arith.constant 32 : i32
      %mul3A_535 = arith.muli %select_n3A_533, %mul3A_534 : i32
      %slice3A_536 = vector.extract_strided_slice %get3A_286 {offsets = [3], sizes = [1], strides = [1]} : vector<16xi32> to vector<1xi32>
      %squeeze3A_537 = vector.extract %slice3A_536[0] : i32 from vector<1xi32>
      %dma_start3A_538 = tpu.memref_slice %arg11[%select_n3A_517, %mul3A_535] : memref<64x128xf32, #tpu.memory_space<vmem>> -> memref<1x32xf32, #tpu.memory_space<vmem>>
      %dma_start3A_539 = tpu.memref_squeeze %dma_start3A_538 : memref<1x32xf32, #tpu.memory_space<vmem>> -> memref<32xf32, #tpu.memory_space<vmem>>
      %dma_start3A_540 = arith.constant 0 : i32
      %dma_start3A_541 = tpu.memref_slice %arg4[%squeeze3A_537, %dma_start3A_540] : memref<1000000x32xf32, #tpu.memory_space<hbm>> -> memref<1x32xf32, #tpu.memory_space<hbm>>
      %dma_start3A_542 = tpu.memref_squeeze %dma_start3A_541 : memref<1x32xf32, #tpu.memory_space<hbm>> -> memref<32xf32, #tpu.memory_space<hbm>>
      %dma_start3A_543 = tpu.memref_slice %arg11[%select_n3A_517, %mul3A_535] : memref<64x128xf32, #tpu.memory_space<vmem>> -> memref<1x32xf32, #tpu.memory_space<vmem>>
      %dma_start3A_544 = tpu.memref_squeeze %dma_start3A_543 : memref<1x32xf32, #tpu.memory_space<vmem>> -> memref<32xf32, #tpu.memory_space<vmem>>
      %dma_start3A_545 = arith.constant 0 : i32
      %dma_start3A_546 = tpu.memref_slice %arg4[%squeeze3A_537, %dma_start3A_545] : memref<1000000x32xf32, #tpu.memory_space<hbm>> -> memref<1x32xf32, #tpu.memory_space<hbm>>
      %dma_start3A_547 = tpu.memref_squeeze %dma_start3A_546 : memref<1x32xf32, #tpu.memory_space<hbm>> -> memref<32xf32, #tpu.memory_space<hbm>>
      tpu.enqueue_dma source(%dma_start3A_547 : memref<32xf32, #tpu.memory_space<hbm>>) target(%dma_start3A_544 : memref<32xf32, #tpu.memory_space<vmem>>) target_semaphore(%arg15 : memref<!tpu.dma_semaphore, #tpu.memory_space<semaphore_mem>>)
      %slice3A_548 = vector.extract_strided_slice %get3A_292 {offsets = [3], sizes = [1], strides = [1]} : vector<16xi32> to vector<1xi32>
      %squeeze3A_549 = vector.extract %slice3A_548[0] : i32 from vector<1xi32>
      %dma_start3A_550 = tpu.memref_slice %arg12[%select_n3A_517, %mul3A_535] : memref<64x128xf32, #tpu.memory_space<vmem>> -> memref<1x32xf32, #tpu.memory_space<vmem>>
      %dma_start3A_551 = tpu.memref_squeeze %dma_start3A_550 : memref<1x32xf32, #tpu.memory_space<vmem>> -> memref<32xf32, #tpu.memory_space<vmem>>
      %dma_start3A_552 = arith.constant 0 : i32
      %dma_start3A_553 = tpu.memref_slice %arg5[%squeeze3A_549, %dma_start3A_552] : memref<1000000x32xf32, #tpu.memory_space<hbm>> -> memref<1x32xf32, #tpu.memory_space<hbm>>
      %dma_start3A_554 = tpu.memref_squeeze %dma_start3A_553 : memref<1x32xf32, #tpu.memory_space<hbm>> -> memref<32xf32, #tpu.memory_space<hbm>>
      %dma_start3A_555 = tpu.memref_slice %arg12[%select_n3A_517, %mul3A_535] : memref<64x128xf32, #tpu.memory_space<vmem>> -> memref<1x32xf32, #tpu.memory_space<vmem>>
      %dma_start3A_556 = tpu.memref_squeeze %dma_start3A_555 : memref<1x32xf32, #tpu.memory_space<vmem>> -> memref<32xf32, #tpu.memory_space<vmem>>
      %dma_start3A_557 = arith.constant 0 : i32
      %dma_start3A_558 = tpu.memref_slice %arg5[%squeeze3A_549, %dma_start3A_557] : memref<1000000x32xf32, #tpu.memory_space<hbm>> -> memref<1x32xf32, #tpu.memory_space<hbm>>
      %dma_start3A_559 = tpu.memref_squeeze %dma_start3A_558 : memref<1x32xf32, #tpu.memory_space<hbm>> -> memref<32xf32, #tpu.memory_space<hbm>>
      tpu.enqueue_dma source(%dma_start3A_559 : memref<32xf32, #tpu.memory_space<hbm>>) target(%dma_start3A_556 : memref<32xf32, #tpu.memory_space<vmem>>) target_semaphore(%arg15 : memref<!tpu.dma_semaphore, #tpu.memory_space<semaphore_mem>>)
      %mul3A_560 = arith.constant 16 : i32
      %mul3A_561 = arith.muli %scan3A_281, %mul3A_560 : i32
      %add3A_562 = arith.constant 4 : i32
      %add3A_563 = arith.addi %mul3A_561, %add3A_562 : i32
      %jit3A_564 = arith.constant 4 : i32
      %div3A_565 = arith.divsi %add3A_563, %jit3A_564 : i32
      %sign3A_566 = arith.constant 0 : i32
      %sign3A_567 = arith.cmpi sgt, %add3A_563, %sign3A_566 : i32
      %sign3A_568 = arith.extui %sign3A_567 : i1 to i32
      %sign3A_569 = arith.constant 0 : i32
      %sign3A_570 = arith.cmpi slt, %add3A_563, %sign3A_569 : i32
      %sign3A_571 = arith.extui %sign3A_570 : i1 to i32
      %sign3A_572 = arith.subi %sign3A_568, %sign3A_571 : i32
      %sign3A_573 = arith.constant 0 : i32
      %sign3A_574 = arith.cmpi sgt, %jit3A_564, %sign3A_573 : i32
      %sign3A_575 = arith.extui %sign3A_574 : i1 to i32
      %sign3A_576 = arith.constant 0 : i32
      %sign3A_577 = arith.cmpi slt, %jit3A_564, %sign3A_576 : i32
      %sign3A_578 = arith.extui %sign3A_577 : i1 to i32
      %sign3A_579 = arith.subi %sign3A_575, %sign3A_578 : i32
      %ne3A_580 = arith.cmpi ne, %sign3A_572, %sign3A_579 : i32
      %rem3A_581 = arith.remsi %add3A_563, %jit3A_564 : i32
      %ne3A_582 = arith.constant 0 : i32
      %ne3A_583 = arith.cmpi ne, %rem3A_581, %ne3A_582 : i32
      %and3A_584 = arith.andi %ne3A_580, %ne3A_583 : i1
      %sub3A_585 = arith.constant 1 : i32
      %sub3A_586 = arith.subi %div3A_565, %sub3A_585 : i32
      %select_n3A_587 = arith.select %and3A_584, %sub3A_586, %div3A_565 : i32
      %jit3A_588 = arith.constant 4 : i32
      %eq3A_589 = arith.constant 0 : i32
      %eq3A_590 = arith.cmpi eq, %jit3A_588, %eq3A_589 : i32
      %jit3A_591 = arith.constant 1 : i32
      %select_n3A_592 = arith.select %eq3A_590, %jit3A_591, %jit3A_588 : i32
      %rem3A_593 = arith.remsi %add3A_563, %select_n3A_592 : i32
      %ne3A_594 = arith.constant 0 : i32
      %ne3A_595 = arith.cmpi ne, %rem3A_593, %ne3A_594 : i32
      %lt3A_596 = arith.constant 0 : i32
      %lt3A_597 = arith.cmpi slt, %rem3A_593, %lt3A_596 : i32
      %lt3A_598 = arith.constant 0 : i32
      %lt3A_599 = arith.cmpi slt, %select_n3A_592, %lt3A_598 : i32
      %ne3A_600 = arith.xori %lt3A_597, %lt3A_599 : i1
      %and3A_601 = arith.andi %ne3A_600, %ne3A_595 : i1
      %add3A_602 = arith.addi %rem3A_593, %select_n3A_592 : i32
      %select_n3A_603 = arith.select %and3A_601, %add3A_602, %rem3A_593 : i32
      %mul3A_604 = arith.constant 32 : i32
      %mul3A_605 = arith.muli %select_n3A_603, %mul3A_604 : i32
      %slice3A_606 = vector.extract_strided_slice %get3A_286 {offsets = [4], sizes = [1], strides = [1]} : vector<16xi32> to vector<1xi32>
      %squeeze3A_607 = vector.extract %slice3A_606[0] : i32 from vector<1xi32>
      %dma_start3A_608 = tpu.memref_slice %arg11[%select_n3A_587, %mul3A_605] : memref<64x128xf32, #tpu.memory_space<vmem>> -> memref<1x32xf32, #tpu.memory_space<vmem>>
      %dma_start3A_609 = tpu.memref_squeeze %dma_start3A_608 : memref<1x32xf32, #tpu.memory_space<vmem>> -> memref<32xf32, #tpu.memory_space<vmem>>
      %dma_start3A_610 = arith.constant 0 : i32
      %dma_start3A_611 = tpu.memref_slice %arg4[%squeeze3A_607, %dma_start3A_610] : memref<1000000x32xf32, #tpu.memory_space<hbm>> -> memref<1x32xf32, #tpu.memory_space<hbm>>
      %dma_start3A_612 = tpu.memref_squeeze %dma_start3A_611 : memref<1x32xf32, #tpu.memory_space<hbm>> -> memref<32xf32, #tpu.memory_space<hbm>>
      %dma_start3A_613 = tpu.memref_slice %arg11[%select_n3A_587, %mul3A_605] : memref<64x128xf32, #tpu.memory_space<vmem>> -> memref<1x32xf32, #tpu.memory_space<vmem>>
      %dma_start3A_614 = tpu.memref_squeeze %dma_start3A_613 : memref<1x32xf32, #tpu.memory_space<vmem>> -> memref<32xf32, #tpu.memory_space<vmem>>
      %dma_start3A_615 = arith.constant 0 : i32
      %dma_start3A_616 = tpu.memref_slice %arg4[%squeeze3A_607, %dma_start3A_615] : memref<1000000x32xf32, #tpu.memory_space<hbm>> -> memref<1x32xf32, #tpu.memory_space<hbm>>
      %dma_start3A_617 = tpu.memref_squeeze %dma_start3A_616 : memref<1x32xf32, #tpu.memory_space<hbm>> -> memref<32xf32, #tpu.memory_space<hbm>>
      tpu.enqueue_dma source(%dma_start3A_617 : memref<32xf32, #tpu.memory_space<hbm>>) target(%dma_start3A_614 : memref<32xf32, #tpu.memory_space<vmem>>) target_semaphore(%arg15 : memref<!tpu.dma_semaphore, #tpu.memory_space<semaphore_mem>>)
      %slice3A_618 = vector.extract_strided_slice %get3A_292 {offsets = [4], sizes = [1], strides = [1]} : vector<16xi32> to vector<1xi32>
      %squeeze3A_619 = vector.extract %slice3A_618[0] : i32 from vector<1xi32>
      %dma_start3A_620 = tpu.memref_slice %arg12[%select_n3A_587, %mul3A_605] : memref<64x128xf32, #tpu.memory_space<vmem>> -> memref<1x32xf32, #tpu.memory_space<vmem>>
      %dma_start3A_621 = tpu.memref_squeeze %dma_start3A_620 : memref<1x32xf32, #tpu.memory_space<vmem>> -> memref<32xf32, #tpu.memory_space<vmem>>
      %dma_start3A_622 = arith.constant 0 : i32
      %dma_start3A_623 = tpu.memref_slice %arg5[%squeeze3A_619, %dma_start3A_622] : memref<1000000x32xf32, #tpu.memory_space<hbm>> -> memref<1x32xf32, #tpu.memory_space<hbm>>
      %dma_start3A_624 = tpu.memref_squeeze %dma_start3A_623 : memref<1x32xf32, #tpu.memory_space<hbm>> -> memref<32xf32, #tpu.memory_space<hbm>>
      %dma_start3A_625 = tpu.memref_slice %arg12[%select_n3A_587, %mul3A_605] : memref<64x128xf32, #tpu.memory_space<vmem>> -> memref<1x32xf32, #tpu.memory_space<vmem>>
      %dma_start3A_626 = tpu.memref_squeeze %dma_start3A_625 : memref<1x32xf32, #tpu.memory_space<vmem>> -> memref<32xf32, #tpu.memory_space<vmem>>
      %dma_start3A_627 = arith.constant 0 : i32
      %dma_start3A_628 = tpu.memref_slice %arg5[%squeeze3A_619, %dma_start3A_627] : memref<1000000x32xf32, #tpu.memory_space<hbm>> -> memref<1x32xf32, #tpu.memory_space<hbm>>
      %dma_start3A_629 = tpu.memref_squeeze %dma_start3A_628 : memref<1x32xf32, #tpu.memory_space<hbm>> -> memref<32xf32, #tpu.memory_space<hbm>>
      tpu.enqueue_dma source(%dma_start3A_629 : memref<32xf32, #tpu.memory_space<hbm>>) target(%dma_start3A_626 : memref<32xf32, #tpu.memory_space<vmem>>) target_semaphore(%arg15 : memref<!tpu.dma_semaphore, #tpu.memory_space<semaphore_mem>>)
      %mul3A_630 = arith.constant 16 : i32
      %mul3A_631 = arith.muli %scan3A_281, %mul3A_630 : i32
      %add3A_632 = arith.constant 5 : i32
      %add3A_633 = arith.addi %mul3A_631, %add3A_632 : i32
      %jit3A_634 = arith.constant 4 : i32
      %div3A_635 = arith.divsi %add3A_633, %jit3A_634 : i32
      %sign3A_636 = arith.constant 0 : i32
      %sign3A_637 = arith.cmpi sgt, %add3A_633, %sign3A_636 : i32
      %sign3A_638 = arith.extui %sign3A_637 : i1 to i32
      %sign3A_639 = arith.constant 0 : i32
      %sign3A_640 = arith.cmpi slt, %add3A_633, %sign3A_639 : i32
      %sign3A_641 = arith.extui %sign3A_640 : i1 to i32
      %sign3A_642 = arith.subi %sign3A_638, %sign3A_641 : i32
      %sign3A_643 = arith.constant 0 : i32
      %sign3A_644 = arith.cmpi sgt, %jit3A_634, %sign3A_643 : i32
      %sign3A_645 = arith.extui %sign3A_644 : i1 to i32
      %sign3A_646 = arith.constant 0 : i32
      %sign3A_647 = arith.cmpi slt, %jit3A_634, %sign3A_646 : i32
      %sign3A_648 = arith.extui %sign3A_647 : i1 to i32
      %sign3A_649 = arith.subi %sign3A_645, %sign3A_648 : i32
      %ne3A_650 = arith.cmpi ne, %sign3A_642, %sign3A_649 : i32
      %rem3A_651 = arith.remsi %add3A_633, %jit3A_634 : i32
      %ne3A_652 = arith.constant 0 : i32
      %ne3A_653 = arith.cmpi ne, %rem3A_651, %ne3A_652 : i32
      %and3A_654 = arith.andi %ne3A_650, %ne3A_653 : i1
      %sub3A_655 = arith.constant 1 : i32
      %sub3A_656 = arith.subi %div3A_635, %sub3A_655 : i32
      %select_n3A_657 = arith.select %and3A_654, %sub3A_656, %div3A_635 : i32
      %jit3A_658 = arith.constant 4 : i32
      %eq3A_659 = arith.constant 0 : i32
      %eq3A_660 = arith.cmpi eq, %jit3A_658, %eq3A_659 : i32
      %jit3A_661 = arith.constant 1 : i32
      %select_n3A_662 = arith.select %eq3A_660, %jit3A_661, %jit3A_658 : i32
      %rem3A_663 = arith.remsi %add3A_633, %select_n3A_662 : i32
      %ne3A_664 = arith.constant 0 : i32
      %ne3A_665 = arith.cmpi ne, %rem3A_663, %ne3A_664 : i32
      %lt3A_666 = arith.constant 0 : i32
      %lt3A_667 = arith.cmpi slt, %rem3A_663, %lt3A_666 : i32
      %lt3A_668 = arith.constant 0 : i32
      %lt3A_669 = arith.cmpi slt, %select_n3A_662, %lt3A_668 : i32
      %ne3A_670 = arith.xori %lt3A_667, %lt3A_669 : i1
      %and3A_671 = arith.andi %ne3A_670, %ne3A_665 : i1
      %add3A_672 = arith.addi %rem3A_663, %select_n3A_662 : i32
      %select_n3A_673 = arith.select %and3A_671, %add3A_672, %rem3A_663 : i32
      %mul3A_674 = arith.constant 32 : i32
      %mul3A_675 = arith.muli %select_n3A_673, %mul3A_674 : i32
      %slice3A_676 = vector.extract_strided_slice %get3A_286 {offsets = [5], sizes = [1], strides = [1]} : vector<16xi32> to vector<1xi32>
      %squeeze3A_677 = vector.extract %slice3A_676[0] : i32 from vector<1xi32>
      %dma_start3A_678 = tpu.memref_slice %arg11[%select_n3A_657, %mul3A_675] : memref<64x128xf32, #tpu.memory_space<vmem>> -> memref<1x32xf32, #tpu.memory_space<vmem>>
      %dma_start3A_679 = tpu.memref_squeeze %dma_start3A_678 : memref<1x32xf32, #tpu.memory_space<vmem>> -> memref<32xf32, #tpu.memory_space<vmem>>
      %dma_start3A_680 = arith.constant 0 : i32
      %dma_start3A_681 = tpu.memref_slice %arg4[%squeeze3A_677, %dma_start3A_680] : memref<1000000x32xf32, #tpu.memory_space<hbm>> -> memref<1x32xf32, #tpu.memory_space<hbm>>
      %dma_start3A_682 = tpu.memref_squeeze %dma_start3A_681 : memref<1x32xf32, #tpu.memory_space<hbm>> -> memref<32xf32, #tpu.memory_space<hbm>>
      %dma_start3A_683 = tpu.memref_slice %arg11[%select_n3A_657, %mul3A_675] : memref<64x128xf32, #tpu.memory_space<vmem>> -> memref<1x32xf32, #tpu.memory_space<vmem>>
      %dma_start3A_684 = tpu.memref_squeeze %dma_start3A_683 : memref<1x32xf32, #tpu.memory_space<vmem>> -> memref<32xf32, #tpu.memory_space<vmem>>
      %dma_start3A_685 = arith.constant 0 : i32
      %dma_start3A_686 = tpu.memref_slice %arg4[%squeeze3A_677, %dma_start3A_685] : memref<1000000x32xf32, #tpu.memory_space<hbm>> -> memref<1x32xf32, #tpu.memory_space<hbm>>
      %dma_start3A_687 = tpu.memref_squeeze %dma_start3A_686 : memref<1x32xf32, #tpu.memory_space<hbm>> -> memref<32xf32, #tpu.memory_space<hbm>>
      tpu.enqueue_dma source(%dma_start3A_687 : memref<32xf32, #tpu.memory_space<hbm>>) target(%dma_start3A_684 : memref<32xf32, #tpu.memory_space<vmem>>) target_semaphore(%arg15 : memref<!tpu.dma_semaphore, #tpu.memory_space<semaphore_mem>>)
      %slice3A_688 = vector.extract_strided_slice %get3A_292 {offsets = [5], sizes = [1], strides = [1]} : vector<16xi32> to vector<1xi32>
      %squeeze3A_689 = vector.extract %slice3A_688[0] : i32 from vector<1xi32>
      %dma_start3A_690 = tpu.memref_slice %arg12[%select_n3A_657, %mul3A_675] : memref<64x128xf32, #tpu.memory_space<vmem>> -> memref<1x32xf32, #tpu.memory_space<vmem>>
      %dma_start3A_691 = tpu.memref_squeeze %dma_start3A_690 : memref<1x32xf32, #tpu.memory_space<vmem>> -> memref<32xf32, #tpu.memory_space<vmem>>
      %dma_start3A_692 = arith.constant 0 : i32
      %dma_start3A_693 = tpu.memref_slice %arg5[%squeeze3A_689, %dma_start3A_692] : memref<1000000x32xf32, #tpu.memory_space<hbm>> -> memref<1x32xf32, #tpu.memory_space<hbm>>
      %dma_start3A_694 = tpu.memref_squeeze %dma_start3A_693 : memref<1x32xf32, #tpu.memory_space<hbm>> -> memref<32xf32, #tpu.memory_space<hbm>>
      %dma_start3A_695 = tpu.memref_slice %arg12[%select_n3A_657, %mul3A_675] : memref<64x128xf32, #tpu.memory_space<vmem>> -> memref<1x32xf32, #tpu.memory_space<vmem>>
      %dma_start3A_696 = tpu.memref_squeeze %dma_start3A_695 : memref<1x32xf32, #tpu.memory_space<vmem>> -> memref<32xf32, #tpu.memory_space<vmem>>
      %dma_start3A_697 = arith.constant 0 : i32
      %dma_start3A_698 = tpu.memref_slice %arg5[%squeeze3A_689, %dma_start3A_697] : memref<1000000x32xf32, #tpu.memory_space<hbm>> -> memref<1x32xf32, #tpu.memory_space<hbm>>
      %dma_start3A_699 = tpu.memref_squeeze %dma_start3A_698 : memref<1x32xf32, #tpu.memory_space<hbm>> -> memref<32xf32, #tpu.memory_space<hbm>>
      tpu.enqueue_dma source(%dma_start3A_699 : memref<32xf32, #tpu.memory_space<hbm>>) target(%dma_start3A_696 : memref<32xf32, #tpu.memory_space<vmem>>) target_semaphore(%arg15 : memref<!tpu.dma_semaphore, #tpu.memory_space<semaphore_mem>>)
      %mul3A_700 = arith.constant 16 : i32
      %mul3A_701 = arith.muli %scan3A_281, %mul3A_700 : i32
      %add3A_702 = arith.constant 6 : i32
      %add3A_703 = arith.addi %mul3A_701, %add3A_702 : i32
      %jit3A_704 = arith.constant 4 : i32
      %div3A_705 = arith.divsi %add3A_703, %jit3A_704 : i32
      %sign3A_706 = arith.constant 0 : i32
      %sign3A_707 = arith.cmpi sgt, %add3A_703, %sign3A_706 : i32
      %sign3A_708 = arith.extui %sign3A_707 : i1 to i32
      %sign3A_709 = arith.constant 0 : i32
      %sign3A_710 = arith.cmpi slt, %add3A_703, %sign3A_709 : i32
      %sign3A_711 = arith.extui %sign3A_710 : i1 to i32
      %sign3A_712 = arith.subi %sign3A_708, %sign3A_711 : i32
      %sign3A_713 = arith.constant 0 : i32
      %sign3A_714 = arith.cmpi sgt, %jit3A_704, %sign3A_713 : i32
      %sign3A_715 = arith.extui %sign3A_714 : i1 to i32
      %sign3A_716 = arith.constant 0 : i32
      %sign3A_717 = arith.cmpi slt, %jit3A_704, %sign3A_716 : i32
      %sign3A_718 = arith.extui %sign3A_717 : i1 to i32
      %sign3A_719 = arith.subi %sign3A_715, %sign3A_718 : i32
      %ne3A_720 = arith.cmpi ne, %sign3A_712, %sign3A_719 : i32
      %rem3A_721 = arith.remsi %add3A_703, %jit3A_704 : i32
      %ne3A_722 = arith.constant 0 : i32
      %ne3A_723 = arith.cmpi ne, %rem3A_721, %ne3A_722 : i32
      %and3A_724 = arith.andi %ne3A_720, %ne3A_723 : i1
      %sub3A_725 = arith.constant 1 : i32
      %sub3A_726 = arith.subi %div3A_705, %sub3A_725 : i32
      %select_n3A_727 = arith.select %and3A_724, %sub3A_726, %div3A_705 : i32
      %jit3A_728 = arith.constant 4 : i32
      %eq3A_729 = arith.constant 0 : i32
      %eq3A_730 = arith.cmpi eq, %jit3A_728, %eq3A_729 : i32
      %jit3A_731 = arith.constant 1 : i32
      %select_n3A_732 = arith.select %eq3A_730, %jit3A_731, %jit3A_728 : i32
      %rem3A_733 = arith.remsi %add3A_703, %select_n3A_732 : i32
      %ne3A_734 = arith.constant 0 : i32
      %ne3A_735 = arith.cmpi ne, %rem3A_733, %ne3A_734 : i32
      %lt3A_736 = arith.constant 0 : i32
      %lt3A_737 = arith.cmpi slt, %rem3A_733, %lt3A_736 : i32
      %lt3A_738 = arith.constant 0 : i32
      %lt3A_739 = arith.cmpi slt, %select_n3A_732, %lt3A_738 : i32
      %ne3A_740 = arith.xori %lt3A_737, %lt3A_739 : i1
      %and3A_741 = arith.andi %ne3A_740, %ne3A_735 : i1
      %add3A_742 = arith.addi %rem3A_733, %select_n3A_732 : i32
      %select_n3A_743 = arith.select %and3A_741, %add3A_742, %rem3A_733 : i32
      %mul3A_744 = arith.constant 32 : i32
      %mul3A_745 = arith.muli %select_n3A_743, %mul3A_744 : i32
      %slice3A_746 = vector.extract_strided_slice %get3A_286 {offsets = [6], sizes = [1], strides = [1]} : vector<16xi32> to vector<1xi32>
      %squeeze3A_747 = vector.extract %slice3A_746[0] : i32 from vector<1xi32>
      %dma_start3A_748 = tpu.memref_slice %arg11[%select_n3A_727, %mul3A_745] : memref<64x128xf32, #tpu.memory_space<vmem>> -> memref<1x32xf32, #tpu.memory_space<vmem>>
      %dma_start3A_749 = tpu.memref_squeeze %dma_start3A_748 : memref<1x32xf32, #tpu.memory_space<vmem>> -> memref<32xf32, #tpu.memory_space<vmem>>
      %dma_start3A_750 = arith.constant 0 : i32
      %dma_start3A_751 = tpu.memref_slice %arg4[%squeeze3A_747, %dma_start3A_750] : memref<1000000x32xf32, #tpu.memory_space<hbm>> -> memref<1x32xf32, #tpu.memory_space<hbm>>
      %dma_start3A_752 = tpu.memref_squeeze %dma_start3A_751 : memref<1x32xf32, #tpu.memory_space<hbm>> -> memref<32xf32, #tpu.memory_space<hbm>>
      %dma_start3A_753 = tpu.memref_slice %arg11[%select_n3A_727, %mul3A_745] : memref<64x128xf32, #tpu.memory_space<vmem>> -> memref<1x32xf32, #tpu.memory_space<vmem>>
      %dma_start3A_754 = tpu.memref_squeeze %dma_start3A_753 : memref<1x32xf32, #tpu.memory_space<vmem>> -> memref<32xf32, #tpu.memory_space<vmem>>
      %dma_start3A_755 = arith.constant 0 : i32
      %dma_start3A_756 = tpu.memref_slice %arg4[%squeeze3A_747, %dma_start3A_755] : memref<1000000x32xf32, #tpu.memory_space<hbm>> -> memref<1x32xf32, #tpu.memory_space<hbm>>
      %dma_start3A_757 = tpu.memref_squeeze %dma_start3A_756 : memref<1x32xf32, #tpu.memory_space<hbm>> -> memref<32xf32, #tpu.memory_space<hbm>>
      tpu.enqueue_dma source(%dma_start3A_757 : memref<32xf32, #tpu.memory_space<hbm>>) target(%dma_start3A_754 : memref<32xf32, #tpu.memory_space<vmem>>) target_semaphore(%arg15 : memref<!tpu.dma_semaphore, #tpu.memory_space<semaphore_mem>>)
      %slice3A_758 = vector.extract_strided_slice %get3A_292 {offsets = [6], sizes = [1], strides = [1]} : vector<16xi32> to vector<1xi32>
      %squeeze3A_759 = vector.extract %slice3A_758[0] : i32 from vector<1xi32>
      %dma_start3A_760 = tpu.memref_slice %arg12[%select_n3A_727, %mul3A_745] : memref<64x128xf32, #tpu.memory_space<vmem>> -> memref<1x32xf32, #tpu.memory_space<vmem>>
      %dma_start3A_761 = tpu.memref_squeeze %dma_start3A_760 : memref<1x32xf32, #tpu.memory_space<vmem>> -> memref<32xf32, #tpu.memory_space<vmem>>
      %dma_start3A_762 = arith.constant 0 : i32
      %dma_start3A_763 = tpu.memref_slice %arg5[%squeeze3A_759, %dma_start3A_762] : memref<1000000x32xf32, #tpu.memory_space<hbm>> -> memref<1x32xf32, #tpu.memory_space<hbm>>
      %dma_start3A_764 = tpu.memref_squeeze %dma_start3A_763 : memref<1x32xf32, #tpu.memory_space<hbm>> -> memref<32xf32, #tpu.memory_space<hbm>>
      %dma_start3A_765 = tpu.memref_slice %arg12[%select_n3A_727, %mul3A_745] : memref<64x128xf32, #tpu.memory_space<vmem>> -> memref<1x32xf32, #tpu.memory_space<vmem>>
      %dma_start3A_766 = tpu.memref_squeeze %dma_start3A_765 : memref<1x32xf32, #tpu.memory_space<vmem>> -> memref<32xf32, #tpu.memory_space<vmem>>
      %dma_start3A_767 = arith.constant 0 : i32
      %dma_start3A_768 = tpu.memref_slice %arg5[%squeeze3A_759, %dma_start3A_767] : memref<1000000x32xf32, #tpu.memory_space<hbm>> -> memref<1x32xf32, #tpu.memory_space<hbm>>
      %dma_start3A_769 = tpu.memref_squeeze %dma_start3A_768 : memref<1x32xf32, #tpu.memory_space<hbm>> -> memref<32xf32, #tpu.memory_space<hbm>>
      tpu.enqueue_dma source(%dma_start3A_769 : memref<32xf32, #tpu.memory_space<hbm>>) target(%dma_start3A_766 : memref<32xf32, #tpu.memory_space<vmem>>) target_semaphore(%arg15 : memref<!tpu.dma_semaphore, #tpu.memory_space<semaphore_mem>>)
      %mul3A_770 = arith.constant 16 : i32
      %mul3A_771 = arith.muli %scan3A_281, %mul3A_770 : i32
      %add3A_772 = arith.constant 7 : i32
      %add3A_773 = arith.addi %mul3A_771, %add3A_772 : i32
      %jit3A_774 = arith.constant 4 : i32
      %div3A_775 = arith.divsi %add3A_773, %jit3A_774 : i32
      %sign3A_776 = arith.constant 0 : i32
      %sign3A_777 = arith.cmpi sgt, %add3A_773, %sign3A_776 : i32
      %sign3A_778 = arith.extui %sign3A_777 : i1 to i32
      %sign3A_779 = arith.constant 0 : i32
      %sign3A_780 = arith.cmpi slt, %add3A_773, %sign3A_779 : i32
      %sign3A_781 = arith.extui %sign3A_780 : i1 to i32
      %sign3A_782 = arith.subi %sign3A_778, %sign3A_781 : i32
      %sign3A_783 = arith.constant 0 : i32
      %sign3A_784 = arith.cmpi sgt, %jit3A_774, %sign3A_783 : i32
      %sign3A_785 = arith.extui %sign3A_784 : i1 to i32
      %sign3A_786 = arith.constant 0 : i32
      %sign3A_787 = arith.cmpi slt, %jit3A_774, %sign3A_786 : i32
      %sign3A_788 = arith.extui %sign3A_787 : i1 to i32
      %sign3A_789 = arith.subi %sign3A_785, %sign3A_788 : i32
      %ne3A_790 = arith.cmpi ne, %sign3A_782, %sign3A_789 : i32
      %rem3A_791 = arith.remsi %add3A_773, %jit3A_774 : i32
      %ne3A_792 = arith.constant 0 : i32
      %ne3A_793 = arith.cmpi ne, %rem3A_791, %ne3A_792 : i32
      %and3A_794 = arith.andi %ne3A_790, %ne3A_793 : i1
      %sub3A_795 = arith.constant 1 : i32
      %sub3A_796 = arith.subi %div3A_775, %sub3A_795 : i32
      %select_n3A_797 = arith.select %and3A_794, %sub3A_796, %div3A_775 : i32
      %jit3A_798 = arith.constant 4 : i32
      %eq3A_799 = arith.constant 0 : i32
      %eq3A_800 = arith.cmpi eq, %jit3A_798, %eq3A_799 : i32
      %jit3A_801 = arith.constant 1 : i32
      %select_n3A_802 = arith.select %eq3A_800, %jit3A_801, %jit3A_798 : i32
      %rem3A_803 = arith.remsi %add3A_773, %select_n3A_802 : i32
      %ne3A_804 = arith.constant 0 : i32
      %ne3A_805 = arith.cmpi ne, %rem3A_803, %ne3A_804 : i32
      %lt3A_806 = arith.constant 0 : i32
      %lt3A_807 = arith.cmpi slt, %rem3A_803, %lt3A_806 : i32
      %lt3A_808 = arith.constant 0 : i32
      %lt3A_809 = arith.cmpi slt, %select_n3A_802, %lt3A_808 : i32
      %ne3A_810 = arith.xori %lt3A_807, %lt3A_809 : i1
      %and3A_811 = arith.andi %ne3A_810, %ne3A_805 : i1
      %add3A_812 = arith.addi %rem3A_803, %select_n3A_802 : i32
      %select_n3A_813 = arith.select %and3A_811, %add3A_812, %rem3A_803 : i32
      %mul3A_814 = arith.constant 32 : i32
      %mul3A_815 = arith.muli %select_n3A_813, %mul3A_814 : i32
      %slice3A_816 = vector.extract_strided_slice %get3A_286 {offsets = [7], sizes = [1], strides = [1]} : vector<16xi32> to vector<1xi32>
      %squeeze3A_817 = vector.extract %slice3A_816[0] : i32 from vector<1xi32>
      %dma_start3A_818 = tpu.memref_slice %arg11[%select_n3A_797, %mul3A_815] : memref<64x128xf32, #tpu.memory_space<vmem>> -> memref<1x32xf32, #tpu.memory_space<vmem>>
      %dma_start3A_819 = tpu.memref_squeeze %dma_start3A_818 : memref<1x32xf32, #tpu.memory_space<vmem>> -> memref<32xf32, #tpu.memory_space<vmem>>
      %dma_start3A_820 = arith.constant 0 : i32
      %dma_start3A_821 = tpu.memref_slice %arg4[%squeeze3A_817, %dma_start3A_820] : memref<1000000x32xf32, #tpu.memory_space<hbm>> -> memref<1x32xf32, #tpu.memory_space<hbm>>
      %dma_start3A_822 = tpu.memref_squeeze %dma_start3A_821 : memref<1x32xf32, #tpu.memory_space<hbm>> -> memref<32xf32, #tpu.memory_space<hbm>>
      %dma_start3A_823 = tpu.memref_slice %arg11[%select_n3A_797, %mul3A_815] : memref<64x128xf32, #tpu.memory_space<vmem>> -> memref<1x32xf32, #tpu.memory_space<vmem>>
      %dma_start3A_824 = tpu.memref_squeeze %dma_start3A_823 : memref<1x32xf32, #tpu.memory_space<vmem>> -> memref<32xf32, #tpu.memory_space<vmem>>
      %dma_start3A_825 = arith.constant 0 : i32
      %dma_start3A_826 = tpu.memref_slice %arg4[%squeeze3A_817, %dma_start3A_825] : memref<1000000x32xf32, #tpu.memory_space<hbm>> -> memref<1x32xf32, #tpu.memory_space<hbm>>
      %dma_start3A_827 = tpu.memref_squeeze %dma_start3A_826 : memref<1x32xf32, #tpu.memory_space<hbm>> -> memref<32xf32, #tpu.memory_space<hbm>>
      tpu.enqueue_dma source(%dma_start3A_827 : memref<32xf32, #tpu.memory_space<hbm>>) target(%dma_start3A_824 : memref<32xf32, #tpu.memory_space<vmem>>) target_semaphore(%arg15 : memref<!tpu.dma_semaphore, #tpu.memory_space<semaphore_mem>>)
      %slice3A_828 = vector.extract_strided_slice %get3A_292 {offsets = [7], sizes = [1], strides = [1]} : vector<16xi32> to vector<1xi32>
      %squeeze3A_829 = vector.extract %slice3A_828[0] : i32 from vector<1xi32>
      %dma_start3A_830 = tpu.memref_slice %arg12[%select_n3A_797, %mul3A_815] : memref<64x128xf32, #tpu.memory_space<vmem>> -> memref<1x32xf32, #tpu.memory_space<vmem>>
      %dma_start3A_831 = tpu.memref_squeeze %dma_start3A_830 : memref<1x32xf32, #tpu.memory_space<vmem>> -> memref<32xf32, #tpu.memory_space<vmem>>
      %dma_start3A_832 = arith.constant 0 : i32
      %dma_start3A_833 = tpu.memref_slice %arg5[%squeeze3A_829, %dma_start3A_832] : memref<1000000x32xf32, #tpu.memory_space<hbm>> -> memref<1x32xf32, #tpu.memory_space<hbm>>
      %dma_start3A_834 = tpu.memref_squeeze %dma_start3A_833 : memref<1x32xf32, #tpu.memory_space<hbm>> -> memref<32xf32, #tpu.memory_space<hbm>>
      %dma_start3A_835 = tpu.memref_slice %arg12[%select_n3A_797, %mul3A_815] : memref<64x128xf32, #tpu.memory_space<vmem>> -> memref<1x32xf32, #tpu.memory_space<vmem>>
      %dma_start3A_836 = tpu.memref_squeeze %dma_start3A_835 : memref<1x32xf32, #tpu.memory_space<vmem>> -> memref<32xf32, #tpu.memory_space<vmem>>
      %dma_start3A_837 = arith.constant 0 : i32
      %dma_start3A_838 = tpu.memref_slice %arg5[%squeeze3A_829, %dma_start3A_837] : memref<1000000x32xf32, #tpu.memory_space<hbm>> -> memref<1x32xf32, #tpu.memory_space<hbm>>
      %dma_start3A_839 = tpu.memref_squeeze %dma_start3A_838 : memref<1x32xf32, #tpu.memory_space<hbm>> -> memref<32xf32, #tpu.memory_space<hbm>>
      tpu.enqueue_dma source(%dma_start3A_839 : memref<32xf32, #tpu.memory_space<hbm>>) target(%dma_start3A_836 : memref<32xf32, #tpu.memory_space<vmem>>) target_semaphore(%arg15 : memref<!tpu.dma_semaphore, #tpu.memory_space<semaphore_mem>>)
      %mul3A_840 = arith.constant 16 : i32
      %mul3A_841 = arith.muli %scan3A_281, %mul3A_840 : i32
      %add3A_842 = arith.constant 8 : i32
      %add3A_843 = arith.addi %mul3A_841, %add3A_842 : i32
      %jit3A_844 = arith.constant 4 : i32
      %div3A_845 = arith.divsi %add3A_843, %jit3A_844 : i32
      %sign3A_846 = arith.constant 0 : i32
      %sign3A_847 = arith.cmpi sgt, %add3A_843, %sign3A_846 : i32
      %sign3A_848 = arith.extui %sign3A_847 : i1 to i32
      %sign3A_849 = arith.constant 0 : i32
      %sign3A_850 = arith.cmpi slt, %add3A_843, %sign3A_849 : i32
      %sign3A_851 = arith.extui %sign3A_850 : i1 to i32
      %sign3A_852 = arith.subi %sign3A_848, %sign3A_851 : i32
      %sign3A_853 = arith.constant 0 : i32
      %sign3A_854 = arith.cmpi sgt, %jit3A_844, %sign3A_853 : i32
      %sign3A_855 = arith.extui %sign3A_854 : i1 to i32
      %sign3A_856 = arith.constant 0 : i32
      %sign3A_857 = arith.cmpi slt, %jit3A_844, %sign3A_856 : i32
      %sign3A_858 = arith.extui %sign3A_857 : i1 to i32
      %sign3A_859 = arith.subi %sign3A_855, %sign3A_858 : i32
      %ne3A_860 = arith.cmpi ne, %sign3A_852, %sign3A_859 : i32
      %rem3A_861 = arith.remsi %add3A_843, %jit3A_844 : i32
      %ne3A_862 = arith.constant 0 : i32
      %ne3A_863 = arith.cmpi ne, %rem3A_861, %ne3A_862 : i32
      %and3A_864 = arith.andi %ne3A_860, %ne3A_863 : i1
      %sub3A_865 = arith.constant 1 : i32
      %sub3A_866 = arith.subi %div3A_845, %sub3A_865 : i32
      %select_n3A_867 = arith.select %and3A_864, %sub3A_866, %div3A_845 : i32
      %jit3A_868 = arith.constant 4 : i32
      %eq3A_869 = arith.constant 0 : i32
      %eq3A_870 = arith.cmpi eq, %jit3A_868, %eq3A_869 : i32
      %jit3A_871 = arith.constant 1 : i32
      %select_n3A_872 = arith.select %eq3A_870, %jit3A_871, %jit3A_868 : i32
      %rem3A_873 = arith.remsi %add3A_843, %select_n3A_872 : i32
      %ne3A_874 = arith.constant 0 : i32
      %ne3A_875 = arith.cmpi ne, %rem3A_873, %ne3A_874 : i32
      %lt3A_876 = arith.constant 0 : i32
      %lt3A_877 = arith.cmpi slt, %rem3A_873, %lt3A_876 : i32
      %lt3A_878 = arith.constant 0 : i32
      %lt3A_879 = arith.cmpi slt, %select_n3A_872, %lt3A_878 : i32
      %ne3A_880 = arith.xori %lt3A_877, %lt3A_879 : i1
      %and3A_881 = arith.andi %ne3A_880, %ne3A_875 : i1
      %add3A_882 = arith.addi %rem3A_873, %select_n3A_872 : i32
      %select_n3A_883 = arith.select %and3A_881, %add3A_882, %rem3A_873 : i32
      %mul3A_884 = arith.constant 32 : i32
      %mul3A_885 = arith.muli %select_n3A_883, %mul3A_884 : i32
      %slice3A_886 = vector.extract_strided_slice %get3A_286 {offsets = [8], sizes = [1], strides = [1]} : vector<16xi32> to vector<1xi32>
      %squeeze3A_887 = vector.extract %slice3A_886[0] : i32 from vector<1xi32>
      %dma_start3A_888 = tpu.memref_slice %arg11[%select_n3A_867, %mul3A_885] : memref<64x128xf32, #tpu.memory_space<vmem>> -> memref<1x32xf32, #tpu.memory_space<vmem>>
      %dma_start3A_889 = tpu.memref_squeeze %dma_start3A_888 : memref<1x32xf32, #tpu.memory_space<vmem>> -> memref<32xf32, #tpu.memory_space<vmem>>
      %dma_start3A_890 = arith.constant 0 : i32
      %dma_start3A_891 = tpu.memref_slice %arg4[%squeeze3A_887, %dma_start3A_890] : memref<1000000x32xf32, #tpu.memory_space<hbm>> -> memref<1x32xf32, #tpu.memory_space<hbm>>
      %dma_start3A_892 = tpu.memref_squeeze %dma_start3A_891 : memref<1x32xf32, #tpu.memory_space<hbm>> -> memref<32xf32, #tpu.memory_space<hbm>>
      %dma_start3A_893 = tpu.memref_slice %arg11[%select_n3A_867, %mul3A_885] : memref<64x128xf32, #tpu.memory_space<vmem>> -> memref<1x32xf32, #tpu.memory_space<vmem>>
      %dma_start3A_894 = tpu.memref_squeeze %dma_start3A_893 : memref<1x32xf32, #tpu.memory_space<vmem>> -> memref<32xf32, #tpu.memory_space<vmem>>
      %dma_start3A_895 = arith.constant 0 : i32
      %dma_start3A_896 = tpu.memref_slice %arg4[%squeeze3A_887, %dma_start3A_895] : memref<1000000x32xf32, #tpu.memory_space<hbm>> -> memref<1x32xf32, #tpu.memory_space<hbm>>
      %dma_start3A_897 = tpu.memref_squeeze %dma_start3A_896 : memref<1x32xf32, #tpu.memory_space<hbm>> -> memref<32xf32, #tpu.memory_space<hbm>>
      tpu.enqueue_dma source(%dma_start3A_897 : memref<32xf32, #tpu.memory_space<hbm>>) target(%dma_start3A_894 : memref<32xf32, #tpu.memory_space<vmem>>) target_semaphore(%arg15 : memref<!tpu.dma_semaphore, #tpu.memory_space<semaphore_mem>>)
      %slice3A_898 = vector.extract_strided_slice %get3A_292 {offsets = [8], sizes = [1], strides = [1]} : vector<16xi32> to vector<1xi32>
      %squeeze3A_899 = vector.extract %slice3A_898[0] : i32 from vector<1xi32>
      %dma_start3A_900 = tpu.memref_slice %arg12[%select_n3A_867, %mul3A_885] : memref<64x128xf32, #tpu.memory_space<vmem>> -> memref<1x32xf32, #tpu.memory_space<vmem>>
      %dma_start3A_901 = tpu.memref_squeeze %dma_start3A_900 : memref<1x32xf32, #tpu.memory_space<vmem>> -> memref<32xf32, #tpu.memory_space<vmem>>
      %dma_start3A_902 = arith.constant 0 : i32
      %dma_start3A_903 = tpu.memref_slice %arg5[%squeeze3A_899, %dma_start3A_902] : memref<1000000x32xf32, #tpu.memory_space<hbm>> -> memref<1x32xf32, #tpu.memory_space<hbm>>
      %dma_start3A_904 = tpu.memref_squeeze %dma_start3A_903 : memref<1x32xf32, #tpu.memory_space<hbm>> -> memref<32xf32, #tpu.memory_space<hbm>>
      %dma_start3A_905 = tpu.memref_slice %arg12[%select_n3A_867, %mul3A_885] : memref<64x128xf32, #tpu.memory_space<vmem>> -> memref<1x32xf32, #tpu.memory_space<vmem>>
      %dma_start3A_906 = tpu.memref_squeeze %dma_start3A_905 : memref<1x32xf32, #tpu.memory_space<vmem>> -> memref<32xf32, #tpu.memory_space<vmem>>
      %dma_start3A_907 = arith.constant 0 : i32
      %dma_start3A_908 = tpu.memref_slice %arg5[%squeeze3A_899, %dma_start3A_907] : memref<1000000x32xf32, #tpu.memory_space<hbm>> -> memref<1x32xf32, #tpu.memory_space<hbm>>
      %dma_start3A_909 = tpu.memref_squeeze %dma_start3A_908 : memref<1x32xf32, #tpu.memory_space<hbm>> -> memref<32xf32, #tpu.memory_space<hbm>>
      tpu.enqueue_dma source(%dma_start3A_909 : memref<32xf32, #tpu.memory_space<hbm>>) target(%dma_start3A_906 : memref<32xf32, #tpu.memory_space<vmem>>) target_semaphore(%arg15 : memref<!tpu.dma_semaphore, #tpu.memory_space<semaphore_mem>>)
      %mul3A_910 = arith.constant 16 : i32
      %mul3A_911 = arith.muli %scan3A_281, %mul3A_910 : i32
      %add3A_912 = arith.constant 9 : i32
      %add3A_913 = arith.addi %mul3A_911, %add3A_912 : i32
      %jit3A_914 = arith.constant 4 : i32
      %div3A_915 = arith.divsi %add3A_913, %jit3A_914 : i32
      %sign3A_916 = arith.constant 0 : i32
      %sign3A_917 = arith.cmpi sgt, %add3A_913, %sign3A_916 : i32
      %sign3A_918 = arith.extui %sign3A_917 : i1 to i32
      %sign3A_919 = arith.constant 0 : i32
      %sign3A_920 = arith.cmpi slt, %add3A_913, %sign3A_919 : i32
      %sign3A_921 = arith.extui %sign3A_920 : i1 to i32
      %sign3A_922 = arith.subi %sign3A_918, %sign3A_921 : i32
      %sign3A_923 = arith.constant 0 : i32
      %sign3A_924 = arith.cmpi sgt, %jit3A_914, %sign3A_923 : i32
      %sign3A_925 = arith.extui %sign3A_924 : i1 to i32
      %sign3A_926 = arith.constant 0 : i32
      %sign3A_927 = arith.cmpi slt, %jit3A_914, %sign3A_926 : i32
      %sign3A_928 = arith.extui %sign3A_927 : i1 to i32
      %sign3A_929 = arith.subi %sign3A_925, %sign3A_928 : i32
      %ne3A_930 = arith.cmpi ne, %sign3A_922, %sign3A_929 : i32
      %rem3A_931 = arith.remsi %add3A_913, %jit3A_914 : i32
      %ne3A_932 = arith.constant 0 : i32
      %ne3A_933 = arith.cmpi ne, %rem3A_931, %ne3A_932 : i32
      %and3A_934 = arith.andi %ne3A_930, %ne3A_933 : i1
      %sub3A_935 = arith.constant 1 : i32
      %sub3A_936 = arith.subi %div3A_915, %sub3A_935 : i32
      %select_n3A_937 = arith.select %and3A_934, %sub3A_936, %div3A_915 : i32
      %jit3A_938 = arith.constant 4 : i32
      %eq3A_939 = arith.constant 0 : i32
      %eq3A_940 = arith.cmpi eq, %jit3A_938, %eq3A_939 : i32
      %jit3A_941 = arith.constant 1 : i32
      %select_n3A_942 = arith.select %eq3A_940, %jit3A_941, %jit3A_938 : i32
      %rem3A_943 = arith.remsi %add3A_913, %select_n3A_942 : i32
      %ne3A_944 = arith.constant 0 : i32
      %ne3A_945 = arith.cmpi ne, %rem3A_943, %ne3A_944 : i32
      %lt3A_946 = arith.constant 0 : i32
      %lt3A_947 = arith.cmpi slt, %rem3A_943, %lt3A_946 : i32
      %lt3A_948 = arith.constant 0 : i32
      %lt3A_949 = arith.cmpi slt, %select_n3A_942, %lt3A_948 : i32
      %ne3A_950 = arith.xori %lt3A_947, %lt3A_949 : i1
      %and3A_951 = arith.andi %ne3A_950, %ne3A_945 : i1
      %add3A_952 = arith.addi %rem3A_943, %select_n3A_942 : i32
      %select_n3A_953 = arith.select %and3A_951, %add3A_952, %rem3A_943 : i32
      %mul3A_954 = arith.constant 32 : i32
      %mul3A_955 = arith.muli %select_n3A_953, %mul3A_954 : i32
      %slice3A_956 = vector.extract_strided_slice %get3A_286 {offsets = [9], sizes = [1], strides = [1]} : vector<16xi32> to vector<1xi32>
      %squeeze3A_957 = vector.extract %slice3A_956[0] : i32 from vector<1xi32>
      %dma_start3A_958 = tpu.memref_slice %arg11[%select_n3A_937, %mul3A_955] : memref<64x128xf32, #tpu.memory_space<vmem>> -> memref<1x32xf32, #tpu.memory_space<vmem>>
      %dma_start3A_959 = tpu.memref_squeeze %dma_start3A_958 : memref<1x32xf32, #tpu.memory_space<vmem>> -> memref<32xf32, #tpu.memory_space<vmem>>
      %dma_start3A_960 = arith.constant 0 : i32
      %dma_start3A_961 = tpu.memref_slice %arg4[%squeeze3A_957, %dma_start3A_960] : memref<1000000x32xf32, #tpu.memory_space<hbm>> -> memref<1x32xf32, #tpu.memory_space<hbm>>
      %dma_start3A_962 = tpu.memref_squeeze %dma_start3A_961 : memref<1x32xf32, #tpu.memory_space<hbm>> -> memref<32xf32, #tpu.memory_space<hbm>>
      %dma_start3A_963 = tpu.memref_slice %arg11[%select_n3A_937, %mul3A_955] : memref<64x128xf32, #tpu.memory_space<vmem>> -> memref<1x32xf32, #tpu.memory_space<vmem>>
      %dma_start3A_964 = tpu.memref_squeeze %dma_start3A_963 : memref<1x32xf32, #tpu.memory_space<vmem>> -> memref<32xf32, #tpu.memory_space<vmem>>
      %dma_start3A_965 = arith.constant 0 : i32
      %dma_start3A_966 = tpu.memref_slice %arg4[%squeeze3A_957, %dma_start3A_965] : memref<1000000x32xf32, #tpu.memory_space<hbm>> -> memref<1x32xf32, #tpu.memory_space<hbm>>
      %dma_start3A_967 = tpu.memref_squeeze %dma_start3A_966 : memref<1x32xf32, #tpu.memory_space<hbm>> -> memref<32xf32, #tpu.memory_space<hbm>>
      tpu.enqueue_dma source(%dma_start3A_967 : memref<32xf32, #tpu.memory_space<hbm>>) target(%dma_start3A_964 : memref<32xf32, #tpu.memory_space<vmem>>) target_semaphore(%arg15 : memref<!tpu.dma_semaphore, #tpu.memory_space<semaphore_mem>>)
      %slice3A_968 = vector.extract_strided_slice %get3A_292 {offsets = [9], sizes = [1], strides = [1]} : vector<16xi32> to vector<1xi32>
      %squeeze3A_969 = vector.extract %slice3A_968[0] : i32 from vector<1xi32>
      %dma_start3A_970 = tpu.memref_slice %arg12[%select_n3A_937, %mul3A_955] : memref<64x128xf32, #tpu.memory_space<vmem>> -> memref<1x32xf32, #tpu.memory_space<vmem>>
      %dma_start3A_971 = tpu.memref_squeeze %dma_start3A_970 : memref<1x32xf32, #tpu.memory_space<vmem>> -> memref<32xf32, #tpu.memory_space<vmem>>
      %dma_start3A_972 = arith.constant 0 : i32
      %dma_start3A_973 = tpu.memref_slice %arg5[%squeeze3A_969, %dma_start3A_972] : memref<1000000x32xf32, #tpu.memory_space<hbm>> -> memref<1x32xf32, #tpu.memory_space<hbm>>
      %dma_start3A_974 = tpu.memref_squeeze %dma_start3A_973 : memref<1x32xf32, #tpu.memory_space<hbm>> -> memref<32xf32, #tpu.memory_space<hbm>>
      %dma_start3A_975 = tpu.memref_slice %arg12[%select_n3A_937, %mul3A_955] : memref<64x128xf32, #tpu.memory_space<vmem>> -> memref<1x32xf32, #tpu.memory_space<vmem>>
      %dma_start3A_976 = tpu.memref_squeeze %dma_start3A_975 : memref<1x32xf32, #tpu.memory_space<vmem>> -> memref<32xf32, #tpu.memory_space<vmem>>
      %dma_start3A_977 = arith.constant 0 : i32
      %dma_start3A_978 = tpu.memref_slice %arg5[%squeeze3A_969, %dma_start3A_977] : memref<1000000x32xf32, #tpu.memory_space<hbm>> -> memref<1x32xf32, #tpu.memory_space<hbm>>
      %dma_start3A_979 = tpu.memref_squeeze %dma_start3A_978 : memref<1x32xf32, #tpu.memory_space<hbm>> -> memref<32xf32, #tpu.memory_space<hbm>>
      tpu.enqueue_dma source(%dma_start3A_979 : memref<32xf32, #tpu.memory_space<hbm>>) target(%dma_start3A_976 : memref<32xf32, #tpu.memory_space<vmem>>) target_semaphore(%arg15 : memref<!tpu.dma_semaphore, #tpu.memory_space<semaphore_mem>>)
      %mul3A_980 = arith.constant 16 : i32
      %mul3A_981 = arith.muli %scan3A_281, %mul3A_980 : i32
      %add3A_982 = arith.constant 10 : i32
      %add3A_983 = arith.addi %mul3A_981, %add3A_982 : i32
      %jit3A_984 = arith.constant 4 : i32
      %div3A_985 = arith.divsi %add3A_983, %jit3A_984 : i32
      %sign3A_986 = arith.constant 0 : i32
      %sign3A_987 = arith.cmpi sgt, %add3A_983, %sign3A_986 : i32
      %sign3A_988 = arith.extui %sign3A_987 : i1 to i32
      %sign3A_989 = arith.constant 0 : i32
      %sign3A_990 = arith.cmpi slt, %add3A_983, %sign3A_989 : i32
      %sign3A_991 = arith.extui %sign3A_990 : i1 to i32
      %sign3A_992 = arith.subi %sign3A_988, %sign3A_991 : i32
      %sign3A_993 = arith.constant 0 : i32
      %sign3A_994 = arith.cmpi sgt, %jit3A_984, %sign3A_993 : i32
      %sign3A_995 = arith.extui %sign3A_994 : i1 to i32
      %sign3A_996 = arith.constant 0 : i32
      %sign3A_997 = arith.cmpi slt, %jit3A_984, %sign3A_996 : i32
      %sign3A_998 = arith.extui %sign3A_997 : i1 to i32
      %sign3A_999 = arith.subi %sign3A_995, %sign3A_998 : i32
      %ne3A_1000 = arith.cmpi ne, %sign3A_992, %sign3A_999 : i32
      %rem3A_1001 = arith.remsi %add3A_983, %jit3A_984 : i32
      %ne3A_1002 = arith.constant 0 : i32
      %ne3A_1003 = arith.cmpi ne, %rem3A_1001, %ne3A_1002 : i32
      %and3A_1004 = arith.andi %ne3A_1000, %ne3A_1003 : i1
      %sub3A_1005 = arith.constant 1 : i32
      %sub3A_1006 = arith.subi %div3A_985, %sub3A_1005 : i32
      %select_n3A_1007 = arith.select %and3A_1004, %sub3A_1006, %div3A_985 : i32
      %jit3A_1008 = arith.constant 4 : i32
      %eq3A_1009 = arith.constant 0 : i32
      %eq3A_1010 = arith.cmpi eq, %jit3A_1008, %eq3A_1009 : i32
      %jit3A_1011 = arith.constant 1 : i32
      %select_n3A_1012 = arith.select %eq3A_1010, %jit3A_1011, %jit3A_1008 : i32
      %rem3A_1013 = arith.remsi %add3A_983, %select_n3A_1012 : i32
      %ne3A_1014 = arith.constant 0 : i32
      %ne3A_1015 = arith.cmpi ne, %rem3A_1013, %ne3A_1014 : i32
      %lt3A_1016 = arith.constant 0 : i32
      %lt3A_1017 = arith.cmpi slt, %rem3A_1013, %lt3A_1016 : i32
      %lt3A_1018 = arith.constant 0 : i32
      %lt3A_1019 = arith.cmpi slt, %select_n3A_1012, %lt3A_1018 : i32
      %ne3A_1020 = arith.xori %lt3A_1017, %lt3A_1019 : i1
      %and3A_1021 = arith.andi %ne3A_1020, %ne3A_1015 : i1
      %add3A_1022 = arith.addi %rem3A_1013, %select_n3A_1012 : i32
      %select_n3A_1023 = arith.select %and3A_1021, %add3A_1022, %rem3A_1013 : i32
      %mul3A_1024 = arith.constant 32 : i32
      %mul3A_1025 = arith.muli %select_n3A_1023, %mul3A_1024 : i32
      %slice3A_1026 = vector.extract_strided_slice %get3A_286 {offsets = [10], sizes = [1], strides = [1]} : vector<16xi32> to vector<1xi32>
      %squeeze3A_1027 = vector.extract %slice3A_1026[0] : i32 from vector<1xi32>
      %dma_start3A_1028 = tpu.memref_slice %arg11[%select_n3A_1007, %mul3A_1025] : memref<64x128xf32, #tpu.memory_space<vmem>> -> memref<1x32xf32, #tpu.memory_space<vmem>>
      %dma_start3A_1029 = tpu.memref_squeeze %dma_start3A_1028 : memref<1x32xf32, #tpu.memory_space<vmem>> -> memref<32xf32, #tpu.memory_space<vmem>>
      %dma_start3A_1030 = arith.constant 0 : i32
      %dma_start3A_1031 = tpu.memref_slice %arg4[%squeeze3A_1027, %dma_start3A_1030] : memref<1000000x32xf32, #tpu.memory_space<hbm>> -> memref<1x32xf32, #tpu.memory_space<hbm>>
      %dma_start3A_1032 = tpu.memref_squeeze %dma_start3A_1031 : memref<1x32xf32, #tpu.memory_space<hbm>> -> memref<32xf32, #tpu.memory_space<hbm>>
      %dma_start3A_1033 = tpu.memref_slice %arg11[%select_n3A_1007, %mul3A_1025] : memref<64x128xf32, #tpu.memory_space<vmem>> -> memref<1x32xf32, #tpu.memory_space<vmem>>
      %dma_start3A_1034 = tpu.memref_squeeze %dma_start3A_1033 : memref<1x32xf32, #tpu.memory_space<vmem>> -> memref<32xf32, #tpu.memory_space<vmem>>
      %dma_start3A_1035 = arith.constant 0 : i32
      %dma_start3A_1036 = tpu.memref_slice %arg4[%squeeze3A_1027, %dma_start3A_1035] : memref<1000000x32xf32, #tpu.memory_space<hbm>> -> memref<1x32xf32, #tpu.memory_space<hbm>>
      %dma_start3A_1037 = tpu.memref_squeeze %dma_start3A_1036 : memref<1x32xf32, #tpu.memory_space<hbm>> -> memref<32xf32, #tpu.memory_space<hbm>>
      tpu.enqueue_dma source(%dma_start3A_1037 : memref<32xf32, #tpu.memory_space<hbm>>) target(%dma_start3A_1034 : memref<32xf32, #tpu.memory_space<vmem>>) target_semaphore(%arg15 : memref<!tpu.dma_semaphore, #tpu.memory_space<semaphore_mem>>)
      %slice3A_1038 = vector.extract_strided_slice %get3A_292 {offsets = [10], sizes = [1], strides = [1]} : vector<16xi32> to vector<1xi32>
      %squeeze3A_1039 = vector.extract %slice3A_1038[0] : i32 from vector<1xi32>
      %dma_start3A_1040 = tpu.memref_slice %arg12[%select_n3A_1007, %mul3A_1025] : memref<64x128xf32, #tpu.memory_space<vmem>> -> memref<1x32xf32, #tpu.memory_space<vmem>>
      %dma_start3A_1041 = tpu.memref_squeeze %dma_start3A_1040 : memref<1x32xf32, #tpu.memory_space<vmem>> -> memref<32xf32, #tpu.memory_space<vmem>>
      %dma_start3A_1042 = arith.constant 0 : i32
      %dma_start3A_1043 = tpu.memref_slice %arg5[%squeeze3A_1039, %dma_start3A_1042] : memref<1000000x32xf32, #tpu.memory_space<hbm>> -> memref<1x32xf32, #tpu.memory_space<hbm>>
      %dma_start3A_1044 = tpu.memref_squeeze %dma_start3A_1043 : memref<1x32xf32, #tpu.memory_space<hbm>> -> memref<32xf32, #tpu.memory_space<hbm>>
      %dma_start3A_1045 = tpu.memref_slice %arg12[%select_n3A_1007, %mul3A_1025] : memref<64x128xf32, #tpu.memory_space<vmem>> -> memref<1x32xf32, #tpu.memory_space<vmem>>
      %dma_start3A_1046 = tpu.memref_squeeze %dma_start3A_1045 : memref<1x32xf32, #tpu.memory_space<vmem>> -> memref<32xf32, #tpu.memory_space<vmem>>
      %dma_start3A_1047 = arith.constant 0 : i32
      %dma_start3A_1048 = tpu.memref_slice %arg5[%squeeze3A_1039, %dma_start3A_1047] : memref<1000000x32xf32, #tpu.memory_space<hbm>> -> memref<1x32xf32, #tpu.memory_space<hbm>>
      %dma_start3A_1049 = tpu.memref_squeeze %dma_start3A_1048 : memref<1x32xf32, #tpu.memory_space<hbm>> -> memref<32xf32, #tpu.memory_space<hbm>>
      tpu.enqueue_dma source(%dma_start3A_1049 : memref<32xf32, #tpu.memory_space<hbm>>) target(%dma_start3A_1046 : memref<32xf32, #tpu.memory_space<vmem>>) target_semaphore(%arg15 : memref<!tpu.dma_semaphore, #tpu.memory_space<semaphore_mem>>)
      %mul3A_1050 = arith.constant 16 : i32
      %mul3A_1051 = arith.muli %scan3A_281, %mul3A_1050 : i32
      %add3A_1052 = arith.constant 11 : i32
      %add3A_1053 = arith.addi %mul3A_1051, %add3A_1052 : i32
      %jit3A_1054 = arith.constant 4 : i32
      %div3A_1055 = arith.divsi %add3A_1053, %jit3A_1054 : i32
      %sign3A_1056 = arith.constant 0 : i32
      %sign3A_1057 = arith.cmpi sgt, %add3A_1053, %sign3A_1056 : i32
      %sign3A_1058 = arith.extui %sign3A_1057 : i1 to i32
      %sign3A_1059 = arith.constant 0 : i32
      %sign3A_1060 = arith.cmpi slt, %add3A_1053, %sign3A_1059 : i32
      %sign3A_1061 = arith.extui %sign3A_1060 : i1 to i32
      %sign3A_1062 = arith.subi %sign3A_1058, %sign3A_1061 : i32
      %sign3A_1063 = arith.constant 0 : i32
      %sign3A_1064 = arith.cmpi sgt, %jit3A_1054, %sign3A_1063 : i32
      %sign3A_1065 = arith.extui %sign3A_1064 : i1 to i32
      %sign3A_1066 = arith.constant 0 : i32
      %sign3A_1067 = arith.cmpi slt, %jit3A_1054, %sign3A_1066 : i32
      %sign3A_1068 = arith.extui %sign3A_1067 : i1 to i32
      %sign3A_1069 = arith.subi %sign3A_1065, %sign3A_1068 : i32
      %ne3A_1070 = arith.cmpi ne, %sign3A_1062, %sign3A_1069 : i32
      %rem3A_1071 = arith.remsi %add3A_1053, %jit3A_1054 : i32
      %ne3A_1072 = arith.constant 0 : i32
      %ne3A_1073 = arith.cmpi ne, %rem3A_1071, %ne3A_1072 : i32
      %and3A_1074 = arith.andi %ne3A_1070, %ne3A_1073 : i1
      %sub3A_1075 = arith.constant 1 : i32
      %sub3A_1076 = arith.subi %div3A_1055, %sub3A_1075 : i32
      %select_n3A_1077 = arith.select %and3A_1074, %sub3A_1076, %div3A_1055 : i32
      %jit3A_1078 = arith.constant 4 : i32
      %eq3A_1079 = arith.constant 0 : i32
      %eq3A_1080 = arith.cmpi eq, %jit3A_1078, %eq3A_1079 : i32
      %jit3A_1081 = arith.constant 1 : i32
      %select_n3A_1082 = arith.select %eq3A_1080, %jit3A_1081, %jit3A_1078 : i32
      %rem3A_1083 = arith.remsi %add3A_1053, %select_n3A_1082 : i32
      %ne3A_1084 = arith.constant 0 : i32
      %ne3A_1085 = arith.cmpi ne, %rem3A_1083, %ne3A_1084 : i32
      %lt3A_1086 = arith.constant 0 : i32
      %lt3A_1087 = arith.cmpi slt, %rem3A_1083, %lt3A_1086 : i32
      %lt3A_1088 = arith.constant 0 : i32
      %lt3A_1089 = arith.cmpi slt, %select_n3A_1082, %lt3A_1088 : i32
      %ne3A_1090 = arith.xori %lt3A_1087, %lt3A_1089 : i1
      %and3A_1091 = arith.andi %ne3A_1090, %ne3A_1085 : i1
      %add3A_1092 = arith.addi %rem3A_1083, %select_n3A_1082 : i32
      %select_n3A_1093 = arith.select %and3A_1091, %add3A_1092, %rem3A_1083 : i32
      %mul3A_1094 = arith.constant 32 : i32
      %mul3A_1095 = arith.muli %select_n3A_1093, %mul3A_1094 : i32
      %slice3A_1096 = vector.extract_strided_slice %get3A_286 {offsets = [11], sizes = [1], strides = [1]} : vector<16xi32> to vector<1xi32>
      %squeeze3A_1097 = vector.extract %slice3A_1096[0] : i32 from vector<1xi32>
      %dma_start3A_1098 = tpu.memref_slice %arg11[%select_n3A_1077, %mul3A_1095] : memref<64x128xf32, #tpu.memory_space<vmem>> -> memref<1x32xf32, #tpu.memory_space<vmem>>
      %dma_start3A_1099 = tpu.memref_squeeze %dma_start3A_1098 : memref<1x32xf32, #tpu.memory_space<vmem>> -> memref<32xf32, #tpu.memory_space<vmem>>
      %dma_start3A_1100 = arith.constant 0 : i32
      %dma_start3A_1101 = tpu.memref_slice %arg4[%squeeze3A_1097, %dma_start3A_1100] : memref<1000000x32xf32, #tpu.memory_space<hbm>> -> memref<1x32xf32, #tpu.memory_space<hbm>>
      %dma_start3A_1102 = tpu.memref_squeeze %dma_start3A_1101 : memref<1x32xf32, #tpu.memory_space<hbm>> -> memref<32xf32, #tpu.memory_space<hbm>>
      %dma_start3A_1103 = tpu.memref_slice %arg11[%select_n3A_1077, %mul3A_1095] : memref<64x128xf32, #tpu.memory_space<vmem>> -> memref<1x32xf32, #tpu.memory_space<vmem>>
      %dma_start3A_1104 = tpu.memref_squeeze %dma_start3A_1103 : memref<1x32xf32, #tpu.memory_space<vmem>> -> memref<32xf32, #tpu.memory_space<vmem>>
      %dma_start3A_1105 = arith.constant 0 : i32
      %dma_start3A_1106 = tpu.memref_slice %arg4[%squeeze3A_1097, %dma_start3A_1105] : memref<1000000x32xf32, #tpu.memory_space<hbm>> -> memref<1x32xf32, #tpu.memory_space<hbm>>
      %dma_start3A_1107 = tpu.memref_squeeze %dma_start3A_1106 : memref<1x32xf32, #tpu.memory_space<hbm>> -> memref<32xf32, #tpu.memory_space<hbm>>
      tpu.enqueue_dma source(%dma_start3A_1107 : memref<32xf32, #tpu.memory_space<hbm>>) target(%dma_start3A_1104 : memref<32xf32, #tpu.memory_space<vmem>>) target_semaphore(%arg15 : memref<!tpu.dma_semaphore, #tpu.memory_space<semaphore_mem>>)
      %slice3A_1108 = vector.extract_strided_slice %get3A_292 {offsets = [11], sizes = [1], strides = [1]} : vector<16xi32> to vector<1xi32>
      %squeeze3A_1109 = vector.extract %slice3A_1108[0] : i32 from vector<1xi32>
      %dma_start3A_1110 = tpu.memref_slice %arg12[%select_n3A_1077, %mul3A_1095] : memref<64x128xf32, #tpu.memory_space<vmem>> -> memref<1x32xf32, #tpu.memory_space<vmem>>
      %dma_start3A_1111 = tpu.memref_squeeze %dma_start3A_1110 : memref<1x32xf32, #tpu.memory_space<vmem>> -> memref<32xf32, #tpu.memory_space<vmem>>
      %dma_start3A_1112 = arith.constant 0 : i32
      %dma_start3A_1113 = tpu.memref_slice %arg5[%squeeze3A_1109, %dma_start3A_1112] : memref<1000000x32xf32, #tpu.memory_space<hbm>> -> memref<1x32xf32, #tpu.memory_space<hbm>>
      %dma_start3A_1114 = tpu.memref_squeeze %dma_start3A_1113 : memref<1x32xf32, #tpu.memory_space<hbm>> -> memref<32xf32, #tpu.memory_space<hbm>>
      %dma_start3A_1115 = tpu.memref_slice %arg12[%select_n3A_1077, %mul3A_1095] : memref<64x128xf32, #tpu.memory_space<vmem>> -> memref<1x32xf32, #tpu.memory_space<vmem>>
      %dma_start3A_1116 = tpu.memref_squeeze %dma_start3A_1115 : memref<1x32xf32, #tpu.memory_space<vmem>> -> memref<32xf32, #tpu.memory_space<vmem>>
      %dma_start3A_1117 = arith.constant 0 : i32
      %dma_start3A_1118 = tpu.memref_slice %arg5[%squeeze3A_1109, %dma_start3A_1117] : memref<1000000x32xf32, #tpu.memory_space<hbm>> -> memref<1x32xf32, #tpu.memory_space<hbm>>
      %dma_start3A_1119 = tpu.memref_squeeze %dma_start3A_1118 : memref<1x32xf32, #tpu.memory_space<hbm>> -> memref<32xf32, #tpu.memory_space<hbm>>
      tpu.enqueue_dma source(%dma_start3A_1119 : memref<32xf32, #tpu.memory_space<hbm>>) target(%dma_start3A_1116 : memref<32xf32, #tpu.memory_space<vmem>>) target_semaphore(%arg15 : memref<!tpu.dma_semaphore, #tpu.memory_space<semaphore_mem>>)
      %mul3A_1120 = arith.constant 16 : i32
      %mul3A_1121 = arith.muli %scan3A_281, %mul3A_1120 : i32
      %add3A_1122 = arith.constant 12 : i32
      %add3A_1123 = arith.addi %mul3A_1121, %add3A_1122 : i32
      %jit3A_1124 = arith.constant 4 : i32
      %div3A_1125 = arith.divsi %add3A_1123, %jit3A_1124 : i32
      %sign3A_1126 = arith.constant 0 : i32
      %sign3A_1127 = arith.cmpi sgt, %add3A_1123, %sign3A_1126 : i32
      %sign3A_1128 = arith.extui %sign3A_1127 : i1 to i32
      %sign3A_1129 = arith.constant 0 : i32
      %sign3A_1130 = arith.cmpi slt, %add3A_1123, %sign3A_1129 : i32
      %sign3A_1131 = arith.extui %sign3A_1130 : i1 to i32
      %sign3A_1132 = arith.subi %sign3A_1128, %sign3A_1131 : i32
      %sign3A_1133 = arith.constant 0 : i32
      %sign3A_1134 = arith.cmpi sgt, %jit3A_1124, %sign3A_1133 : i32
      %sign3A_1135 = arith.extui %sign3A_1134 : i1 to i32
      %sign3A_1136 = arith.constant 0 : i32
      %sign3A_1137 = arith.cmpi slt, %jit3A_1124, %sign3A_1136 : i32
      %sign3A_1138 = arith.extui %sign3A_1137 : i1 to i32
      %sign3A_1139 = arith.subi %sign3A_1135, %sign3A_1138 : i32
      %ne3A_1140 = arith.cmpi ne, %sign3A_1132, %sign3A_1139 : i32
      %rem3A_1141 = arith.remsi %add3A_1123, %jit3A_1124 : i32
      %ne3A_1142 = arith.constant 0 : i32
      %ne3A_1143 = arith.cmpi ne, %rem3A_1141, %ne3A_1142 : i32
      %and3A_1144 = arith.andi %ne3A_1140, %ne3A_1143 : i1
      %sub3A_1145 = arith.constant 1 : i32
      %sub3A_1146 = arith.subi %div3A_1125, %sub3A_1145 : i32
      %select_n3A_1147 = arith.select %and3A_1144, %sub3A_1146, %div3A_1125 : i32
      %jit3A_1148 = arith.constant 4 : i32
      %eq3A_1149 = arith.constant 0 : i32
      %eq3A_1150 = arith.cmpi eq, %jit3A_1148, %eq3A_1149 : i32
      %jit3A_1151 = arith.constant 1 : i32
      %select_n3A_1152 = arith.select %eq3A_1150, %jit3A_1151, %jit3A_1148 : i32
      %rem3A_1153 = arith.remsi %add3A_1123, %select_n3A_1152 : i32
      %ne3A_1154 = arith.constant 0 : i32
      %ne3A_1155 = arith.cmpi ne, %rem3A_1153, %ne3A_1154 : i32
      %lt3A_1156 = arith.constant 0 : i32
      %lt3A_1157 = arith.cmpi slt, %rem3A_1153, %lt3A_1156 : i32
      %lt3A_1158 = arith.constant 0 : i32
      %lt3A_1159 = arith.cmpi slt, %select_n3A_1152, %lt3A_1158 : i32
      %ne3A_1160 = arith.xori %lt3A_1157, %lt3A_1159 : i1
      %and3A_1161 = arith.andi %ne3A_1160, %ne3A_1155 : i1
      %add3A_1162 = arith.addi %rem3A_1153, %select_n3A_1152 : i32
      %select_n3A_1163 = arith.select %and3A_1161, %add3A_1162, %rem3A_1153 : i32
      %mul3A_1164 = arith.constant 32 : i32
      %mul3A_1165 = arith.muli %select_n3A_1163, %mul3A_1164 : i32
      %slice3A_1166 = vector.extract_strided_slice %get3A_286 {offsets = [12], sizes = [1], strides = [1]} : vector<16xi32> to vector<1xi32>
      %squeeze3A_1167 = vector.extract %slice3A_1166[0] : i32 from vector<1xi32>
      %dma_start3A_1168 = tpu.memref_slice %arg11[%select_n3A_1147, %mul3A_1165] : memref<64x128xf32, #tpu.memory_space<vmem>> -> memref<1x32xf32, #tpu.memory_space<vmem>>
      %dma_start3A_1169 = tpu.memref_squeeze %dma_start3A_1168 : memref<1x32xf32, #tpu.memory_space<vmem>> -> memref<32xf32, #tpu.memory_space<vmem>>
      %dma_start3A_1170 = arith.constant 0 : i32
      %dma_start3A_1171 = tpu.memref_slice %arg4[%squeeze3A_1167, %dma_start3A_1170] : memref<1000000x32xf32, #tpu.memory_space<hbm>> -> memref<1x32xf32, #tpu.memory_space<hbm>>
      %dma_start3A_1172 = tpu.memref_squeeze %dma_start3A_1171 : memref<1x32xf32, #tpu.memory_space<hbm>> -> memref<32xf32, #tpu.memory_space<hbm>>
      %dma_start3A_1173 = tpu.memref_slice %arg11[%select_n3A_1147, %mul3A_1165] : memref<64x128xf32, #tpu.memory_space<vmem>> -> memref<1x32xf32, #tpu.memory_space<vmem>>
      %dma_start3A_1174 = tpu.memref_squeeze %dma_start3A_1173 : memref<1x32xf32, #tpu.memory_space<vmem>> -> memref<32xf32, #tpu.memory_space<vmem>>
      %dma_start3A_1175 = arith.constant 0 : i32
      %dma_start3A_1176 = tpu.memref_slice %arg4[%squeeze3A_1167, %dma_start3A_1175] : memref<1000000x32xf32, #tpu.memory_space<hbm>> -> memref<1x32xf32, #tpu.memory_space<hbm>>
      %dma_start3A_1177 = tpu.memref_squeeze %dma_start3A_1176 : memref<1x32xf32, #tpu.memory_space<hbm>> -> memref<32xf32, #tpu.memory_space<hbm>>
      tpu.enqueue_dma source(%dma_start3A_1177 : memref<32xf32, #tpu.memory_space<hbm>>) target(%dma_start3A_1174 : memref<32xf32, #tpu.memory_space<vmem>>) target_semaphore(%arg15 : memref<!tpu.dma_semaphore, #tpu.memory_space<semaphore_mem>>)
      %slice3A_1178 = vector.extract_strided_slice %get3A_292 {offsets = [12], sizes = [1], strides = [1]} : vector<16xi32> to vector<1xi32>
      %squeeze3A_1179 = vector.extract %slice3A_1178[0] : i32 from vector<1xi32>
      %dma_start3A_1180 = tpu.memref_slice %arg12[%select_n3A_1147, %mul3A_1165] : memref<64x128xf32, #tpu.memory_space<vmem>> -> memref<1x32xf32, #tpu.memory_space<vmem>>
      %dma_start3A_1181 = tpu.memref_squeeze %dma_start3A_1180 : memref<1x32xf32, #tpu.memory_space<vmem>> -> memref<32xf32, #tpu.memory_space<vmem>>
      %dma_start3A_1182 = arith.constant 0 : i32
      %dma_start3A_1183 = tpu.memref_slice %arg5[%squeeze3A_1179, %dma_start3A_1182] : memref<1000000x32xf32, #tpu.memory_space<hbm>> -> memref<1x32xf32, #tpu.memory_space<hbm>>
      %dma_start3A_1184 = tpu.memref_squeeze %dma_start3A_1183 : memref<1x32xf32, #tpu.memory_space<hbm>> -> memref<32xf32, #tpu.memory_space<hbm>>
      %dma_start3A_1185 = tpu.memref_slice %arg12[%select_n3A_1147, %mul3A_1165] : memref<64x128xf32, #tpu.memory_space<vmem>> -> memref<1x32xf32, #tpu.memory_space<vmem>>
      %dma_start3A_1186 = tpu.memref_squeeze %dma_start3A_1185 : memref<1x32xf32, #tpu.memory_space<vmem>> -> memref<32xf32, #tpu.memory_space<vmem>>
      %dma_start3A_1187 = arith.constant 0 : i32
      %dma_start3A_1188 = tpu.memref_slice %arg5[%squeeze3A_1179, %dma_start3A_1187] : memref<1000000x32xf32, #tpu.memory_space<hbm>> -> memref<1x32xf32, #tpu.memory_space<hbm>>
      %dma_start3A_1189 = tpu.memref_squeeze %dma_start3A_1188 : memref<1x32xf32, #tpu.memory_space<hbm>> -> memref<32xf32, #tpu.memory_space<hbm>>
      tpu.enqueue_dma source(%dma_start3A_1189 : memref<32xf32, #tpu.memory_space<hbm>>) target(%dma_start3A_1186 : memref<32xf32, #tpu.memory_space<vmem>>) target_semaphore(%arg15 : memref<!tpu.dma_semaphore, #tpu.memory_space<semaphore_mem>>)
      %mul3A_1190 = arith.constant 16 : i32
      %mul3A_1191 = arith.muli %scan3A_281, %mul3A_1190 : i32
      %add3A_1192 = arith.constant 13 : i32
      %add3A_1193 = arith.addi %mul3A_1191, %add3A_1192 : i32
      %jit3A_1194 = arith.constant 4 : i32
      %div3A_1195 = arith.divsi %add3A_1193, %jit3A_1194 : i32
      %sign3A_1196 = arith.constant 0 : i32
      %sign3A_1197 = arith.cmpi sgt, %add3A_1193, %sign3A_1196 : i32
      %sign3A_1198 = arith.extui %sign3A_1197 : i1 to i32
      %sign3A_1199 = arith.constant 0 : i32
      %sign3A_1200 = arith.cmpi slt, %add3A_1193, %sign3A_1199 : i32
      %sign3A_1201 = arith.extui %sign3A_1200 : i1 to i32
      %sign3A_1202 = arith.subi %sign3A_1198, %sign3A_1201 : i32
      %sign3A_1203 = arith.constant 0 : i32
      %sign3A_1204 = arith.cmpi sgt, %jit3A_1194, %sign3A_1203 : i32
      %sign3A_1205 = arith.extui %sign3A_1204 : i1 to i32
      %sign3A_1206 = arith.constant 0 : i32
      %sign3A_1207 = arith.cmpi slt, %jit3A_1194, %sign3A_1206 : i32
      %sign3A_1208 = arith.extui %sign3A_1207 : i1 to i32
      %sign3A_1209 = arith.subi %sign3A_1205, %sign3A_1208 : i32
      %ne3A_1210 = arith.cmpi ne, %sign3A_1202, %sign3A_1209 : i32
      %rem3A_1211 = arith.remsi %add3A_1193, %jit3A_1194 : i32
      %ne3A_1212 = arith.constant 0 : i32
      %ne3A_1213 = arith.cmpi ne, %rem3A_1211, %ne3A_1212 : i32
      %and3A_1214 = arith.andi %ne3A_1210, %ne3A_1213 : i1
      %sub3A_1215 = arith.constant 1 : i32
      %sub3A_1216 = arith.subi %div3A_1195, %sub3A_1215 : i32
      %select_n3A_1217 = arith.select %and3A_1214, %sub3A_1216, %div3A_1195 : i32
      %jit3A_1218 = arith.constant 4 : i32
      %eq3A_1219 = arith.constant 0 : i32
      %eq3A_1220 = arith.cmpi eq, %jit3A_1218, %eq3A_1219 : i32
      %jit3A_1221 = arith.constant 1 : i32
      %select_n3A_1222 = arith.select %eq3A_1220, %jit3A_1221, %jit3A_1218 : i32
      %rem3A_1223 = arith.remsi %add3A_1193, %select_n3A_1222 : i32
      %ne3A_1224 = arith.constant 0 : i32
      %ne3A_1225 = arith.cmpi ne, %rem3A_1223, %ne3A_1224 : i32
      %lt3A_1226 = arith.constant 0 : i32
      %lt3A_1227 = arith.cmpi slt, %rem3A_1223, %lt3A_1226 : i32
      %lt3A_1228 = arith.constant 0 : i32
      %lt3A_1229 = arith.cmpi slt, %select_n3A_1222, %lt3A_1228 : i32
      %ne3A_1230 = arith.xori %lt3A_1227, %lt3A_1229 : i1
      %and3A_1231 = arith.andi %ne3A_1230, %ne3A_1225 : i1
      %add3A_1232 = arith.addi %rem3A_1223, %select_n3A_1222 : i32
      %select_n3A_1233 = arith.select %and3A_1231, %add3A_1232, %rem3A_1223 : i32
      %mul3A_1234 = arith.constant 32 : i32
      %mul3A_1235 = arith.muli %select_n3A_1233, %mul3A_1234 : i32
      %slice3A_1236 = vector.extract_strided_slice %get3A_286 {offsets = [13], sizes = [1], strides = [1]} : vector<16xi32> to vector<1xi32>
      %squeeze3A_1237 = vector.extract %slice3A_1236[0] : i32 from vector<1xi32>
      %dma_start3A_1238 = tpu.memref_slice %arg11[%select_n3A_1217, %mul3A_1235] : memref<64x128xf32, #tpu.memory_space<vmem>> -> memref<1x32xf32, #tpu.memory_space<vmem>>
      %dma_start3A_1239 = tpu.memref_squeeze %dma_start3A_1238 : memref<1x32xf32, #tpu.memory_space<vmem>> -> memref<32xf32, #tpu.memory_space<vmem>>
      %dma_start3A_1240 = arith.constant 0 : i32
      %dma_start3A_1241 = tpu.memref_slice %arg4[%squeeze3A_1237, %dma_start3A_1240] : memref<1000000x32xf32, #tpu.memory_space<hbm>> -> memref<1x32xf32, #tpu.memory_space<hbm>>
      %dma_start3A_1242 = tpu.memref_squeeze %dma_start3A_1241 : memref<1x32xf32, #tpu.memory_space<hbm>> -> memref<32xf32, #tpu.memory_space<hbm>>
      %dma_start3A_1243 = tpu.memref_slice %arg11[%select_n3A_1217, %mul3A_1235] : memref<64x128xf32, #tpu.memory_space<vmem>> -> memref<1x32xf32, #tpu.memory_space<vmem>>
      %dma_start3A_1244 = tpu.memref_squeeze %dma_start3A_1243 : memref<1x32xf32, #tpu.memory_space<vmem>> -> memref<32xf32, #tpu.memory_space<vmem>>
      %dma_start3A_1245 = arith.constant 0 : i32
      %dma_start3A_1246 = tpu.memref_slice %arg4[%squeeze3A_1237, %dma_start3A_1245] : memref<1000000x32xf32, #tpu.memory_space<hbm>> -> memref<1x32xf32, #tpu.memory_space<hbm>>
      %dma_start3A_1247 = tpu.memref_squeeze %dma_start3A_1246 : memref<1x32xf32, #tpu.memory_space<hbm>> -> memref<32xf32, #tpu.memory_space<hbm>>
      tpu.enqueue_dma source(%dma_start3A_1247 : memref<32xf32, #tpu.memory_space<hbm>>) target(%dma_start3A_1244 : memref<32xf32, #tpu.memory_space<vmem>>) target_semaphore(%arg15 : memref<!tpu.dma_semaphore, #tpu.memory_space<semaphore_mem>>)
      %slice3A_1248 = vector.extract_strided_slice %get3A_292 {offsets = [13], sizes = [1], strides = [1]} : vector<16xi32> to vector<1xi32>
      %squeeze3A_1249 = vector.extract %slice3A_1248[0] : i32 from vector<1xi32>
      %dma_start3A_1250 = tpu.memref_slice %arg12[%select_n3A_1217, %mul3A_1235] : memref<64x128xf32, #tpu.memory_space<vmem>> -> memref<1x32xf32, #tpu.memory_space<vmem>>
      %dma_start3A_1251 = tpu.memref_squeeze %dma_start3A_1250 : memref<1x32xf32, #tpu.memory_space<vmem>> -> memref<32xf32, #tpu.memory_space<vmem>>
      %dma_start3A_1252 = arith.constant 0 : i32
      %dma_start3A_1253 = tpu.memref_slice %arg5[%squeeze3A_1249, %dma_start3A_1252] : memref<1000000x32xf32, #tpu.memory_space<hbm>> -> memref<1x32xf32, #tpu.memory_space<hbm>>
      %dma_start3A_1254 = tpu.memref_squeeze %dma_start3A_1253 : memref<1x32xf32, #tpu.memory_space<hbm>> -> memref<32xf32, #tpu.memory_space<hbm>>
      %dma_start3A_1255 = tpu.memref_slice %arg12[%select_n3A_1217, %mul3A_1235] : memref<64x128xf32, #tpu.memory_space<vmem>> -> memref<1x32xf32, #tpu.memory_space<vmem>>
      %dma_start3A_1256 = tpu.memref_squeeze %dma_start3A_1255 : memref<1x32xf32, #tpu.memory_space<vmem>> -> memref<32xf32, #tpu.memory_space<vmem>>
      %dma_start3A_1257 = arith.constant 0 : i32
      %dma_start3A_1258 = tpu.memref_slice %arg5[%squeeze3A_1249, %dma_start3A_1257] : memref<1000000x32xf32, #tpu.memory_space<hbm>> -> memref<1x32xf32, #tpu.memory_space<hbm>>
      %dma_start3A_1259 = tpu.memref_squeeze %dma_start3A_1258 : memref<1x32xf32, #tpu.memory_space<hbm>> -> memref<32xf32, #tpu.memory_space<hbm>>
      tpu.enqueue_dma source(%dma_start3A_1259 : memref<32xf32, #tpu.memory_space<hbm>>) target(%dma_start3A_1256 : memref<32xf32, #tpu.memory_space<vmem>>) target_semaphore(%arg15 : memref<!tpu.dma_semaphore, #tpu.memory_space<semaphore_mem>>)
      %mul3A_1260 = arith.constant 16 : i32
      %mul3A_1261 = arith.muli %scan3A_281, %mul3A_1260 : i32
      %add3A_1262 = arith.constant 14 : i32
      %add3A_1263 = arith.addi %mul3A_1261, %add3A_1262 : i32
      %jit3A_1264 = arith.constant 4 : i32
      %div3A_1265 = arith.divsi %add3A_1263, %jit3A_1264 : i32
      %sign3A_1266 = arith.constant 0 : i32
      %sign3A_1267 = arith.cmpi sgt, %add3A_1263, %sign3A_1266 : i32
      %sign3A_1268 = arith.extui %sign3A_1267 : i1 to i32
      %sign3A_1269 = arith.constant 0 : i32
      %sign3A_1270 = arith.cmpi slt, %add3A_1263, %sign3A_1269 : i32
      %sign3A_1271 = arith.extui %sign3A_1270 : i1 to i32
      %sign3A_1272 = arith.subi %sign3A_1268, %sign3A_1271 : i32
      %sign3A_1273 = arith.constant 0 : i32
      %sign3A_1274 = arith.cmpi sgt, %jit3A_1264, %sign3A_1273 : i32
      %sign3A_1275 = arith.extui %sign3A_1274 : i1 to i32
      %sign3A_1276 = arith.constant 0 : i32
      %sign3A_1277 = arith.cmpi slt, %jit3A_1264, %sign3A_1276 : i32
      %sign3A_1278 = arith.extui %sign3A_1277 : i1 to i32
      %sign3A_1279 = arith.subi %sign3A_1275, %sign3A_1278 : i32
      %ne3A_1280 = arith.cmpi ne, %sign3A_1272, %sign3A_1279 : i32
      %rem3A_1281 = arith.remsi %add3A_1263, %jit3A_1264 : i32
      %ne3A_1282 = arith.constant 0 : i32
      %ne3A_1283 = arith.cmpi ne, %rem3A_1281, %ne3A_1282 : i32
      %and3A_1284 = arith.andi %ne3A_1280, %ne3A_1283 : i1
      %sub3A_1285 = arith.constant 1 : i32
      %sub3A_1286 = arith.subi %div3A_1265, %sub3A_1285 : i32
      %select_n3A_1287 = arith.select %and3A_1284, %sub3A_1286, %div3A_1265 : i32
      %jit3A_1288 = arith.constant 4 : i32
      %eq3A_1289 = arith.constant 0 : i32
      %eq3A_1290 = arith.cmpi eq, %jit3A_1288, %eq3A_1289 : i32
      %jit3A_1291 = arith.constant 1 : i32
      %select_n3A_1292 = arith.select %eq3A_1290, %jit3A_1291, %jit3A_1288 : i32
      %rem3A_1293 = arith.remsi %add3A_1263, %select_n3A_1292 : i32
      %ne3A_1294 = arith.constant 0 : i32
      %ne3A_1295 = arith.cmpi ne, %rem3A_1293, %ne3A_1294 : i32
      %lt3A_1296 = arith.constant 0 : i32
      %lt3A_1297 = arith.cmpi slt, %rem3A_1293, %lt3A_1296 : i32
      %lt3A_1298 = arith.constant 0 : i32
      %lt3A_1299 = arith.cmpi slt, %select_n3A_1292, %lt3A_1298 : i32
      %ne3A_1300 = arith.xori %lt3A_1297, %lt3A_1299 : i1
      %and3A_1301 = arith.andi %ne3A_1300, %ne3A_1295 : i1
      %add3A_1302 = arith.addi %rem3A_1293, %select_n3A_1292 : i32
      %select_n3A_1303 = arith.select %and3A_1301, %add3A_1302, %rem3A_1293 : i32
      %mul3A_1304 = arith.constant 32 : i32
      %mul3A_1305 = arith.muli %select_n3A_1303, %mul3A_1304 : i32
      %slice3A_1306 = vector.extract_strided_slice %get3A_286 {offsets = [14], sizes = [1], strides = [1]} : vector<16xi32> to vector<1xi32>
      %squeeze3A_1307 = vector.extract %slice3A_1306[0] : i32 from vector<1xi32>
      %dma_start3A_1308 = tpu.memref_slice %arg11[%select_n3A_1287, %mul3A_1305] : memref<64x128xf32, #tpu.memory_space<vmem>> -> memref<1x32xf32, #tpu.memory_space<vmem>>
      %dma_start3A_1309 = tpu.memref_squeeze %dma_start3A_1308 : memref<1x32xf32, #tpu.memory_space<vmem>> -> memref<32xf32, #tpu.memory_space<vmem>>
      %dma_start3A_1310 = arith.constant 0 : i32
      %dma_start3A_1311 = tpu.memref_slice %arg4[%squeeze3A_1307, %dma_start3A_1310] : memref<1000000x32xf32, #tpu.memory_space<hbm>> -> memref<1x32xf32, #tpu.memory_space<hbm>>
      %dma_start3A_1312 = tpu.memref_squeeze %dma_start3A_1311 : memref<1x32xf32, #tpu.memory_space<hbm>> -> memref<32xf32, #tpu.memory_space<hbm>>
      %dma_start3A_1313 = tpu.memref_slice %arg11[%select_n3A_1287, %mul3A_1305] : memref<64x128xf32, #tpu.memory_space<vmem>> -> memref<1x32xf32, #tpu.memory_space<vmem>>
      %dma_start3A_1314 = tpu.memref_squeeze %dma_start3A_1313 : memref<1x32xf32, #tpu.memory_space<vmem>> -> memref<32xf32, #tpu.memory_space<vmem>>
      %dma_start3A_1315 = arith.constant 0 : i32
      %dma_start3A_1316 = tpu.memref_slice %arg4[%squeeze3A_1307, %dma_start3A_1315] : memref<1000000x32xf32, #tpu.memory_space<hbm>> -> memref<1x32xf32, #tpu.memory_space<hbm>>
      %dma_start3A_1317 = tpu.memref_squeeze %dma_start3A_1316 : memref<1x32xf32, #tpu.memory_space<hbm>> -> memref<32xf32, #tpu.memory_space<hbm>>
      tpu.enqueue_dma source(%dma_start3A_1317 : memref<32xf32, #tpu.memory_space<hbm>>) target(%dma_start3A_1314 : memref<32xf32, #tpu.memory_space<vmem>>) target_semaphore(%arg15 : memref<!tpu.dma_semaphore, #tpu.memory_space<semaphore_mem>>)
      %slice3A_1318 = vector.extract_strided_slice %get3A_292 {offsets = [14], sizes = [1], strides = [1]} : vector<16xi32> to vector<1xi32>
      %squeeze3A_1319 = vector.extract %slice3A_1318[0] : i32 from vector<1xi32>
      %dma_start3A_1320 = tpu.memref_slice %arg12[%select_n3A_1287, %mul3A_1305] : memref<64x128xf32, #tpu.memory_space<vmem>> -> memref<1x32xf32, #tpu.memory_space<vmem>>
      %dma_start3A_1321 = tpu.memref_squeeze %dma_start3A_1320 : memref<1x32xf32, #tpu.memory_space<vmem>> -> memref<32xf32, #tpu.memory_space<vmem>>
      %dma_start3A_1322 = arith.constant 0 : i32
      %dma_start3A_1323 = tpu.memref_slice %arg5[%squeeze3A_1319, %dma_start3A_1322] : memref<1000000x32xf32, #tpu.memory_space<hbm>> -> memref<1x32xf32, #tpu.memory_space<hbm>>
      %dma_start3A_1324 = tpu.memref_squeeze %dma_start3A_1323 : memref<1x32xf32, #tpu.memory_space<hbm>> -> memref<32xf32, #tpu.memory_space<hbm>>
      %dma_start3A_1325 = tpu.memref_slice %arg12[%select_n3A_1287, %mul3A_1305] : memref<64x128xf32, #tpu.memory_space<vmem>> -> memref<1x32xf32, #tpu.memory_space<vmem>>
      %dma_start3A_1326 = tpu.memref_squeeze %dma_start3A_1325 : memref<1x32xf32, #tpu.memory_space<vmem>> -> memref<32xf32, #tpu.memory_space<vmem>>
      %dma_start3A_1327 = arith.constant 0 : i32
      %dma_start3A_1328 = tpu.memref_slice %arg5[%squeeze3A_1319, %dma_start3A_1327] : memref<1000000x32xf32, #tpu.memory_space<hbm>> -> memref<1x32xf32, #tpu.memory_space<hbm>>
      %dma_start3A_1329 = tpu.memref_squeeze %dma_start3A_1328 : memref<1x32xf32, #tpu.memory_space<hbm>> -> memref<32xf32, #tpu.memory_space<hbm>>
      tpu.enqueue_dma source(%dma_start3A_1329 : memref<32xf32, #tpu.memory_space<hbm>>) target(%dma_start3A_1326 : memref<32xf32, #tpu.memory_space<vmem>>) target_semaphore(%arg15 : memref<!tpu.dma_semaphore, #tpu.memory_space<semaphore_mem>>)
      %mul3A_1330 = arith.constant 16 : i32
      %mul3A_1331 = arith.muli %scan3A_281, %mul3A_1330 : i32
      %add3A_1332 = arith.constant 15 : i32
      %add3A_1333 = arith.addi %mul3A_1331, %add3A_1332 : i32
      %jit3A_1334 = arith.constant 4 : i32
      %div3A_1335 = arith.divsi %add3A_1333, %jit3A_1334 : i32
      %sign3A_1336 = arith.constant 0 : i32
      %sign3A_1337 = arith.cmpi sgt, %add3A_1333, %sign3A_1336 : i32
      %sign3A_1338 = arith.extui %sign3A_1337 : i1 to i32
      %sign3A_1339 = arith.constant 0 : i32
      %sign3A_1340 = arith.cmpi slt, %add3A_1333, %sign3A_1339 : i32
      %sign3A_1341 = arith.extui %sign3A_1340 : i1 to i32
      %sign3A_1342 = arith.subi %sign3A_1338, %sign3A_1341 : i32
      %sign3A_1343 = arith.constant 0 : i32
      %sign3A_1344 = arith.cmpi sgt, %jit3A_1334, %sign3A_1343 : i32
      %sign3A_1345 = arith.extui %sign3A_1344 : i1 to i32
      %sign3A_1346 = arith.constant 0 : i32
      %sign3A_1347 = arith.cmpi slt, %jit3A_1334, %sign3A_1346 : i32
      %sign3A_1348 = arith.extui %sign3A_1347 : i1 to i32
      %sign3A_1349 = arith.subi %sign3A_1345, %sign3A_1348 : i32
      %ne3A_1350 = arith.cmpi ne, %sign3A_1342, %sign3A_1349 : i32
      %rem3A_1351 = arith.remsi %add3A_1333, %jit3A_1334 : i32
      %ne3A_1352 = arith.constant 0 : i32
      %ne3A_1353 = arith.cmpi ne, %rem3A_1351, %ne3A_1352 : i32
      %and3A_1354 = arith.andi %ne3A_1350, %ne3A_1353 : i1
      %sub3A_1355 = arith.constant 1 : i32
      %sub3A_1356 = arith.subi %div3A_1335, %sub3A_1355 : i32
      %select_n3A_1357 = arith.select %and3A_1354, %sub3A_1356, %div3A_1335 : i32
      %jit3A_1358 = arith.constant 4 : i32
      %eq3A_1359 = arith.constant 0 : i32
      %eq3A_1360 = arith.cmpi eq, %jit3A_1358, %eq3A_1359 : i32
      %jit3A_1361 = arith.constant 1 : i32
      %select_n3A_1362 = arith.select %eq3A_1360, %jit3A_1361, %jit3A_1358 : i32
      %rem3A_1363 = arith.remsi %add3A_1333, %select_n3A_1362 : i32
      %ne3A_1364 = arith.constant 0 : i32
      %ne3A_1365 = arith.cmpi ne, %rem3A_1363, %ne3A_1364 : i32
      %lt3A_1366 = arith.constant 0 : i32
      %lt3A_1367 = arith.cmpi slt, %rem3A_1363, %lt3A_1366 : i32
      %lt3A_1368 = arith.constant 0 : i32
      %lt3A_1369 = arith.cmpi slt, %select_n3A_1362, %lt3A_1368 : i32
      %ne3A_1370 = arith.xori %lt3A_1367, %lt3A_1369 : i1
      %and3A_1371 = arith.andi %ne3A_1370, %ne3A_1365 : i1
      %add3A_1372 = arith.addi %rem3A_1363, %select_n3A_1362 : i32
      %select_n3A_1373 = arith.select %and3A_1371, %add3A_1372, %rem3A_1363 : i32
      %mul3A_1374 = arith.constant 32 : i32
      %mul3A_1375 = arith.muli %select_n3A_1373, %mul3A_1374 : i32
      %slice3A_1376 = vector.extract_strided_slice %get3A_286 {offsets = [15], sizes = [1], strides = [1]} : vector<16xi32> to vector<1xi32>
      %squeeze3A_1377 = vector.extract %slice3A_1376[0] : i32 from vector<1xi32>
      %dma_start3A_1378 = tpu.memref_slice %arg11[%select_n3A_1357, %mul3A_1375] : memref<64x128xf32, #tpu.memory_space<vmem>> -> memref<1x32xf32, #tpu.memory_space<vmem>>
      %dma_start3A_1379 = tpu.memref_squeeze %dma_start3A_1378 : memref<1x32xf32, #tpu.memory_space<vmem>> -> memref<32xf32, #tpu.memory_space<vmem>>
      %dma_start3A_1380 = arith.constant 0 : i32
      %dma_start3A_1381 = tpu.memref_slice %arg4[%squeeze3A_1377, %dma_start3A_1380] : memref<1000000x32xf32, #tpu.memory_space<hbm>> -> memref<1x32xf32, #tpu.memory_space<hbm>>
      %dma_start3A_1382 = tpu.memref_squeeze %dma_start3A_1381 : memref<1x32xf32, #tpu.memory_space<hbm>> -> memref<32xf32, #tpu.memory_space<hbm>>
      %dma_start3A_1383 = tpu.memref_slice %arg11[%select_n3A_1357, %mul3A_1375] : memref<64x128xf32, #tpu.memory_space<vmem>> -> memref<1x32xf32, #tpu.memory_space<vmem>>
      %dma_start3A_1384 = tpu.memref_squeeze %dma_start3A_1383 : memref<1x32xf32, #tpu.memory_space<vmem>> -> memref<32xf32, #tpu.memory_space<vmem>>
      %dma_start3A_1385 = arith.constant 0 : i32
      %dma_start3A_1386 = tpu.memref_slice %arg4[%squeeze3A_1377, %dma_start3A_1385] : memref<1000000x32xf32, #tpu.memory_space<hbm>> -> memref<1x32xf32, #tpu.memory_space<hbm>>
      %dma_start3A_1387 = tpu.memref_squeeze %dma_start3A_1386 : memref<1x32xf32, #tpu.memory_space<hbm>> -> memref<32xf32, #tpu.memory_space<hbm>>
      tpu.enqueue_dma source(%dma_start3A_1387 : memref<32xf32, #tpu.memory_space<hbm>>) target(%dma_start3A_1384 : memref<32xf32, #tpu.memory_space<vmem>>) target_semaphore(%arg15 : memref<!tpu.dma_semaphore, #tpu.memory_space<semaphore_mem>>)
      %slice3A_1388 = vector.extract_strided_slice %get3A_292 {offsets = [15], sizes = [1], strides = [1]} : vector<16xi32> to vector<1xi32>
      %squeeze3A_1389 = vector.extract %slice3A_1388[0] : i32 from vector<1xi32>
      %dma_start3A_1390 = tpu.memref_slice %arg12[%select_n3A_1357, %mul3A_1375] : memref<64x128xf32, #tpu.memory_space<vmem>> -> memref<1x32xf32, #tpu.memory_space<vmem>>
      %dma_start3A_1391 = tpu.memref_squeeze %dma_start3A_1390 : memref<1x32xf32, #tpu.memory_space<vmem>> -> memref<32xf32, #tpu.memory_space<vmem>>
      %dma_start3A_1392 = arith.constant 0 : i32
      %dma_start3A_1393 = tpu.memref_slice %arg5[%squeeze3A_1389, %dma_start3A_1392] : memref<1000000x32xf32, #tpu.memory_space<hbm>> -> memref<1x32xf32, #tpu.memory_space<hbm>>
      %dma_start3A_1394 = tpu.memref_squeeze %dma_start3A_1393 : memref<1x32xf32, #tpu.memory_space<hbm>> -> memref<32xf32, #tpu.memory_space<hbm>>
      %dma_start3A_1395 = tpu.memref_slice %arg12[%select_n3A_1357, %mul3A_1375] : memref<64x128xf32, #tpu.memory_space<vmem>> -> memref<1x32xf32, #tpu.memory_space<vmem>>
      %dma_start3A_1396 = tpu.memref_squeeze %dma_start3A_1395 : memref<1x32xf32, #tpu.memory_space<vmem>> -> memref<32xf32, #tpu.memory_space<vmem>>
      %dma_start3A_1397 = arith.constant 0 : i32
      %dma_start3A_1398 = tpu.memref_slice %arg5[%squeeze3A_1389, %dma_start3A_1397] : memref<1000000x32xf32, #tpu.memory_space<hbm>> -> memref<1x32xf32, #tpu.memory_space<hbm>>
      %dma_start3A_1399 = tpu.memref_squeeze %dma_start3A_1398 : memref<1x32xf32, #tpu.memory_space<hbm>> -> memref<32xf32, #tpu.memory_space<hbm>>
      tpu.enqueue_dma source(%dma_start3A_1399 : memref<32xf32, #tpu.memory_space<hbm>>) target(%dma_start3A_1396 : memref<32xf32, #tpu.memory_space<vmem>>) target_semaphore(%arg15 : memref<!tpu.dma_semaphore, #tpu.memory_space<semaphore_mem>>)
    }
    %scan3A_13 = arith.constant 16 : i32
    %dma_wait3A = arith.constant 0 : i32
    %dma_wait3A_14 = tpu.memref_slice %arg6[%dma_wait3A] : memref<16384xf32, #tpu.memory_space<hbm>> -> memref<512xf32, #tpu.memory_space<hbm>>
    %dma_wait3A_15 = arith.constant 0 : i32
    %dma_wait3A_16 = tpu.memref_slice %arg6[%dma_wait3A_15] : memref<16384xf32, #tpu.memory_space<hbm>> -> memref<512xf32, #tpu.memory_space<hbm>>
    tpu.wait_dma2 semaphore(%arg14 : memref<!tpu.dma_semaphore, #tpu.memory_space<semaphore_mem>>) src(%dma_wait3A_16 : memref<512xf32, #tpu.memory_space<hbm>>) dst(%arg13 : memref<512xf32, #tpu.memory_space<vmem>>)
    %dma_wait3A_17 = arith.constant 0 : i32
    %dma_wait3A_18 = tpu.memref_slice %arg6[%dma_wait3A_17] : memref<16384xf32, #tpu.memory_space<hbm>> -> memref<512xf32, #tpu.memory_space<hbm>>
    %dma_wait3A_19 = arith.constant 0 : i32
    %dma_wait3A_20 = tpu.memref_slice %arg6[%dma_wait3A_19] : memref<16384xf32, #tpu.memory_space<hbm>> -> memref<512xf32, #tpu.memory_space<hbm>>
    tpu.wait_dma2 semaphore(%arg14 : memref<!tpu.dma_semaphore, #tpu.memory_space<semaphore_mem>>) src(%dma_wait3A_20 : memref<512xf32, #tpu.memory_space<hbm>>) dst(%arg13 : memref<512xf32, #tpu.memory_space<vmem>>)
    %dma_wait3A_21 = arith.constant 0 : i32
    %dma_wait3A_22 = tpu.memref_slice %arg6[%dma_wait3A_21] : memref<16384xf32, #tpu.memory_space<hbm>> -> memref<512xf32, #tpu.memory_space<hbm>>
    %dma_wait3A_23 = arith.constant 0 : i32
    %dma_wait3A_24 = tpu.memref_slice %arg6[%dma_wait3A_23] : memref<16384xf32, #tpu.memory_space<hbm>> -> memref<512xf32, #tpu.memory_space<hbm>>
    tpu.wait_dma2 semaphore(%arg14 : memref<!tpu.dma_semaphore, #tpu.memory_space<semaphore_mem>>) src(%dma_wait3A_24 : memref<512xf32, #tpu.memory_space<hbm>>) dst(%arg13 : memref<512xf32, #tpu.memory_space<vmem>>)
    %dma_wait3A_25 = arith.constant 0 : i32
    %dma_wait3A_26 = tpu.memref_slice %arg6[%dma_wait3A_25] : memref<16384xf32, #tpu.memory_space<hbm>> -> memref<512xf32, #tpu.memory_space<hbm>>
    %dma_wait3A_27 = arith.constant 0 : i32
    %dma_wait3A_28 = tpu.memref_slice %arg6[%dma_wait3A_27] : memref<16384xf32, #tpu.memory_space<hbm>> -> memref<512xf32, #tpu.memory_space<hbm>>
    tpu.wait_dma2 semaphore(%arg14 : memref<!tpu.dma_semaphore, #tpu.memory_space<semaphore_mem>>) src(%dma_wait3A_28 : memref<512xf32, #tpu.memory_space<hbm>>) dst(%arg13 : memref<512xf32, #tpu.memory_space<vmem>>)
    %dma_wait3A_29 = arith.constant 0 : i32
    %dma_wait3A_30 = tpu.memref_slice %arg6[%dma_wait3A_29] : memref<16384xf32, #tpu.memory_space<hbm>> -> memref<512xf32, #tpu.memory_space<hbm>>
    %dma_wait3A_31 = arith.constant 0 : i32
    %dma_wait3A_32 = tpu.memref_slice %arg6[%dma_wait3A_31] : memref<16384xf32, #tpu.memory_space<hbm>> -> memref<512xf32, #tpu.memory_space<hbm>>
    tpu.wait_dma2 semaphore(%arg14 : memref<!tpu.dma_semaphore, #tpu.memory_space<semaphore_mem>>) src(%dma_wait3A_32 : memref<512xf32, #tpu.memory_space<hbm>>) dst(%arg13 : memref<512xf32, #tpu.memory_space<vmem>>)
    %dma_wait3A_33 = arith.constant 0 : i32
    %dma_wait3A_34 = tpu.memref_slice %arg6[%dma_wait3A_33] : memref<16384xf32, #tpu.memory_space<hbm>> -> memref<512xf32, #tpu.memory_space<hbm>>
    %dma_wait3A_35 = arith.constant 0 : i32
    %dma_wait3A_36 = tpu.memref_slice %arg6[%dma_wait3A_35] : memref<16384xf32, #tpu.memory_space<hbm>> -> memref<512xf32, #tpu.memory_space<hbm>>
    tpu.wait_dma2 semaphore(%arg14 : memref<!tpu.dma_semaphore, #tpu.memory_space<semaphore_mem>>) src(%dma_wait3A_36 : memref<512xf32, #tpu.memory_space<hbm>>) dst(%arg13 : memref<512xf32, #tpu.memory_space<vmem>>)
    %dma_wait3A_37 = arith.constant 0 : i32
    %dma_wait3A_38 = tpu.memref_slice %arg6[%dma_wait3A_37] : memref<16384xf32, #tpu.memory_space<hbm>> -> memref<512xf32, #tpu.memory_space<hbm>>
    %dma_wait3A_39 = arith.constant 0 : i32
    %dma_wait3A_40 = tpu.memref_slice %arg6[%dma_wait3A_39] : memref<16384xf32, #tpu.memory_space<hbm>> -> memref<512xf32, #tpu.memory_space<hbm>>
    tpu.wait_dma2 semaphore(%arg14 : memref<!tpu.dma_semaphore, #tpu.memory_space<semaphore_mem>>) src(%dma_wait3A_40 : memref<512xf32, #tpu.memory_space<hbm>>) dst(%arg13 : memref<512xf32, #tpu.memory_space<vmem>>)
    %dma_wait3A_41 = arith.constant 0 : i32
    %dma_wait3A_42 = tpu.memref_slice %arg6[%dma_wait3A_41] : memref<16384xf32, #tpu.memory_space<hbm>> -> memref<512xf32, #tpu.memory_space<hbm>>
    %dma_wait3A_43 = arith.constant 0 : i32
    %dma_wait3A_44 = tpu.memref_slice %arg6[%dma_wait3A_43] : memref<16384xf32, #tpu.memory_space<hbm>> -> memref<512xf32, #tpu.memory_space<hbm>>
    tpu.wait_dma2 semaphore(%arg14 : memref<!tpu.dma_semaphore, #tpu.memory_space<semaphore_mem>>) src(%dma_wait3A_44 : memref<512xf32, #tpu.memory_space<hbm>>) dst(%arg13 : memref<512xf32, #tpu.memory_space<vmem>>)
    %dma_wait3A_45 = arith.constant 0 : i32
    %dma_wait3A_46 = tpu.memref_slice %arg6[%dma_wait3A_45] : memref<16384xf32, #tpu.memory_space<hbm>> -> memref<512xf32, #tpu.memory_space<hbm>>
    %dma_wait3A_47 = arith.constant 0 : i32
    %dma_wait3A_48 = tpu.memref_slice %arg6[%dma_wait3A_47] : memref<16384xf32, #tpu.memory_space<hbm>> -> memref<512xf32, #tpu.memory_space<hbm>>
    tpu.wait_dma2 semaphore(%arg14 : memref<!tpu.dma_semaphore, #tpu.memory_space<semaphore_mem>>) src(%dma_wait3A_48 : memref<512xf32, #tpu.memory_space<hbm>>) dst(%arg13 : memref<512xf32, #tpu.memory_space<vmem>>)
    %dma_wait3A_49 = arith.constant 0 : i32
    %dma_wait3A_50 = tpu.memref_slice %arg6[%dma_wait3A_49] : memref<16384xf32, #tpu.memory_space<hbm>> -> memref<512xf32, #tpu.memory_space<hbm>>
    %dma_wait3A_51 = arith.constant 0 : i32
    %dma_wait3A_52 = tpu.memref_slice %arg6[%dma_wait3A_51] : memref<16384xf32, #tpu.memory_space<hbm>> -> memref<512xf32, #tpu.memory_space<hbm>>
    tpu.wait_dma2 semaphore(%arg14 : memref<!tpu.dma_semaphore, #tpu.memory_space<semaphore_mem>>) src(%dma_wait3A_52 : memref<512xf32, #tpu.memory_space<hbm>>) dst(%arg13 : memref<512xf32, #tpu.memory_space<vmem>>)
    %dma_wait3A_53 = arith.constant 0 : i32
    %dma_wait3A_54 = tpu.memref_slice %arg6[%dma_wait3A_53] : memref<16384xf32, #tpu.memory_space<hbm>> -> memref<512xf32, #tpu.memory_space<hbm>>
    %dma_wait3A_55 = arith.constant 0 : i32
    %dma_wait3A_56 = tpu.memref_slice %arg6[%dma_wait3A_55] : memref<16384xf32, #tpu.memory_space<hbm>> -> memref<512xf32, #tpu.memory_space<hbm>>
    tpu.wait_dma2 semaphore(%arg14 : memref<!tpu.dma_semaphore, #tpu.memory_space<semaphore_mem>>) src(%dma_wait3A_56 : memref<512xf32, #tpu.memory_space<hbm>>) dst(%arg13 : memref<512xf32, #tpu.memory_space<vmem>>)
    %dma_wait3A_57 = arith.constant 0 : i32
    %dma_wait3A_58 = tpu.memref_slice %arg6[%dma_wait3A_57] : memref<16384xf32, #tpu.memory_space<hbm>> -> memref<512xf32, #tpu.memory_space<hbm>>
    %dma_wait3A_59 = arith.constant 0 : i32
    %dma_wait3A_60 = tpu.memref_slice %arg6[%dma_wait3A_59] : memref<16384xf32, #tpu.memory_space<hbm>> -> memref<512xf32, #tpu.memory_space<hbm>>
    tpu.wait_dma2 semaphore(%arg14 : memref<!tpu.dma_semaphore, #tpu.memory_space<semaphore_mem>>) src(%dma_wait3A_60 : memref<512xf32, #tpu.memory_space<hbm>>) dst(%arg13 : memref<512xf32, #tpu.memory_space<vmem>>)
    %dma_wait3A_61 = arith.constant 0 : i32
    %dma_wait3A_62 = tpu.memref_slice %arg6[%dma_wait3A_61] : memref<16384xf32, #tpu.memory_space<hbm>> -> memref<512xf32, #tpu.memory_space<hbm>>
    %dma_wait3A_63 = arith.constant 0 : i32
    %dma_wait3A_64 = tpu.memref_slice %arg6[%dma_wait3A_63] : memref<16384xf32, #tpu.memory_space<hbm>> -> memref<512xf32, #tpu.memory_space<hbm>>
    tpu.wait_dma2 semaphore(%arg14 : memref<!tpu.dma_semaphore, #tpu.memory_space<semaphore_mem>>) src(%dma_wait3A_64 : memref<512xf32, #tpu.memory_space<hbm>>) dst(%arg13 : memref<512xf32, #tpu.memory_space<vmem>>)
    %dma_wait3A_65 = arith.constant 0 : i32
    %dma_wait3A_66 = tpu.memref_slice %arg6[%dma_wait3A_65] : memref<16384xf32, #tpu.memory_space<hbm>> -> memref<512xf32, #tpu.memory_space<hbm>>
    %dma_wait3A_67 = arith.constant 0 : i32
    %dma_wait3A_68 = tpu.memref_slice %arg6[%dma_wait3A_67] : memref<16384xf32, #tpu.memory_space<hbm>> -> memref<512xf32, #tpu.memory_space<hbm>>
    tpu.wait_dma2 semaphore(%arg14 : memref<!tpu.dma_semaphore, #tpu.memory_space<semaphore_mem>>) src(%dma_wait3A_68 : memref<512xf32, #tpu.memory_space<hbm>>) dst(%arg13 : memref<512xf32, #tpu.memory_space<vmem>>)
    %dma_wait3A_69 = arith.constant 0 : i32
    %dma_wait3A_70 = tpu.memref_slice %arg6[%dma_wait3A_69] : memref<16384xf32, #tpu.memory_space<hbm>> -> memref<512xf32, #tpu.memory_space<hbm>>
    %dma_wait3A_71 = arith.constant 0 : i32
    %dma_wait3A_72 = tpu.memref_slice %arg6[%dma_wait3A_71] : memref<16384xf32, #tpu.memory_space<hbm>> -> memref<512xf32, #tpu.memory_space<hbm>>
    tpu.wait_dma2 semaphore(%arg14 : memref<!tpu.dma_semaphore, #tpu.memory_space<semaphore_mem>>) src(%dma_wait3A_72 : memref<512xf32, #tpu.memory_space<hbm>>) dst(%arg13 : memref<512xf32, #tpu.memory_space<vmem>>)
    %dma_wait3A_73 = arith.constant 0 : i32
    %dma_wait3A_74 = tpu.memref_slice %arg6[%dma_wait3A_73] : memref<16384xf32, #tpu.memory_space<hbm>> -> memref<512xf32, #tpu.memory_space<hbm>>
    %dma_wait3A_75 = arith.constant 0 : i32
    %dma_wait3A_76 = tpu.memref_slice %arg6[%dma_wait3A_75] : memref<16384xf32, #tpu.memory_space<hbm>> -> memref<512xf32, #tpu.memory_space<hbm>>
    tpu.wait_dma2 semaphore(%arg14 : memref<!tpu.dma_semaphore, #tpu.memory_space<semaphore_mem>>) src(%dma_wait3A_76 : memref<512xf32, #tpu.memory_space<hbm>>) dst(%arg13 : memref<512xf32, #tpu.memory_space<vmem>>)
    %dma_wait3A_77 = arith.constant 0 : i32
    %dma_wait3A_78 = tpu.memref_slice %arg6[%dma_wait3A_77] : memref<16384xf32, #tpu.memory_space<hbm>> -> memref<512xf32, #tpu.memory_space<hbm>>
    %dma_wait3A_79 = arith.constant 0 : i32
    %dma_wait3A_80 = tpu.memref_slice %arg6[%dma_wait3A_79] : memref<16384xf32, #tpu.memory_space<hbm>> -> memref<512xf32, #tpu.memory_space<hbm>>
    tpu.wait_dma2 semaphore(%arg14 : memref<!tpu.dma_semaphore, #tpu.memory_space<semaphore_mem>>) src(%dma_wait3A_80 : memref<512xf32, #tpu.memory_space<hbm>>) dst(%arg13 : memref<512xf32, #tpu.memory_space<vmem>>)
    %dma_wait3A_81 = arith.constant 0 : i32
    %dma_wait3A_82 = tpu.memref_slice %arg6[%dma_wait3A_81] : memref<16384xf32, #tpu.memory_space<hbm>> -> memref<512xf32, #tpu.memory_space<hbm>>
    %dma_wait3A_83 = arith.constant 0 : i32
    %dma_wait3A_84 = tpu.memref_slice %arg6[%dma_wait3A_83] : memref<16384xf32, #tpu.memory_space<hbm>> -> memref<512xf32, #tpu.memory_space<hbm>>
    tpu.wait_dma2 semaphore(%arg14 : memref<!tpu.dma_semaphore, #tpu.memory_space<semaphore_mem>>) src(%dma_wait3A_84 : memref<512xf32, #tpu.memory_space<hbm>>) dst(%arg13 : memref<512xf32, #tpu.memory_space<vmem>>)
    %dma_wait3A_85 = arith.constant 0 : i32
    %dma_wait3A_86 = tpu.memref_slice %arg6[%dma_wait3A_85] : memref<16384xf32, #tpu.memory_space<hbm>> -> memref<512xf32, #tpu.memory_space<hbm>>
    %dma_wait3A_87 = arith.constant 0 : i32
    %dma_wait3A_88 = tpu.memref_slice %arg6[%dma_wait3A_87] : memref<16384xf32, #tpu.memory_space<hbm>> -> memref<512xf32, #tpu.memory_space<hbm>>
    tpu.wait_dma2 semaphore(%arg14 : memref<!tpu.dma_semaphore, #tpu.memory_space<semaphore_mem>>) src(%dma_wait3A_88 : memref<512xf32, #tpu.memory_space<hbm>>) dst(%arg13 : memref<512xf32, #tpu.memory_space<vmem>>)
    %dma_wait3A_89 = arith.constant 0 : i32
    %dma_wait3A_90 = tpu.memref_slice %arg6[%dma_wait3A_89] : memref<16384xf32, #tpu.memory_space<hbm>> -> memref<512xf32, #tpu.memory_space<hbm>>
    %dma_wait3A_91 = arith.constant 0 : i32
    %dma_wait3A_92 = tpu.memref_slice %arg6[%dma_wait3A_91] : memref<16384xf32, #tpu.memory_space<hbm>> -> memref<512xf32, #tpu.memory_space<hbm>>
    tpu.wait_dma2 semaphore(%arg14 : memref<!tpu.dma_semaphore, #tpu.memory_space<semaphore_mem>>) src(%dma_wait3A_92 : memref<512xf32, #tpu.memory_space<hbm>>) dst(%arg13 : memref<512xf32, #tpu.memory_space<vmem>>)
    %dma_wait3A_93 = arith.constant 0 : i32
    %dma_wait3A_94 = tpu.memref_slice %arg6[%dma_wait3A_93] : memref<16384xf32, #tpu.memory_space<hbm>> -> memref<512xf32, #tpu.memory_space<hbm>>
    %dma_wait3A_95 = arith.constant 0 : i32
    %dma_wait3A_96 = tpu.memref_slice %arg6[%dma_wait3A_95] : memref<16384xf32, #tpu.memory_space<hbm>> -> memref<512xf32, #tpu.memory_space<hbm>>
    tpu.wait_dma2 semaphore(%arg14 : memref<!tpu.dma_semaphore, #tpu.memory_space<semaphore_mem>>) src(%dma_wait3A_96 : memref<512xf32, #tpu.memory_space<hbm>>) dst(%arg13 : memref<512xf32, #tpu.memory_space<vmem>>)
    %dma_wait3A_97 = arith.constant 0 : i32
    %dma_wait3A_98 = tpu.memref_slice %arg6[%dma_wait3A_97] : memref<16384xf32, #tpu.memory_space<hbm>> -> memref<512xf32, #tpu.memory_space<hbm>>
    %dma_wait3A_99 = arith.constant 0 : i32
    %dma_wait3A_100 = tpu.memref_slice %arg6[%dma_wait3A_99] : memref<16384xf32, #tpu.memory_space<hbm>> -> memref<512xf32, #tpu.memory_space<hbm>>
    tpu.wait_dma2 semaphore(%arg14 : memref<!tpu.dma_semaphore, #tpu.memory_space<semaphore_mem>>) src(%dma_wait3A_100 : memref<512xf32, #tpu.memory_space<hbm>>) dst(%arg13 : memref<512xf32, #tpu.memory_space<vmem>>)
    %dma_wait3A_101 = arith.constant 0 : i32
    %dma_wait3A_102 = tpu.memref_slice %arg6[%dma_wait3A_101] : memref<16384xf32, #tpu.memory_space<hbm>> -> memref<512xf32, #tpu.memory_space<hbm>>
    %dma_wait3A_103 = arith.constant 0 : i32
    %dma_wait3A_104 = tpu.memref_slice %arg6[%dma_wait3A_103] : memref<16384xf32, #tpu.memory_space<hbm>> -> memref<512xf32, #tpu.memory_space<hbm>>
    tpu.wait_dma2 semaphore(%arg14 : memref<!tpu.dma_semaphore, #tpu.memory_space<semaphore_mem>>) src(%dma_wait3A_104 : memref<512xf32, #tpu.memory_space<hbm>>) dst(%arg13 : memref<512xf32, #tpu.memory_space<vmem>>)
    %dma_wait3A_105 = arith.constant 0 : i32
    %dma_wait3A_106 = tpu.memref_slice %arg6[%dma_wait3A_105] : memref<16384xf32, #tpu.memory_space<hbm>> -> memref<512xf32, #tpu.memory_space<hbm>>
    %dma_wait3A_107 = arith.constant 0 : i32
    %dma_wait3A_108 = tpu.memref_slice %arg6[%dma_wait3A_107] : memref<16384xf32, #tpu.memory_space<hbm>> -> memref<512xf32, #tpu.memory_space<hbm>>
    tpu.wait_dma2 semaphore(%arg14 : memref<!tpu.dma_semaphore, #tpu.memory_space<semaphore_mem>>) src(%dma_wait3A_108 : memref<512xf32, #tpu.memory_space<hbm>>) dst(%arg13 : memref<512xf32, #tpu.memory_space<vmem>>)
    %dma_wait3A_109 = arith.constant 0 : i32
    %dma_wait3A_110 = tpu.memref_slice %arg6[%dma_wait3A_109] : memref<16384xf32, #tpu.memory_space<hbm>> -> memref<512xf32, #tpu.memory_space<hbm>>
    %dma_wait3A_111 = arith.constant 0 : i32
    %dma_wait3A_112 = tpu.memref_slice %arg6[%dma_wait3A_111] : memref<16384xf32, #tpu.memory_space<hbm>> -> memref<512xf32, #tpu.memory_space<hbm>>
    tpu.wait_dma2 semaphore(%arg14 : memref<!tpu.dma_semaphore, #tpu.memory_space<semaphore_mem>>) src(%dma_wait3A_112 : memref<512xf32, #tpu.memory_space<hbm>>) dst(%arg13 : memref<512xf32, #tpu.memory_space<vmem>>)
    %dma_wait3A_113 = arith.constant 0 : i32
    %dma_wait3A_114 = tpu.memref_slice %arg6[%dma_wait3A_113] : memref<16384xf32, #tpu.memory_space<hbm>> -> memref<512xf32, #tpu.memory_space<hbm>>
    %dma_wait3A_115 = arith.constant 0 : i32
    %dma_wait3A_116 = tpu.memref_slice %arg6[%dma_wait3A_115] : memref<16384xf32, #tpu.memory_space<hbm>> -> memref<512xf32, #tpu.memory_space<hbm>>
    tpu.wait_dma2 semaphore(%arg14 : memref<!tpu.dma_semaphore, #tpu.memory_space<semaphore_mem>>) src(%dma_wait3A_116 : memref<512xf32, #tpu.memory_space<hbm>>) dst(%arg13 : memref<512xf32, #tpu.memory_space<vmem>>)
    %dma_wait3A_117 = arith.constant 0 : i32
    %dma_wait3A_118 = tpu.memref_slice %arg6[%dma_wait3A_117] : memref<16384xf32, #tpu.memory_space<hbm>> -> memref<512xf32, #tpu.memory_space<hbm>>
    %dma_wait3A_119 = arith.constant 0 : i32
    %dma_wait3A_120 = tpu.memref_slice %arg6[%dma_wait3A_119] : memref<16384xf32, #tpu.memory_space<hbm>> -> memref<512xf32, #tpu.memory_space<hbm>>
    tpu.wait_dma2 semaphore(%arg14 : memref<!tpu.dma_semaphore, #tpu.memory_space<semaphore_mem>>) src(%dma_wait3A_120 : memref<512xf32, #tpu.memory_space<hbm>>) dst(%arg13 : memref<512xf32, #tpu.memory_space<vmem>>)
    %dma_wait3A_121 = arith.constant 0 : i32
    %dma_wait3A_122 = tpu.memref_slice %arg6[%dma_wait3A_121] : memref<16384xf32, #tpu.memory_space<hbm>> -> memref<512xf32, #tpu.memory_space<hbm>>
    %dma_wait3A_123 = arith.constant 0 : i32
    %dma_wait3A_124 = tpu.memref_slice %arg6[%dma_wait3A_123] : memref<16384xf32, #tpu.memory_space<hbm>> -> memref<512xf32, #tpu.memory_space<hbm>>
    tpu.wait_dma2 semaphore(%arg14 : memref<!tpu.dma_semaphore, #tpu.memory_space<semaphore_mem>>) src(%dma_wait3A_124 : memref<512xf32, #tpu.memory_space<hbm>>) dst(%arg13 : memref<512xf32, #tpu.memory_space<vmem>>)
    %dma_wait3A_125 = arith.constant 0 : i32
    %dma_wait3A_126 = tpu.memref_slice %arg6[%dma_wait3A_125] : memref<16384xf32, #tpu.memory_space<hbm>> -> memref<512xf32, #tpu.memory_space<hbm>>
    %dma_wait3A_127 = arith.constant 0 : i32
    %dma_wait3A_128 = tpu.memref_slice %arg6[%dma_wait3A_127] : memref<16384xf32, #tpu.memory_space<hbm>> -> memref<512xf32, #tpu.memory_space<hbm>>
    tpu.wait_dma2 semaphore(%arg14 : memref<!tpu.dma_semaphore, #tpu.memory_space<semaphore_mem>>) src(%dma_wait3A_128 : memref<512xf32, #tpu.memory_space<hbm>>) dst(%arg13 : memref<512xf32, #tpu.memory_space<vmem>>)
    %dma_wait3A_129 = arith.constant 0 : i32
    %dma_wait3A_130 = tpu.memref_slice %arg6[%dma_wait3A_129] : memref<16384xf32, #tpu.memory_space<hbm>> -> memref<512xf32, #tpu.memory_space<hbm>>
    %dma_wait3A_131 = arith.constant 0 : i32
    %dma_wait3A_132 = tpu.memref_slice %arg6[%dma_wait3A_131] : memref<16384xf32, #tpu.memory_space<hbm>> -> memref<512xf32, #tpu.memory_space<hbm>>
    tpu.wait_dma2 semaphore(%arg14 : memref<!tpu.dma_semaphore, #tpu.memory_space<semaphore_mem>>) src(%dma_wait3A_132 : memref<512xf32, #tpu.memory_space<hbm>>) dst(%arg13 : memref<512xf32, #tpu.memory_space<vmem>>)
    %dma_wait3A_133 = arith.constant 0 : i32
    %dma_wait3A_134 = tpu.memref_slice %arg6[%dma_wait3A_133] : memref<16384xf32, #tpu.memory_space<hbm>> -> memref<512xf32, #tpu.memory_space<hbm>>
    %dma_wait3A_135 = arith.constant 0 : i32
    %dma_wait3A_136 = tpu.memref_slice %arg6[%dma_wait3A_135] : memref<16384xf32, #tpu.memory_space<hbm>> -> memref<512xf32, #tpu.memory_space<hbm>>
    tpu.wait_dma2 semaphore(%arg14 : memref<!tpu.dma_semaphore, #tpu.memory_space<semaphore_mem>>) src(%dma_wait3A_136 : memref<512xf32, #tpu.memory_space<hbm>>) dst(%arg13 : memref<512xf32, #tpu.memory_space<vmem>>)
    %dma_wait3A_137 = arith.constant 0 : i32
    %dma_wait3A_138 = tpu.memref_slice %arg6[%dma_wait3A_137] : memref<16384xf32, #tpu.memory_space<hbm>> -> memref<512xf32, #tpu.memory_space<hbm>>
    %dma_wait3A_139 = arith.constant 0 : i32
    %dma_wait3A_140 = tpu.memref_slice %arg6[%dma_wait3A_139] : memref<16384xf32, #tpu.memory_space<hbm>> -> memref<512xf32, #tpu.memory_space<hbm>>
    tpu.wait_dma2 semaphore(%arg14 : memref<!tpu.dma_semaphore, #tpu.memory_space<semaphore_mem>>) src(%dma_wait3A_140 : memref<512xf32, #tpu.memory_space<hbm>>) dst(%arg13 : memref<512xf32, #tpu.memory_space<vmem>>)
    %scan3A_141 = arith.constant 0 : i32
    %scan3A_142 = arith.constant 0 : i32
    %scan3A_143 = arith.constant 16 : i32
    %scan3A_144 = arith.addi %scan3A_142, %scan3A_143 : i32
    %scan3A_145 = arith.constant 1 : i32
    scf.for %scan3A_281 = %scan3A_142 to %scan3A_144 step %scan3A_145  : i32 {
      %mul3A_282 = arith.constant 16 : i32
      %mul3A_283 = arith.muli %scan3A_281, %mul3A_282 : i32
      %add3A_284 = vector.broadcast %mul3A_283 : i32 to vector<16xi32>
      %add3A_285 = arith.addi %add3A_284, %iota3A : vector<16xi32>
      %jit3A = arith.constant 4 : i32
      %div3A = vector.broadcast %jit3A : i32 to vector<16xi32>
      %div3A_286 = arith.divsi %add3A_285, %div3A : vector<16xi32>
      %sign3A = arith.constant 0 : i32
      %sign3A_287 = vector.broadcast %sign3A : i32 to vector<16xi32>
      %sign3A_288 = arith.cmpi sgt, %add3A_285, %sign3A_287 : vector<16xi32>
      %sign3A_289 = arith.extui %sign3A_288 : vector<16xi1> to vector<16xi32>
      %sign3A_290 = arith.constant 0 : i32
      %sign3A_291 = vector.broadcast %sign3A_290 : i32 to vector<16xi32>
      %sign3A_292 = arith.cmpi slt, %add3A_285, %sign3A_291 : vector<16xi32>
      %sign3A_293 = arith.extui %sign3A_292 : vector<16xi1> to vector<16xi32>
      %sign3A_294 = arith.subi %sign3A_289, %sign3A_293 : vector<16xi32>
      %sign3A_295 = arith.constant 0 : i32
      %sign3A_296 = arith.cmpi sgt, %jit3A, %sign3A_295 : i32
      %sign3A_297 = arith.extui %sign3A_296 : i1 to i32
      %sign3A_298 = arith.constant 0 : i32
      %sign3A_299 = arith.cmpi slt, %jit3A, %sign3A_298 : i32
      %sign3A_300 = arith.extui %sign3A_299 : i1 to i32
      %sign3A_301 = arith.subi %sign3A_297, %sign3A_300 : i32
      %ne3A = vector.broadcast %sign3A_301 : i32 to vector<16xi32>
      %ne3A_302 = arith.cmpi ne, %sign3A_294, %ne3A : vector<16xi32>
      %rem3A = vector.broadcast %jit3A : i32 to vector<16xi32>
      %rem3A_303 = arith.remsi %add3A_285, %rem3A : vector<16xi32>
      %ne3A_304 = arith.constant 0 : i32
      %ne3A_305 = vector.broadcast %ne3A_304 : i32 to vector<16xi32>
      %ne3A_306 = arith.cmpi ne, %rem3A_303, %ne3A_305 : vector<16xi32>
      %and3A = arith.andi %ne3A_302, %ne3A_306 : vector<16xi1>
      %sub3A = arith.constant 1 : i32
      %sub3A_307 = vector.broadcast %sub3A : i32 to vector<16xi32>
      %sub3A_308 = arith.subi %div3A_286, %sub3A_307 : vector<16xi32>
      %select_n3A = arith.select %and3A, %sub3A_308, %div3A_286 : vector<16xi1>, vector<16xi32>
      %jit3A_309 = arith.constant 4 : i32
      %eq3A = arith.constant 0 : i32
      %eq3A_310 = arith.cmpi eq, %jit3A_309, %eq3A : i32
      %jit3A_311 = arith.constant 1 : i32
      %select_n3A_312 = arith.select %eq3A_310, %jit3A_311, %jit3A_309 : i32
      %rem3A_313 = vector.broadcast %select_n3A_312 : i32 to vector<16xi32>
      %rem3A_314 = arith.remsi %add3A_285, %rem3A_313 : vector<16xi32>
      %ne3A_315 = arith.constant 0 : i32
      %ne3A_316 = vector.broadcast %ne3A_315 : i32 to vector<16xi32>
      %ne3A_317 = arith.cmpi ne, %rem3A_314, %ne3A_316 : vector<16xi32>
      %lt3A = arith.constant 0 : i32
      %lt3A_318 = vector.broadcast %lt3A : i32 to vector<16xi32>
      %lt3A_319 = arith.cmpi slt, %rem3A_314, %lt3A_318 : vector<16xi32>
      %lt3A_320 = arith.constant 0 : i32
      %lt3A_321 = arith.cmpi slt, %select_n3A_312, %lt3A_320 : i32
      %ne3A_322 = vector.broadcast %lt3A_321 : i1 to vector<16xi1>
      %ne3A_323 = vector.broadcast %ne3A_322 : vector<16xi1> to vector<16xi1>
      %ne3A_324 = arith.xori %lt3A_319, %ne3A_323 : vector<16xi1>
      %and3A_325 = arith.andi %ne3A_324, %ne3A_317 : vector<16xi1>
      %add3A_326 = vector.broadcast %select_n3A_312 : i32 to vector<16xi32>
      %add3A_327 = arith.addi %rem3A_314, %add3A_326 : vector<16xi32>
      %select_n3A_328 = arith.select %and3A_325, %add3A_327, %rem3A_314 : vector<16xi1>, vector<16xi32>
      %mul3A_329 = arith.constant 32 : i32
      %mul3A_330 = vector.broadcast %mul3A_329 : i32 to vector<16xi32>
      %mul3A_331 = arith.muli %select_n3A_328, %mul3A_330 : vector<16xi32>
      %broadcast_in_dim3A = arith.constant 0.000000e+00 : f32
      %broadcast_in_dim3A_332 = vector.broadcast %broadcast_in_dim3A : f32 to vector<16xf32>
      %add3A_333 = arith.constant 0 : i32
      %add3A_334 = vector.broadcast %add3A_333 : i32 to vector<16xi32>
      %add3A_335 = arith.addi %iota3A, %add3A_334 : vector<16xi32>
      %and3A_336 = arith.constant 31 : i32
      %and3A_337 = vector.broadcast %and3A_336 : i32 to vector<16xi32>
      %and3A_338 = arith.andi %add3A_335, %and3A_337 : vector<16xi32>
      %add3A_339 = arith.addi %mul3A_331, %and3A_338 : vector<16xi32>
      %gather3A = tpu.vector_load_idx %arg9[%select_n3A, %add3A_339] : memref<64x128xf32, #tpu.memory_space<vmem>>[vector<16xi32>, vector<16xi32>], vector<16xf32>,
      %gather3A_340 = tpu.vector_load_idx %arg10[%select_n3A, %add3A_339] : memref<64x128xf32, #tpu.memory_space<vmem>>[vector<16xi32>, vector<16xi32>], vector<16xf32>,
      %mul3A_341 = arith.mulf %gather3A, %gather3A_340 : vector<16xf32>
      %add3A_342 = arith.addf %broadcast_in_dim3A_332, %mul3A_341 : vector<16xf32>
      %add3A_343 = arith.constant 1 : i32
      %add3A_344 = vector.broadcast %add3A_343 : i32 to vector<16xi32>
      %add3A_345 = arith.addi %iota3A, %add3A_344 : vector<16xi32>
      %and3A_346 = arith.constant 31 : i32
      %and3A_347 = vector.broadcast %and3A_346 : i32 to vector<16xi32>
      %and3A_348 = arith.andi %add3A_345, %and3A_347 : vector<16xi32>
      %add3A_349 = arith.addi %mul3A_331, %and3A_348 : vector<16xi32>
      %gather3A_350 = tpu.vector_load_idx %arg9[%select_n3A, %add3A_349] : memref<64x128xf32, #tpu.memory_space<vmem>>[vector<16xi32>, vector<16xi32>], vector<16xf32>,
      %gather3A_351 = tpu.vector_load_idx %arg10[%select_n3A, %add3A_349] : memref<64x128xf32, #tpu.memory_space<vmem>>[vector<16xi32>, vector<16xi32>], vector<16xf32>,
      %mul3A_352 = arith.mulf %gather3A_350, %gather3A_351 : vector<16xf32>
      %add3A_353 = arith.addf %add3A_342, %mul3A_352 : vector<16xf32>
      %add3A_354 = arith.constant 2 : i32
      %add3A_355 = vector.broadcast %add3A_354 : i32 to vector<16xi32>
      %add3A_356 = arith.addi %iota3A, %add3A_355 : vector<16xi32>
      %and3A_357 = arith.constant 31 : i32
      %and3A_358 = vector.broadcast %and3A_357 : i32 to vector<16xi32>
      %and3A_359 = arith.andi %add3A_356, %and3A_358 : vector<16xi32>
      %add3A_360 = arith.addi %mul3A_331, %and3A_359 : vector<16xi32>
      %gather3A_361 = tpu.vector_load_idx %arg9[%select_n3A, %add3A_360] : memref<64x128xf32, #tpu.memory_space<vmem>>[vector<16xi32>, vector<16xi32>], vector<16xf32>,
      %gather3A_362 = tpu.vector_load_idx %arg10[%select_n3A, %add3A_360] : memref<64x128xf32, #tpu.memory_space<vmem>>[vector<16xi32>, vector<16xi32>], vector<16xf32>,
      %mul3A_363 = arith.mulf %gather3A_361, %gather3A_362 : vector<16xf32>
      %add3A_364 = arith.addf %add3A_353, %mul3A_363 : vector<16xf32>
      %add3A_365 = arith.constant 3 : i32
      %add3A_366 = vector.broadcast %add3A_365 : i32 to vector<16xi32>
      %add3A_367 = arith.addi %iota3A, %add3A_366 : vector<16xi32>
      %and3A_368 = arith.constant 31 : i32
      %and3A_369 = vector.broadcast %and3A_368 : i32 to vector<16xi32>
      %and3A_370 = arith.andi %add3A_367, %and3A_369 : vector<16xi32>
      %add3A_371 = arith.addi %mul3A_331, %and3A_370 : vector<16xi32>
      %gather3A_372 = tpu.vector_load_idx %arg9[%select_n3A, %add3A_371] : memref<64x128xf32, #tpu.memory_space<vmem>>[vector<16xi32>, vector<16xi32>], vector<16xf32>,
      %gather3A_373 = tpu.vector_load_idx %arg10[%select_n3A, %add3A_371] : memref<64x128xf32, #tpu.memory_space<vmem>>[vector<16xi32>, vector<16xi32>], vector<16xf32>,
      %mul3A_374 = arith.mulf %gather3A_372, %gather3A_373 : vector<16xf32>
      %add3A_375 = arith.addf %add3A_364, %mul3A_374 : vector<16xf32>
      %add3A_376 = arith.constant 4 : i32
      %add3A_377 = vector.broadcast %add3A_376 : i32 to vector<16xi32>
      %add3A_378 = arith.addi %iota3A, %add3A_377 : vector<16xi32>
      %and3A_379 = arith.constant 31 : i32
      %and3A_380 = vector.broadcast %and3A_379 : i32 to vector<16xi32>
      %and3A_381 = arith.andi %add3A_378, %and3A_380 : vector<16xi32>
      %add3A_382 = arith.addi %mul3A_331, %and3A_381 : vector<16xi32>
      %gather3A_383 = tpu.vector_load_idx %arg9[%select_n3A, %add3A_382] : memref<64x128xf32, #tpu.memory_space<vmem>>[vector<16xi32>, vector<16xi32>], vector<16xf32>,
      %gather3A_384 = tpu.vector_load_idx %arg10[%select_n3A, %add3A_382] : memref<64x128xf32, #tpu.memory_space<vmem>>[vector<16xi32>, vector<16xi32>], vector<16xf32>,
      %mul3A_385 = arith.mulf %gather3A_383, %gather3A_384 : vector<16xf32>
      %add3A_386 = arith.addf %add3A_375, %mul3A_385 : vector<16xf32>
      %add3A_387 = arith.constant 5 : i32
      %add3A_388 = vector.broadcast %add3A_387 : i32 to vector<16xi32>
      %add3A_389 = arith.addi %iota3A, %add3A_388 : vector<16xi32>
      %and3A_390 = arith.constant 31 : i32
      %and3A_391 = vector.broadcast %and3A_390 : i32 to vector<16xi32>
      %and3A_392 = arith.andi %add3A_389, %and3A_391 : vector<16xi32>
      %add3A_393 = arith.addi %mul3A_331, %and3A_392 : vector<16xi32>
      %gather3A_394 = tpu.vector_load_idx %arg9[%select_n3A, %add3A_393] : memref<64x128xf32, #tpu.memory_space<vmem>>[vector<16xi32>, vector<16xi32>], vector<16xf32>,
      %gather3A_395 = tpu.vector_load_idx %arg10[%select_n3A, %add3A_393] : memref<64x128xf32, #tpu.memory_space<vmem>>[vector<16xi32>, vector<16xi32>], vector<16xf32>,
      %mul3A_396 = arith.mulf %gather3A_394, %gather3A_395 : vector<16xf32>
      %add3A_397 = arith.addf %add3A_386, %mul3A_396 : vector<16xf32>
      %add3A_398 = arith.constant 6 : i32
      %add3A_399 = vector.broadcast %add3A_398 : i32 to vector<16xi32>
      %add3A_400 = arith.addi %iota3A, %add3A_399 : vector<16xi32>
      %and3A_401 = arith.constant 31 : i32
      %and3A_402 = vector.broadcast %and3A_401 : i32 to vector<16xi32>
      %and3A_403 = arith.andi %add3A_400, %and3A_402 : vector<16xi32>
      %add3A_404 = arith.addi %mul3A_331, %and3A_403 : vector<16xi32>
      %gather3A_405 = tpu.vector_load_idx %arg9[%select_n3A, %add3A_404] : memref<64x128xf32, #tpu.memory_space<vmem>>[vector<16xi32>, vector<16xi32>], vector<16xf32>,
      %gather3A_406 = tpu.vector_load_idx %arg10[%select_n3A, %add3A_404] : memref<64x128xf32, #tpu.memory_space<vmem>>[vector<16xi32>, vector<16xi32>], vector<16xf32>,
      %mul3A_407 = arith.mulf %gather3A_405, %gather3A_406 : vector<16xf32>
      %add3A_408 = arith.addf %add3A_397, %mul3A_407 : vector<16xf32>
      %add3A_409 = arith.constant 7 : i32
      %add3A_410 = vector.broadcast %add3A_409 : i32 to vector<16xi32>
      %add3A_411 = arith.addi %iota3A, %add3A_410 : vector<16xi32>
      %and3A_412 = arith.constant 31 : i32
      %and3A_413 = vector.broadcast %and3A_412 : i32 to vector<16xi32>
      %and3A_414 = arith.andi %add3A_411, %and3A_413 : vector<16xi32>
      %add3A_415 = arith.addi %mul3A_331, %and3A_414 : vector<16xi32>
      %gather3A_416 = tpu.vector_load_idx %arg9[%select_n3A, %add3A_415] : memref<64x128xf32, #tpu.memory_space<vmem>>[vector<16xi32>, vector<16xi32>], vector<16xf32>,
      %gather3A_417 = tpu.vector_load_idx %arg10[%select_n3A, %add3A_415] : memref<64x128xf32, #tpu.memory_space<vmem>>[vector<16xi32>, vector<16xi32>], vector<16xf32>,
      %mul3A_418 = arith.mulf %gather3A_416, %gather3A_417 : vector<16xf32>
      %add3A_419 = arith.addf %add3A_408, %mul3A_418 : vector<16xf32>
      %add3A_420 = arith.constant 8 : i32
      %add3A_421 = vector.broadcast %add3A_420 : i32 to vector<16xi32>
      %add3A_422 = arith.addi %iota3A, %add3A_421 : vector<16xi32>
      %and3A_423 = arith.constant 31 : i32
      %and3A_424 = vector.broadcast %and3A_423 : i32 to vector<16xi32>
      %and3A_425 = arith.andi %add3A_422, %and3A_424 : vector<16xi32>
      %add3A_426 = arith.addi %mul3A_331, %and3A_425 : vector<16xi32>
      %gather3A_427 = tpu.vector_load_idx %arg9[%select_n3A, %add3A_426] : memref<64x128xf32, #tpu.memory_space<vmem>>[vector<16xi32>, vector<16xi32>], vector<16xf32>,
      %gather3A_428 = tpu.vector_load_idx %arg10[%select_n3A, %add3A_426] : memref<64x128xf32, #tpu.memory_space<vmem>>[vector<16xi32>, vector<16xi32>], vector<16xf32>,
      %mul3A_429 = arith.mulf %gather3A_427, %gather3A_428 : vector<16xf32>
      %add3A_430 = arith.addf %add3A_419, %mul3A_429 : vector<16xf32>
      %add3A_431 = arith.constant 9 : i32
      %add3A_432 = vector.broadcast %add3A_431 : i32 to vector<16xi32>
      %add3A_433 = arith.addi %iota3A, %add3A_432 : vector<16xi32>
      %and3A_434 = arith.constant 31 : i32
      %and3A_435 = vector.broadcast %and3A_434 : i32 to vector<16xi32>
      %and3A_436 = arith.andi %add3A_433, %and3A_435 : vector<16xi32>
      %add3A_437 = arith.addi %mul3A_331, %and3A_436 : vector<16xi32>
      %gather3A_438 = tpu.vector_load_idx %arg9[%select_n3A, %add3A_437] : memref<64x128xf32, #tpu.memory_space<vmem>>[vector<16xi32>, vector<16xi32>], vector<16xf32>,
      %gather3A_439 = tpu.vector_load_idx %arg10[%select_n3A, %add3A_437] : memref<64x128xf32, #tpu.memory_space<vmem>>[vector<16xi32>, vector<16xi32>], vector<16xf32>,
      %mul3A_440 = arith.mulf %gather3A_438, %gather3A_439 : vector<16xf32>
      %add3A_441 = arith.addf %add3A_430, %mul3A_440 : vector<16xf32>
      %add3A_442 = arith.constant 10 : i32
      %add3A_443 = vector.broadcast %add3A_442 : i32 to vector<16xi32>
      %add3A_444 = arith.addi %iota3A, %add3A_443 : vector<16xi32>
      %and3A_445 = arith.constant 31 : i32
      %and3A_446 = vector.broadcast %and3A_445 : i32 to vector<16xi32>
      %and3A_447 = arith.andi %add3A_444, %and3A_446 : vector<16xi32>
      %add3A_448 = arith.addi %mul3A_331, %and3A_447 : vector<16xi32>
      %gather3A_449 = tpu.vector_load_idx %arg9[%select_n3A, %add3A_448] : memref<64x128xf32, #tpu.memory_space<vmem>>[vector<16xi32>, vector<16xi32>], vector<16xf32>,
      %gather3A_450 = tpu.vector_load_idx %arg10[%select_n3A, %add3A_448] : memref<64x128xf32, #tpu.memory_space<vmem>>[vector<16xi32>, vector<16xi32>], vector<16xf32>,
      %mul3A_451 = arith.mulf %gather3A_449, %gather3A_450 : vector<16xf32>
      %add3A_452 = arith.addf %add3A_441, %mul3A_451 : vector<16xf32>
      %add3A_453 = arith.constant 11 : i32
      %add3A_454 = vector.broadcast %add3A_453 : i32 to vector<16xi32>
      %add3A_455 = arith.addi %iota3A, %add3A_454 : vector<16xi32>
      %and3A_456 = arith.constant 31 : i32
      %and3A_457 = vector.broadcast %and3A_456 : i32 to vector<16xi32>
      %and3A_458 = arith.andi %add3A_455, %and3A_457 : vector<16xi32>
      %add3A_459 = arith.addi %mul3A_331, %and3A_458 : vector<16xi32>
      %gather3A_460 = tpu.vector_load_idx %arg9[%select_n3A, %add3A_459] : memref<64x128xf32, #tpu.memory_space<vmem>>[vector<16xi32>, vector<16xi32>], vector<16xf32>,
      %gather3A_461 = tpu.vector_load_idx %arg10[%select_n3A, %add3A_459] : memref<64x128xf32, #tpu.memory_space<vmem>>[vector<16xi32>, vector<16xi32>], vector<16xf32>,
      %mul3A_462 = arith.mulf %gather3A_460, %gather3A_461 : vector<16xf32>
      %add3A_463 = arith.addf %add3A_452, %mul3A_462 : vector<16xf32>
      %add3A_464 = arith.constant 12 : i32
      %add3A_465 = vector.broadcast %add3A_464 : i32 to vector<16xi32>
      %add3A_466 = arith.addi %iota3A, %add3A_465 : vector<16xi32>
      %and3A_467 = arith.constant 31 : i32
      %and3A_468 = vector.broadcast %and3A_467 : i32 to vector<16xi32>
      %and3A_469 = arith.andi %add3A_466, %and3A_468 : vector<16xi32>
      %add3A_470 = arith.addi %mul3A_331, %and3A_469 : vector<16xi32>
      %gather3A_471 = tpu.vector_load_idx %arg9[%select_n3A, %add3A_470] : memref<64x128xf32, #tpu.memory_space<vmem>>[vector<16xi32>, vector<16xi32>], vector<16xf32>,
      %gather3A_472 = tpu.vector_load_idx %arg10[%select_n3A, %add3A_470] : memref<64x128xf32, #tpu.memory_space<vmem>>[vector<16xi32>, vector<16xi32>], vector<16xf32>,
      %mul3A_473 = arith.mulf %gather3A_471, %gather3A_472 : vector<16xf32>
      %add3A_474 = arith.addf %add3A_463, %mul3A_473 : vector<16xf32>
      %add3A_475 = arith.constant 13 : i32
      %add3A_476 = vector.broadcast %add3A_475 : i32 to vector<16xi32>
      %add3A_477 = arith.addi %iota3A, %add3A_476 : vector<16xi32>
      %and3A_478 = arith.constant 31 : i32
      %and3A_479 = vector.broadcast %and3A_478 : i32 to vector<16xi32>
      %and3A_480 = arith.andi %add3A_477, %and3A_479 : vector<16xi32>
      %add3A_481 = arith.addi %mul3A_331, %and3A_480 : vector<16xi32>
      %gather3A_482 = tpu.vector_load_idx %arg9[%select_n3A, %add3A_481] : memref<64x128xf32, #tpu.memory_space<vmem>>[vector<16xi32>, vector<16xi32>], vector<16xf32>,
      %gather3A_483 = tpu.vector_load_idx %arg10[%select_n3A, %add3A_481] : memref<64x128xf32, #tpu.memory_space<vmem>>[vector<16xi32>, vector<16xi32>], vector<16xf32>,
      %mul3A_484 = arith.mulf %gather3A_482, %gather3A_483 : vector<16xf32>
      %add3A_485 = arith.addf %add3A_474, %mul3A_484 : vector<16xf32>
      %add3A_486 = arith.constant 14 : i32
      %add3A_487 = vector.broadcast %add3A_486 : i32 to vector<16xi32>
      %add3A_488 = arith.addi %iota3A, %add3A_487 : vector<16xi32>
      %and3A_489 = arith.constant 31 : i32
      %and3A_490 = vector.broadcast %and3A_489 : i32 to vector<16xi32>
      %and3A_491 = arith.andi %add3A_488, %and3A_490 : vector<16xi32>
      %add3A_492 = arith.addi %mul3A_331, %and3A_491 : vector<16xi32>
      %gather3A_493 = tpu.vector_load_idx %arg9[%select_n3A, %add3A_492] : memref<64x128xf32, #tpu.memory_space<vmem>>[vector<16xi32>, vector<16xi32>], vector<16xf32>,
      %gather3A_494 = tpu.vector_load_idx %arg10[%select_n3A, %add3A_492] : memref<64x128xf32, #tpu.memory_space<vmem>>[vector<16xi32>, vector<16xi32>], vector<16xf32>,
      %mul3A_495 = arith.mulf %gather3A_493, %gather3A_494 : vector<16xf32>
      %add3A_496 = arith.addf %add3A_485, %mul3A_495 : vector<16xf32>
      %add3A_497 = arith.constant 15 : i32
      %add3A_498 = vector.broadcast %add3A_497 : i32 to vector<16xi32>
      %add3A_499 = arith.addi %iota3A, %add3A_498 : vector<16xi32>
      %and3A_500 = arith.constant 31 : i32
      %and3A_501 = vector.broadcast %and3A_500 : i32 to vector<16xi32>
      %and3A_502 = arith.andi %add3A_499, %and3A_501 : vector<16xi32>
      %add3A_503 = arith.addi %mul3A_331, %and3A_502 : vector<16xi32>
      %gather3A_504 = tpu.vector_load_idx %arg9[%select_n3A, %add3A_503] : memref<64x128xf32, #tpu.memory_space<vmem>>[vector<16xi32>, vector<16xi32>], vector<16xf32>,
      %gather3A_505 = tpu.vector_load_idx %arg10[%select_n3A, %add3A_503] : memref<64x128xf32, #tpu.memory_space<vmem>>[vector<16xi32>, vector<16xi32>], vector<16xf32>,
      %mul3A_506 = arith.mulf %gather3A_504, %gather3A_505 : vector<16xf32>
      %add3A_507 = arith.addf %add3A_496, %mul3A_506 : vector<16xf32>
      %add3A_508 = arith.constant 16 : i32
      %add3A_509 = vector.broadcast %add3A_508 : i32 to vector<16xi32>
      %add3A_510 = arith.addi %iota3A, %add3A_509 : vector<16xi32>
      %and3A_511 = arith.constant 31 : i32
      %and3A_512 = vector.broadcast %and3A_511 : i32 to vector<16xi32>
      %and3A_513 = arith.andi %add3A_510, %and3A_512 : vector<16xi32>
      %add3A_514 = arith.addi %mul3A_331, %and3A_513 : vector<16xi32>
      %gather3A_515 = tpu.vector_load_idx %arg9[%select_n3A, %add3A_514] : memref<64x128xf32, #tpu.memory_space<vmem>>[vector<16xi32>, vector<16xi32>], vector<16xf32>,
      %gather3A_516 = tpu.vector_load_idx %arg10[%select_n3A, %add3A_514] : memref<64x128xf32, #tpu.memory_space<vmem>>[vector<16xi32>, vector<16xi32>], vector<16xf32>,
      %mul3A_517 = arith.mulf %gather3A_515, %gather3A_516 : vector<16xf32>
      %add3A_518 = arith.addf %add3A_507, %mul3A_517 : vector<16xf32>
      %add3A_519 = arith.constant 17 : i32
      %add3A_520 = vector.broadcast %add3A_519 : i32 to vector<16xi32>
      %add3A_521 = arith.addi %iota3A, %add3A_520 : vector<16xi32>
      %and3A_522 = arith.constant 31 : i32
      %and3A_523 = vector.broadcast %and3A_522 : i32 to vector<16xi32>
      %and3A_524 = arith.andi %add3A_521, %and3A_523 : vector<16xi32>
      %add3A_525 = arith.addi %mul3A_331, %and3A_524 : vector<16xi32>
      %gather3A_526 = tpu.vector_load_idx %arg9[%select_n3A, %add3A_525] : memref<64x128xf32, #tpu.memory_space<vmem>>[vector<16xi32>, vector<16xi32>], vector<16xf32>,
      %gather3A_527 = tpu.vector_load_idx %arg10[%select_n3A, %add3A_525] : memref<64x128xf32, #tpu.memory_space<vmem>>[vector<16xi32>, vector<16xi32>], vector<16xf32>,
      %mul3A_528 = arith.mulf %gather3A_526, %gather3A_527 : vector<16xf32>
      %add3A_529 = arith.addf %add3A_518, %mul3A_528 : vector<16xf32>
      %add3A_530 = arith.constant 18 : i32
      %add3A_531 = vector.broadcast %add3A_530 : i32 to vector<16xi32>
      %add3A_532 = arith.addi %iota3A, %add3A_531 : vector<16xi32>
      %and3A_533 = arith.constant 31 : i32
      %and3A_534 = vector.broadcast %and3A_533 : i32 to vector<16xi32>
      %and3A_535 = arith.andi %add3A_532, %and3A_534 : vector<16xi32>
      %add3A_536 = arith.addi %mul3A_331, %and3A_535 : vector<16xi32>
      %gather3A_537 = tpu.vector_load_idx %arg9[%select_n3A, %add3A_536] : memref<64x128xf32, #tpu.memory_space<vmem>>[vector<16xi32>, vector<16xi32>], vector<16xf32>,
      %gather3A_538 = tpu.vector_load_idx %arg10[%select_n3A, %add3A_536] : memref<64x128xf32, #tpu.memory_space<vmem>>[vector<16xi32>, vector<16xi32>], vector<16xf32>,
      %mul3A_539 = arith.mulf %gather3A_537, %gather3A_538 : vector<16xf32>
      %add3A_540 = arith.addf %add3A_529, %mul3A_539 : vector<16xf32>
      %add3A_541 = arith.constant 19 : i32
      %add3A_542 = vector.broadcast %add3A_541 : i32 to vector<16xi32>
      %add3A_543 = arith.addi %iota3A, %add3A_542 : vector<16xi32>
      %and3A_544 = arith.constant 31 : i32
      %and3A_545 = vector.broadcast %and3A_544 : i32 to vector<16xi32>
      %and3A_546 = arith.andi %add3A_543, %and3A_545 : vector<16xi32>
      %add3A_547 = arith.addi %mul3A_331, %and3A_546 : vector<16xi32>
      %gather3A_548 = tpu.vector_load_idx %arg9[%select_n3A, %add3A_547] : memref<64x128xf32, #tpu.memory_space<vmem>>[vector<16xi32>, vector<16xi32>], vector<16xf32>,
      %gather3A_549 = tpu.vector_load_idx %arg10[%select_n3A, %add3A_547] : memref<64x128xf32, #tpu.memory_space<vmem>>[vector<16xi32>, vector<16xi32>], vector<16xf32>,
      %mul3A_550 = arith.mulf %gather3A_548, %gather3A_549 : vector<16xf32>
      %add3A_551 = arith.addf %add3A_540, %mul3A_550 : vector<16xf32>
      %add3A_552 = arith.constant 20 : i32
      %add3A_553 = vector.broadcast %add3A_552 : i32 to vector<16xi32>
      %add3A_554 = arith.addi %iota3A, %add3A_553 : vector<16xi32>
      %and3A_555 = arith.constant 31 : i32
      %and3A_556 = vector.broadcast %and3A_555 : i32 to vector<16xi32>
      %and3A_557 = arith.andi %add3A_554, %and3A_556 : vector<16xi32>
      %add3A_558 = arith.addi %mul3A_331, %and3A_557 : vector<16xi32>
      %gather3A_559 = tpu.vector_load_idx %arg9[%select_n3A, %add3A_558] : memref<64x128xf32, #tpu.memory_space<vmem>>[vector<16xi32>, vector<16xi32>], vector<16xf32>,
      %gather3A_560 = tpu.vector_load_idx %arg10[%select_n3A, %add3A_558] : memref<64x128xf32, #tpu.memory_space<vmem>>[vector<16xi32>, vector<16xi32>], vector<16xf32>,
      %mul3A_561 = arith.mulf %gather3A_559, %gather3A_560 : vector<16xf32>
      %add3A_562 = arith.addf %add3A_551, %mul3A_561 : vector<16xf32>
      %add3A_563 = arith.constant 21 : i32
      %add3A_564 = vector.broadcast %add3A_563 : i32 to vector<16xi32>
      %add3A_565 = arith.addi %iota3A, %add3A_564 : vector<16xi32>
      %and3A_566 = arith.constant 31 : i32
      %and3A_567 = vector.broadcast %and3A_566 : i32 to vector<16xi32>
      %and3A_568 = arith.andi %add3A_565, %and3A_567 : vector<16xi32>
      %add3A_569 = arith.addi %mul3A_331, %and3A_568 : vector<16xi32>
      %gather3A_570 = tpu.vector_load_idx %arg9[%select_n3A, %add3A_569] : memref<64x128xf32, #tpu.memory_space<vmem>>[vector<16xi32>, vector<16xi32>], vector<16xf32>,
      %gather3A_571 = tpu.vector_load_idx %arg10[%select_n3A, %add3A_569] : memref<64x128xf32, #tpu.memory_space<vmem>>[vector<16xi32>, vector<16xi32>], vector<16xf32>,
      %mul3A_572 = arith.mulf %gather3A_570, %gather3A_571 : vector<16xf32>
      %add3A_573 = arith.addf %add3A_562, %mul3A_572 : vector<16xf32>
      %add3A_574 = arith.constant 22 : i32
      %add3A_575 = vector.broadcast %add3A_574 : i32 to vector<16xi32>
      %add3A_576 = arith.addi %iota3A, %add3A_575 : vector<16xi32>
      %and3A_577 = arith.constant 31 : i32
      %and3A_578 = vector.broadcast %and3A_577 : i32 to vector<16xi32>
      %and3A_579 = arith.andi %add3A_576, %and3A_578 : vector<16xi32>
      %add3A_580 = arith.addi %mul3A_331, %and3A_579 : vector<16xi32>
      %gather3A_581 = tpu.vector_load_idx %arg9[%select_n3A, %add3A_580] : memref<64x128xf32, #tpu.memory_space<vmem>>[vector<16xi32>, vector<16xi32>], vector<16xf32>,
      %gather3A_582 = tpu.vector_load_idx %arg10[%select_n3A, %add3A_580] : memref<64x128xf32, #tpu.memory_space<vmem>>[vector<16xi32>, vector<16xi32>], vector<16xf32>,
      %mul3A_583 = arith.mulf %gather3A_581, %gather3A_582 : vector<16xf32>
      %add3A_584 = arith.addf %add3A_573, %mul3A_583 : vector<16xf32>
      %add3A_585 = arith.constant 23 : i32
      %add3A_586 = vector.broadcast %add3A_585 : i32 to vector<16xi32>
      %add3A_587 = arith.addi %iota3A, %add3A_586 : vector<16xi32>
      %and3A_588 = arith.constant 31 : i32
      %and3A_589 = vector.broadcast %and3A_588 : i32 to vector<16xi32>
      %and3A_590 = arith.andi %add3A_587, %and3A_589 : vector<16xi32>
      %add3A_591 = arith.addi %mul3A_331, %and3A_590 : vector<16xi32>
      %gather3A_592 = tpu.vector_load_idx %arg9[%select_n3A, %add3A_591] : memref<64x128xf32, #tpu.memory_space<vmem>>[vector<16xi32>, vector<16xi32>], vector<16xf32>,
      %gather3A_593 = tpu.vector_load_idx %arg10[%select_n3A, %add3A_591] : memref<64x128xf32, #tpu.memory_space<vmem>>[vector<16xi32>, vector<16xi32>], vector<16xf32>,
      %mul3A_594 = arith.mulf %gather3A_592, %gather3A_593 : vector<16xf32>
      %add3A_595 = arith.addf %add3A_584, %mul3A_594 : vector<16xf32>
      %add3A_596 = arith.constant 24 : i32
      %add3A_597 = vector.broadcast %add3A_596 : i32 to vector<16xi32>
      %add3A_598 = arith.addi %iota3A, %add3A_597 : vector<16xi32>
      %and3A_599 = arith.constant 31 : i32
      %and3A_600 = vector.broadcast %and3A_599 : i32 to vector<16xi32>
      %and3A_601 = arith.andi %add3A_598, %and3A_600 : vector<16xi32>
      %add3A_602 = arith.addi %mul3A_331, %and3A_601 : vector<16xi32>
      %gather3A_603 = tpu.vector_load_idx %arg9[%select_n3A, %add3A_602] : memref<64x128xf32, #tpu.memory_space<vmem>>[vector<16xi32>, vector<16xi32>], vector<16xf32>,
      %gather3A_604 = tpu.vector_load_idx %arg10[%select_n3A, %add3A_602] : memref<64x128xf32, #tpu.memory_space<vmem>>[vector<16xi32>, vector<16xi32>], vector<16xf32>,
      %mul3A_605 = arith.mulf %gather3A_603, %gather3A_604 : vector<16xf32>
      %add3A_606 = arith.addf %add3A_595, %mul3A_605 : vector<16xf32>
      %add3A_607 = arith.constant 25 : i32
      %add3A_608 = vector.broadcast %add3A_607 : i32 to vector<16xi32>
      %add3A_609 = arith.addi %iota3A, %add3A_608 : vector<16xi32>
      %and3A_610 = arith.constant 31 : i32
      %and3A_611 = vector.broadcast %and3A_610 : i32 to vector<16xi32>
      %and3A_612 = arith.andi %add3A_609, %and3A_611 : vector<16xi32>
      %add3A_613 = arith.addi %mul3A_331, %and3A_612 : vector<16xi32>
      %gather3A_614 = tpu.vector_load_idx %arg9[%select_n3A, %add3A_613] : memref<64x128xf32, #tpu.memory_space<vmem>>[vector<16xi32>, vector<16xi32>], vector<16xf32>,
      %gather3A_615 = tpu.vector_load_idx %arg10[%select_n3A, %add3A_613] : memref<64x128xf32, #tpu.memory_space<vmem>>[vector<16xi32>, vector<16xi32>], vector<16xf32>,
      %mul3A_616 = arith.mulf %gather3A_614, %gather3A_615 : vector<16xf32>
      %add3A_617 = arith.addf %add3A_606, %mul3A_616 : vector<16xf32>
      %add3A_618 = arith.constant 26 : i32
      %add3A_619 = vector.broadcast %add3A_618 : i32 to vector<16xi32>
      %add3A_620 = arith.addi %iota3A, %add3A_619 : vector<16xi32>
      %and3A_621 = arith.constant 31 : i32
      %and3A_622 = vector.broadcast %and3A_621 : i32 to vector<16xi32>
      %and3A_623 = arith.andi %add3A_620, %and3A_622 : vector<16xi32>
      %add3A_624 = arith.addi %mul3A_331, %and3A_623 : vector<16xi32>
      %gather3A_625 = tpu.vector_load_idx %arg9[%select_n3A, %add3A_624] : memref<64x128xf32, #tpu.memory_space<vmem>>[vector<16xi32>, vector<16xi32>], vector<16xf32>,
      %gather3A_626 = tpu.vector_load_idx %arg10[%select_n3A, %add3A_624] : memref<64x128xf32, #tpu.memory_space<vmem>>[vector<16xi32>, vector<16xi32>], vector<16xf32>,
      %mul3A_627 = arith.mulf %gather3A_625, %gather3A_626 : vector<16xf32>
      %add3A_628 = arith.addf %add3A_617, %mul3A_627 : vector<16xf32>
      %add3A_629 = arith.constant 27 : i32
      %add3A_630 = vector.broadcast %add3A_629 : i32 to vector<16xi32>
      %add3A_631 = arith.addi %iota3A, %add3A_630 : vector<16xi32>
      %and3A_632 = arith.constant 31 : i32
      %and3A_633 = vector.broadcast %and3A_632 : i32 to vector<16xi32>
      %and3A_634 = arith.andi %add3A_631, %and3A_633 : vector<16xi32>
      %add3A_635 = arith.addi %mul3A_331, %and3A_634 : vector<16xi32>
      %gather3A_636 = tpu.vector_load_idx %arg9[%select_n3A, %add3A_635] : memref<64x128xf32, #tpu.memory_space<vmem>>[vector<16xi32>, vector<16xi32>], vector<16xf32>,
      %gather3A_637 = tpu.vector_load_idx %arg10[%select_n3A, %add3A_635] : memref<64x128xf32, #tpu.memory_space<vmem>>[vector<16xi32>, vector<16xi32>], vector<16xf32>,
      %mul3A_638 = arith.mulf %gather3A_636, %gather3A_637 : vector<16xf32>
      %add3A_639 = arith.addf %add3A_628, %mul3A_638 : vector<16xf32>
      %add3A_640 = arith.constant 28 : i32
      %add3A_641 = vector.broadcast %add3A_640 : i32 to vector<16xi32>
      %add3A_642 = arith.addi %iota3A, %add3A_641 : vector<16xi32>
      %and3A_643 = arith.constant 31 : i32
      %and3A_644 = vector.broadcast %and3A_643 : i32 to vector<16xi32>
      %and3A_645 = arith.andi %add3A_642, %and3A_644 : vector<16xi32>
      %add3A_646 = arith.addi %mul3A_331, %and3A_645 : vector<16xi32>
      %gather3A_647 = tpu.vector_load_idx %arg9[%select_n3A, %add3A_646] : memref<64x128xf32, #tpu.memory_space<vmem>>[vector<16xi32>, vector<16xi32>], vector<16xf32>,
      %gather3A_648 = tpu.vector_load_idx %arg10[%select_n3A, %add3A_646] : memref<64x128xf32, #tpu.memory_space<vmem>>[vector<16xi32>, vector<16xi32>], vector<16xf32>,
      %mul3A_649 = arith.mulf %gather3A_647, %gather3A_648 : vector<16xf32>
      %add3A_650 = arith.addf %add3A_639, %mul3A_649 : vector<16xf32>
      %add3A_651 = arith.constant 29 : i32
      %add3A_652 = vector.broadcast %add3A_651 : i32 to vector<16xi32>
      %add3A_653 = arith.addi %iota3A, %add3A_652 : vector<16xi32>
      %and3A_654 = arith.constant 31 : i32
      %and3A_655 = vector.broadcast %and3A_654 : i32 to vector<16xi32>
      %and3A_656 = arith.andi %add3A_653, %and3A_655 : vector<16xi32>
      %add3A_657 = arith.addi %mul3A_331, %and3A_656 : vector<16xi32>
      %gather3A_658 = tpu.vector_load_idx %arg9[%select_n3A, %add3A_657] : memref<64x128xf32, #tpu.memory_space<vmem>>[vector<16xi32>, vector<16xi32>], vector<16xf32>,
      %gather3A_659 = tpu.vector_load_idx %arg10[%select_n3A, %add3A_657] : memref<64x128xf32, #tpu.memory_space<vmem>>[vector<16xi32>, vector<16xi32>], vector<16xf32>,
      %mul3A_660 = arith.mulf %gather3A_658, %gather3A_659 : vector<16xf32>
      %add3A_661 = arith.addf %add3A_650, %mul3A_660 : vector<16xf32>
      %add3A_662 = arith.constant 30 : i32
      %add3A_663 = vector.broadcast %add3A_662 : i32 to vector<16xi32>
      %add3A_664 = arith.addi %iota3A, %add3A_663 : vector<16xi32>
      %and3A_665 = arith.constant 31 : i32
      %and3A_666 = vector.broadcast %and3A_665 : i32 to vector<16xi32>
      %and3A_667 = arith.andi %add3A_664, %and3A_666 : vector<16xi32>
      %add3A_668 = arith.addi %mul3A_331, %and3A_667 : vector<16xi32>
      %gather3A_669 = tpu.vector_load_idx %arg9[%select_n3A, %add3A_668] : memref<64x128xf32, #tpu.memory_space<vmem>>[vector<16xi32>, vector<16xi32>], vector<16xf32>,
      %gather3A_670 = tpu.vector_load_idx %arg10[%select_n3A, %add3A_668] : memref<64x128xf32, #tpu.memory_space<vmem>>[vector<16xi32>, vector<16xi32>], vector<16xf32>,
      %mul3A_671 = arith.mulf %gather3A_669, %gather3A_670 : vector<16xf32>
      %add3A_672 = arith.addf %add3A_661, %mul3A_671 : vector<16xf32>
      %add3A_673 = arith.constant 31 : i32
      %add3A_674 = vector.broadcast %add3A_673 : i32 to vector<16xi32>
      %add3A_675 = arith.addi %iota3A, %add3A_674 : vector<16xi32>
      %and3A_676 = arith.constant 31 : i32
      %and3A_677 = vector.broadcast %and3A_676 : i32 to vector<16xi32>
      %and3A_678 = arith.andi %add3A_675, %and3A_677 : vector<16xi32>
      %add3A_679 = arith.addi %mul3A_331, %and3A_678 : vector<16xi32>
      %gather3A_680 = tpu.vector_load_idx %arg9[%select_n3A, %add3A_679] : memref<64x128xf32, #tpu.memory_space<vmem>>[vector<16xi32>, vector<16xi32>], vector<16xf32>,
      %gather3A_681 = tpu.vector_load_idx %arg10[%select_n3A, %add3A_679] : memref<64x128xf32, #tpu.memory_space<vmem>>[vector<16xi32>, vector<16xi32>], vector<16xf32>,
      %mul3A_682 = arith.mulf %gather3A_680, %gather3A_681 : vector<16xf32>
      %add3A_683 = arith.addf %add3A_672, %mul3A_682 : vector<16xf32>
      %neg3A = arith.constant 0.000000e+00 : f32
      %neg3A_684 = vector.broadcast %neg3A : f32 to vector<16xf32>
      %neg3A_685 = arith.subf %neg3A_684, %add3A_683 : vector<16xf32>
      %exp3A = math.exp %neg3A_685 : vector<16xf32>
      %add3A_686 = arith.constant 1.000000e+00 : f32
      %add3A_687 = vector.broadcast %add3A_686 : f32 to vector<16xf32>
      %add3A_688 = arith.addf %add3A_687, %exp3A : vector<16xf32>
      %div3A_689 = arith.constant 1.000000e+00 : f32
      %div3A_690 = vector.broadcast %div3A_689 : f32 to vector<16xf32>
      %div3A_691 = arith.divf %div3A_690, %add3A_688 : vector<16xf32>
      %mul3A_692 = arith.constant 16 : i32
      %mul3A_693 = arith.muli %scan3A_281, %mul3A_692 : i32
      %add3A_694 = arith.constant 0 : i32
      %add3A_695 = arith.addi %add3A_694, %mul3A_693 : i32
      %swap3A = arith.index_cast %add3A_695 : i32 to index
      %swap3A_696 = tpu.vector_load %arg13[%swap3A] {strides = array<i32>} : memref<512xf32, #tpu.memory_space<vmem>>, vector<16xf32>,
      tpu.vector_store %arg13[%swap3A], %div3A_691 {strides = array<i32>} : memref<512xf32, #tpu.memory_space<vmem>>, vector<16xf32>,
    }
    %scan3A_146 = arith.constant 16 : i32
    %dma_wait3A_147 = arith.constant 0 : i32
    %dma_wait3A_148 = tpu.memref_slice %arg6[%dma_wait3A_147] : memref<16384xf32, #tpu.memory_space<hbm>> -> memref<512xf32, #tpu.memory_space<hbm>>
    %dma_wait3A_149 = arith.constant 0 : i32
    %dma_wait3A_150 = tpu.memref_slice %arg6[%dma_wait3A_149] : memref<16384xf32, #tpu.memory_space<hbm>> -> memref<512xf32, #tpu.memory_space<hbm>>
    tpu.wait_dma2 semaphore(%arg15 : memref<!tpu.dma_semaphore, #tpu.memory_space<semaphore_mem>>) src(%dma_wait3A_150 : memref<512xf32, #tpu.memory_space<hbm>>) dst(%arg13 : memref<512xf32, #tpu.memory_space<vmem>>)
    %dma_wait3A_151 = arith.constant 0 : i32
    %dma_wait3A_152 = tpu.memref_slice %arg6[%dma_wait3A_151] : memref<16384xf32, #tpu.memory_space<hbm>> -> memref<512xf32, #tpu.memory_space<hbm>>
    %dma_wait3A_153 = arith.constant 0 : i32
    %dma_wait3A_154 = tpu.memref_slice %arg6[%dma_wait3A_153] : memref<16384xf32, #tpu.memory_space<hbm>> -> memref<512xf32, #tpu.memory_space<hbm>>
    tpu.wait_dma2 semaphore(%arg15 : memref<!tpu.dma_semaphore, #tpu.memory_space<semaphore_mem>>) src(%dma_wait3A_154 : memref<512xf32, #tpu.memory_space<hbm>>) dst(%arg13 : memref<512xf32, #tpu.memory_space<vmem>>)
    %dma_wait3A_155 = arith.constant 0 : i32
    %dma_wait3A_156 = tpu.memref_slice %arg6[%dma_wait3A_155] : memref<16384xf32, #tpu.memory_space<hbm>> -> memref<512xf32, #tpu.memory_space<hbm>>
    %dma_wait3A_157 = arith.constant 0 : i32
    %dma_wait3A_158 = tpu.memref_slice %arg6[%dma_wait3A_157] : memref<16384xf32, #tpu.memory_space<hbm>> -> memref<512xf32, #tpu.memory_space<hbm>>
    tpu.wait_dma2 semaphore(%arg15 : memref<!tpu.dma_semaphore, #tpu.memory_space<semaphore_mem>>) src(%dma_wait3A_158 : memref<512xf32, #tpu.memory_space<hbm>>) dst(%arg13 : memref<512xf32, #tpu.memory_space<vmem>>)
    %dma_wait3A_159 = arith.constant 0 : i32
    %dma_wait3A_160 = tpu.memref_slice %arg6[%dma_wait3A_159] : memref<16384xf32, #tpu.memory_space<hbm>> -> memref<512xf32, #tpu.memory_space<hbm>>
    %dma_wait3A_161 = arith.constant 0 : i32
    %dma_wait3A_162 = tpu.memref_slice %arg6[%dma_wait3A_161] : memref<16384xf32, #tpu.memory_space<hbm>> -> memref<512xf32, #tpu.memory_space<hbm>>
    tpu.wait_dma2 semaphore(%arg15 : memref<!tpu.dma_semaphore, #tpu.memory_space<semaphore_mem>>) src(%dma_wait3A_162 : memref<512xf32, #tpu.memory_space<hbm>>) dst(%arg13 : memref<512xf32, #tpu.memory_space<vmem>>)
    %dma_wait3A_163 = arith.constant 0 : i32
    %dma_wait3A_164 = tpu.memref_slice %arg6[%dma_wait3A_163] : memref<16384xf32, #tpu.memory_space<hbm>> -> memref<512xf32, #tpu.memory_space<hbm>>
    %dma_wait3A_165 = arith.constant 0 : i32
    %dma_wait3A_166 = tpu.memref_slice %arg6[%dma_wait3A_165] : memref<16384xf32, #tpu.memory_space<hbm>> -> memref<512xf32, #tpu.memory_space<hbm>>
    tpu.wait_dma2 semaphore(%arg15 : memref<!tpu.dma_semaphore, #tpu.memory_space<semaphore_mem>>) src(%dma_wait3A_166 : memref<512xf32, #tpu.memory_space<hbm>>) dst(%arg13 : memref<512xf32, #tpu.memory_space<vmem>>)
    %dma_wait3A_167 = arith.constant 0 : i32
    %dma_wait3A_168 = tpu.memref_slice %arg6[%dma_wait3A_167] : memref<16384xf32, #tpu.memory_space<hbm>> -> memref<512xf32, #tpu.memory_space<hbm>>
    %dma_wait3A_169 = arith.constant 0 : i32
    %dma_wait3A_170 = tpu.memref_slice %arg6[%dma_wait3A_169] : memref<16384xf32, #tpu.memory_space<hbm>> -> memref<512xf32, #tpu.memory_space<hbm>>
    tpu.wait_dma2 semaphore(%arg15 : memref<!tpu.dma_semaphore, #tpu.memory_space<semaphore_mem>>) src(%dma_wait3A_170 : memref<512xf32, #tpu.memory_space<hbm>>) dst(%arg13 : memref<512xf32, #tpu.memory_space<vmem>>)
    %dma_wait3A_171 = arith.constant 0 : i32
    %dma_wait3A_172 = tpu.memref_slice %arg6[%dma_wait3A_171] : memref<16384xf32, #tpu.memory_space<hbm>> -> memref<512xf32, #tpu.memory_space<hbm>>
    %dma_wait3A_173 = arith.constant 0 : i32
    %dma_wait3A_174 = tpu.memref_slice %arg6[%dma_wait3A_173] : memref<16384xf32, #tpu.memory_space<hbm>> -> memref<512xf32, #tpu.memory_space<hbm>>
    tpu.wait_dma2 semaphore(%arg15 : memref<!tpu.dma_semaphore, #tpu.memory_space<semaphore_mem>>) src(%dma_wait3A_174 : memref<512xf32, #tpu.memory_space<hbm>>) dst(%arg13 : memref<512xf32, #tpu.memory_space<vmem>>)
    %dma_wait3A_175 = arith.constant 0 : i32
    %dma_wait3A_176 = tpu.memref_slice %arg6[%dma_wait3A_175] : memref<16384xf32, #tpu.memory_space<hbm>> -> memref<512xf32, #tpu.memory_space<hbm>>
    %dma_wait3A_177 = arith.constant 0 : i32
    %dma_wait3A_178 = tpu.memref_slice %arg6[%dma_wait3A_177] : memref<16384xf32, #tpu.memory_space<hbm>> -> memref<512xf32, #tpu.memory_space<hbm>>
    tpu.wait_dma2 semaphore(%arg15 : memref<!tpu.dma_semaphore, #tpu.memory_space<semaphore_mem>>) src(%dma_wait3A_178 : memref<512xf32, #tpu.memory_space<hbm>>) dst(%arg13 : memref<512xf32, #tpu.memory_space<vmem>>)
    %dma_wait3A_179 = arith.constant 0 : i32
    %dma_wait3A_180 = tpu.memref_slice %arg6[%dma_wait3A_179] : memref<16384xf32, #tpu.memory_space<hbm>> -> memref<512xf32, #tpu.memory_space<hbm>>
    %dma_wait3A_181 = arith.constant 0 : i32
    %dma_wait3A_182 = tpu.memref_slice %arg6[%dma_wait3A_181] : memref<16384xf32, #tpu.memory_space<hbm>> -> memref<512xf32, #tpu.memory_space<hbm>>
    tpu.wait_dma2 semaphore(%arg15 : memref<!tpu.dma_semaphore, #tpu.memory_space<semaphore_mem>>) src(%dma_wait3A_182 : memref<512xf32, #tpu.memory_space<hbm>>) dst(%arg13 : memref<512xf32, #tpu.memory_space<vmem>>)
    %dma_wait3A_183 = arith.constant 0 : i32
    %dma_wait3A_184 = tpu.memref_slice %arg6[%dma_wait3A_183] : memref<16384xf32, #tpu.memory_space<hbm>> -> memref<512xf32, #tpu.memory_space<hbm>>
    %dma_wait3A_185 = arith.constant 0 : i32
    %dma_wait3A_186 = tpu.memref_slice %arg6[%dma_wait3A_185] : memref<16384xf32, #tpu.memory_space<hbm>> -> memref<512xf32, #tpu.memory_space<hbm>>
    tpu.wait_dma2 semaphore(%arg15 : memref<!tpu.dma_semaphore, #tpu.memory_space<semaphore_mem>>) src(%dma_wait3A_186 : memref<512xf32, #tpu.memory_space<hbm>>) dst(%arg13 : memref<512xf32, #tpu.memory_space<vmem>>)
    %dma_wait3A_187 = arith.constant 0 : i32
    %dma_wait3A_188 = tpu.memref_slice %arg6[%dma_wait3A_187] : memref<16384xf32, #tpu.memory_space<hbm>> -> memref<512xf32, #tpu.memory_space<hbm>>
    %dma_wait3A_189 = arith.constant 0 : i32
    %dma_wait3A_190 = tpu.memref_slice %arg6[%dma_wait3A_189] : memref<16384xf32, #tpu.memory_space<hbm>> -> memref<512xf32, #tpu.memory_space<hbm>>
    tpu.wait_dma2 semaphore(%arg15 : memref<!tpu.dma_semaphore, #tpu.memory_space<semaphore_mem>>) src(%dma_wait3A_190 : memref<512xf32, #tpu.memory_space<hbm>>) dst(%arg13 : memref<512xf32, #tpu.memory_space<vmem>>)
    %dma_wait3A_191 = arith.constant 0 : i32
    %dma_wait3A_192 = tpu.memref_slice %arg6[%dma_wait3A_191] : memref<16384xf32, #tpu.memory_space<hbm>> -> memref<512xf32, #tpu.memory_space<hbm>>
    %dma_wait3A_193 = arith.constant 0 : i32
    %dma_wait3A_194 = tpu.memref_slice %arg6[%dma_wait3A_193] : memref<16384xf32, #tpu.memory_space<hbm>> -> memref<512xf32, #tpu.memory_space<hbm>>
    tpu.wait_dma2 semaphore(%arg15 : memref<!tpu.dma_semaphore, #tpu.memory_space<semaphore_mem>>) src(%dma_wait3A_194 : memref<512xf32, #tpu.memory_space<hbm>>) dst(%arg13 : memref<512xf32, #tpu.memory_space<vmem>>)
    %dma_wait3A_195 = arith.constant 0 : i32
    %dma_wait3A_196 = tpu.memref_slice %arg6[%dma_wait3A_195] : memref<16384xf32, #tpu.memory_space<hbm>> -> memref<512xf32, #tpu.memory_space<hbm>>
    %dma_wait3A_197 = arith.constant 0 : i32
    %dma_wait3A_198 = tpu.memref_slice %arg6[%dma_wait3A_197] : memref<16384xf32, #tpu.memory_space<hbm>> -> memref<512xf32, #tpu.memory_space<hbm>>
    tpu.wait_dma2 semaphore(%arg15 : memref<!tpu.dma_semaphore, #tpu.memory_space<semaphore_mem>>) src(%dma_wait3A_198 : memref<512xf32, #tpu.memory_space<hbm>>) dst(%arg13 : memref<512xf32, #tpu.memory_space<vmem>>)
    %dma_wait3A_199 = arith.constant 0 : i32
    %dma_wait3A_200 = tpu.memref_slice %arg6[%dma_wait3A_199] : memref<16384xf32, #tpu.memory_space<hbm>> -> memref<512xf32, #tpu.memory_space<hbm>>
    %dma_wait3A_201 = arith.constant 0 : i32
    %dma_wait3A_202 = tpu.memref_slice %arg6[%dma_wait3A_201] : memref<16384xf32, #tpu.memory_space<hbm>> -> memref<512xf32, #tpu.memory_space<hbm>>
    tpu.wait_dma2 semaphore(%arg15 : memref<!tpu.dma_semaphore, #tpu.memory_space<semaphore_mem>>) src(%dma_wait3A_202 : memref<512xf32, #tpu.memory_space<hbm>>) dst(%arg13 : memref<512xf32, #tpu.memory_space<vmem>>)
    %dma_wait3A_203 = arith.constant 0 : i32
    %dma_wait3A_204 = tpu.memref_slice %arg6[%dma_wait3A_203] : memref<16384xf32, #tpu.memory_space<hbm>> -> memref<512xf32, #tpu.memory_space<hbm>>
    %dma_wait3A_205 = arith.constant 0 : i32
    %dma_wait3A_206 = tpu.memref_slice %arg6[%dma_wait3A_205] : memref<16384xf32, #tpu.memory_space<hbm>> -> memref<512xf32, #tpu.memory_space<hbm>>
    tpu.wait_dma2 semaphore(%arg15 : memref<!tpu.dma_semaphore, #tpu.memory_space<semaphore_mem>>) src(%dma_wait3A_206 : memref<512xf32, #tpu.memory_space<hbm>>) dst(%arg13 : memref<512xf32, #tpu.memory_space<vmem>>)
    %dma_wait3A_207 = arith.constant 0 : i32
    %dma_wait3A_208 = tpu.memref_slice %arg6[%dma_wait3A_207] : memref<16384xf32, #tpu.memory_space<hbm>> -> memref<512xf32, #tpu.memory_space<hbm>>
    %dma_wait3A_209 = arith.constant 0 : i32
    %dma_wait3A_210 = tpu.memref_slice %arg6[%dma_wait3A_209] : memref<16384xf32, #tpu.memory_space<hbm>> -> memref<512xf32, #tpu.memory_space<hbm>>
    tpu.wait_dma2 semaphore(%arg15 : memref<!tpu.dma_semaphore, #tpu.memory_space<semaphore_mem>>) src(%dma_wait3A_210 : memref<512xf32, #tpu.memory_space<hbm>>) dst(%arg13 : memref<512xf32, #tpu.memory_space<vmem>>)
    %dma_wait3A_211 = arith.constant 0 : i32
    %dma_wait3A_212 = tpu.memref_slice %arg6[%dma_wait3A_211] : memref<16384xf32, #tpu.memory_space<hbm>> -> memref<512xf32, #tpu.memory_space<hbm>>
    %dma_wait3A_213 = arith.constant 0 : i32
    %dma_wait3A_214 = tpu.memref_slice %arg6[%dma_wait3A_213] : memref<16384xf32, #tpu.memory_space<hbm>> -> memref<512xf32, #tpu.memory_space<hbm>>
    tpu.wait_dma2 semaphore(%arg15 : memref<!tpu.dma_semaphore, #tpu.memory_space<semaphore_mem>>) src(%dma_wait3A_214 : memref<512xf32, #tpu.memory_space<hbm>>) dst(%arg13 : memref<512xf32, #tpu.memory_space<vmem>>)
    %dma_wait3A_215 = arith.constant 0 : i32
    %dma_wait3A_216 = tpu.memref_slice %arg6[%dma_wait3A_215] : memref<16384xf32, #tpu.memory_space<hbm>> -> memref<512xf32, #tpu.memory_space<hbm>>
    %dma_wait3A_217 = arith.constant 0 : i32
    %dma_wait3A_218 = tpu.memref_slice %arg6[%dma_wait3A_217] : memref<16384xf32, #tpu.memory_space<hbm>> -> memref<512xf32, #tpu.memory_space<hbm>>
    tpu.wait_dma2 semaphore(%arg15 : memref<!tpu.dma_semaphore, #tpu.memory_space<semaphore_mem>>) src(%dma_wait3A_218 : memref<512xf32, #tpu.memory_space<hbm>>) dst(%arg13 : memref<512xf32, #tpu.memory_space<vmem>>)
    %dma_wait3A_219 = arith.constant 0 : i32
    %dma_wait3A_220 = tpu.memref_slice %arg6[%dma_wait3A_219] : memref<16384xf32, #tpu.memory_space<hbm>> -> memref<512xf32, #tpu.memory_space<hbm>>
    %dma_wait3A_221 = arith.constant 0 : i32
    %dma_wait3A_222 = tpu.memref_slice %arg6[%dma_wait3A_221] : memref<16384xf32, #tpu.memory_space<hbm>> -> memref<512xf32, #tpu.memory_space<hbm>>
    tpu.wait_dma2 semaphore(%arg15 : memref<!tpu.dma_semaphore, #tpu.memory_space<semaphore_mem>>) src(%dma_wait3A_222 : memref<512xf32, #tpu.memory_space<hbm>>) dst(%arg13 : memref<512xf32, #tpu.memory_space<vmem>>)
    %dma_wait3A_223 = arith.constant 0 : i32
    %dma_wait3A_224 = tpu.memref_slice %arg6[%dma_wait3A_223] : memref<16384xf32, #tpu.memory_space<hbm>> -> memref<512xf32, #tpu.memory_space<hbm>>
    %dma_wait3A_225 = arith.constant 0 : i32
    %dma_wait3A_226 = tpu.memref_slice %arg6[%dma_wait3A_225] : memref<16384xf32, #tpu.memory_space<hbm>> -> memref<512xf32, #tpu.memory_space<hbm>>
    tpu.wait_dma2 semaphore(%arg15 : memref<!tpu.dma_semaphore, #tpu.memory_space<semaphore_mem>>) src(%dma_wait3A_226 : memref<512xf32, #tpu.memory_space<hbm>>) dst(%arg13 : memref<512xf32, #tpu.memory_space<vmem>>)
    %dma_wait3A_227 = arith.constant 0 : i32
    %dma_wait3A_228 = tpu.memref_slice %arg6[%dma_wait3A_227] : memref<16384xf32, #tpu.memory_space<hbm>> -> memref<512xf32, #tpu.memory_space<hbm>>
    %dma_wait3A_229 = arith.constant 0 : i32
    %dma_wait3A_230 = tpu.memref_slice %arg6[%dma_wait3A_229] : memref<16384xf32, #tpu.memory_space<hbm>> -> memref<512xf32, #tpu.memory_space<hbm>>
    tpu.wait_dma2 semaphore(%arg15 : memref<!tpu.dma_semaphore, #tpu.memory_space<semaphore_mem>>) src(%dma_wait3A_230 : memref<512xf32, #tpu.memory_space<hbm>>) dst(%arg13 : memref<512xf32, #tpu.memory_space<vmem>>)
    %dma_wait3A_231 = arith.constant 0 : i32
    %dma_wait3A_232 = tpu.memref_slice %arg6[%dma_wait3A_231] : memref<16384xf32, #tpu.memory_space<hbm>> -> memref<512xf32, #tpu.memory_space<hbm>>
    %dma_wait3A_233 = arith.constant 0 : i32
    %dma_wait3A_234 = tpu.memref_slice %arg6[%dma_wait3A_233] : memref<16384xf32, #tpu.memory_space<hbm>> -> memref<512xf32, #tpu.memory_space<hbm>>
    tpu.wait_dma2 semaphore(%arg15 : memref<!tpu.dma_semaphore, #tpu.memory_space<semaphore_mem>>) src(%dma_wait3A_234 : memref<512xf32, #tpu.memory_space<hbm>>) dst(%arg13 : memref<512xf32, #tpu.memory_space<vmem>>)
    %dma_wait3A_235 = arith.constant 0 : i32
    %dma_wait3A_236 = tpu.memref_slice %arg6[%dma_wait3A_235] : memref<16384xf32, #tpu.memory_space<hbm>> -> memref<512xf32, #tpu.memory_space<hbm>>
    %dma_wait3A_237 = arith.constant 0 : i32
    %dma_wait3A_238 = tpu.memref_slice %arg6[%dma_wait3A_237] : memref<16384xf32, #tpu.memory_space<hbm>> -> memref<512xf32, #tpu.memory_space<hbm>>
    tpu.wait_dma2 semaphore(%arg15 : memref<!tpu.dma_semaphore, #tpu.memory_space<semaphore_mem>>) src(%dma_wait3A_238 : memref<512xf32, #tpu.memory_space<hbm>>) dst(%arg13 : memref<512xf32, #tpu.memory_space<vmem>>)
    %dma_wait3A_239 = arith.constant 0 : i32
    %dma_wait3A_240 = tpu.memref_slice %arg6[%dma_wait3A_239] : memref<16384xf32, #tpu.memory_space<hbm>> -> memref<512xf32, #tpu.memory_space<hbm>>
    %dma_wait3A_241 = arith.constant 0 : i32
    %dma_wait3A_242 = tpu.memref_slice %arg6[%dma_wait3A_241] : memref<16384xf32, #tpu.memory_space<hbm>> -> memref<512xf32, #tpu.memory_space<hbm>>
    tpu.wait_dma2 semaphore(%arg15 : memref<!tpu.dma_semaphore, #tpu.memory_space<semaphore_mem>>) src(%dma_wait3A_242 : memref<512xf32, #tpu.memory_space<hbm>>) dst(%arg13 : memref<512xf32, #tpu.memory_space<vmem>>)
    %dma_wait3A_243 = arith.constant 0 : i32
    %dma_wait3A_244 = tpu.memref_slice %arg6[%dma_wait3A_243] : memref<16384xf32, #tpu.memory_space<hbm>> -> memref<512xf32, #tpu.memory_space<hbm>>
    %dma_wait3A_245 = arith.constant 0 : i32
    %dma_wait3A_246 = tpu.memref_slice %arg6[%dma_wait3A_245] : memref<16384xf32, #tpu.memory_space<hbm>> -> memref<512xf32, #tpu.memory_space<hbm>>
    tpu.wait_dma2 semaphore(%arg15 : memref<!tpu.dma_semaphore, #tpu.memory_space<semaphore_mem>>) src(%dma_wait3A_246 : memref<512xf32, #tpu.memory_space<hbm>>) dst(%arg13 : memref<512xf32, #tpu.memory_space<vmem>>)
    %dma_wait3A_247 = arith.constant 0 : i32
    %dma_wait3A_248 = tpu.memref_slice %arg6[%dma_wait3A_247] : memref<16384xf32, #tpu.memory_space<hbm>> -> memref<512xf32, #tpu.memory_space<hbm>>
    %dma_wait3A_249 = arith.constant 0 : i32
    %dma_wait3A_250 = tpu.memref_slice %arg6[%dma_wait3A_249] : memref<16384xf32, #tpu.memory_space<hbm>> -> memref<512xf32, #tpu.memory_space<hbm>>
    tpu.wait_dma2 semaphore(%arg15 : memref<!tpu.dma_semaphore, #tpu.memory_space<semaphore_mem>>) src(%dma_wait3A_250 : memref<512xf32, #tpu.memory_space<hbm>>) dst(%arg13 : memref<512xf32, #tpu.memory_space<vmem>>)
    %dma_wait3A_251 = arith.constant 0 : i32
    %dma_wait3A_252 = tpu.memref_slice %arg6[%dma_wait3A_251] : memref<16384xf32, #tpu.memory_space<hbm>> -> memref<512xf32, #tpu.memory_space<hbm>>
    %dma_wait3A_253 = arith.constant 0 : i32
    %dma_wait3A_254 = tpu.memref_slice %arg6[%dma_wait3A_253] : memref<16384xf32, #tpu.memory_space<hbm>> -> memref<512xf32, #tpu.memory_space<hbm>>
    tpu.wait_dma2 semaphore(%arg15 : memref<!tpu.dma_semaphore, #tpu.memory_space<semaphore_mem>>) src(%dma_wait3A_254 : memref<512xf32, #tpu.memory_space<hbm>>) dst(%arg13 : memref<512xf32, #tpu.memory_space<vmem>>)
    %dma_wait3A_255 = arith.constant 0 : i32
    %dma_wait3A_256 = tpu.memref_slice %arg6[%dma_wait3A_255] : memref<16384xf32, #tpu.memory_space<hbm>> -> memref<512xf32, #tpu.memory_space<hbm>>
    %dma_wait3A_257 = arith.constant 0 : i32
    %dma_wait3A_258 = tpu.memref_slice %arg6[%dma_wait3A_257] : memref<16384xf32, #tpu.memory_space<hbm>> -> memref<512xf32, #tpu.memory_space<hbm>>
    tpu.wait_dma2 semaphore(%arg15 : memref<!tpu.dma_semaphore, #tpu.memory_space<semaphore_mem>>) src(%dma_wait3A_258 : memref<512xf32, #tpu.memory_space<hbm>>) dst(%arg13 : memref<512xf32, #tpu.memory_space<vmem>>)
    %dma_wait3A_259 = arith.constant 0 : i32
    %dma_wait3A_260 = tpu.memref_slice %arg6[%dma_wait3A_259] : memref<16384xf32, #tpu.memory_space<hbm>> -> memref<512xf32, #tpu.memory_space<hbm>>
    %dma_wait3A_261 = arith.constant 0 : i32
    %dma_wait3A_262 = tpu.memref_slice %arg6[%dma_wait3A_261] : memref<16384xf32, #tpu.memory_space<hbm>> -> memref<512xf32, #tpu.memory_space<hbm>>
    tpu.wait_dma2 semaphore(%arg15 : memref<!tpu.dma_semaphore, #tpu.memory_space<semaphore_mem>>) src(%dma_wait3A_262 : memref<512xf32, #tpu.memory_space<hbm>>) dst(%arg13 : memref<512xf32, #tpu.memory_space<vmem>>)
    %dma_wait3A_263 = arith.constant 0 : i32
    %dma_wait3A_264 = tpu.memref_slice %arg6[%dma_wait3A_263] : memref<16384xf32, #tpu.memory_space<hbm>> -> memref<512xf32, #tpu.memory_space<hbm>>
    %dma_wait3A_265 = arith.constant 0 : i32
    %dma_wait3A_266 = tpu.memref_slice %arg6[%dma_wait3A_265] : memref<16384xf32, #tpu.memory_space<hbm>> -> memref<512xf32, #tpu.memory_space<hbm>>
    tpu.wait_dma2 semaphore(%arg15 : memref<!tpu.dma_semaphore, #tpu.memory_space<semaphore_mem>>) src(%dma_wait3A_266 : memref<512xf32, #tpu.memory_space<hbm>>) dst(%arg13 : memref<512xf32, #tpu.memory_space<vmem>>)
    %dma_wait3A_267 = arith.constant 0 : i32
    %dma_wait3A_268 = tpu.memref_slice %arg6[%dma_wait3A_267] : memref<16384xf32, #tpu.memory_space<hbm>> -> memref<512xf32, #tpu.memory_space<hbm>>
    %dma_wait3A_269 = arith.constant 0 : i32
    %dma_wait3A_270 = tpu.memref_slice %arg6[%dma_wait3A_269] : memref<16384xf32, #tpu.memory_space<hbm>> -> memref<512xf32, #tpu.memory_space<hbm>>
    tpu.wait_dma2 semaphore(%arg15 : memref<!tpu.dma_semaphore, #tpu.memory_space<semaphore_mem>>) src(%dma_wait3A_270 : memref<512xf32, #tpu.memory_space<hbm>>) dst(%arg13 : memref<512xf32, #tpu.memory_space<vmem>>)
    %dma_wait3A_271 = arith.constant 0 : i32
    %dma_wait3A_272 = tpu.memref_slice %arg6[%dma_wait3A_271] : memref<16384xf32, #tpu.memory_space<hbm>> -> memref<512xf32, #tpu.memory_space<hbm>>
    %dma_wait3A_273 = arith.constant 0 : i32
    %dma_wait3A_274 = tpu.memref_slice %arg6[%dma_wait3A_273] : memref<16384xf32, #tpu.memory_space<hbm>> -> memref<512xf32, #tpu.memory_space<hbm>>
    tpu.wait_dma2 semaphore(%arg15 : memref<!tpu.dma_semaphore, #tpu.memory_space<semaphore_mem>>) src(%dma_wait3A_274 : memref<512xf32, #tpu.memory_space<hbm>>) dst(%arg13 : memref<512xf32, #tpu.memory_space<vmem>>)
    %scan3A_275 = arith.constant 0 : i32
    %scan3A_276 = arith.constant 0 : i32
    %scan3A_277 = arith.constant 16 : i32
    %scan3A_278 = arith.addi %scan3A_276, %scan3A_277 : i32
    %scan3A_279 = arith.constant 1 : i32
    scf.for %scan3A_281 = %scan3A_276 to %scan3A_278 step %scan3A_279  : i32 {
      %mul3A_282 = arith.constant 16 : i32
      %mul3A_283 = arith.muli %scan3A_281, %mul3A_282 : i32
      %add3A_284 = vector.broadcast %mul3A_283 : i32 to vector<16xi32>
      %add3A_285 = arith.addi %add3A_284, %iota3A : vector<16xi32>
      %jit3A = arith.constant 4 : i32
      %div3A = vector.broadcast %jit3A : i32 to vector<16xi32>
      %div3A_286 = arith.divsi %add3A_285, %div3A : vector<16xi32>
      %sign3A = arith.constant 0 : i32
      %sign3A_287 = vector.broadcast %sign3A : i32 to vector<16xi32>
      %sign3A_288 = arith.cmpi sgt, %add3A_285, %sign3A_287 : vector<16xi32>
      %sign3A_289 = arith.extui %sign3A_288 : vector<16xi1> to vector<16xi32>
      %sign3A_290 = arith.constant 0 : i32
      %sign3A_291 = vector.broadcast %sign3A_290 : i32 to vector<16xi32>
      %sign3A_292 = arith.cmpi slt, %add3A_285, %sign3A_291 : vector<16xi32>
      %sign3A_293 = arith.extui %sign3A_292 : vector<16xi1> to vector<16xi32>
      %sign3A_294 = arith.subi %sign3A_289, %sign3A_293 : vector<16xi32>
      %sign3A_295 = arith.constant 0 : i32
      %sign3A_296 = arith.cmpi sgt, %jit3A, %sign3A_295 : i32
      %sign3A_297 = arith.extui %sign3A_296 : i1 to i32
      %sign3A_298 = arith.constant 0 : i32
      %sign3A_299 = arith.cmpi slt, %jit3A, %sign3A_298 : i32
      %sign3A_300 = arith.extui %sign3A_299 : i1 to i32
      %sign3A_301 = arith.subi %sign3A_297, %sign3A_300 : i32
      %ne3A = vector.broadcast %sign3A_301 : i32 to vector<16xi32>
      %ne3A_302 = arith.cmpi ne, %sign3A_294, %ne3A : vector<16xi32>
      %rem3A = vector.broadcast %jit3A : i32 to vector<16xi32>
      %rem3A_303 = arith.remsi %add3A_285, %rem3A : vector<16xi32>
      %ne3A_304 = arith.constant 0 : i32
      %ne3A_305 = vector.broadcast %ne3A_304 : i32 to vector<16xi32>
      %ne3A_306 = arith.cmpi ne, %rem3A_303, %ne3A_305 : vector<16xi32>
      %and3A = arith.andi %ne3A_302, %ne3A_306 : vector<16xi1>
      %sub3A = arith.constant 1 : i32
      %sub3A_307 = vector.broadcast %sub3A : i32 to vector<16xi32>
      %sub3A_308 = arith.subi %div3A_286, %sub3A_307 : vector<16xi32>
      %select_n3A = arith.select %and3A, %sub3A_308, %div3A_286 : vector<16xi1>, vector<16xi32>
      %jit3A_309 = arith.constant 4 : i32
      %eq3A = arith.constant 0 : i32
      %eq3A_310 = arith.cmpi eq, %jit3A_309, %eq3A : i32
      %jit3A_311 = arith.constant 1 : i32
      %select_n3A_312 = arith.select %eq3A_310, %jit3A_311, %jit3A_309 : i32
      %rem3A_313 = vector.broadcast %select_n3A_312 : i32 to vector<16xi32>
      %rem3A_314 = arith.remsi %add3A_285, %rem3A_313 : vector<16xi32>
      %ne3A_315 = arith.constant 0 : i32
      %ne3A_316 = vector.broadcast %ne3A_315 : i32 to vector<16xi32>
      %ne3A_317 = arith.cmpi ne, %rem3A_314, %ne3A_316 : vector<16xi32>
      %lt3A = arith.constant 0 : i32
      %lt3A_318 = vector.broadcast %lt3A : i32 to vector<16xi32>
      %lt3A_319 = arith.cmpi slt, %rem3A_314, %lt3A_318 : vector<16xi32>
      %lt3A_320 = arith.constant 0 : i32
      %lt3A_321 = arith.cmpi slt, %select_n3A_312, %lt3A_320 : i32
      %ne3A_322 = vector.broadcast %lt3A_321 : i1 to vector<16xi1>
      %ne3A_323 = vector.broadcast %ne3A_322 : vector<16xi1> to vector<16xi1>
      %ne3A_324 = arith.xori %lt3A_319, %ne3A_323 : vector<16xi1>
      %and3A_325 = arith.andi %ne3A_324, %ne3A_317 : vector<16xi1>
      %add3A_326 = vector.broadcast %select_n3A_312 : i32 to vector<16xi32>
      %add3A_327 = arith.addi %rem3A_314, %add3A_326 : vector<16xi32>
      %select_n3A_328 = arith.select %and3A_325, %add3A_327, %rem3A_314 : vector<16xi1>, vector<16xi32>
      %mul3A_329 = arith.constant 32 : i32
      %mul3A_330 = vector.broadcast %mul3A_329 : i32 to vector<16xi32>
      %mul3A_331 = arith.muli %select_n3A_328, %mul3A_330 : vector<16xi32>
      %broadcast_in_dim3A = arith.constant 0.000000e+00 : f32
      %broadcast_in_dim3A_332 = vector.broadcast %broadcast_in_dim3A : f32 to vector<16xf32>
      %add3A_333 = arith.constant 0 : i32
      %add3A_334 = vector.broadcast %add3A_333 : i32 to vector<16xi32>
      %add3A_335 = arith.addi %iota3A, %add3A_334 : vector<16xi32>
      %and3A_336 = arith.constant 31 : i32
      %and3A_337 = vector.broadcast %and3A_336 : i32 to vector<16xi32>
      %and3A_338 = arith.andi %add3A_335, %and3A_337 : vector<16xi32>
      %add3A_339 = arith.addi %mul3A_331, %and3A_338 : vector<16xi32>
      %gather3A = tpu.vector_load_idx %arg11[%select_n3A, %add3A_339] : memref<64x128xf32, #tpu.memory_space<vmem>>[vector<16xi32>, vector<16xi32>], vector<16xf32>,
      %gather3A_340 = tpu.vector_load_idx %arg12[%select_n3A, %add3A_339] : memref<64x128xf32, #tpu.memory_space<vmem>>[vector<16xi32>, vector<16xi32>], vector<16xf32>,
      %mul3A_341 = arith.mulf %gather3A, %gather3A_340 : vector<16xf32>
      %add3A_342 = arith.addf %broadcast_in_dim3A_332, %mul3A_341 : vector<16xf32>
      %add3A_343 = arith.constant 1 : i32
      %add3A_344 = vector.broadcast %add3A_343 : i32 to vector<16xi32>
      %add3A_345 = arith.addi %iota3A, %add3A_344 : vector<16xi32>
      %and3A_346 = arith.constant 31 : i32
      %and3A_347 = vector.broadcast %and3A_346 : i32 to vector<16xi32>
      %and3A_348 = arith.andi %add3A_345, %and3A_347 : vector<16xi32>
      %add3A_349 = arith.addi %mul3A_331, %and3A_348 : vector<16xi32>
      %gather3A_350 = tpu.vector_load_idx %arg11[%select_n3A, %add3A_349] : memref<64x128xf32, #tpu.memory_space<vmem>>[vector<16xi32>, vector<16xi32>], vector<16xf32>,
      %gather3A_351 = tpu.vector_load_idx %arg12[%select_n3A, %add3A_349] : memref<64x128xf32, #tpu.memory_space<vmem>>[vector<16xi32>, vector<16xi32>], vector<16xf32>,
      %mul3A_352 = arith.mulf %gather3A_350, %gather3A_351 : vector<16xf32>
      %add3A_353 = arith.addf %add3A_342, %mul3A_352 : vector<16xf32>
      %add3A_354 = arith.constant 2 : i32
      %add3A_355 = vector.broadcast %add3A_354 : i32 to vector<16xi32>
      %add3A_356 = arith.addi %iota3A, %add3A_355 : vector<16xi32>
      %and3A_357 = arith.constant 31 : i32
      %and3A_358 = vector.broadcast %and3A_357 : i32 to vector<16xi32>
      %and3A_359 = arith.andi %add3A_356, %and3A_358 : vector<16xi32>
      %add3A_360 = arith.addi %mul3A_331, %and3A_359 : vector<16xi32>
      %gather3A_361 = tpu.vector_load_idx %arg11[%select_n3A, %add3A_360] : memref<64x128xf32, #tpu.memory_space<vmem>>[vector<16xi32>, vector<16xi32>], vector<16xf32>,
      %gather3A_362 = tpu.vector_load_idx %arg12[%select_n3A, %add3A_360] : memref<64x128xf32, #tpu.memory_space<vmem>>[vector<16xi32>, vector<16xi32>], vector<16xf32>,
      %mul3A_363 = arith.mulf %gather3A_361, %gather3A_362 : vector<16xf32>
      %add3A_364 = arith.addf %add3A_353, %mul3A_363 : vector<16xf32>
      %add3A_365 = arith.constant 3 : i32
      %add3A_366 = vector.broadcast %add3A_365 : i32 to vector<16xi32>
      %add3A_367 = arith.addi %iota3A, %add3A_366 : vector<16xi32>
      %and3A_368 = arith.constant 31 : i32
      %and3A_369 = vector.broadcast %and3A_368 : i32 to vector<16xi32>
      %and3A_370 = arith.andi %add3A_367, %and3A_369 : vector<16xi32>
      %add3A_371 = arith.addi %mul3A_331, %and3A_370 : vector<16xi32>
      %gather3A_372 = tpu.vector_load_idx %arg11[%select_n3A, %add3A_371] : memref<64x128xf32, #tpu.memory_space<vmem>>[vector<16xi32>, vector<16xi32>], vector<16xf32>,
      %gather3A_373 = tpu.vector_load_idx %arg12[%select_n3A, %add3A_371] : memref<64x128xf32, #tpu.memory_space<vmem>>[vector<16xi32>, vector<16xi32>], vector<16xf32>,
      %mul3A_374 = arith.mulf %gather3A_372, %gather3A_373 : vector<16xf32>
      %add3A_375 = arith.addf %add3A_364, %mul3A_374 : vector<16xf32>
      %add3A_376 = arith.constant 4 : i32
      %add3A_377 = vector.broadcast %add3A_376 : i32 to vector<16xi32>
      %add3A_378 = arith.addi %iota3A, %add3A_377 : vector<16xi32>
      %and3A_379 = arith.constant 31 : i32
      %and3A_380 = vector.broadcast %and3A_379 : i32 to vector<16xi32>
      %and3A_381 = arith.andi %add3A_378, %and3A_380 : vector<16xi32>
      %add3A_382 = arith.addi %mul3A_331, %and3A_381 : vector<16xi32>
      %gather3A_383 = tpu.vector_load_idx %arg11[%select_n3A, %add3A_382] : memref<64x128xf32, #tpu.memory_space<vmem>>[vector<16xi32>, vector<16xi32>], vector<16xf32>,
      %gather3A_384 = tpu.vector_load_idx %arg12[%select_n3A, %add3A_382] : memref<64x128xf32, #tpu.memory_space<vmem>>[vector<16xi32>, vector<16xi32>], vector<16xf32>,
      %mul3A_385 = arith.mulf %gather3A_383, %gather3A_384 : vector<16xf32>
      %add3A_386 = arith.addf %add3A_375, %mul3A_385 : vector<16xf32>
      %add3A_387 = arith.constant 5 : i32
      %add3A_388 = vector.broadcast %add3A_387 : i32 to vector<16xi32>
      %add3A_389 = arith.addi %iota3A, %add3A_388 : vector<16xi32>
      %and3A_390 = arith.constant 31 : i32
      %and3A_391 = vector.broadcast %and3A_390 : i32 to vector<16xi32>
      %and3A_392 = arith.andi %add3A_389, %and3A_391 : vector<16xi32>
      %add3A_393 = arith.addi %mul3A_331, %and3A_392 : vector<16xi32>
      %gather3A_394 = tpu.vector_load_idx %arg11[%select_n3A, %add3A_393] : memref<64x128xf32, #tpu.memory_space<vmem>>[vector<16xi32>, vector<16xi32>], vector<16xf32>,
      %gather3A_395 = tpu.vector_load_idx %arg12[%select_n3A, %add3A_393] : memref<64x128xf32, #tpu.memory_space<vmem>>[vector<16xi32>, vector<16xi32>], vector<16xf32>,
      %mul3A_396 = arith.mulf %gather3A_394, %gather3A_395 : vector<16xf32>
      %add3A_397 = arith.addf %add3A_386, %mul3A_396 : vector<16xf32>
      %add3A_398 = arith.constant 6 : i32
      %add3A_399 = vector.broadcast %add3A_398 : i32 to vector<16xi32>
      %add3A_400 = arith.addi %iota3A, %add3A_399 : vector<16xi32>
      %and3A_401 = arith.constant 31 : i32
      %and3A_402 = vector.broadcast %and3A_401 : i32 to vector<16xi32>
      %and3A_403 = arith.andi %add3A_400, %and3A_402 : vector<16xi32>
      %add3A_404 = arith.addi %mul3A_331, %and3A_403 : vector<16xi32>
      %gather3A_405 = tpu.vector_load_idx %arg11[%select_n3A, %add3A_404] : memref<64x128xf32, #tpu.memory_space<vmem>>[vector<16xi32>, vector<16xi32>], vector<16xf32>,
      %gather3A_406 = tpu.vector_load_idx %arg12[%select_n3A, %add3A_404] : memref<64x128xf32, #tpu.memory_space<vmem>>[vector<16xi32>, vector<16xi32>], vector<16xf32>,
      %mul3A_407 = arith.mulf %gather3A_405, %gather3A_406 : vector<16xf32>
      %add3A_408 = arith.addf %add3A_397, %mul3A_407 : vector<16xf32>
      %add3A_409 = arith.constant 7 : i32
      %add3A_410 = vector.broadcast %add3A_409 : i32 to vector<16xi32>
      %add3A_411 = arith.addi %iota3A, %add3A_410 : vector<16xi32>
      %and3A_412 = arith.constant 31 : i32
      %and3A_413 = vector.broadcast %and3A_412 : i32 to vector<16xi32>
      %and3A_414 = arith.andi %add3A_411, %and3A_413 : vector<16xi32>
      %add3A_415 = arith.addi %mul3A_331, %and3A_414 : vector<16xi32>
      %gather3A_416 = tpu.vector_load_idx %arg11[%select_n3A, %add3A_415] : memref<64x128xf32, #tpu.memory_space<vmem>>[vector<16xi32>, vector<16xi32>], vector<16xf32>,
      %gather3A_417 = tpu.vector_load_idx %arg12[%select_n3A, %add3A_415] : memref<64x128xf32, #tpu.memory_space<vmem>>[vector<16xi32>, vector<16xi32>], vector<16xf32>,
      %mul3A_418 = arith.mulf %gather3A_416, %gather3A_417 : vector<16xf32>
      %add3A_419 = arith.addf %add3A_408, %mul3A_418 : vector<16xf32>
      %add3A_420 = arith.constant 8 : i32
      %add3A_421 = vector.broadcast %add3A_420 : i32 to vector<16xi32>
      %add3A_422 = arith.addi %iota3A, %add3A_421 : vector<16xi32>
      %and3A_423 = arith.constant 31 : i32
      %and3A_424 = vector.broadcast %and3A_423 : i32 to vector<16xi32>
      %and3A_425 = arith.andi %add3A_422, %and3A_424 : vector<16xi32>
      %add3A_426 = arith.addi %mul3A_331, %and3A_425 : vector<16xi32>
      %gather3A_427 = tpu.vector_load_idx %arg11[%select_n3A, %add3A_426] : memref<64x128xf32, #tpu.memory_space<vmem>>[vector<16xi32>, vector<16xi32>], vector<16xf32>,
      %gather3A_428 = tpu.vector_load_idx %arg12[%select_n3A, %add3A_426] : memref<64x128xf32, #tpu.memory_space<vmem>>[vector<16xi32>, vector<16xi32>], vector<16xf32>,
      %mul3A_429 = arith.mulf %gather3A_427, %gather3A_428 : vector<16xf32>
      %add3A_430 = arith.addf %add3A_419, %mul3A_429 : vector<16xf32>
      %add3A_431 = arith.constant 9 : i32
      %add3A_432 = vector.broadcast %add3A_431 : i32 to vector<16xi32>
      %add3A_433 = arith.addi %iota3A, %add3A_432 : vector<16xi32>
      %and3A_434 = arith.constant 31 : i32
      %and3A_435 = vector.broadcast %and3A_434 : i32 to vector<16xi32>
      %and3A_436 = arith.andi %add3A_433, %and3A_435 : vector<16xi32>
      %add3A_437 = arith.addi %mul3A_331, %and3A_436 : vector<16xi32>
      %gather3A_438 = tpu.vector_load_idx %arg11[%select_n3A, %add3A_437] : memref<64x128xf32, #tpu.memory_space<vmem>>[vector<16xi32>, vector<16xi32>], vector<16xf32>,
      %gather3A_439 = tpu.vector_load_idx %arg12[%select_n3A, %add3A_437] : memref<64x128xf32, #tpu.memory_space<vmem>>[vector<16xi32>, vector<16xi32>], vector<16xf32>,
      %mul3A_440 = arith.mulf %gather3A_438, %gather3A_439 : vector<16xf32>
      %add3A_441 = arith.addf %add3A_430, %mul3A_440 : vector<16xf32>
      %add3A_442 = arith.constant 10 : i32
      %add3A_443 = vector.broadcast %add3A_442 : i32 to vector<16xi32>
      %add3A_444 = arith.addi %iota3A, %add3A_443 : vector<16xi32>
      %and3A_445 = arith.constant 31 : i32
      %and3A_446 = vector.broadcast %and3A_445 : i32 to vector<16xi32>
      %and3A_447 = arith.andi %add3A_444, %and3A_446 : vector<16xi32>
      %add3A_448 = arith.addi %mul3A_331, %and3A_447 : vector<16xi32>
      %gather3A_449 = tpu.vector_load_idx %arg11[%select_n3A, %add3A_448] : memref<64x128xf32, #tpu.memory_space<vmem>>[vector<16xi32>, vector<16xi32>], vector<16xf32>,
      %gather3A_450 = tpu.vector_load_idx %arg12[%select_n3A, %add3A_448] : memref<64x128xf32, #tpu.memory_space<vmem>>[vector<16xi32>, vector<16xi32>], vector<16xf32>,
      %mul3A_451 = arith.mulf %gather3A_449, %gather3A_450 : vector<16xf32>
      %add3A_452 = arith.addf %add3A_441, %mul3A_451 : vector<16xf32>
      %add3A_453 = arith.constant 11 : i32
      %add3A_454 = vector.broadcast %add3A_453 : i32 to vector<16xi32>
      %add3A_455 = arith.addi %iota3A, %add3A_454 : vector<16xi32>
      %and3A_456 = arith.constant 31 : i32
      %and3A_457 = vector.broadcast %and3A_456 : i32 to vector<16xi32>
      %and3A_458 = arith.andi %add3A_455, %and3A_457 : vector<16xi32>
      %add3A_459 = arith.addi %mul3A_331, %and3A_458 : vector<16xi32>
      %gather3A_460 = tpu.vector_load_idx %arg11[%select_n3A, %add3A_459] : memref<64x128xf32, #tpu.memory_space<vmem>>[vector<16xi32>, vector<16xi32>], vector<16xf32>,
      %gather3A_461 = tpu.vector_load_idx %arg12[%select_n3A, %add3A_459] : memref<64x128xf32, #tpu.memory_space<vmem>>[vector<16xi32>, vector<16xi32>], vector<16xf32>,
      %mul3A_462 = arith.mulf %gather3A_460, %gather3A_461 : vector<16xf32>
      %add3A_463 = arith.addf %add3A_452, %mul3A_462 : vector<16xf32>
      %add3A_464 = arith.constant 12 : i32
      %add3A_465 = vector.broadcast %add3A_464 : i32 to vector<16xi32>
      %add3A_466 = arith.addi %iota3A, %add3A_465 : vector<16xi32>
      %and3A_467 = arith.constant 31 : i32
      %and3A_468 = vector.broadcast %and3A_467 : i32 to vector<16xi32>
      %and3A_469 = arith.andi %add3A_466, %and3A_468 : vector<16xi32>
      %add3A_470 = arith.addi %mul3A_331, %and3A_469 : vector<16xi32>
      %gather3A_471 = tpu.vector_load_idx %arg11[%select_n3A, %add3A_470] : memref<64x128xf32, #tpu.memory_space<vmem>>[vector<16xi32>, vector<16xi32>], vector<16xf32>,
      %gather3A_472 = tpu.vector_load_idx %arg12[%select_n3A, %add3A_470] : memref<64x128xf32, #tpu.memory_space<vmem>>[vector<16xi32>, vector<16xi32>], vector<16xf32>,
      %mul3A_473 = arith.mulf %gather3A_471, %gather3A_472 : vector<16xf32>
      %add3A_474 = arith.addf %add3A_463, %mul3A_473 : vector<16xf32>
      %add3A_475 = arith.constant 13 : i32
      %add3A_476 = vector.broadcast %add3A_475 : i32 to vector<16xi32>
      %add3A_477 = arith.addi %iota3A, %add3A_476 : vector<16xi32>
      %and3A_478 = arith.constant 31 : i32
      %and3A_479 = vector.broadcast %and3A_478 : i32 to vector<16xi32>
      %and3A_480 = arith.andi %add3A_477, %and3A_479 : vector<16xi32>
      %add3A_481 = arith.addi %mul3A_331, %and3A_480 : vector<16xi32>
      %gather3A_482 = tpu.vector_load_idx %arg11[%select_n3A, %add3A_481] : memref<64x128xf32, #tpu.memory_space<vmem>>[vector<16xi32>, vector<16xi32>], vector<16xf32>,
      %gather3A_483 = tpu.vector_load_idx %arg12[%select_n3A, %add3A_481] : memref<64x128xf32, #tpu.memory_space<vmem>>[vector<16xi32>, vector<16xi32>], vector<16xf32>,
      %mul3A_484 = arith.mulf %gather3A_482, %gather3A_483 : vector<16xf32>
      %add3A_485 = arith.addf %add3A_474, %mul3A_484 : vector<16xf32>
      %add3A_486 = arith.constant 14 : i32
      %add3A_487 = vector.broadcast %add3A_486 : i32 to vector<16xi32>
      %add3A_488 = arith.addi %iota3A, %add3A_487 : vector<16xi32>
      %and3A_489 = arith.constant 31 : i32
      %and3A_490 = vector.broadcast %and3A_489 : i32 to vector<16xi32>
      %and3A_491 = arith.andi %add3A_488, %and3A_490 : vector<16xi32>
      %add3A_492 = arith.addi %mul3A_331, %and3A_491 : vector<16xi32>
      %gather3A_493 = tpu.vector_load_idx %arg11[%select_n3A, %add3A_492] : memref<64x128xf32, #tpu.memory_space<vmem>>[vector<16xi32>, vector<16xi32>], vector<16xf32>,
      %gather3A_494 = tpu.vector_load_idx %arg12[%select_n3A, %add3A_492] : memref<64x128xf32, #tpu.memory_space<vmem>>[vector<16xi32>, vector<16xi32>], vector<16xf32>,
      %mul3A_495 = arith.mulf %gather3A_493, %gather3A_494 : vector<16xf32>
      %add3A_496 = arith.addf %add3A_485, %mul3A_495 : vector<16xf32>
      %add3A_497 = arith.constant 15 : i32
      %add3A_498 = vector.broadcast %add3A_497 : i32 to vector<16xi32>
      %add3A_499 = arith.addi %iota3A, %add3A_498 : vector<16xi32>
      %and3A_500 = arith.constant 31 : i32
      %and3A_501 = vector.broadcast %and3A_500 : i32 to vector<16xi32>
      %and3A_502 = arith.andi %add3A_499, %and3A_501 : vector<16xi32>
      %add3A_503 = arith.addi %mul3A_331, %and3A_502 : vector<16xi32>
      %gather3A_504 = tpu.vector_load_idx %arg11[%select_n3A, %add3A_503] : memref<64x128xf32, #tpu.memory_space<vmem>>[vector<16xi32>, vector<16xi32>], vector<16xf32>,
      %gather3A_505 = tpu.vector_load_idx %arg12[%select_n3A, %add3A_503] : memref<64x128xf32, #tpu.memory_space<vmem>>[vector<16xi32>, vector<16xi32>], vector<16xf32>,
      %mul3A_506 = arith.mulf %gather3A_504, %gather3A_505 : vector<16xf32>
      %add3A_507 = arith.addf %add3A_496, %mul3A_506 : vector<16xf32>
      %add3A_508 = arith.constant 16 : i32
      %add3A_509 = vector.broadcast %add3A_508 : i32 to vector<16xi32>
      %add3A_510 = arith.addi %iota3A, %add3A_509 : vector<16xi32>
      %and3A_511 = arith.constant 31 : i32
      %and3A_512 = vector.broadcast %and3A_511 : i32 to vector<16xi32>
      %and3A_513 = arith.andi %add3A_510, %and3A_512 : vector<16xi32>
      %add3A_514 = arith.addi %mul3A_331, %and3A_513 : vector<16xi32>
      %gather3A_515 = tpu.vector_load_idx %arg11[%select_n3A, %add3A_514] : memref<64x128xf32, #tpu.memory_space<vmem>>[vector<16xi32>, vector<16xi32>], vector<16xf32>,
      %gather3A_516 = tpu.vector_load_idx %arg12[%select_n3A, %add3A_514] : memref<64x128xf32, #tpu.memory_space<vmem>>[vector<16xi32>, vector<16xi32>], vector<16xf32>,
      %mul3A_517 = arith.mulf %gather3A_515, %gather3A_516 : vector<16xf32>
      %add3A_518 = arith.addf %add3A_507, %mul3A_517 : vector<16xf32>
      %add3A_519 = arith.constant 17 : i32
      %add3A_520 = vector.broadcast %add3A_519 : i32 to vector<16xi32>
      %add3A_521 = arith.addi %iota3A, %add3A_520 : vector<16xi32>
      %and3A_522 = arith.constant 31 : i32
      %and3A_523 = vector.broadcast %and3A_522 : i32 to vector<16xi32>
      %and3A_524 = arith.andi %add3A_521, %and3A_523 : vector<16xi32>
      %add3A_525 = arith.addi %mul3A_331, %and3A_524 : vector<16xi32>
      %gather3A_526 = tpu.vector_load_idx %arg11[%select_n3A, %add3A_525] : memref<64x128xf32, #tpu.memory_space<vmem>>[vector<16xi32>, vector<16xi32>], vector<16xf32>,
      %gather3A_527 = tpu.vector_load_idx %arg12[%select_n3A, %add3A_525] : memref<64x128xf32, #tpu.memory_space<vmem>>[vector<16xi32>, vector<16xi32>], vector<16xf32>,
      %mul3A_528 = arith.mulf %gather3A_526, %gather3A_527 : vector<16xf32>
      %add3A_529 = arith.addf %add3A_518, %mul3A_528 : vector<16xf32>
      %add3A_530 = arith.constant 18 : i32
      %add3A_531 = vector.broadcast %add3A_530 : i32 to vector<16xi32>
      %add3A_532 = arith.addi %iota3A, %add3A_531 : vector<16xi32>
      %and3A_533 = arith.constant 31 : i32
      %and3A_534 = vector.broadcast %and3A_533 : i32 to vector<16xi32>
      %and3A_535 = arith.andi %add3A_532, %and3A_534 : vector<16xi32>
      %add3A_536 = arith.addi %mul3A_331, %and3A_535 : vector<16xi32>
      %gather3A_537 = tpu.vector_load_idx %arg11[%select_n3A, %add3A_536] : memref<64x128xf32, #tpu.memory_space<vmem>>[vector<16xi32>, vector<16xi32>], vector<16xf32>,
      %gather3A_538 = tpu.vector_load_idx %arg12[%select_n3A, %add3A_536] : memref<64x128xf32, #tpu.memory_space<vmem>>[vector<16xi32>, vector<16xi32>], vector<16xf32>,
      %mul3A_539 = arith.mulf %gather3A_537, %gather3A_538 : vector<16xf32>
      %add3A_540 = arith.addf %add3A_529, %mul3A_539 : vector<16xf32>
      %add3A_541 = arith.constant 19 : i32
      %add3A_542 = vector.broadcast %add3A_541 : i32 to vector<16xi32>
      %add3A_543 = arith.addi %iota3A, %add3A_542 : vector<16xi32>
      %and3A_544 = arith.constant 31 : i32
      %and3A_545 = vector.broadcast %and3A_544 : i32 to vector<16xi32>
      %and3A_546 = arith.andi %add3A_543, %and3A_545 : vector<16xi32>
      %add3A_547 = arith.addi %mul3A_331, %and3A_546 : vector<16xi32>
      %gather3A_548 = tpu.vector_load_idx %arg11[%select_n3A, %add3A_547] : memref<64x128xf32, #tpu.memory_space<vmem>>[vector<16xi32>, vector<16xi32>], vector<16xf32>,
      %gather3A_549 = tpu.vector_load_idx %arg12[%select_n3A, %add3A_547] : memref<64x128xf32, #tpu.memory_space<vmem>>[vector<16xi32>, vector<16xi32>], vector<16xf32>,
      %mul3A_550 = arith.mulf %gather3A_548, %gather3A_549 : vector<16xf32>
      %add3A_551 = arith.addf %add3A_540, %mul3A_550 : vector<16xf32>
      %add3A_552 = arith.constant 20 : i32
      %add3A_553 = vector.broadcast %add3A_552 : i32 to vector<16xi32>
      %add3A_554 = arith.addi %iota3A, %add3A_553 : vector<16xi32>
      %and3A_555 = arith.constant 31 : i32
      %and3A_556 = vector.broadcast %and3A_555 : i32 to vector<16xi32>
      %and3A_557 = arith.andi %add3A_554, %and3A_556 : vector<16xi32>
      %add3A_558 = arith.addi %mul3A_331, %and3A_557 : vector<16xi32>
      %gather3A_559 = tpu.vector_load_idx %arg11[%select_n3A, %add3A_558] : memref<64x128xf32, #tpu.memory_space<vmem>>[vector<16xi32>, vector<16xi32>], vector<16xf32>,
      %gather3A_560 = tpu.vector_load_idx %arg12[%select_n3A, %add3A_558] : memref<64x128xf32, #tpu.memory_space<vmem>>[vector<16xi32>, vector<16xi32>], vector<16xf32>,
      %mul3A_561 = arith.mulf %gather3A_559, %gather3A_560 : vector<16xf32>
      %add3A_562 = arith.addf %add3A_551, %mul3A_561 : vector<16xf32>
      %add3A_563 = arith.constant 21 : i32
      %add3A_564 = vector.broadcast %add3A_563 : i32 to vector<16xi32>
      %add3A_565 = arith.addi %iota3A, %add3A_564 : vector<16xi32>
      %and3A_566 = arith.constant 31 : i32
      %and3A_567 = vector.broadcast %and3A_566 : i32 to vector<16xi32>
      %and3A_568 = arith.andi %add3A_565, %and3A_567 : vector<16xi32>
      %add3A_569 = arith.addi %mul3A_331, %and3A_568 : vector<16xi32>
      %gather3A_570 = tpu.vector_load_idx %arg11[%select_n3A, %add3A_569] : memref<64x128xf32, #tpu.memory_space<vmem>>[vector<16xi32>, vector<16xi32>], vector<16xf32>,
      %gather3A_571 = tpu.vector_load_idx %arg12[%select_n3A, %add3A_569] : memref<64x128xf32, #tpu.memory_space<vmem>>[vector<16xi32>, vector<16xi32>], vector<16xf32>,
      %mul3A_572 = arith.mulf %gather3A_570, %gather3A_571 : vector<16xf32>
      %add3A_573 = arith.addf %add3A_562, %mul3A_572 : vector<16xf32>
      %add3A_574 = arith.constant 22 : i32
      %add3A_575 = vector.broadcast %add3A_574 : i32 to vector<16xi32>
      %add3A_576 = arith.addi %iota3A, %add3A_575 : vector<16xi32>
      %and3A_577 = arith.constant 31 : i32
      %and3A_578 = vector.broadcast %and3A_577 : i32 to vector<16xi32>
      %and3A_579 = arith.andi %add3A_576, %and3A_578 : vector<16xi32>
      %add3A_580 = arith.addi %mul3A_331, %and3A_579 : vector<16xi32>
      %gather3A_581 = tpu.vector_load_idx %arg11[%select_n3A, %add3A_580] : memref<64x128xf32, #tpu.memory_space<vmem>>[vector<16xi32>, vector<16xi32>], vector<16xf32>,
      %gather3A_582 = tpu.vector_load_idx %arg12[%select_n3A, %add3A_580] : memref<64x128xf32, #tpu.memory_space<vmem>>[vector<16xi32>, vector<16xi32>], vector<16xf32>,
      %mul3A_583 = arith.mulf %gather3A_581, %gather3A_582 : vector<16xf32>
      %add3A_584 = arith.addf %add3A_573, %mul3A_583 : vector<16xf32>
      %add3A_585 = arith.constant 23 : i32
      %add3A_586 = vector.broadcast %add3A_585 : i32 to vector<16xi32>
      %add3A_587 = arith.addi %iota3A, %add3A_586 : vector<16xi32>
      %and3A_588 = arith.constant 31 : i32
      %and3A_589 = vector.broadcast %and3A_588 : i32 to vector<16xi32>
      %and3A_590 = arith.andi %add3A_587, %and3A_589 : vector<16xi32>
      %add3A_591 = arith.addi %mul3A_331, %and3A_590 : vector<16xi32>
      %gather3A_592 = tpu.vector_load_idx %arg11[%select_n3A, %add3A_591] : memref<64x128xf32, #tpu.memory_space<vmem>>[vector<16xi32>, vector<16xi32>], vector<16xf32>,
      %gather3A_593 = tpu.vector_load_idx %arg12[%select_n3A, %add3A_591] : memref<64x128xf32, #tpu.memory_space<vmem>>[vector<16xi32>, vector<16xi32>], vector<16xf32>,
      %mul3A_594 = arith.mulf %gather3A_592, %gather3A_593 : vector<16xf32>
      %add3A_595 = arith.addf %add3A_584, %mul3A_594 : vector<16xf32>
      %add3A_596 = arith.constant 24 : i32
      %add3A_597 = vector.broadcast %add3A_596 : i32 to vector<16xi32>
      %add3A_598 = arith.addi %iota3A, %add3A_597 : vector<16xi32>
      %and3A_599 = arith.constant 31 : i32
      %and3A_600 = vector.broadcast %and3A_599 : i32 to vector<16xi32>
      %and3A_601 = arith.andi %add3A_598, %and3A_600 : vector<16xi32>
      %add3A_602 = arith.addi %mul3A_331, %and3A_601 : vector<16xi32>
      %gather3A_603 = tpu.vector_load_idx %arg11[%select_n3A, %add3A_602] : memref<64x128xf32, #tpu.memory_space<vmem>>[vector<16xi32>, vector<16xi32>], vector<16xf32>,
      %gather3A_604 = tpu.vector_load_idx %arg12[%select_n3A, %add3A_602] : memref<64x128xf32, #tpu.memory_space<vmem>>[vector<16xi32>, vector<16xi32>], vector<16xf32>,
      %mul3A_605 = arith.mulf %gather3A_603, %gather3A_604 : vector<16xf32>
      %add3A_606 = arith.addf %add3A_595, %mul3A_605 : vector<16xf32>
      %add3A_607 = arith.constant 25 : i32
      %add3A_608 = vector.broadcast %add3A_607 : i32 to vector<16xi32>
      %add3A_609 = arith.addi %iota3A, %add3A_608 : vector<16xi32>
      %and3A_610 = arith.constant 31 : i32
      %and3A_611 = vector.broadcast %and3A_610 : i32 to vector<16xi32>
      %and3A_612 = arith.andi %add3A_609, %and3A_611 : vector<16xi32>
      %add3A_613 = arith.addi %mul3A_331, %and3A_612 : vector<16xi32>
      %gather3A_614 = tpu.vector_load_idx %arg11[%select_n3A, %add3A_613] : memref<64x128xf32, #tpu.memory_space<vmem>>[vector<16xi32>, vector<16xi32>], vector<16xf32>,
      %gather3A_615 = tpu.vector_load_idx %arg12[%select_n3A, %add3A_613] : memref<64x128xf32, #tpu.memory_space<vmem>>[vector<16xi32>, vector<16xi32>], vector<16xf32>,
      %mul3A_616 = arith.mulf %gather3A_614, %gather3A_615 : vector<16xf32>
      %add3A_617 = arith.addf %add3A_606, %mul3A_616 : vector<16xf32>
      %add3A_618 = arith.constant 26 : i32
      %add3A_619 = vector.broadcast %add3A_618 : i32 to vector<16xi32>
      %add3A_620 = arith.addi %iota3A, %add3A_619 : vector<16xi32>
      %and3A_621 = arith.constant 31 : i32
      %and3A_622 = vector.broadcast %and3A_621 : i32 to vector<16xi32>
      %and3A_623 = arith.andi %add3A_620, %and3A_622 : vector<16xi32>
      %add3A_624 = arith.addi %mul3A_331, %and3A_623 : vector<16xi32>
      %gather3A_625 = tpu.vector_load_idx %arg11[%select_n3A, %add3A_624] : memref<64x128xf32, #tpu.memory_space<vmem>>[vector<16xi32>, vector<16xi32>], vector<16xf32>,
      %gather3A_626 = tpu.vector_load_idx %arg12[%select_n3A, %add3A_624] : memref<64x128xf32, #tpu.memory_space<vmem>>[vector<16xi32>, vector<16xi32>], vector<16xf32>,
      %mul3A_627 = arith.mulf %gather3A_625, %gather3A_626 : vector<16xf32>
      %add3A_628 = arith.addf %add3A_617, %mul3A_627 : vector<16xf32>
      %add3A_629 = arith.constant 27 : i32
      %add3A_630 = vector.broadcast %add3A_629 : i32 to vector<16xi32>
      %add3A_631 = arith.addi %iota3A, %add3A_630 : vector<16xi32>
      %and3A_632 = arith.constant 31 : i32
      %and3A_633 = vector.broadcast %and3A_632 : i32 to vector<16xi32>
      %and3A_634 = arith.andi %add3A_631, %and3A_633 : vector<16xi32>
      %add3A_635 = arith.addi %mul3A_331, %and3A_634 : vector<16xi32>
      %gather3A_636 = tpu.vector_load_idx %arg11[%select_n3A, %add3A_635] : memref<64x128xf32, #tpu.memory_space<vmem>>[vector<16xi32>, vector<16xi32>], vector<16xf32>,
      %gather3A_637 = tpu.vector_load_idx %arg12[%select_n3A, %add3A_635] : memref<64x128xf32, #tpu.memory_space<vmem>>[vector<16xi32>, vector<16xi32>], vector<16xf32>,
      %mul3A_638 = arith.mulf %gather3A_636, %gather3A_637 : vector<16xf32>
      %add3A_639 = arith.addf %add3A_628, %mul3A_638 : vector<16xf32>
      %add3A_640 = arith.constant 28 : i32
      %add3A_641 = vector.broadcast %add3A_640 : i32 to vector<16xi32>
      %add3A_642 = arith.addi %iota3A, %add3A_641 : vector<16xi32>
      %and3A_643 = arith.constant 31 : i32
      %and3A_644 = vector.broadcast %and3A_643 : i32 to vector<16xi32>
      %and3A_645 = arith.andi %add3A_642, %and3A_644 : vector<16xi32>
      %add3A_646 = arith.addi %mul3A_331, %and3A_645 : vector<16xi32>
      %gather3A_647 = tpu.vector_load_idx %arg11[%select_n3A, %add3A_646] : memref<64x128xf32, #tpu.memory_space<vmem>>[vector<16xi32>, vector<16xi32>], vector<16xf32>,
      %gather3A_648 = tpu.vector_load_idx %arg12[%select_n3A, %add3A_646] : memref<64x128xf32, #tpu.memory_space<vmem>>[vector<16xi32>, vector<16xi32>], vector<16xf32>,
      %mul3A_649 = arith.mulf %gather3A_647, %gather3A_648 : vector<16xf32>
      %add3A_650 = arith.addf %add3A_639, %mul3A_649 : vector<16xf32>
      %add3A_651 = arith.constant 29 : i32
      %add3A_652 = vector.broadcast %add3A_651 : i32 to vector<16xi32>
      %add3A_653 = arith.addi %iota3A, %add3A_652 : vector<16xi32>
      %and3A_654 = arith.constant 31 : i32
      %and3A_655 = vector.broadcast %and3A_654 : i32 to vector<16xi32>
      %and3A_656 = arith.andi %add3A_653, %and3A_655 : vector<16xi32>
      %add3A_657 = arith.addi %mul3A_331, %and3A_656 : vector<16xi32>
      %gather3A_658 = tpu.vector_load_idx %arg11[%select_n3A, %add3A_657] : memref<64x128xf32, #tpu.memory_space<vmem>>[vector<16xi32>, vector<16xi32>], vector<16xf32>,
      %gather3A_659 = tpu.vector_load_idx %arg12[%select_n3A, %add3A_657] : memref<64x128xf32, #tpu.memory_space<vmem>>[vector<16xi32>, vector<16xi32>], vector<16xf32>,
      %mul3A_660 = arith.mulf %gather3A_658, %gather3A_659 : vector<16xf32>
      %add3A_661 = arith.addf %add3A_650, %mul3A_660 : vector<16xf32>
      %add3A_662 = arith.constant 30 : i32
      %add3A_663 = vector.broadcast %add3A_662 : i32 to vector<16xi32>
      %add3A_664 = arith.addi %iota3A, %add3A_663 : vector<16xi32>
      %and3A_665 = arith.constant 31 : i32
      %and3A_666 = vector.broadcast %and3A_665 : i32 to vector<16xi32>
      %and3A_667 = arith.andi %add3A_664, %and3A_666 : vector<16xi32>
      %add3A_668 = arith.addi %mul3A_331, %and3A_667 : vector<16xi32>
      %gather3A_669 = tpu.vector_load_idx %arg11[%select_n3A, %add3A_668] : memref<64x128xf32, #tpu.memory_space<vmem>>[vector<16xi32>, vector<16xi32>], vector<16xf32>,
      %gather3A_670 = tpu.vector_load_idx %arg12[%select_n3A, %add3A_668] : memref<64x128xf32, #tpu.memory_space<vmem>>[vector<16xi32>, vector<16xi32>], vector<16xf32>,
      %mul3A_671 = arith.mulf %gather3A_669, %gather3A_670 : vector<16xf32>
      %add3A_672 = arith.addf %add3A_661, %mul3A_671 : vector<16xf32>
      %add3A_673 = arith.constant 31 : i32
      %add3A_674 = vector.broadcast %add3A_673 : i32 to vector<16xi32>
      %add3A_675 = arith.addi %iota3A, %add3A_674 : vector<16xi32>
      %and3A_676 = arith.constant 31 : i32
      %and3A_677 = vector.broadcast %and3A_676 : i32 to vector<16xi32>
      %and3A_678 = arith.andi %add3A_675, %and3A_677 : vector<16xi32>
      %add3A_679 = arith.addi %mul3A_331, %and3A_678 : vector<16xi32>
      %gather3A_680 = tpu.vector_load_idx %arg11[%select_n3A, %add3A_679] : memref<64x128xf32, #tpu.memory_space<vmem>>[vector<16xi32>, vector<16xi32>], vector<16xf32>,
      %gather3A_681 = tpu.vector_load_idx %arg12[%select_n3A, %add3A_679] : memref<64x128xf32, #tpu.memory_space<vmem>>[vector<16xi32>, vector<16xi32>], vector<16xf32>,
      %mul3A_682 = arith.mulf %gather3A_680, %gather3A_681 : vector<16xf32>
      %add3A_683 = arith.addf %add3A_672, %mul3A_682 : vector<16xf32>
      %neg3A = arith.constant 0.000000e+00 : f32
      %neg3A_684 = vector.broadcast %neg3A : f32 to vector<16xf32>
      %neg3A_685 = arith.subf %neg3A_684, %add3A_683 : vector<16xf32>
      %exp3A = math.exp %neg3A_685 : vector<16xf32>
      %add3A_686 = arith.constant 1.000000e+00 : f32
      %add3A_687 = vector.broadcast %add3A_686 : f32 to vector<16xf32>
      %add3A_688 = arith.addf %add3A_687, %exp3A : vector<16xf32>
      %div3A_689 = arith.constant 1.000000e+00 : f32
      %div3A_690 = vector.broadcast %div3A_689 : f32 to vector<16xf32>
      %div3A_691 = arith.divf %div3A_690, %add3A_688 : vector<16xf32>
      %mul3A_692 = arith.constant 16 : i32
      %mul3A_693 = arith.muli %scan3A_281, %mul3A_692 : i32
      %add3A_694 = arith.constant 256 : i32
      %add3A_695 = arith.addi %add3A_694, %mul3A_693 : i32
      %swap3A = arith.index_cast %add3A_695 : i32 to index
      %swap3A_696 = tpu.vector_load %arg13[%swap3A] {strides = array<i32>} : memref<512xf32, #tpu.memory_space<vmem>>, vector<16xf32>,
      tpu.vector_store %arg13[%swap3A], %div3A_691 {strides = array<i32>} : memref<512xf32, #tpu.memory_space<vmem>>, vector<16xf32>,
    }
    %scan3A_280 = arith.constant 16 : i32
    "tpu.region"() ({
      %run_scoped3A = tpu.sem_alloc : memref<!tpu.dma_semaphore, #tpu.memory_space<semaphore_mem>>
      %dma_start3A = tpu.memref_slice %arg6[%mul3A_2] : memref<16384xf32, #tpu.memory_space<hbm>> -> memref<512xf32, #tpu.memory_space<hbm>>
      %dma_start3A_281 = tpu.memref_slice %arg6[%mul3A_2] : memref<16384xf32, #tpu.memory_space<hbm>> -> memref<512xf32, #tpu.memory_space<hbm>>
      tpu.enqueue_dma source(%arg13 : memref<512xf32, #tpu.memory_space<vmem>>) target(%dma_start3A_281 : memref<512xf32, #tpu.memory_space<hbm>>) target_semaphore(%run_scoped3A : memref<!tpu.dma_semaphore, #tpu.memory_space<semaphore_mem>>)
      %dma_wait3A_282 = tpu.memref_slice %arg6[%mul3A_2] : memref<16384xf32, #tpu.memory_space<hbm>> -> memref<512xf32, #tpu.memory_space<hbm>>
      %dma_wait3A_283 = tpu.memref_slice %arg6[%mul3A_2] : memref<16384xf32, #tpu.memory_space<hbm>> -> memref<512xf32, #tpu.memory_space<hbm>>
      tpu.wait_dma2 semaphore(%run_scoped3A : memref<!tpu.dma_semaphore, #tpu.memory_space<semaphore_mem>>) src(%arg13 : memref<512xf32, #tpu.memory_space<vmem>>) dst(%dma_wait3A_283 : memref<512xf32, #tpu.memory_space<hbm>>)
      tpu.yield
    }) : () -> ()
    return
  }
}

</mosaic_0001>

<sc_bundles>
// kernel: kernel.3.cloned.1.call-start
scs
__scs_entry_jumppad:
0x0: {  	(pc) =	sbr.rel $0x88, $3  }
0x1: {  	(tag) =	ssettag $0x0;
	lr =	simm.s32 $0x1  }
0x2: {  	[smem:$0x3F9E] =	sst lr;
	_ =	strace $0xD0000000  }
0x3: {  	_ = 	snop  }
0x4: {  	_ = 	snop  }
0x5: {  	_ = 	snop  }
0x6: {  	_ = 	snop  }
0x7: {  	_ = 	snop  }
__scs_overlays_trampoline_lowered:
0x8: {  	[smem:$0x3FAD] =	sst s0  }
0x9: {  	[smem:$0x3FAE] =	sst s1  }
0xa: {  	[smem:$0x3FAF] =	sst s2  }
0xb: {  	[smem:$0x3FB0] =	sst s3  }
0xc: {  	[smem:$0x3FB1] =	sst s4  }
0xd: {  	[smem:$0x3FB2] =	sst s5  }
0xe: {  	[smem:$0x3FB3] =	sst s6  }
0xf: {  	[smem:$0x3FB4] =	sst s7  }
0x10: {  	[smem:$0x3FB5] =	sst s8  }
0x11: {  	[smem:$0x3FB6] =	sst s9;
	s0 =	simm.s32 @!p0 $0x0  }
0x12: {  	s1 =	sld [smem:$0x3F9C];
	s0 =	simm.s32 @p0 $0x1  }
0x13: {  	[smem:$0x3FB7] =	sst s0;
	s0 =	simm.s32 @!p1 $0x0  }
0x14: {  	s2 =	sld [smem:$0x3F9B];
	s0 =	simm.s32 @p1 $0x1  }
0x15: {  	[smem:$0x3FB8] =	sst s0;
	s0 =	simm.s32 @!p2 $0x0  }
0x16: {  	s3 =	sld [smem:$0x3FDB];
	s0 =	simm.s32 @p2 $0x1  }
0x17: {  	s4 =	simm.s32 $0x1BF5;
	[smem:$0x3FBA] =	sst s0  }
0x18: {  	s0 =	sld [smem:$0x3F9D];
	_ =	swait.ge [sflag:s4], $0x0  }
0x19: {  	s7 =	sld [smem:$0x3F9E]  }
0x1a: {  	s8 =	sadd.s32 $0xFFFFE003, lr  }
0x1b: {  	s9 =	sadd.s32 $0xFFFFFEF7, lr;
	s5 =	simm.s32 $0xFFFFFFFF;
	p2 =	slt.u32 s8, $0xFFFFF086  }
0x1c: {  	p1 =	slt.u32 s9, $0xF7A;
	s5 =	simm.s32 @!p2 $0x0  }
0x1d: {  	s5 =	simm.s32 @p1 $0x1;
	p0 =	seq.s32 s7, s2  }
0x1e: {  	s7 =	smul.u32 @!p0 $0xF7A, s2;
	p2 =	seq.s32 @!p0 s5, $0x0  }
0x1f: {  	s9 =	smul.u32 $0xF7A, s1;
	s8 =	simm.s32 @!p0 $0x1BF5;
	p2 =	por !p2, p0  }
0x20: {  	[sflag:s8] =	ssyncset.s32 @!p0 $0xFFFFF086;
	s6 =	sadd.s32 @!p0 s3, s7;
	s7 =	simm.s32 @!p0 $0x108  }
0x21: {  	s3 =	sadd.s32 s3, s9;
	s6 =	sadd.s32 @!p0 $0x88, s6;
	s7 =	simm.s32 @p2 $0x1082  }
0x22: {  	[simem:s7], [sflag:s8] =	dma.local @!p0 [hbm:s6], $0xF7A  }
0x23: {  	s9 =	sor.u32 $0xD0000000, s2;
	s6 =	simm.s32 $0x108;
	_ =	swait.ge @!p0 [sflag:s8], $0x0  }
0x24: {  	s3 =	sadd.s32 $0x88, s3;
	s6 =	simm.s32 @!p1 $0x1082;
	[sflag:s4] =	ssyncset.s32 $0xFFFFF086  }
0x25: {  	[simem:s6], [sflag:s4] =	dma.local [hbm:s3], $0xF7A  }
0x26: {  	[smem:$0x3F9E] =	sst s1;
	(tag) =	ssettag s2;
	_ =	strace s9  }
0x27: {  	s1 =	sld [smem:$0x3FAE]  }
0x28: {  	s2 =	sld [smem:$0x3FAF]  }
0x29: {  	s4 =	sld [smem:$0x3FB1]  }
0x2a: {  	p0 =	seq.s32 s5, $0x0;
	s5 =	sld [smem:$0x3FB2]  }
0x2b: {  	s6 =	sld [smem:$0x3FB3]  }
0x2c: {  	s7 =	sld [smem:$0x3FB4]  }
0x2d: {  	s3 =	simm.s32 $0x108;
	s8 =	sld [smem:$0x3FB5]  }
0x2e: {  	s3 =	simm.s32 @!p0 $0x1082;
	s9 =	sld [smem:$0x3FB6]  }
0x2f: {  	lr =	sadd.s32 s0, s3;
	s0 =	sld [smem:$0x3FAD]  }
0x30: {  	s3 =	sld [smem:$0x3FB0]  }
0x31: {  	[smem:$0x3FB9] =	sst s10  }
0x32: {  	s10 =	sld [smem:$0x3FB7];
	_ =	sdelay $0x3  }
0x33: {  	p0 =	seq.s32 s10, $0x1;
	s10 =	sld [smem:$0x3FB9];
	_ =	sdelay $0x3  }
0x34: {  	[smem:$0x3FB9] =	sst s10  }
0x35: {  	s10 =	sld [smem:$0x3FB8];
	_ =	sdelay $0x3  }
0x36: {  	p1 =	seq.s32 s10, $0x1;
	s10 =	sld [smem:$0x3FB9];
	_ =	sdelay $0x3  }
0x37: {  	[smem:$0x3FB9] =	sst s10  }
0x38: {  	s10 =	sld [smem:$0x3FBA]  }
0x39: {  	_ = 	snop;
	(pc) =	sbr.ind lr, $3  }
0x3a: {  	_ = 	snop  }
0x3b: {  	_ = 	snop  }
0x3c: {  	p2 =	seq.s32 s10, $0x1;
	s10 =	sld [smem:$0x3FB9]  }
0x3d: {  	_ =	shalt  }
0x3e: {  	_ =	shalt  }
0x3f: {  	_ =	shalt  }
0x40: {  	_ =	shalt  }
0x41: {  	_ =	shalt  }
0x42: {  	_ =	shalt  }
0x43: {  	_ =	shalt  }
0x44: {  	_ =	shalt  }
0x45: {  	_ =	shalt  }
0x46: {  	_ =	shalt  }
0x47: {  	_ =	shalt  }
0x48: {  	_ =	shalt  }
0x49: {  	_ =	shalt  }
0x4a: {  	_ =	shalt  }
0x4b: {  	_ =	shalt  }
0x4c: {  	_ =	shalt  }
0x4d: {  	_ =	shalt  }
0x4e: {  	_ =	shalt  }
0x4f: {  	_ =	shalt  }
0x50: {  	_ =	shalt  }
0x51: {  	_ =	shalt  }
0x52: {  	_ =	shalt  }
0x53: {  	_ =	shalt  }
0x54: {  	_ =	shalt  }
0x55: {  	_ =	shalt  }
0x56: {  	_ =	shalt  }
0x57: {  	_ =	shalt  }
0x58: {  	_ =	shalt  }
0x59: {  	_ =	shalt  }
0x5a: {  	_ =	shalt  }
0x5b: {  	_ =	shalt  }
0x5c: {  	_ =	shalt  }
0x5d: {  	_ =	shalt  }
0x5e: {  	_ =	shalt  }
0x5f: {  	_ =	shalt  }
0x60: {  	_ =	shalt  }
0x61: {  	_ =	shalt  }
0x62: {  	_ =	shalt  }
0x63: {  	_ =	shalt  }
0x64: {  	_ =	shalt  }
0x65: {  	_ =	shalt  }
0x66: {  	_ =	shalt  }
0x67: {  	_ =	shalt  }
0x68: {  	_ =	shalt  }
0x69: {  	_ =	shalt  }
0x6a: {  	_ =	shalt  }
0x6b: {  	_ =	shalt  }
0x6c: {  	_ =	shalt  }
0x6d: {  	_ =	shalt  }
0x6e: {  	_ =	shalt  }
0x6f: {  	_ =	shalt  }
0x70: {  	_ =	shalt  }
0x71: {  	_ =	shalt  }
0x72: {  	_ =	shalt  }
0x73: {  	_ =	shalt  }
0x74: {  	_ =	shalt  }
0x75: {  	_ =	shalt  }
0x76: {  	_ =	shalt  }
0x77: {  	_ =	shalt  }
0x78: {  	_ =	shalt  }
0x79: {  	_ =	shalt  }
0x7a: {  	_ =	shalt  }
0x7b: {  	_ =	shalt  }
0x7c: {  	_ =	shalt  }
0x7d: {  	_ =	shalt  }
0x7e: {  	_ =	shalt  }
0x7f: {  	_ =	shalt  }
0x80: {  	_ =	shalt  }
0x81: {  	_ =	shalt  }
0x82: {  	_ =	shalt  }
0x83: {  	_ =	shalt  }
0x84: {  	_ =	shalt  }
0x85: {  	_ =	shalt  }
0x86: {  	_ =	shalt  }
0x87: {  	_ =	shalt  }
.Lfunc_end0:
.L_simem_size_0:
called_computation_lowered:
.L_overlay_start_0:
0x88: {  	s2 =	sld [smem:$0x3FD9]  }
0x89: {  	s3 =	sld [smem:$0x3FFE];
	_ =	sdelay $0x1  }
0x8a: {  	s1 =	srdreg.scid  }
0x8b: {  	s0 =	sand.u32 $0x1, s1  }
0x8c: {  	s17 =	sshll.u32 s0, $0xA;
	s2 =	sadd.s32 s3, s2  }
0x8d: {  	s2 =	sadd.s32 s2, s17  }
0x8e: {  	[smem:$0x3FC5] =	sst s2  }
0x8f: {  	_ = 	snop  }
0x90: {  	s2 =	sld [smem:$0x3FD0];
	(tm) =	ssettm $0x1  }
0x91: {  	s18 =	sld [smem:$0x3FFB];
	_ =	sdelay $0x3  }
0x92: {  	_ =	strace s18  }
0x93: {  	s3 =	sld [smem:$0x3FFC];
	_ =	sdelay $0x3  }
0x94: {  	_ =	strace s3  }
0x95: {  	s3 =	sld [smem:$0x3FFD];
	_ =	sdelay $0x3  }
0x96: {  	_ =	strace s3  }
0x97: {  	_ =	strace $0x8FFFFFFF  }
0x98: {  	s19 =	sld [smem:$0x3FDB];
	_ =	sdelay $0x1  }
0x99: {  	s4 =	simm.s32 $_scs_section_size  }
0x9a: {  	s5 =	simm.s32 $_size__tile_overlayer_lowered;
	s6 =	simm.s32 $_tile_overlayer_lowered  }
0x9b: {  	s22 =	simm.s32 $0x1BFF;
	s21 =	sshll.u32 s6, $0x1;
	s3 =	sadd.s32 s4, s19  }
0x9c: {  	s7 =	simm.s32 $0x0;
	s20 =	sshll.u32 s5, $0x1;
	s5 =	sadd.s32 s21, s3  }
0x9d: {  	[timem:s7], [sflag:s22] =	dma.local [hbm:s5], s20  }
0x9e: {  	_ =	swait.ge [sflag:s22], s20  }
0x9f: {  	s4 =	ssub.s32 $0x0, s20;
	[sflag:s22] =	ssyncset.done $0x0  }
0xa0: {  	[sflag:s22] =	ssyncadd.s32 s4;
	_ =	sdelay $0x1  }
0xa1: {  	s23 =	simm.s32 $0x1B8B  }
0xa2: {  	_ =	swait.ge [sflag:s23], $0x1  }
0xa3: {  	[sflag:s23] =	ssyncset.done $0x0  }
0xa4: {  	s25 =	simm.s32 $0x1B8E;
	s24 =	sld [smem:$0x3FFE];
	[sflag:s23] =	ssyncadd.s32 $0xFFFFFFFF  }
0xa5: {  	s26 =	simm.s32 $execute0_lowered;
	[smem:$0x3FD2] =	sst s25  }
0xa6: {  	s5 =	sshll.u32 s26, $0x1;
	_ =	strace $0x80000046;
	[dreg:$0x1] =	wrdreg $0xFFFFFFFF  }
0xa7: {  	s28 =	simm.s32 $_size_execute0_lowered;
	s3 =	sadd.s32 s3, s5;
	[dreg:$0x0] =	wrdreg $0x0  }
0xa8: {  	s5 =	sshll.u32 s28, $0x1;
	[dreg:$0x2] =	wrdreg s3  }
0xa9: {  	[dreg:$0x3] =	wrdreg s5  }
0xaa: {  	[dreg:$0x4] =	wrdreg $0xC0  }
0xab: {  	_ =	task [dreg:s7], $0x5FFFF  }
0xac: {  	[dreg:$0x1] =	wrdreg $0xFFFFFFFF  }
0xad: {  	[dreg:$0x0] =	wrdreg $0x60  }
0xae: {  	[dreg:$0x2] =	wrdreg s24  }
0xaf: {  	[dreg:$0x3] =	wrdreg s2  }
0xb0: {  	[dreg:$0x4] =	wrdreg $0x9  }
0xb1: {  	_ =	task.clear_ibuf [dreg:s7], $0x5FFFF;
	_ =	strace $0x90000046  }
0xb2: {  	s29 =	simm.s32 $0x9;
	_ =	strace $0x80000048  }
0xb3: {  	_ =	swait.ge [sflag:s29], $0x1  }
0xb4: {  	[sflag:s29] =	ssyncadd.s32 $0xFFFFFFFF  }
0xb5: {  	_ =	strace $0x90000048  }
0xb6: {  	_ =	sfence  }
0xb7: {  	s30 =	sld [smem:$0x0];
	_ =	sdelay $0x2  }
0xb8: {  	s31 =	sshll.u32 s1, $0xD;
	s1 =	sshrl.u32 s1, $0x2  }
0xb9: {  	s3 =	sand.u32 $0x4000, s31;
	s1 =	sadd.s32 s1, s30  }
0xba: {  	s0 =	sor.u32 s3, s0;
	s1 =	sshll.u32 s1, $0x11  }
0xbb: {  	s0 =	sor.u32 s1, s0  }
0xbc: {  	s0 =	sadd.s32 $0x8F2B, s0  }
0xbd: {  	[sflag:s0] =	ssyncadd.remote.s32 $0x1  }
0xbe: {  	_ =	sfence.sel $0xFFFF  }
0xbf: {  	[dreg:$0x0] =	wrdreg $0xFFFFFFFF;
	(pc) =	sbr.abs _section_cstart, $3  }
0xc0: {  	[dreg:$0x1] =	wrdreg $0xFFFFFFFF  }
0xc1: {  	_ =	task.clear_ibuf [dreg:s7], $0x2FFFF;
	_ =	strace $0x9FFFFFFF  }
0xc2: {  	(tm) =	ssettm $0x7FFFFFFF  }
0xc3: {  	_ =	shalt  }
tec
execute0_lowered:
.L_overlay_start_1:
0x0: {  	(tag) =	ssettag $0x1  }
0x1: {  	vm0 =	vcmask $0x1F14;
	vm1 =	vcmask $0xF04  }
0x2: {  	v0 =	vimm.s32 $0x6F4E2D0C;
	v1 =	vimm.s32 $0x6B4A2908;
	vm2 =	vcmask $0x3F34  }
0x3: {  	v3 =	vimm.s32 $0x63422100;
	v4 =	vimm.s32 $0x704F2E0D;
	v7 =	vimm.s32 $0x71502F0E  }
0x4: {  	v8 =	vimm.s32 $0x6D4C2B0A;
	v9 =	vimm.s32 $0x7251300F;
	v10 =	vimm.s32 $0x6A492807  }
0x5: {  	v11 =	vimm.s32 $0x73523110;
	v18 =	vimm.s32 $0x74533211;
	v25 =	vimm.s32 $0x77563514  }
0x6: {  	v28 =	vimm.s32 $0x79583716;
	v29 =	vimm.s32 $0x7A593817;
	v35 =	vimm.s32 $0x0  }
0x7: {  	vm0 =	vmor vm1, vm0;
	vm1 =	vcmask $0x2F24;
	v0 =	vunpack.c.0.s8.s32 v0  }
0x8: {  	v1 =	vunpack.c.0.s8.s32 v1;
	v5 =	vunpack.c.0.s8.s32 v3;
	v3 =	vimm.s32 $0x67462504  }
0x9: {  	v15 =	vunpack.c.0.s8.s32 v4;
	v4 =	vimm.s32 $0x68472605;
	v19 =	vunpack.c.0.s8.s32 v7  }
0xa: {  	v20 =	vunpack.c.0.s8.s32 v8;
	v7 =	vimm.s32 $0x65442302;
	v8 =	vimm.s32 $0x69482706  }
0xb: {  	v22 =	vunpack.c.0.s8.s32 v9;
	v9 =	vimm.s32 $0x66452403;
	v24 =	vunpack.c.0.s8.s32 v10  }
0xc: {  	v26 =	vunpack.c.0.s8.s32 v11;
	v38 =	vunpack.c.0.s8.s32 v25;
	v25 =	vimm.s32 $0x78573615  }
0xd: {  	v28 =	vunpack.c.0.s8.s32 v28;
	v29 =	vunpack.c.0.s8.s32 v29;
	vm1 =	vmor vm0, vm1  }
0xe: {  	vm0 =	vcmask $0x1F10;
	v14 =	vunpack.c.0.s8.s32 v3;
	v3 =	vimm.s32 $0x6C4B2A09  }
0xf: {  	v17 =	vunpack.c.0.s8.s32 v4;
	v16 =	vunpack.c.0.s8.s32 v3;
	v3 =	vimm.s32 $0x64432201  }
0x10: {  	v21 =	vunpack.c.0.s8.s32 v8;
	[tilespmem:$0x1FF00] =	vst v5;
	v5 =	vsel vm0, v14, v5;
	v6 =	vunpack.c.0.s8.s32 v3  }
0x11: {  	v8 =	vimm.s32 $0x6E4D2C0B;
	v25 =	vunpack.c.0.s8.s32 v25;
	v2 =	vsel vm0, v0, v1;
	[tilespmem:$0x1FF10] =	vst v5  }
0x12: {  	v4 =	vcombine.low v5, v2;
	v31 =	vsel vm0, v15, v16;
	[tilespmem:$0x1FF20] =	vst v6;
	v5 =	vsel vm0, v17, v6  }
0x13: {  	v23 =	vunpack.c.0.s8.s32 v8;
	[tilespmem:$0x1FF30] =	vst v5;
	v6 =	vcombine.low v5, v31;
	v5 =	vunpack.c.0.s8.s32 v7  }
0x14: {  	vm1 =	vmor vm1, vm2;
	v36 =	vsel vm0, v19, v20;
	v7 =	vunpack.c.0.s8.s32 v9  }
0x15: {  	v3 =	vlaneseq.u32;
	v37 =	vsel vm0, v22, v23;
	[tilespmem:$0x1FF40] =	vst v5;
	v5 =	vsel vm0, v21, v5  }
0x16: {  	v9 =	vsel vm0, v16, v17;
	[tilespmem:$0x1FF50] =	vst v7;
	v7 =	vsel vm0, v24, v7;
	v11 =	vcombine.low v5, v36  }
0x17: {  	[tilespmem:$0x1FF60] =	vst v5;
	v12 =	vcombine.low v7, v37;
	v5 =	vsel vm0, v26, v0;
	v0 =	vunpack.c.0.s8.s32 v18  }
0x18: {  	[tilespmem:$0x1FF70] =	vst v7;
	v18 =	vimm.s32 $0x75543312;
	v7 =	vsel vm0, v1, v14;
	v26 =	vsel vm0, v38, v26  }
0x19: {  	s0 =	rddreg [dreg:$0x0];
	[tilespmem:$0x1FFB0] =	vst v9;
	v1 =	vunpack.c.0.s8.s32 v18;
	v18 =	vimm.s32 $0x76553413;
	v17 =	vcombine.low v7, v5  }
0x1a: {  	s1 =	rddreg [dreg:$0x1];
	[tilespmem:$0x1FF90] =	vst v7;
	v7 =	vsel vm0, v20, v21;
	v30 =	vcombine.low v2, v26;
	v2 =	vimm.s32 $0x6241201F  }
0x1b: {  	s2 =	srdreg.scid;
	s4 =	stileid.u32;
	s8 =	simm.s32 $0x0;
	[tilespmem:$0x1FF80] =	vst v5;
	v8 =	vsel vm0, v0, v15;
	v33 =	vunpack.c.0.s8.s32 v18;
	v27 =	vsel vm0, v25, v0  }
0x1c: {  	s10 =	simm.s32 $0x80;
	s11 =	simm.s32 $0x400;
	s3 =	sand.u32 $0x1, s2;
	[tilespmem:$0x1FFD0] =	vst v7;
	v0 =	vimm.s32 $0x7B5A3918;
	v45 =	vunpack.c.0.s8.s32 v2;
	v18 =	vcombine.low v9, v8  }
0x1d: {  	s15 =	simm.s32 $0x4400;
	s4 =	sshll.u32 s4, $0x7;
	s5 =	sshll.u32 s3, $0x6;
	[tilespmem:$0x1FFA0] =	vst v8;
	v5 =	vsel vm0, v1, v19;
	v9 =	vsel vm0, v23, v24;
	v31 =	vcombine.low v31, v27  }
0x1e: {  	s16 =	simm.s32 $0x6400;
	[smem:$0x7FF] =	sst s8;
	s5 =	sor.u32 s5, s4;
	v32 =	vsel vm0, v28, v1;
	v34 =	vunpack.c.0.s8.s32 v0;
	v0 =	vimm.s32 $0x7C5B3A19;
	[tilespmem:$0x1FFC0] =	vst v5  }
0x1f: {  	s7 =	ssub.s32 $0x2, s3;
	s3 =	sadd.s32 $0x1600, s0;
	s6 =	sadd.s32 s5, s0;
	v1 =	vimm.s32 $0x7D5C3B1A;
	v8 =	vsel vm0, v33, v22;
	v23 =	vcombine.low v7, v5;
	[tilespmem:$0x1FFF0] =	vst v9  }
0x20: {  	s4 =	sadd.s32 $0xF43A00, s0;
	s30 =	sadd.s32 $0xE00, s6;
	s31 =	sadd.s32 $0x600, s6;
	v33 =	vsel vm0, v29, v33;
	v36 =	vcombine.low v36, v32;
	v39 =	vunpack.c.0.s8.s32 v0;
	[tilespmem:$0x1FFE0] =	vst v8  }
0x21: {  	s29 =	sshrl.u32 s7, $0x1;
	v40 =	vunpack.c.0.s8.s32 v1;
	v0 =	vimm.s32 $0x7E5D3C1B;
	v1 =	vimm.s32 $0x605F3E1D;
	_ =	strace $0x80000047;
	[dreg:$0x3] =	wrdreg s30  }
0x22: {  	s0 =	ssub.s32 s7, s29;
	s1 =	sadd.s32 s1, s5;
	v24 =	vcombine.low v9, v8;
	v41 =	vunpack.c.0.s8.s32 v0;
	v0 =	vimm.s32 $0x7F5E3D1C;
	[dreg:$0x4] =	wrdreg s31  }
0x23: {  	s13 =	simm.s32 $0x0;
	s0 =	smax.u32 s0, $0x1;
	v37 =	vcombine.low v37, v33;
	[dreg:$0x5] =	wrdreg s1;
	v42 =	vunpack.c.0.s8.s32 v0;
	v0 =	vimm.s32 $0x61403F1E  }
0x24: {  	s2 =	simm.s32 $0x0;
	v38 =	vsel vm0, v34, v38;
	v43 =	vunpack.c.0.s8.s32 v1;
	[dreg:$0x6] =	wrdreg s0;
	s1 =	simm.s32 $0x3;
	v44 =	vunpack.c.0.s8.s32 v0  }
.LBB2_1:
0x25: {  	[dreg:$0x7] =	wrdreg s2  }
0x26: {  	s0 =	rddreg [dreg:$0x3]  }
0x27: {  	[tilespmem:s8], [sflag:$0x3] =	stream.linear.gather [hbm4b:s0+s8], $0x200, $0x38;
	[tilespmem:$0x8600] =	vst v63  }
0x28: {  	_ =	swait.ge [sflag:s1], $0x200  }
0x29: {  	[sflag:s1] =	ssyncset.done $0x0  }
0x2a: {  	s19 =	simm.s32 $0x200;
	s25 =	rddreg [dreg:$0x4];
	[sflag:s1] =	ssyncadd.s32 $0xFFFFFE00  }
0x2b: {  	[tilespmem:s19], [sflag:$0x3] =	stream.linear.gather [hbm4b:s25+s8], $0x200, $0x38;
	[tilespmem:$0x8600] =	vst v63  }
0x2c: {  	_ =	swait.ge [sflag:s1], $0x200  }
0x2d: {  	[sflag:s1] =	ssyncset.done $0x0  }
0x2e: {  	[sflag:s1] =	ssyncadd.s32 $0xFFFFFE00  }
0x2f: {  	v0 =	vld [tilespmem:s8+$0x0];
	_ =	sdelay $0x3  }
0x30: {  	v2 =	vld [tilespmem:s19+$0x0]  }
0x31: {  	v1 =	vshll.u32 v0, $0x4  }
0x32: {  	(v2sf) =	vpush v1, $0x0  }
0x33: {  	(v2sf) =	vpush v1, $0x1  }
0x34: {  	(v2sf) =	vpush v1, $0x2  }
0x35: {  	v0 =	vshll.u32 v2, $0x4  }
0x36: {  	(v2sf) =	vpush v0, $0x0;
	_ =	sdelay $0x6  }
0x37: {  	(v2sf) =	vpush v0, $0x1;
	_ =	sdelay $0x3  }
0x38: {  	s26 =	spop (v2sf)  }
0x39: {  	s0 =	sand.u32 $0x1FFFFFF0, s26;
	s28 =	spop (v2sf)  }
0x3a: {  	s5 =	simm.s32 $0x400;
	s0 =	sadd.s32 s3, s0;
	s6 =	spop (v2sf)  }
0x3b: {  	[tilespmem:s5], [sflag:$0x1] =	stream.strided.gather [hbm4b:s0+s10], $0x0, s11, s10, $0x38;
	[tilespmem:$0x8600] =	vst v63  }
0x3c: {  	(v2sf) =	vpush v0, $0x2;
	s7 =	spop (v2sf)  }
0x3d: {  	s29 =	sand.u32 $0x1FFFFFF0, s7  }
0x3e: {  	[tilespmem:s5], [sflag:$0x1] =	stream.linear.gather [hbm4b:s0+s8], $0x20, $0x38;
	[tilespmem:$0x8600] =	vst v63  }
0x3f: {  	s30 =	simm.s32 $0x2400;
	s0 =	sadd.s32 s4, s29  }
0x40: {  	(v2sf) =	vpush v1, $0x3;
	[tilespmem:s30], [sflag:$0x1] =	stream.strided.gather [hbm4b:s0+s10], $0x0, s11, s10, $0x38;
	[tilespmem:$0x8600] =	vst v63  }
0x41: {  	s1 =	sand.u32 $0x1FFFFFF0, s28  }
0x42: {  	[tilespmem:s30], [sflag:$0x1] =	stream.linear.gather [hbm4b:s0+s8], $0x20, $0x38;
	[tilespmem:$0x8600] =	vst v63  }
0x43: {  	s2 =	simm.s32 $0x420;
	s1 =	sadd.s32 s3, s1;
	s31 =	spop (v2sf)  }
0x44: {  	(v2sf) =	vpush v0, $0x3;
	[tilespmem:s2], [sflag:$0x1] =	stream.strided.gather [hbm4b:s1+s10], $0x0, s11, s10, $0x38;
	[tilespmem:$0x8600] =	vst v63  }
0x45: {  	s0 =	sand.u32 $0x1FFFFFF0, s31  }
0x46: {  	[tilespmem:s2], [sflag:$0x1] =	stream.linear.gather [hbm4b:s1+s8], $0x20, $0x38;
	[tilespmem:$0x8600] =	vst v63  }
0x47: {  	s7 =	simm.s32 $0x2420;
	s0 =	sadd.s32 s4, s0  }
0x48: {  	(v2sf) =	vpush v1, $0x4;
	[tilespmem:s7], [sflag:$0x1] =	stream.strided.gather [hbm4b:s0+s10], $0x0, s11, s10, $0x38;
	[tilespmem:$0x8600] =	vst v63  }
0x49: {  	s9 =	sand.u32 $0x1FFFFFF0, s6  }
0x4a: {  	[tilespmem:s7], [sflag:$0x1] =	stream.linear.gather [hbm4b:s0+s8], $0x20, $0x38;
	[tilespmem:$0x8600] =	vst v63  }
0x4b: {  	s14 =	simm.s32 $0x440;
	s5 =	sadd.s32 s3, s9;
	s12 =	spop (v2sf)  }
0x4c: {  	(v2sf) =	vpush v0, $0x4;
	[tilespmem:s14], [sflag:$0x1] =	stream.strided.gather [hbm4b:s5+s10], $0x0, s11, s10, $0x38;
	[tilespmem:$0x8600] =	vst v63  }
0x4d: {  	s0 =	sand.u32 $0x1FFFFFF0, s12  }
0x4e: {  	[tilespmem:s14], [sflag:$0x1] =	stream.linear.gather [hbm4b:s5+s8], $0x20, $0x38;
	[tilespmem:$0x8600] =	vst v63  }
0x4f: {  	s18 =	simm.s32 $0x2440;
	s17 =	spop (v2sf);
	s0 =	sadd.s32 s4, s0  }
0x50: {  	(v2sf) =	vpush v1, $0x5;
	[tilespmem:s18], [sflag:$0x1] =	stream.strided.gather [hbm4b:s0+s10], $0x0, s11, s10, $0x38;
	[tilespmem:$0x8600] =	vst v63  }
0x51: {  	s1 =	sand.u32 $0x1FFFFFF0, s17  }
0x52: {  	[tilespmem:s18], [sflag:$0x1] =	stream.linear.gather [hbm4b:s0+s8], $0x20, $0x38;
	[tilespmem:$0x8600] =	vst v63  }
0x53: {  	s21 =	simm.s32 $0x460;
	s20 =	spop (v2sf);
	s1 =	sadd.s32 s3, s1  }
0x54: {  	(v2sf) =	vpush v0, $0x5;
	[tilespmem:s21], [sflag:$0x1] =	stream.strided.gather [hbm4b:s1+s10], $0x0, s11, s10, $0x38;
	[tilespmem:$0x8600] =	vst v63  }
0x55: {  	s0 =	sand.u32 $0x1FFFFFF0, s20  }
0x56: {  	[tilespmem:s21], [sflag:$0x1] =	stream.linear.gather [hbm4b:s1+s8], $0x20, $0x38;
	[tilespmem:$0x8600] =	vst v63  }
0x57: {  	s23 =	simm.s32 $0x2460;
	s22 =	spop (v2sf);
	s0 =	sadd.s32 s4, s0  }
0x58: {  	(v2sf) =	vpush v1, $0x6;
	[tilespmem:s23], [sflag:$0x1] =	stream.strided.gather [hbm4b:s0+s10], $0x0, s11, s10, $0x38;
	[tilespmem:$0x8600] =	vst v63  }
0x59: {  	s1 =	sand.u32 $0x1FFFFFF0, s22  }
0x5a: {  	[tilespmem:s23], [sflag:$0x1] =	stream.linear.gather [hbm4b:s0+s8], $0x20, $0x38;
	[tilespmem:$0x8600] =	vst v63  }
0x5b: {  	s25 =	simm.s32 $0x480;
	s24 =	spop (v2sf);
	s1 =	sadd.s32 s3, s1  }
0x5c: {  	(v2sf) =	vpush v0, $0x6;
	[tilespmem:s25], [sflag:$0x1] =	stream.strided.gather [hbm4b:s1+s10], $0x0, s11, s10, $0x38;
	[tilespmem:$0x8600] =	vst v63  }
0x5d: {  	s0 =	sand.u32 $0x1FFFFFF0, s24  }
0x5e: {  	[tilespmem:s25], [sflag:$0x1] =	stream.linear.gather [hbm4b:s1+s8], $0x20, $0x38;
	[tilespmem:$0x8600] =	vst v63  }
0x5f: {  	s28 =	simm.s32 $0x2480;
	s26 =	spop (v2sf);
	s0 =	sadd.s32 s4, s0  }
0x60: {  	(v2sf) =	vpush v1, $0x7;
	[tilespmem:s28], [sflag:$0x1] =	stream.strided.gather [hbm4b:s0+s10], $0x0, s11, s10, $0x38;
	[tilespmem:$0x8600] =	vst v63  }
0x61: {  	s1 =	sand.u32 $0x1FFFFFF0, s26  }
0x62: {  	[tilespmem:s28], [sflag:$0x1] =	stream.linear.gather [hbm4b:s0+s8], $0x20, $0x38;
	[tilespmem:$0x8600] =	vst v63  }
0x63: {  	s30 =	simm.s32 $0x4A0;
	s29 =	spop (v2sf);
	s1 =	sadd.s32 s3, s1  }
0x64: {  	(v2sf) =	vpush v0, $0x7;
	[tilespmem:s30], [sflag:$0x1] =	stream.strided.gather [hbm4b:s1+s10], $0x0, s11, s10, $0x38;
	[tilespmem:$0x8600] =	vst v63  }
0x65: {  	s0 =	sand.u32 $0x1FFFFFF0, s29  }
0x66: {  	[tilespmem:s30], [sflag:$0x1] =	stream.linear.gather [hbm4b:s1+s8], $0x20, $0x38;
	[tilespmem:$0x8600] =	vst v63  }
0x67: {  	s2 =	simm.s32 $0x24A0;
	s31 =	spop (v2sf);
	s0 =	sadd.s32 s4, s0  }
0x68: {  	(v2sf) =	vpush v1, $0x8;
	[tilespmem:s2], [sflag:$0x1] =	stream.strided.gather [hbm4b:s0+s10], $0x0, s11, s10, $0x38;
	[tilespmem:$0x8600] =	vst v63  }
0x69: {  	s1 =	sand.u32 $0x1FFFFFF0, s31  }
0x6a: {  	[tilespmem:s2], [sflag:$0x1] =	stream.linear.gather [hbm4b:s0+s8], $0x20, $0x38;
	[tilespmem:$0x8600] =	vst v63  }
0x6b: {  	s6 =	simm.s32 $0x4C0;
	s5 =	spop (v2sf);
	s1 =	sadd.s32 s3, s1  }
0x6c: {  	(v2sf) =	vpush v0, $0x8;
	[tilespmem:s6], [sflag:$0x1] =	stream.strided.gather [hbm4b:s1+s10], $0x0, s11, s10, $0x38;
	[tilespmem:$0x8600] =	vst v63  }
0x6d: {  	s0 =	sand.u32 $0x1FFFFFF0, s5  }
0x6e: {  	[tilespmem:s6], [sflag:$0x1] =	stream.linear.gather [hbm4b:s1+s8], $0x20, $0x38;
	[tilespmem:$0x8600] =	vst v63  }
0x6f: {  	s9 =	simm.s32 $0x24C0;
	s7 =	spop (v2sf);
	s0 =	sadd.s32 s4, s0  }
0x70: {  	(v2sf) =	vpush v1, $0x9;
	[tilespmem:s9], [sflag:$0x1] =	stream.strided.gather [hbm4b:s0+s10], $0x0, s11, s10, $0x38;
	[tilespmem:$0x8600] =	vst v63  }
0x71: {  	s1 =	sand.u32 $0x1FFFFFF0, s7  }
0x72: {  	[tilespmem:s9], [sflag:$0x1] =	stream.linear.gather [hbm4b:s0+s8], $0x20, $0x38;
	[tilespmem:$0x8600] =	vst v63  }
0x73: {  	s14 =	simm.s32 $0x4E0;
	s12 =	spop (v2sf);
	s1 =	sadd.s32 s3, s1  }
0x74: {  	(v2sf) =	vpush v0, $0x9;
	[tilespmem:s14], [sflag:$0x1] =	stream.strided.gather [hbm4b:s1+s10], $0x0, s11, s10, $0x38;
	[tilespmem:$0x8600] =	vst v63  }
0x75: {  	s0 =	sand.u32 $0x1FFFFFF0, s12  }
0x76: {  	[tilespmem:s14], [sflag:$0x1] =	stream.linear.gather [hbm4b:s1+s8], $0x20, $0x38;
	[tilespmem:$0x8600] =	vst v63  }
0x77: {  	s18 =	simm.s32 $0x24E0;
	s17 =	spop (v2sf);
	s0 =	sadd.s32 s4, s0  }
0x78: {  	(v2sf) =	vpush v1, $0xA;
	[tilespmem:s18], [sflag:$0x1] =	stream.strided.gather [hbm4b:s0+s10], $0x0, s11, s10, $0x38;
	[tilespmem:$0x8600] =	vst v63  }
0x79: {  	s1 =	sand.u32 $0x1FFFFFF0, s17  }
0x7a: {  	[tilespmem:s18], [sflag:$0x1] =	stream.linear.gather [hbm4b:s0+s8], $0x20, $0x38;
	[tilespmem:$0x8600] =	vst v63  }
0x7b: {  	s21 =	simm.s32 $0x500;
	s20 =	spop (v2sf);
	s1 =	sadd.s32 s3, s1  }
0x7c: {  	(v2sf) =	vpush v0, $0xA;
	[tilespmem:s21], [sflag:$0x1] =	stream.strided.gather [hbm4b:s1+s10], $0x0, s11, s10, $0x38;
	[tilespmem:$0x8600] =	vst v63  }
0x7d: {  	s0 =	sand.u32 $0x1FFFFFF0, s20  }
0x7e: {  	[tilespmem:s21], [sflag:$0x1] =	stream.linear.gather [hbm4b:s1+s8], $0x20, $0x38;
	[tilespmem:$0x8600] =	vst v63  }
0x7f: {  	s23 =	simm.s32 $0x2500;
	s22 =	spop (v2sf);
	s0 =	sadd.s32 s4, s0  }
0x80: {  	(v2sf) =	vpush v1, $0xB;
	[tilespmem:s23], [sflag:$0x1] =	stream.strided.gather [hbm4b:s0+s10], $0x0, s11, s10, $0x38;
	[tilespmem:$0x8600] =	vst v63  }
0x81: {  	s1 =	sand.u32 $0x1FFFFFF0, s22  }
0x82: {  	[tilespmem:s23], [sflag:$0x1] =	stream.linear.gather [hbm4b:s0+s8], $0x20, $0x38;
	[tilespmem:$0x8600] =	vst v63  }
0x83: {  	s25 =	simm.s32 $0x520;
	s24 =	spop (v2sf);
	s1 =	sadd.s32 s3, s1  }
0x84: {  	(v2sf) =	vpush v0, $0xB;
	[tilespmem:s25], [sflag:$0x1] =	stream.strided.gather [hbm4b:s1+s10], $0x0, s11, s10, $0x38;
	[tilespmem:$0x8600] =	vst v63  }
0x85: {  	s0 =	sand.u32 $0x1FFFFFF0, s24  }
0x86: {  	[tilespmem:s25], [sflag:$0x1] =	stream.linear.gather [hbm4b:s1+s8], $0x20, $0x38;
	[tilespmem:$0x8600] =	vst v63  }
0x87: {  	s28 =	simm.s32 $0x2520;
	s26 =	spop (v2sf);
	s0 =	sadd.s32 s4, s0  }
0x88: {  	(v2sf) =	vpush v1, $0xC;
	[tilespmem:s28], [sflag:$0x1] =	stream.strided.gather [hbm4b:s0+s10], $0x0, s11, s10, $0x38;
	[tilespmem:$0x8600] =	vst v63  }
0x89: {  	s1 =	sand.u32 $0x1FFFFFF0, s26  }
0x8a: {  	[tilespmem:s28], [sflag:$0x1] =	stream.linear.gather [hbm4b:s0+s8], $0x20, $0x38;
	[tilespmem:$0x8600] =	vst v63  }
0x8b: {  	s30 =	simm.s32 $0x540;
	s29 =	spop (v2sf);
	s1 =	sadd.s32 s3, s1  }
0x8c: {  	(v2sf) =	vpush v0, $0xC;
	[tilespmem:s30], [sflag:$0x1] =	stream.strided.gather [hbm4b:s1+s10], $0x0, s11, s10, $0x38;
	[tilespmem:$0x8600] =	vst v63  }
0x8d: {  	s0 =	sand.u32 $0x1FFFFFF0, s29  }
0x8e: {  	[tilespmem:s30], [sflag:$0x1] =	stream.linear.gather [hbm4b:s1+s8], $0x20, $0x38;
	[tilespmem:$0x8600] =	vst v63  }
0x8f: {  	s2 =	simm.s32 $0x2540;
	s31 =	spop (v2sf);
	s0 =	sadd.s32 s4, s0  }
0x90: {  	(v2sf) =	vpush v1, $0xD;
	[tilespmem:s2], [sflag:$0x1] =	stream.strided.gather [hbm4b:s0+s10], $0x0, s11, s10, $0x38;
	[tilespmem:$0x8600] =	vst v63  }
0x91: {  	s1 =	sand.u32 $0x1FFFFFF0, s31  }
0x92: {  	[tilespmem:s2], [sflag:$0x1] =	stream.linear.gather [hbm4b:s0+s8], $0x20, $0x38;
	[tilespmem:$0x8600] =	vst v63  }
0x93: {  	s6 =	simm.s32 $0x560;
	s5 =	spop (v2sf);
	s1 =	sadd.s32 s3, s1  }
0x94: {  	(v2sf) =	vpush v0, $0xD;
	[tilespmem:s6], [sflag:$0x1] =	stream.strided.gather [hbm4b:s1+s10], $0x0, s11, s10, $0x38;
	[tilespmem:$0x8600] =	vst v63  }
0x95: {  	s0 =	sand.u32 $0x1FFFFFF0, s5  }
0x96: {  	[tilespmem:s6], [sflag:$0x1] =	stream.linear.gather [hbm4b:s1+s8], $0x20, $0x38;
	[tilespmem:$0x8600] =	vst v63  }
0x97: {  	s9 =	simm.s32 $0x2560;
	s7 =	spop (v2sf);
	s0 =	sadd.s32 s4, s0  }
0x98: {  	(v2sf) =	vpush v1, $0xE;
	[tilespmem:s9], [sflag:$0x1] =	stream.strided.gather [hbm4b:s0+s10], $0x0, s11, s10, $0x38;
	[tilespmem:$0x8600] =	vst v63  }
0x99: {  	s1 =	sand.u32 $0x1FFFFFF0, s7  }
0x9a: {  	[tilespmem:s9], [sflag:$0x1] =	stream.linear.gather [hbm4b:s0+s8], $0x20, $0x38;
	[tilespmem:$0x8600] =	vst v63  }
0x9b: {  	s14 =	simm.s32 $0x580;
	s12 =	spop (v2sf);
	s1 =	sadd.s32 s3, s1  }
0x9c: {  	(v2sf) =	vpush v0, $0xE;
	[tilespmem:s14], [sflag:$0x1] =	stream.strided.gather [hbm4b:s1+s10], $0x0, s11, s10, $0x38;
	[tilespmem:$0x8600] =	vst v63  }
0x9d: {  	s0 =	sand.u32 $0x1FFFFFF0, s12  }
0x9e: {  	[tilespmem:s14], [sflag:$0x1] =	stream.linear.gather [hbm4b:s1+s8], $0x20, $0x38;
	[tilespmem:$0x8600] =	vst v63  }
0x9f: {  	s18 =	simm.s32 $0x2580;
	s17 =	spop (v2sf);
	s0 =	sadd.s32 s4, s0  }
0xa0: {  	(v2sf) =	vpush v1, $0xF;
	[tilespmem:s18], [sflag:$0x1] =	stream.strided.gather [hbm4b:s0+s10], $0x0, s11, s10, $0x38;
	[tilespmem:$0x8600] =	vst v63  }
0xa1: {  	s1 =	sand.u32 $0x1FFFFFF0, s17  }
0xa2: {  	[tilespmem:s18], [sflag:$0x1] =	stream.linear.gather [hbm4b:s0+s8], $0x20, $0x38;
	[tilespmem:$0x8600] =	vst v63  }
0xa3: {  	s21 =	simm.s32 $0x5A0;
	s20 =	spop (v2sf);
	s1 =	sadd.s32 s3, s1  }
0xa4: {  	(v2sf) =	vpush v0, $0xF;
	[tilespmem:s21], [sflag:$0x1] =	stream.strided.gather [hbm4b:s1+s10], $0x0, s11, s10, $0x38;
	[tilespmem:$0x8600] =	vst v63  }
0xa5: {  	s0 =	sand.u32 $0x1FFFFFF0, s20  }
0xa6: {  	[tilespmem:s21], [sflag:$0x1] =	stream.linear.gather [hbm4b:s1+s8], $0x20, $0x38;
	[tilespmem:$0x8600] =	vst v63  }
0xa7: {  	s23 =	simm.s32 $0x25A0;
	s22 =	spop (v2sf);
	s0 =	sadd.s32 s4, s0  }
0xa8: {  	[tilespmem:s23], [sflag:$0x1] =	stream.strided.gather [hbm4b:s0+s10], $0x0, s11, s10, $0x38;
	[tilespmem:$0x8600] =	vst v63  }
0xa9: {  	s1 =	sand.u32 $0x1FFFFFF0, s22  }
0xaa: {  	[tilespmem:s23], [sflag:$0x1] =	stream.linear.gather [hbm4b:s0+s8], $0x20, $0x38;
	[tilespmem:$0x8600] =	vst v63  }
0xab: {  	s25 =	simm.s32 $0x5C0;
	s24 =	spop (v2sf);
	s1 =	sadd.s32 s3, s1  }
0xac: {  	[tilespmem:s25], [sflag:$0x1] =	stream.strided.gather [hbm4b:s1+s10], $0x0, s11, s10, $0x38;
	[tilespmem:$0x8600] =	vst v63  }
0xad: {  	s0 =	sand.u32 $0x1FFFFFF0, s24  }
0xae: {  	[tilespmem:s25], [sflag:$0x1] =	stream.linear.gather [hbm4b:s1+s8], $0x20, $0x38;
	[tilespmem:$0x8600] =	vst v63  }
0xaf: {  	s28 =	simm.s32 $0x25C0;
	s26 =	spop (v2sf);
	s0 =	sadd.s32 s4, s0  }
0xb0: {  	[tilespmem:s28], [sflag:$0x1] =	stream.strided.gather [hbm4b:s0+s10], $0x0, s11, s10, $0x38;
	[tilespmem:$0x8600] =	vst v63  }
0xb1: {  	s1 =	sand.u32 $0x1FFFFFF0, s26  }
0xb2: {  	[tilespmem:s28], [sflag:$0x1] =	stream.linear.gather [hbm4b:s0+s8], $0x20, $0x38;
	[tilespmem:$0x8600] =	vst v63  }
0xb3: {  	s30 =	simm.s32 $0x5E0;
	s29 =	spop (v2sf);
	s1 =	sadd.s32 s3, s1  }
0xb4: {  	[tilespmem:s30], [sflag:$0x1] =	stream.strided.gather [hbm4b:s1+s10], $0x0, s11, s10, $0x38;
	[tilespmem:$0x8600] =	vst v63  }
0xb5: {  	s20 =	simm.s32 $0x800;
	s31 =	sand.u32 $0x1FFFFFF0, s29;
	s21 =	simm.s32 $0x0  }
0xb6: {  	[tilespmem:s30], [sflag:$0x1] =	stream.linear.gather [hbm4b:s1+s8], $0x20, $0x38;
	[tilespmem:$0x8600] =	vst v63  }
0xb7: {  	s22 =	simm.s32 $0x0;
	s0 =	simm.s32 $0x25E0;
	s1 =	sadd.s32 s4, s31  }
0xb8: {  	[tilespmem:s0], [sflag:$0x1] =	stream.strided.gather [hbm4b:s1+s10], $0x0, s11, s10, $0x38;
	[tilespmem:$0x8600] =	vst v63  }
.LBB2_2:
0xb9: {  	p0 =	sne.s32 s20, $0x7800;
	s21 =	sadd.s32 $0x10, s21;
	s19 =	sadd.s32 $0x10, s19  }
0xba: {  	[tilespmem:s0], [sflag:$0x1] =	stream.linear.gather [hbm4b:s1+s22], $0x20, $0x38;
	[tilespmem:$0x8600] =	vst v63  }
0xbb: {  	s0 =	smov.u32 s20;
	s20 =	sadd.s32 $0x800, s20;
	v0 =	vld [tilespmem:s21+$0x0];
	_ =	sdelay $0x3  }
0xbc: {  	v2 =	vld [tilespmem:s19+$0x0]  }
0xbd: {  	v1 =	vshll.u32 v0, $0x4  }
0xbe: {  	(v2sf) =	vpush v1, $0x0  }
0xbf: {  	(v2sf) =	vpush v1, $0x1  }
0xc0: {  	(v2sf) =	vpush v1, $0x2  }
0xc1: {  	v0 =	vshll.u32 v2, $0x4  }
0xc2: {  	(v2sf) =	vpush v0, $0x0;
	_ =	sdelay $0x1  }
0xc3: {  	(v2sf) =	vpush v0, $0x1  }
0xc4: {  	(v2sf) =	vpush v0, $0x2;
	_ =	sdelay $0x3  }
0xc5: {  	(v2sf) =	vpush v1, $0x3;
	_ =	sdelay $0x3  }
0xc6: {  	s22 =	simm.s32 $0x0;
	s1 =	spop (v2sf);
	(v2sf) =	vpush v0, $0x3  }
0xc7: {  	s23 =	sshra.s32 s0, $0x2;
	s0 =	sand.u32 $0x1FFFFFF0, s1;
	s1 =	spop (v2sf)  }
0xc8: {  	s5 =	sadd.s32 $0x400, s23;
	s0 =	sadd.s32 s3, s0;
	s6 =	spop (v2sf)  }
0xc9: {  	[tilespmem:s5], [sflag:$0x1] =	stream.strided.gather [hbm4b:s0+s10], $0x0, s11, s10, $0x38;
	[tilespmem:$0x8600] =	vst v63  }
0xca: {  	s1 =	sand.u32 $0x1FFFFFF0, s1;
	s6 =	sand.u32 $0x1FFFFFF0, s6;
	s7 =	spop (v2sf);
	(v2sf) =	vpush v1, $0x4  }
0xcb: {  	[tilespmem:s5], [sflag:$0x1] =	stream.linear.gather [hbm4b:s0+s22], $0x20, $0x38;
	[tilespmem:$0x8600] =	vst v63  }
0xcc: {  	s0 =	sadd.s32 $0x2400, s23;
	s5 =	sand.u32 $0x1FFFFFF0, s7;
	s7 =	spop (v2sf);
	(v2sf) =	vpush v0, $0x4  }
0xcd: {  	s5 =	sadd.s32 s4, s5;
	s7 =	sand.u32 $0x1FFFFFF0, s7;
	s8 =	spop (v2sf)  }
0xce: {  	[tilespmem:s0], [sflag:$0x1] =	stream.strided.gather [hbm4b:s5+s10], $0x0, s11, s10, $0x38;
	(v2sf) =	vpush v1, $0x5;
	[tilespmem:$0x8600] =	vst v63  }
0xcf: {  	s17 =	sadd.s32 $0x420, s23;
	s1 =	sadd.s32 s3, s1;
	s8 =	sand.u32 $0x1FFFFFF0, s8  }
0xd0: {  	[tilespmem:s0], [sflag:$0x1] =	stream.linear.gather [hbm4b:s5+s22], $0x20, $0x38;
	(v2sf) =	vpush v0, $0x5;
	[tilespmem:$0x8600] =	vst v63  }
0xd1: {  	s0 =	spop (v2sf)  }
0xd2: {  	[tilespmem:s17], [sflag:$0x1] =	stream.strided.gather [hbm4b:s1+s10], $0x0, s11, s10, $0x38;
	(v2sf) =	vpush v1, $0x6;
	[tilespmem:$0x8600] =	vst v63  }
0xd3: {  	s7 =	sadd.s32 s4, s7;
	s5 =	sadd.s32 $0x2420, s23;
	s0 =	sand.u32 $0x1FFFFFF0, s0  }
0xd4: {  	[tilespmem:s17], [sflag:$0x1] =	stream.linear.gather [hbm4b:s1+s22], $0x20, $0x38;
	(v2sf) =	vpush v0, $0x6;
	[tilespmem:$0x8600] =	vst v63  }
0xd5: {  	s1 =	spop (v2sf)  }
0xd6: {  	[tilespmem:s5], [sflag:$0x1] =	stream.strided.gather [hbm4b:s7+s10], $0x0, s11, s10, $0x38;
	(v2sf) =	vpush v1, $0x7;
	[tilespmem:$0x8600] =	vst v63  }
0xd7: {  	s6 =	sadd.s32 s3, s6;
	s17 =	sadd.s32 $0x440, s23;
	s1 =	sand.u32 $0x1FFFFFF0, s1  }
0xd8: {  	[tilespmem:s5], [sflag:$0x1] =	stream.linear.gather [hbm4b:s7+s22], $0x20, $0x38;
	(v2sf) =	vpush v0, $0x7;
	[tilespmem:$0x8600] =	vst v63  }
0xd9: {  	s5 =	spop (v2sf)  }
0xda: {  	[tilespmem:s17], [sflag:$0x1] =	stream.strided.gather [hbm4b:s6+s10], $0x0, s11, s10, $0x38;
	(v2sf) =	vpush v1, $0x8;
	[tilespmem:$0x8600] =	vst v63  }
0xdb: {  	s8 =	sadd.s32 s4, s8;
	s7 =	sadd.s32 $0x2440, s23;
	s24 =	spop (v2sf)  }
0xdc: {  	[tilespmem:s17], [sflag:$0x1] =	stream.linear.gather [hbm4b:s6+s22], $0x20, $0x38;
	(v2sf) =	vpush v0, $0x8;
	[tilespmem:$0x8600] =	vst v63  }
0xdd: {  	s5 =	sand.u32 $0x1FFFFFF0, s5;
	s6 =	sand.u32 $0x1FFFFFF0, s24;
	s17 =	spop (v2sf)  }
0xde: {  	[tilespmem:s7], [sflag:$0x1] =	stream.strided.gather [hbm4b:s8+s10], $0x0, s11, s10, $0x38;
	(v2sf) =	vpush v1, $0x9;
	[tilespmem:$0x8600] =	vst v63  }
0xdf: {  	s0 =	sadd.s32 s3, s0;
	s24 =	sadd.s32 $0x460, s23;
	s25 =	spop (v2sf)  }
0xe0: {  	[tilespmem:s7], [sflag:$0x1] =	stream.linear.gather [hbm4b:s8+s22], $0x20, $0x38;
	(v2sf) =	vpush v0, $0x9;
	[tilespmem:$0x8600] =	vst v63  }
0xe1: {  	s7 =	sand.u32 $0x1FFFFFF0, s17;
	s17 =	sand.u32 $0x1FFFFFF0, s25;
	s8 =	spop (v2sf)  }
0xe2: {  	[tilespmem:s24], [sflag:$0x1] =	stream.strided.gather [hbm4b:s0+s10], $0x0, s11, s10, $0x38;
	(v2sf) =	vpush v1, $0xA;
	[tilespmem:$0x8600] =	vst v63  }
0xe3: {  	s1 =	sadd.s32 s4, s1;
	s25 =	sadd.s32 $0x2460, s23;
	s26 =	spop (v2sf)  }
0xe4: {  	[tilespmem:s24], [sflag:$0x1] =	stream.linear.gather [hbm4b:s0+s22], $0x20, $0x38;
	(v2sf) =	vpush v0, $0xA;
	[tilespmem:$0x8600] =	vst v63  }
0xe5: {  	s28 =	sand.u32 $0x1FFFFFF0, s8;
	s0 =	sand.u32 $0x1FFFFFF0, s26;
	s8 =	spop (v2sf)  }
0xe6: {  	[tilespmem:s25], [sflag:$0x1] =	stream.strided.gather [hbm4b:s1+s10], $0x0, s11, s10, $0x38;
	(v2sf) =	vpush v1, $0xB;
	[tilespmem:$0x8600] =	vst v63  }
0xe7: {  	s5 =	sadd.s32 s3, s5;
	s26 =	sadd.s32 $0x480, s23;
	s24 =	spop (v2sf)  }
0xe8: {  	[tilespmem:s25], [sflag:$0x1] =	stream.linear.gather [hbm4b:s1+s22], $0x20, $0x38;
	(v2sf) =	vpush v0, $0xB;
	[tilespmem:$0x8600] =	vst v63  }
0xe9: {  	s25 =	sand.u32 $0x1FFFFFF0, s8;
	s24 =	sand.u32 $0x1FFFFFF0, s24;
	s1 =	spop (v2sf)  }
0xea: {  	[tilespmem:s26], [sflag:$0x1] =	stream.strided.gather [hbm4b:s5+s10], $0x0, s11, s10, $0x38;
	(v2sf) =	vpush v1, $0xC;
	[tilespmem:$0x8600] =	vst v63  }
0xeb: {  	s6 =	sadd.s32 s4, s6;
	s8 =	sadd.s32 $0x2480, s23;
	s29 =	spop (v2sf)  }
0xec: {  	[tilespmem:s26], [sflag:$0x1] =	stream.linear.gather [hbm4b:s5+s22], $0x20, $0x38;
	(v2sf) =	vpush v0, $0xC;
	[tilespmem:$0x8600] =	vst v63  }
0xed: {  	s26 =	sand.u32 $0x1FFFFFF0, s1;
	s29 =	sand.u32 $0x1FFFFFF0, s29;
	s1 =	spop (v2sf)  }
0xee: {  	[tilespmem:s8], [sflag:$0x1] =	stream.strided.gather [hbm4b:s6+s10], $0x0, s11, s10, $0x38;
	(v2sf) =	vpush v1, $0xD;
	[tilespmem:$0x8600] =	vst v63  }
0xef: {  	s30 =	sadd.s32 $0x4A0, s23;
	s7 =	sadd.s32 s3, s7;
	s5 =	spop (v2sf)  }
0xf0: {  	[tilespmem:s8], [sflag:$0x1] =	stream.linear.gather [hbm4b:s6+s22], $0x20, $0x38;
	(v2sf) =	vpush v0, $0xD;
	[tilespmem:$0x8600] =	vst v63  }
0xf1: {  	s8 =	sand.u32 $0x1FFFFFF0, s1;
	s1 =	spop (v2sf)  }
0xf2: {  	[tilespmem:s30], [sflag:$0x1] =	stream.strided.gather [hbm4b:s7+s10], $0x0, s11, s10, $0x38;
	(v2sf) =	vpush v1, $0xE;
	[tilespmem:$0x8600] =	vst v63  }
0xf3: {  	s31 =	sadd.s32 s4, s17;
	s6 =	sadd.s32 $0x24A0, s23;
	s17 =	spop (v2sf)  }
0xf4: {  	[tilespmem:s30], [sflag:$0x1] =	stream.linear.gather [hbm4b:s7+s22], $0x20, $0x38;
	[tilespmem:$0x8600] =	vst v63  }
0xf5: {  	s7 =	sand.u32 $0x1FFFFFF0, s1;
	s17 =	sand.u32 $0x1FFFFFF0, s17;
	s30 =	spop (v2sf)  }
0xf6: {  	[tilespmem:s6], [sflag:$0x1] =	stream.strided.gather [hbm4b:s31+s10], $0x0, s11, s10, $0x38;
	(v2sf) =	vpush v0, $0xE;
	[tilespmem:$0x8600] =	vst v63  }
0xf7: {  	s9 =	sadd.s32 $0x4C0, s23;
	s28 =	sadd.s32 s3, s28;
	s1 =	spop (v2sf)  }
0xf8: {  	[tilespmem:s6], [sflag:$0x1] =	stream.linear.gather [hbm4b:s31+s22], $0x20, $0x38;
	[tilespmem:$0x8600] =	vst v63  }
0xf9: {  	s6 =	sand.u32 $0x1FFFFFF0, s30;
	s30 =	spop (v2sf)  }
0xfa: {  	[tilespmem:s9], [sflag:$0x1] =	stream.strided.gather [hbm4b:s28+s10], $0x0, s11, s10, $0x38;
	(v2sf) =	vpush v1, $0xF;
	[tilespmem:$0x8600] =	vst v63  }
0xfb: {  	s0 =	sadd.s32 s4, s0;
	s31 =	sadd.s32 $0x24C0, s23;
	s18 =	spop (v2sf)  }
0xfc: {  	[tilespmem:s9], [sflag:$0x1] =	stream.linear.gather [hbm4b:s28+s22], $0x20, $0x38;
	[tilespmem:$0x8600] =	vst v63  }
0xfd: {  	s28 =	sand.u32 $0x1FFFFFF0, s18;
	s9 =	spop (v2sf)  }
0xfe: {  	[tilespmem:s31], [sflag:$0x1] =	stream.strided.gather [hbm4b:s0+s10], $0x0, s11, s10, $0x38;
	(v2sf) =	vpush v0, $0xF;
	[tilespmem:$0x8600] =	vst v63  }
0xff: {  	s12 =	sadd.s32 s3, s25;
	s18 =	sadd.s32 $0x4E0, s23;
	s25 =	spop (v2sf)  }
0x100: {  	[tilespmem:s31], [sflag:$0x1] =	stream.linear.gather [hbm4b:s0+s22], $0x20, $0x38;
	[tilespmem:$0x8600] =	vst v63  }
0x101: {  	s0 =	sand.u32 $0x1FFFFFF0, s9;
	s25 =	sand.u32 $0x1FFFFFF0, s25;
	s9 =	spop (v2sf)  }
0x102: {  	[tilespmem:s18], [sflag:$0x1] =	stream.strided.gather [hbm4b:s12+s10], $0x0, s11, s10, $0x38;
	[tilespmem:$0x8600] =	vst v63  }
0x103: {  	s14 =	sadd.s32 s4, s24;
	s31 =	sadd.s32 $0x24E0, s23;
	s24 =	sand.u32 $0x1FFFFFF0, s9  }
0x104: {  	[tilespmem:s18], [sflag:$0x1] =	stream.linear.gather [hbm4b:s12+s22], $0x20, $0x38;
	[tilespmem:$0x8600] =	vst v63  }
0x105: {  	s9 =	spop (v2sf)  }
0x106: {  	[tilespmem:s31], [sflag:$0x1] =	stream.strided.gather [hbm4b:s14+s10], $0x0, s11, s10, $0x38;
	[tilespmem:$0x8600] =	vst v63  }
0x107: {  	s12 =	sadd.s32 $0x500, s23;
	s18 =	sadd.s32 s3, s26;
	s26 =	sand.u32 $0x1FFFFFF0, s9  }
0x108: {  	[tilespmem:s31], [sflag:$0x1] =	stream.linear.gather [hbm4b:s14+s22], $0x20, $0x38;
	[tilespmem:$0x8600] =	vst v63  }
0x109: {  	s9 =	spop (v2sf)  }
0x10a: {  	[tilespmem:s12], [sflag:$0x1] =	stream.strided.gather [hbm4b:s18+s10], $0x0, s11, s10, $0x38;
	[tilespmem:$0x8600] =	vst v63  }
0x10b: {  	s2 =	sadd.s32 s4, s29;
	s14 =	sadd.s32 $0x2500, s23;
	s29 =	sand.u32 $0x1FFFFFF0, s9  }
0x10c: {  	[tilespmem:s12], [sflag:$0x1] =	stream.linear.gather [hbm4b:s18+s22], $0x20, $0x38;
	[tilespmem:$0x8600] =	vst v63  }
0x10d: {  	s9 =	spop (v2sf)  }
0x10e: {  	[tilespmem:s14], [sflag:$0x1] =	stream.strided.gather [hbm4b:s2+s10], $0x0, s11, s10, $0x38;
	[tilespmem:$0x8600] =	vst v63  }
0x10f: {  	s8 =	sadd.s32 s3, s8;
	s12 =	sadd.s32 $0x520, s23;
	s31 =	sand.u32 $0x1FFFFFF0, s9  }
0x110: {  	[tilespmem:s14], [sflag:$0x1] =	stream.linear.gather [hbm4b:s2+s22], $0x20, $0x38;
	[tilespmem:$0x8600] =	vst v63  }
0x111: {  	s2 =	sand.u32 $0x1FFFFFF0, s5  }
0x112: {  	[tilespmem:s12], [sflag:$0x1] =	stream.strided.gather [hbm4b:s8+s10], $0x0, s11, s10, $0x38;
	[tilespmem:$0x8600] =	vst v63  }
0x113: {  	s5 =	sadd.s32 $0x2520, s23;
	s2 =	sadd.s32 s4, s2  }
0x114: {  	[tilespmem:s12], [sflag:$0x1] =	stream.linear.gather [hbm4b:s8+s22], $0x20, $0x38;
	[tilespmem:$0x8600] =	vst v63  }
0x115: {  	_ = 	snop  }
0x116: {  	[tilespmem:s5], [sflag:$0x1] =	stream.strided.gather [hbm4b:s2+s10], $0x0, s11, s10, $0x38;
	[tilespmem:$0x8600] =	vst v63  }
0x117: {  	s7 =	sadd.s32 s3, s7;
	s8 =	sadd.s32 $0x540, s23  }
0x118: {  	[tilespmem:s5], [sflag:$0x1] =	stream.linear.gather [hbm4b:s2+s22], $0x20, $0x38;
	[tilespmem:$0x8600] =	vst v63  }
0x119: {  	_ = 	snop  }
0x11a: {  	[tilespmem:s8], [sflag:$0x1] =	stream.strided.gather [hbm4b:s7+s10], $0x0, s11, s10, $0x38;
	[tilespmem:$0x8600] =	vst v63  }
0x11b: {  	s2 =	sadd.s32 $0x2540, s23;
	s5 =	sadd.s32 s4, s17  }
0x11c: {  	[tilespmem:s8], [sflag:$0x1] =	stream.linear.gather [hbm4b:s7+s22], $0x20, $0x38;
	[tilespmem:$0x8600] =	vst v63  }
0x11d: {  	_ = 	snop  }
0x11e: {  	[tilespmem:s2], [sflag:$0x1] =	stream.strided.gather [hbm4b:s5+s10], $0x0, s11, s10, $0x38;
	[tilespmem:$0x8600] =	vst v63  }
0x11f: {  	s6 =	sadd.s32 s3, s6;
	s7 =	sadd.s32 $0x560, s23  }
0x120: {  	[tilespmem:s2], [sflag:$0x1] =	stream.linear.gather [hbm4b:s5+s22], $0x20, $0x38;
	[tilespmem:$0x8600] =	vst v63  }
0x121: {  	s1 =	sand.u32 $0x1FFFFFF0, s1  }
0x122: {  	[tilespmem:s7], [sflag:$0x1] =	stream.strided.gather [hbm4b:s6+s10], $0x0, s11, s10, $0x38;
	[tilespmem:$0x8600] =	vst v63  }
0x123: {  	s1 =	sadd.s32 s4, s1;
	s2 =	sadd.s32 $0x2560, s23  }
0x124: {  	[tilespmem:s7], [sflag:$0x1] =	stream.linear.gather [hbm4b:s6+s22], $0x20, $0x38;
	[tilespmem:$0x8600] =	vst v63  }
0x125: {  	s5 =	sand.u32 $0x1FFFFFF0, s30  }
0x126: {  	[tilespmem:s2], [sflag:$0x1] =	stream.strided.gather [hbm4b:s1+s10], $0x0, s11, s10, $0x38;
	[tilespmem:$0x8600] =	vst v63  }
0x127: {  	s5 =	sadd.s32 s3, s5;
	s6 =	sadd.s32 $0x580, s23  }
0x128: {  	[tilespmem:s2], [sflag:$0x1] =	stream.linear.gather [hbm4b:s1+s22], $0x20, $0x38;
	[tilespmem:$0x8600] =	vst v63  }
0x129: {  	_ = 	snop  }
0x12a: {  	[tilespmem:s6], [sflag:$0x1] =	stream.strided.gather [hbm4b:s5+s10], $0x0, s11, s10, $0x38;
	[tilespmem:$0x8600] =	vst v63  }
0x12b: {  	s1 =	sadd.s32 $0x2580, s23;
	s2 =	sadd.s32 s4, s28  }
0x12c: {  	[tilespmem:s6], [sflag:$0x1] =	stream.linear.gather [hbm4b:s5+s22], $0x20, $0x38;
	[tilespmem:$0x8600] =	vst v63  }
0x12d: {  	_ = 	snop  }
0x12e: {  	[tilespmem:s1], [sflag:$0x1] =	stream.strided.gather [hbm4b:s2+s10], $0x0, s11, s10, $0x38;
	[tilespmem:$0x8600] =	vst v63  }
0x12f: {  	s0 =	sadd.s32 s3, s0;
	s5 =	sadd.s32 $0x5A0, s23  }
0x130: {  	[tilespmem:s1], [sflag:$0x1] =	stream.linear.gather [hbm4b:s2+s22], $0x20, $0x38;
	[tilespmem:$0x8600] =	vst v63  }
0x131: {  	_ = 	snop  }
0x132: {  	[tilespmem:s5], [sflag:$0x1] =	stream.strided.gather [hbm4b:s0+s10], $0x0, s11, s10, $0x38;
	[tilespmem:$0x8600] =	vst v63  }
0x133: {  	s1 =	sadd.s32 $0x25A0, s23;
	s2 =	sadd.s32 s4, s25  }
0x134: {  	[tilespmem:s5], [sflag:$0x1] =	stream.linear.gather [hbm4b:s0+s22], $0x20, $0x38;
	[tilespmem:$0x8600] =	vst v63  }
0x135: {  	_ = 	snop  }
0x136: {  	[tilespmem:s1], [sflag:$0x1] =	stream.strided.gather [hbm4b:s2+s10], $0x0, s11, s10, $0x38;
	[tilespmem:$0x8600] =	vst v63  }
0x137: {  	s0 =	sadd.s32 $0x5C0, s23;
	s5 =	sadd.s32 s3, s24  }
0x138: {  	[tilespmem:s1], [sflag:$0x1] =	stream.linear.gather [hbm4b:s2+s22], $0x20, $0x38;
	[tilespmem:$0x8600] =	vst v63  }
0x139: {  	_ = 	snop  }
0x13a: {  	[tilespmem:s0], [sflag:$0x1] =	stream.strided.gather [hbm4b:s5+s10], $0x0, s11, s10, $0x38;
	[tilespmem:$0x8600] =	vst v63  }
0x13b: {  	s1 =	sadd.s32 $0x25C0, s23;
	s2 =	sadd.s32 s4, s26  }
0x13c: {  	[tilespmem:s0], [sflag:$0x1] =	stream.linear.gather [hbm4b:s5+s22], $0x20, $0x38;
	[tilespmem:$0x8600] =	vst v63  }
0x13d: {  	_ = 	snop  }
0x13e: {  	[tilespmem:s1], [sflag:$0x1] =	stream.strided.gather [hbm4b:s2+s10], $0x0, s11, s10, $0x38;
	[tilespmem:$0x8600] =	vst v63  }
0x13f: {  	s6 =	sadd.s32 s3, s29;
	s5 =	sadd.s32 $0x5E0, s23  }
0x140: {  	[tilespmem:s1], [sflag:$0x1] =	stream.linear.gather [hbm4b:s2+s22], $0x20, $0x38;
	[tilespmem:$0x8600] =	vst v63  }
0x141: {  	_ = 	snop  }
0x142: {  	[tilespmem:s5], [sflag:$0x1] =	stream.strided.gather [hbm4b:s6+s10], $0x0, s11, s10, $0x38;
	[tilespmem:$0x8600] =	vst v63  }
.Ltmp0:
0x143: {  	_ = 	snop;
	(pc) =	sbr.rel @p0 .LBB2_2-.Ltmp0, $4  }
0x144: {  	s0 =	sadd.s32 $0x25E0, s23;
	s1 =	sadd.s32 s4, s31  }
0x145: {  	[tilespmem:s5], [sflag:$0x1] =	stream.linear.gather [hbm4b:s6+s22], $0x20, $0x38;
	[tilespmem:$0x8600] =	vst v63  }
0x146: {  	_ = 	snop  }
0x147: {  	[tilespmem:s0], [sflag:$0x1] =	stream.strided.gather [hbm4b:s1+s10], $0x0, s11, s10, $0x38;
	[tilespmem:$0x8600] =	vst v63  }
0x148: {  	[tilespmem:s0], [sflag:$0x1] =	stream.linear.gather [hbm4b:s1+s22], $0x20, $0x38;
	[tilespmem:$0x8600] =	vst v63  }
0x149: {  	s19 =	simm.s32 $0x100  }
0x14a: {  	v0 =	vld [tilespmem:s19+$0x0];
	_ =	sdelay $0x2  }
0x14b: {  	s20 =	simm.s32 $0x300  }
0x14c: {  	v2 =	vld [tilespmem:s20+$0x0]  }
0x14d: {  	v1 =	vshll.u32 v0, $0x4  }
0x14e: {  	(v2sf) =	vpush v1, $0x0  }
0x14f: {  	(v2sf) =	vpush v1, $0x1  }
0x150: {  	(v2sf) =	vpush v1, $0x2  }
0x151: {  	v0 =	vshll.u32 v2, $0x4  }
0x152: {  	(v2sf) =	vpush v0, $0x0;
	_ =	sdelay $0x6  }
0x153: {  	(v2sf) =	vpush v0, $0x1;
	_ =	sdelay $0x3  }
0x154: {  	s23 =	spop (v2sf)  }
0x155: {  	s0 =	sand.u32 $0x1FFFFFF0, s23;
	s24 =	spop (v2sf)  }
0x156: {  	s2 =	simm.s32 $0x4400;
	s0 =	sadd.s32 s3, s0;
	s5 =	spop (v2sf)  }
0x157: {  	[tilespmem:s2], [sflag:$0x2] =	stream.strided.gather [hbm4b:s0+s10], $0x0, s11, s10, $0x38;
	[tilespmem:$0x8600] =	vst v63  }
0x158: {  	(v2sf) =	vpush v0, $0x2;
	s6 =	spop (v2sf)  }
0x159: {  	s8 =	simm.s32 $0x0;
	s25 =	sand.u32 $0x1FFFFFF0, s6  }
0x15a: {  	[tilespmem:s2], [sflag:$0x2] =	stream.linear.gather [hbm4b:s0+s8], $0x20, $0x38;
	[tilespmem:$0x8600] =	vst v63  }
0x15b: {  	s26 =	simm.s32 $0x6400;
	s0 =	sadd.s32 s4, s25  }
0x15c: {  	(v2sf) =	vpush v1, $0x3;
	[tilespmem:s26], [sflag:$0x2] =	stream.strided.gather [hbm4b:s0+s10], $0x0, s11, s10, $0x38;
	[tilespmem:$0x8600] =	vst v63  }
0x15d: {  	s1 =	sand.u32 $0x1FFFFFF0, s24  }
0x15e: {  	[tilespmem:s26], [sflag:$0x2] =	stream.linear.gather [hbm4b:s0+s8], $0x20, $0x38;
	[tilespmem:$0x8600] =	vst v63  }
0x15f: {  	s29 =	simm.s32 $0x4420;
	s1 =	sadd.s32 s3, s1;
	s28 =	spop (v2sf)  }
0x160: {  	(v2sf) =	vpush v0, $0x3;
	[tilespmem:s29], [sflag:$0x2] =	stream.strided.gather [hbm4b:s1+s10], $0x0, s11, s10, $0x38;
	[tilespmem:$0x8600] =	vst v63  }
0x161: {  	s0 =	sand.u32 $0x1FFFFFF0, s28  }
0x162: {  	[tilespmem:s29], [sflag:$0x2] =	stream.linear.gather [hbm4b:s1+s8], $0x20, $0x38;
	[tilespmem:$0x8600] =	vst v63  }
0x163: {  	s30 =	simm.s32 $0x6420;
	s0 =	sadd.s32 s4, s0  }
0x164: {  	(v2sf) =	vpush v1, $0x4;
	[tilespmem:s30], [sflag:$0x2] =	stream.strided.gather [hbm4b:s0+s10], $0x0, s11, s10, $0x38;
	[tilespmem:$0x8600] =	vst v63  }
0x165: {  	s31 =	sand.u32 $0x1FFFFFF0, s5  }
0x166: {  	[tilespmem:s30], [sflag:$0x2] =	stream.linear.gather [hbm4b:s0+s8], $0x20, $0x38;
	[tilespmem:$0x8600] =	vst v63  }
0x167: {  	s6 =	simm.s32 $0x4440;
	s2 =	sadd.s32 s3, s31;
	s5 =	spop (v2sf)  }
0x168: {  	(v2sf) =	vpush v0, $0x4;
	[tilespmem:s6], [sflag:$0x2] =	stream.strided.gather [hbm4b:s2+s10], $0x0, s11, s10, $0x38;
	[tilespmem:$0x8600] =	vst v63  }
0x169: {  	s0 =	sand.u32 $0x1FFFFFF0, s5  }
0x16a: {  	[tilespmem:s6], [sflag:$0x2] =	stream.linear.gather [hbm4b:s2+s8], $0x20, $0x38;
	[tilespmem:$0x8600] =	vst v63  }
0x16b: {  	s9 =	simm.s32 $0x6440;
	s7 =	spop (v2sf);
	s0 =	sadd.s32 s4, s0  }
0x16c: {  	(v2sf) =	vpush v1, $0x5;
	[tilespmem:s9], [sflag:$0x2] =	stream.strided.gather [hbm4b:s0+s10], $0x0, s11, s10, $0x38;
	[tilespmem:$0x8600] =	vst v63  }
0x16d: {  	s1 =	sand.u32 $0x1FFFFFF0, s7  }
0x16e: {  	[tilespmem:s9], [sflag:$0x2] =	stream.linear.gather [hbm4b:s0+s8], $0x20, $0x38;
	[tilespmem:$0x8600] =	vst v63  }
0x16f: {  	s14 =	simm.s32 $0x4460;
	s12 =	spop (v2sf);
	s1 =	sadd.s32 s3, s1  }
0x170: {  	(v2sf) =	vpush v0, $0x5;
	[tilespmem:s14], [sflag:$0x2] =	stream.strided.gather [hbm4b:s1+s10], $0x0, s11, s10, $0x38;
	[tilespmem:$0x8600] =	vst v63  }
0x171: {  	s0 =	sand.u32 $0x1FFFFFF0, s12  }
0x172: {  	[tilespmem:s14], [sflag:$0x2] =	stream.linear.gather [hbm4b:s1+s8], $0x20, $0x38;
	[tilespmem:$0x8600] =	vst v63  }
0x173: {  	s18 =	simm.s32 $0x6460;
	s17 =	spop (v2sf);
	s0 =	sadd.s32 s4, s0  }
0x174: {  	(v2sf) =	vpush v1, $0x6;
	[tilespmem:s18], [sflag:$0x2] =	stream.strided.gather [hbm4b:s0+s10], $0x0, s11, s10, $0x38;
	[tilespmem:$0x8600] =	vst v63  }
0x175: {  	s1 =	sand.u32 $0x1FFFFFF0, s17  }
0x176: {  	[tilespmem:s18], [sflag:$0x2] =	stream.linear.gather [hbm4b:s0+s8], $0x20, $0x38;
	[tilespmem:$0x8600] =	vst v63  }
0x177: {  	s22 =	simm.s32 $0x4480;
	s21 =	spop (v2sf);
	s1 =	sadd.s32 s3, s1  }
0x178: {  	(v2sf) =	vpush v0, $0x6;
	[tilespmem:s22], [sflag:$0x2] =	stream.strided.gather [hbm4b:s1+s10], $0x0, s11, s10, $0x38;
	[tilespmem:$0x8600] =	vst v63  }
0x179: {  	s0 =	sand.u32 $0x1FFFFFF0, s21  }
0x17a: {  	[tilespmem:s22], [sflag:$0x2] =	stream.linear.gather [hbm4b:s1+s8], $0x20, $0x38;
	[tilespmem:$0x8600] =	vst v63  }
0x17b: {  	s24 =	simm.s32 $0x6480;
	s23 =	spop (v2sf);
	s0 =	sadd.s32 s4, s0  }
0x17c: {  	(v2sf) =	vpush v1, $0x7;
	[tilespmem:s24], [sflag:$0x2] =	stream.strided.gather [hbm4b:s0+s10], $0x0, s11, s10, $0x38;
	[tilespmem:$0x8600] =	vst v63  }
0x17d: {  	s1 =	sand.u32 $0x1FFFFFF0, s23  }
0x17e: {  	[tilespmem:s24], [sflag:$0x2] =	stream.linear.gather [hbm4b:s0+s8], $0x20, $0x38;
	[tilespmem:$0x8600] =	vst v63  }
0x17f: {  	s26 =	simm.s32 $0x44A0;
	s25 =	spop (v2sf);
	s1 =	sadd.s32 s3, s1  }
0x180: {  	(v2sf) =	vpush v0, $0x7;
	[tilespmem:s26], [sflag:$0x2] =	stream.strided.gather [hbm4b:s1+s10], $0x0, s11, s10, $0x38;
	[tilespmem:$0x8600] =	vst v63  }
0x181: {  	s0 =	sand.u32 $0x1FFFFFF0, s25  }
0x182: {  	[tilespmem:s26], [sflag:$0x2] =	stream.linear.gather [hbm4b:s1+s8], $0x20, $0x38;
	[tilespmem:$0x8600] =	vst v63  }
0x183: {  	s29 =	simm.s32 $0x64A0;
	s28 =	spop (v2sf);
	s0 =	sadd.s32 s4, s0  }
0x184: {  	(v2sf) =	vpush v1, $0x8;
	[tilespmem:s29], [sflag:$0x2] =	stream.strided.gather [hbm4b:s0+s10], $0x0, s11, s10, $0x38;
	[tilespmem:$0x8600] =	vst v63  }
0x185: {  	s1 =	sand.u32 $0x1FFFFFF0, s28  }
0x186: {  	[tilespmem:s29], [sflag:$0x2] =	stream.linear.gather [hbm4b:s0+s8], $0x20, $0x38;
	[tilespmem:$0x8600] =	vst v63  }
0x187: {  	s31 =	simm.s32 $0x44C0;
	s30 =	spop (v2sf);
	s1 =	sadd.s32 s3, s1  }
0x188: {  	(v2sf) =	vpush v0, $0x8;
	[tilespmem:s31], [sflag:$0x2] =	stream.strided.gather [hbm4b:s1+s10], $0x0, s11, s10, $0x38;
	[tilespmem:$0x8600] =	vst v63  }
0x189: {  	s0 =	sand.u32 $0x1FFFFFF0, s30  }
0x18a: {  	[tilespmem:s31], [sflag:$0x2] =	stream.linear.gather [hbm4b:s1+s8], $0x20, $0x38;
	[tilespmem:$0x8600] =	vst v63  }
0x18b: {  	s6 =	simm.s32 $0x64C0;
	s5 =	spop (v2sf);
	s0 =	sadd.s32 s4, s0  }
0x18c: {  	(v2sf) =	vpush v1, $0x9;
	[tilespmem:s6], [sflag:$0x2] =	stream.strided.gather [hbm4b:s0+s10], $0x0, s11, s10, $0x38;
	[tilespmem:$0x8600] =	vst v63  }
0x18d: {  	s1 =	sand.u32 $0x1FFFFFF0, s5  }
0x18e: {  	[tilespmem:s6], [sflag:$0x2] =	stream.linear.gather [hbm4b:s0+s8], $0x20, $0x38;
	[tilespmem:$0x8600] =	vst v63  }
0x18f: {  	s9 =	simm.s32 $0x44E0;
	s7 =	spop (v2sf);
	s1 =	sadd.s32 s3, s1  }
0x190: {  	(v2sf) =	vpush v0, $0x9;
	[tilespmem:s9], [sflag:$0x2] =	stream.strided.gather [hbm4b:s1+s10], $0x0, s11, s10, $0x38;
	[tilespmem:$0x8600] =	vst v63  }
0x191: {  	s0 =	sand.u32 $0x1FFFFFF0, s7  }
0x192: {  	[tilespmem:s9], [sflag:$0x2] =	stream.linear.gather [hbm4b:s1+s8], $0x20, $0x38;
	[tilespmem:$0x8600] =	vst v63  }
0x193: {  	s14 =	simm.s32 $0x64E0;
	s12 =	spop (v2sf);
	s0 =	sadd.s32 s4, s0  }
0x194: {  	(v2sf) =	vpush v1, $0xA;
	[tilespmem:s14], [sflag:$0x2] =	stream.strided.gather [hbm4b:s0+s10], $0x0, s11, s10, $0x38;
	[tilespmem:$0x8600] =	vst v63  }
0x195: {  	s1 =	sand.u32 $0x1FFFFFF0, s12  }
0x196: {  	[tilespmem:s14], [sflag:$0x2] =	stream.linear.gather [hbm4b:s0+s8], $0x20, $0x38;
	[tilespmem:$0x8600] =	vst v63  }
0x197: {  	s18 =	simm.s32 $0x4500;
	s17 =	spop (v2sf);
	s1 =	sadd.s32 s3, s1  }
0x198: {  	(v2sf) =	vpush v0, $0xA;
	[tilespmem:s18], [sflag:$0x2] =	stream.strided.gather [hbm4b:s1+s10], $0x0, s11, s10, $0x38;
	[tilespmem:$0x8600] =	vst v63  }
0x199: {  	s0 =	sand.u32 $0x1FFFFFF0, s17  }
0x19a: {  	[tilespmem:s18], [sflag:$0x2] =	stream.linear.gather [hbm4b:s1+s8], $0x20, $0x38;
	[tilespmem:$0x8600] =	vst v63  }
0x19b: {  	s22 =	simm.s32 $0x6500;
	s21 =	spop (v2sf);
	s0 =	sadd.s32 s4, s0  }
0x19c: {  	(v2sf) =	vpush v1, $0xB;
	[tilespmem:s22], [sflag:$0x2] =	stream.strided.gather [hbm4b:s0+s10], $0x0, s11, s10, $0x38;
	[tilespmem:$0x8600] =	vst v63  }
0x19d: {  	s1 =	sand.u32 $0x1FFFFFF0, s21  }
0x19e: {  	[tilespmem:s22], [sflag:$0x2] =	stream.linear.gather [hbm4b:s0+s8], $0x20, $0x38;
	[tilespmem:$0x8600] =	vst v63  }
0x19f: {  	s24 =	simm.s32 $0x4520;
	s23 =	spop (v2sf);
	s1 =	sadd.s32 s3, s1  }
0x1a0: {  	(v2sf) =	vpush v0, $0xB;
	[tilespmem:s24], [sflag:$0x2] =	stream.strided.gather [hbm4b:s1+s10], $0x0, s11, s10, $0x38;
	[tilespmem:$0x8600] =	vst v63  }
0x1a1: {  	s0 =	sand.u32 $0x1FFFFFF0, s23  }
0x1a2: {  	[tilespmem:s24], [sflag:$0x2] =	stream.linear.gather [hbm4b:s1+s8], $0x20, $0x38;
	[tilespmem:$0x8600] =	vst v63  }
0x1a3: {  	s26 =	simm.s32 $0x6520;
	s25 =	spop (v2sf);
	s0 =	sadd.s32 s4, s0  }
0x1a4: {  	(v2sf) =	vpush v1, $0xC;
	[tilespmem:s26], [sflag:$0x2] =	stream.strided.gather [hbm4b:s0+s10], $0x0, s11, s10, $0x38;
	[tilespmem:$0x8600] =	vst v63  }
0x1a5: {  	s1 =	sand.u32 $0x1FFFFFF0, s25  }
0x1a6: {  	[tilespmem:s26], [sflag:$0x2] =	stream.linear.gather [hbm4b:s0+s8], $0x20, $0x38;
	[tilespmem:$0x8600] =	vst v63  }
0x1a7: {  	s29 =	simm.s32 $0x4540;
	s28 =	spop (v2sf);
	s1 =	sadd.s32 s3, s1  }
0x1a8: {  	(v2sf) =	vpush v0, $0xC;
	[tilespmem:s29], [sflag:$0x2] =	stream.strided.gather [hbm4b:s1+s10], $0x0, s11, s10, $0x38;
	[tilespmem:$0x8600] =	vst v63  }
0x1a9: {  	s0 =	sand.u32 $0x1FFFFFF0, s28  }
0x1aa: {  	[tilespmem:s29], [sflag:$0x2] =	stream.linear.gather [hbm4b:s1+s8], $0x20, $0x38;
	[tilespmem:$0x8600] =	vst v63  }
0x1ab: {  	s31 =	simm.s32 $0x6540;
	s30 =	spop (v2sf);
	s0 =	sadd.s32 s4, s0  }
0x1ac: {  	(v2sf) =	vpush v1, $0xD;
	[tilespmem:s31], [sflag:$0x2] =	stream.strided.gather [hbm4b:s0+s10], $0x0, s11, s10, $0x38;
	[tilespmem:$0x8600] =	vst v63  }
0x1ad: {  	s1 =	sand.u32 $0x1FFFFFF0, s30  }
0x1ae: {  	[tilespmem:s31], [sflag:$0x2] =	stream.linear.gather [hbm4b:s0+s8], $0x20, $0x38;
	[tilespmem:$0x8600] =	vst v63  }
0x1af: {  	s5 =	simm.s32 $0x4560;
	s2 =	spop (v2sf);
	s1 =	sadd.s32 s3, s1  }
0x1b0: {  	(v2sf) =	vpush v0, $0xD;
	[tilespmem:s5], [sflag:$0x2] =	stream.strided.gather [hbm4b:s1+s10], $0x0, s11, s10, $0x38;
	[tilespmem:$0x8600] =	vst v63  }
0x1b1: {  	s0 =	sand.u32 $0x1FFFFFF0, s2  }
0x1b2: {  	[tilespmem:s5], [sflag:$0x2] =	stream.linear.gather [hbm4b:s1+s8], $0x20, $0x38;
	[tilespmem:$0x8600] =	vst v63  }
0x1b3: {  	s7 =	simm.s32 $0x6560;
	s6 =	spop (v2sf);
	s0 =	sadd.s32 s4, s0  }
0x1b4: {  	(v2sf) =	vpush v1, $0xE;
	[tilespmem:s7], [sflag:$0x2] =	stream.strided.gather [hbm4b:s0+s10], $0x0, s11, s10, $0x38;
	[tilespmem:$0x8600] =	vst v63  }
0x1b5: {  	s1 =	sand.u32 $0x1FFFFFF0, s6  }
0x1b6: {  	[tilespmem:s7], [sflag:$0x2] =	stream.linear.gather [hbm4b:s0+s8], $0x20, $0x38;
	[tilespmem:$0x8600] =	vst v63  }
0x1b7: {  	s12 =	simm.s32 $0x4580;
	s9 =	spop (v2sf);
	s1 =	sadd.s32 s3, s1  }
0x1b8: {  	(v2sf) =	vpush v0, $0xE;
	[tilespmem:s12], [sflag:$0x2] =	stream.strided.gather [hbm4b:s1+s10], $0x0, s11, s10, $0x38;
	[tilespmem:$0x8600] =	vst v63  }
0x1b9: {  	s0 =	sand.u32 $0x1FFFFFF0, s9  }
0x1ba: {  	[tilespmem:s12], [sflag:$0x2] =	stream.linear.gather [hbm4b:s1+s8], $0x20, $0x38;
	[tilespmem:$0x8600] =	vst v63  }
0x1bb: {  	s17 =	simm.s32 $0x6580;
	s14 =	spop (v2sf);
	s0 =	sadd.s32 s4, s0  }
0x1bc: {  	(v2sf) =	vpush v1, $0xF;
	[tilespmem:s17], [sflag:$0x2] =	stream.strided.gather [hbm4b:s0+s10], $0x0, s11, s10, $0x38;
	[tilespmem:$0x8600] =	vst v63  }
0x1bd: {  	s1 =	sand.u32 $0x1FFFFFF0, s14  }
0x1be: {  	[tilespmem:s17], [sflag:$0x2] =	stream.linear.gather [hbm4b:s0+s8], $0x20, $0x38;
	[tilespmem:$0x8600] =	vst v63  }
0x1bf: {  	s21 =	simm.s32 $0x45A0;
	s18 =	spop (v2sf);
	s1 =	sadd.s32 s3, s1  }
0x1c0: {  	(v2sf) =	vpush v0, $0xF;
	[tilespmem:s21], [sflag:$0x2] =	stream.strided.gather [hbm4b:s1+s10], $0x0, s11, s10, $0x38;
	[tilespmem:$0x8600] =	vst v63  }
0x1c1: {  	s0 =	sand.u32 $0x1FFFFFF0, s18  }
0x1c2: {  	[tilespmem:s21], [sflag:$0x2] =	stream.linear.gather [hbm4b:s1+s8], $0x20, $0x38;
	[tilespmem:$0x8600] =	vst v63  }
0x1c3: {  	s23 =	simm.s32 $0x65A0;
	s22 =	spop (v2sf);
	s0 =	sadd.s32 s4, s0  }
0x1c4: {  	[tilespmem:s23], [sflag:$0x2] =	stream.strided.gather [hbm4b:s0+s10], $0x0, s11, s10, $0x38;
	[tilespmem:$0x8600] =	vst v63  }
0x1c5: {  	s1 =	sand.u32 $0x1FFFFFF0, s22  }
0x1c6: {  	[tilespmem:s23], [sflag:$0x2] =	stream.linear.gather [hbm4b:s0+s8], $0x20, $0x38;
	[tilespmem:$0x8600] =	vst v63  }
0x1c7: {  	s25 =	simm.s32 $0x45C0;
	s24 =	spop (v2sf);
	s1 =	sadd.s32 s3, s1  }
0x1c8: {  	[tilespmem:s25], [sflag:$0x2] =	stream.strided.gather [hbm4b:s1+s10], $0x0, s11, s10, $0x38;
	[tilespmem:$0x8600] =	vst v63  }
0x1c9: {  	s0 =	sand.u32 $0x1FFFFFF0, s24  }
0x1ca: {  	[tilespmem:s25], [sflag:$0x2] =	stream.linear.gather [hbm4b:s1+s8], $0x20, $0x38;
	[tilespmem:$0x8600] =	vst v63  }
0x1cb: {  	s28 =	simm.s32 $0x65C0;
	s26 =	spop (v2sf);
	s0 =	sadd.s32 s4, s0  }
0x1cc: {  	[tilespmem:s28], [sflag:$0x2] =	stream.strided.gather [hbm4b:s0+s10], $0x0, s11, s10, $0x38;
	[tilespmem:$0x8600] =	vst v63  }
0x1cd: {  	s1 =	sand.u32 $0x1FFFFFF0, s26  }
0x1ce: {  	[tilespmem:s28], [sflag:$0x2] =	stream.linear.gather [hbm4b:s0+s8], $0x20, $0x38;
	[tilespmem:$0x8600] =	vst v63  }
0x1cf: {  	s30 =	simm.s32 $0x45E0;
	s29 =	spop (v2sf);
	s1 =	sadd.s32 s3, s1  }
0x1d0: {  	[tilespmem:s30], [sflag:$0x2] =	stream.strided.gather [hbm4b:s1+s10], $0x0, s11, s10, $0x38;
	[tilespmem:$0x8600] =	vst v63  }
0x1d1: {  	s31 =	sand.u32 $0x1FFFFFF0, s29  }
0x1d2: {  	[tilespmem:s30], [sflag:$0x2] =	stream.linear.gather [hbm4b:s1+s8], $0x20, $0x38;
	[tilespmem:$0x8600] =	vst v63  }
0x1d3: {  	s21 =	simm.s32 $0x800;
	s0 =	simm.s32 $0x65E0;
	s1 =	sadd.s32 s4, s31  }
0x1d4: {  	[tilespmem:s0], [sflag:$0x2] =	stream.strided.gather [hbm4b:s1+s10], $0x0, s11, s10, $0x38;
	[tilespmem:$0x8600] =	vst v63  }
.LBB2_4:
0x1d5: {  	p0 =	sne.s32 s21, $0x7800;
	s19 =	sadd.s32 $0x10, s19;
	s20 =	sadd.s32 $0x10, s20  }
0x1d6: {  	[tilespmem:s0], [sflag:$0x2] =	stream.linear.gather [hbm4b:s1+s8], $0x20, $0x38;
	[tilespmem:$0x8600] =	vst v63  }
0x1d7: {  	s0 =	smov.u32 s21;
	s21 =	sadd.s32 $0x800, s21;
	v0 =	vld [tilespmem:s19+$0x0];
	_ =	sdelay $0x3  }
0x1d8: {  	v1 =	vld [tilespmem:s20+$0x0]  }
0x1d9: {  	v0 =	vshll.u32 v0, $0x4  }
0x1da: {  	(v2sf) =	vpush v0, $0x0  }
0x1db: {  	(v2sf) =	vpush v0, $0x1  }
0x1dc: {  	(v2sf) =	vpush v0, $0x2  }
0x1dd: {  	v1 =	vshll.u32 v1, $0x4  }
0x1de: {  	(v2sf) =	vpush v1, $0x0;
	_ =	sdelay $0x1  }
0x1df: {  	(v2sf) =	vpush v1, $0x1  }
0x1e0: {  	(v2sf) =	vpush v1, $0x2;
	_ =	sdelay $0x3  }
0x1e1: {  	(v2sf) =	vpush v0, $0x3;
	_ =	sdelay $0x3  }
0x1e2: {  	s1 =	spop (v2sf);
	(v2sf) =	vpush v1, $0x3  }
0x1e3: {  	s22 =	sshra.s32 s0, $0x2;
	s0 =	sand.u32 $0x1FFFFFF0, s1;
	s1 =	spop (v2sf)  }
0x1e4: {  	s2 =	sadd.s32 $0x4400, s22;
	s0 =	sadd.s32 s3, s0;
	s5 =	spop (v2sf)  }
0x1e5: {  	[tilespmem:s2], [sflag:$0x2] =	stream.strided.gather [hbm4b:s0+s10], $0x0, s11, s10, $0x38;
	[tilespmem:$0x8600] =	vst v63  }
0x1e6: {  	s1 =	sand.u32 $0x1FFFFFF0, s1;
	s5 =	sand.u32 $0x1FFFFFF0, s5;
	s6 =	spop (v2sf);
	(v2sf) =	vpush v0, $0x4  }
0x1e7: {  	[tilespmem:s2], [sflag:$0x2] =	stream.linear.gather [hbm4b:s0+s8], $0x20, $0x38;
	[tilespmem:$0x8600] =	vst v63  }
0x1e8: {  	s0 =	sadd.s32 $0x6400, s22;
	s2 =	sand.u32 $0x1FFFFFF0, s6;
	s6 =	spop (v2sf);
	(v2sf) =	vpush v1, $0x4  }
0x1e9: {  	s2 =	sadd.s32 s4, s2;
	s6 =	sand.u32 $0x1FFFFFF0, s6;
	s7 =	spop (v2sf)  }
0x1ea: {  	[tilespmem:s0], [sflag:$0x2] =	stream.strided.gather [hbm4b:s2+s10], $0x0, s11, s10, $0x38;
	(v2sf) =	vpush v0, $0x5;
	[tilespmem:$0x8600] =	vst v63  }
0x1eb: {  	s1 =	sadd.s32 s3, s1;
	s8 =	sadd.s32 $0x4420, s22;
	s7 =	sand.u32 $0x1FFFFFF0, s7  }
0x1ec: {  	[tilespmem:s0], [sflag:$0x2] =	stream.linear.gather [hbm4b:s2+s13], $0x20, $0x38;
	(v2sf) =	vpush v1, $0x5;
	[tilespmem:$0x8600] =	vst v63  }
0x1ed: {  	s0 =	spop (v2sf)  }
0x1ee: {  	[tilespmem:s8], [sflag:$0x2] =	stream.strided.gather [hbm4b:s1+s10], $0x0, s11, s10, $0x38;
	(v2sf) =	vpush v0, $0x6;
	[tilespmem:$0x8600] =	vst v63  }
0x1ef: {  	s6 =	sadd.s32 s4, s6;
	s2 =	sadd.s32 $0x6420, s22;
	s0 =	sand.u32 $0x1FFFFFF0, s0  }
0x1f0: {  	[tilespmem:s8], [sflag:$0x2] =	stream.linear.gather [hbm4b:s1+s13], $0x20, $0x38;
	(v2sf) =	vpush v1, $0x6;
	[tilespmem:$0x8600] =	vst v63  }
0x1f1: {  	s1 =	spop (v2sf)  }
0x1f2: {  	[tilespmem:s2], [sflag:$0x2] =	stream.strided.gather [hbm4b:s6+s10], $0x0, s11, s10, $0x38;
	(v2sf) =	vpush v0, $0x7;
	[tilespmem:$0x8600] =	vst v63  }
0x1f3: {  	s5 =	sadd.s32 s3, s5;
	s8 =	sadd.s32 $0x4440, s22;
	s9 =	sand.u32 $0x1FFFFFF0, s1  }
0x1f4: {  	[tilespmem:s2], [sflag:$0x2] =	stream.linear.gather [hbm4b:s6+s13], $0x20, $0x38;
	(v2sf) =	vpush v1, $0x7;
	[tilespmem:$0x8600] =	vst v63  }
0x1f5: {  	s1 =	spop (v2sf)  }
0x1f6: {  	[tilespmem:s8], [sflag:$0x2] =	stream.strided.gather [hbm4b:s5+s10], $0x0, s11, s10, $0x38;
	(v2sf) =	vpush v0, $0x8;
	[tilespmem:$0x8600] =	vst v63  }
0x1f7: {  	s2 =	sadd.s32 $0x6440, s22;
	s6 =	sadd.s32 s4, s7;
	s7 =	spop (v2sf)  }
0x1f8: {  	[tilespmem:s8], [sflag:$0x2] =	stream.linear.gather [hbm4b:s5+s13], $0x20, $0x38;
	(v2sf) =	vpush v1, $0x8;
	[tilespmem:$0x8600] =	vst v63  }
0x1f9: {  	s8 =	sand.u32 $0x1FFFFFF0, s1;
	s7 =	sand.u32 $0x1FFFFFF0, s7;
	s1 =	spop (v2sf)  }
0x1fa: {  	[tilespmem:s2], [sflag:$0x2] =	stream.strided.gather [hbm4b:s6+s10], $0x0, s11, s10, $0x38;
	(v2sf) =	vpush v0, $0x9;
	[tilespmem:$0x8600] =	vst v63  }
0x1fb: {  	s0 =	sadd.s32 s3, s0;
	s5 =	sadd.s32 $0x4460, s22;
	s12 =	spop (v2sf)  }
0x1fc: {  	[tilespmem:s2], [sflag:$0x2] =	stream.linear.gather [hbm4b:s6+s13], $0x20, $0x38;
	(v2sf) =	vpush v1, $0x9;
	[tilespmem:$0x8600] =	vst v63  }
0x1fd: {  	s2 =	sand.u32 $0x1FFFFFF0, s1;
	s1 =	sand.u32 $0x1FFFFFF0, s12;
	s6 =	spop (v2sf)  }
0x1fe: {  	[tilespmem:s5], [sflag:$0x2] =	stream.strided.gather [hbm4b:s0+s10], $0x0, s11, s10, $0x38;
	(v2sf) =	vpush v0, $0xA;
	[tilespmem:$0x8600] =	vst v63  }
0x1ff: {  	s9 =	sadd.s32 s4, s9;
	s12 =	sadd.s32 $0x6460, s22;
	s14 =	spop (v2sf)  }
0x200: {  	[tilespmem:s5], [sflag:$0x2] =	stream.linear.gather [hbm4b:s0+s13], $0x20, $0x38;
	(v2sf) =	vpush v1, $0xA;
	[tilespmem:$0x8600] =	vst v63  }
0x201: {  	s5 =	sand.u32 $0x1FFFFFF0, s6;
	s0 =	sand.u32 $0x1FFFFFF0, s14;
	s6 =	spop (v2sf)  }
0x202: {  	[tilespmem:s12], [sflag:$0x2] =	stream.strided.gather [hbm4b:s9+s10], $0x0, s11, s10, $0x38;
	(v2sf) =	vpush v0, $0xB;
	[tilespmem:$0x8600] =	vst v63  }
0x203: {  	s8 =	sadd.s32 s3, s8;
	s14 =	sadd.s32 $0x4480, s22;
	s17 =	spop (v2sf)  }
0x204: {  	[tilespmem:s12], [sflag:$0x2] =	stream.linear.gather [hbm4b:s9+s13], $0x20, $0x38;
	(v2sf) =	vpush v1, $0xB;
	[tilespmem:$0x8600] =	vst v63  }
0x205: {  	s25 =	sand.u32 $0x1FFFFFF0, s6;
	s23 =	sand.u32 $0x1FFFFFF0, s17;
	s6 =	spop (v2sf)  }
0x206: {  	[tilespmem:s14], [sflag:$0x2] =	stream.strided.gather [hbm4b:s8+s10], $0x0, s11, s10, $0x38;
	(v2sf) =	vpush v0, $0xC;
	[tilespmem:$0x8600] =	vst v63  }
0x207: {  	s7 =	sadd.s32 s4, s7;
	s9 =	sadd.s32 $0x6480, s22;
	s12 =	spop (v2sf)  }
0x208: {  	[tilespmem:s14], [sflag:$0x2] =	stream.linear.gather [hbm4b:s8+s13], $0x20, $0x38;
	(v2sf) =	vpush v1, $0xC;
	[tilespmem:$0x8600] =	vst v63  }
0x209: {  	s24 =	sand.u32 $0x1FFFFFF0, s6;
	s30 =	sand.u32 $0x1FFFFFF0, s12;
	s6 =	spop (v2sf)  }
0x20a: {  	[tilespmem:s9], [sflag:$0x2] =	stream.strided.gather [hbm4b:s7+s10], $0x0, s11, s10, $0x38;
	(v2sf) =	vpush v0, $0xD;
	[tilespmem:$0x8600] =	vst v63  }
0x20b: {  	s2 =	sadd.s32 s3, s2;
	s12 =	sadd.s32 $0x44A0, s22;
	s14 =	spop (v2sf)  }
0x20c: {  	[tilespmem:s9], [sflag:$0x2] =	stream.linear.gather [hbm4b:s7+s13], $0x20, $0x38;
	(v2sf) =	vpush v1, $0xD;
	[tilespmem:$0x8600] =	vst v63  }
0x20d: {  	s8 =	sand.u32 $0x1FFFFFF0, s6;
	s6 =	sand.u32 $0x1FFFFFF0, s14;
	s7 =	spop (v2sf)  }
0x20e: {  	[tilespmem:s12], [sflag:$0x2] =	stream.strided.gather [hbm4b:s2+s10], $0x0, s11, s10, $0x38;
	(v2sf) =	vpush v0, $0xE;
	[tilespmem:$0x8600] =	vst v63  }
0x20f: {  	s1 =	sadd.s32 s4, s1;
	s9 =	sadd.s32 $0x64A0, s22;
	s14 =	spop (v2sf)  }
0x210: {  	[tilespmem:s12], [sflag:$0x2] =	stream.linear.gather [hbm4b:s2+s13], $0x20, $0x38;
	[tilespmem:$0x8600] =	vst v63  }
0x211: {  	s7 =	sand.u32 $0x1FFFFFF0, s7;
	s17 =	sand.u32 $0x1FFFFFF0, s14;
	s2 =	spop (v2sf)  }
0x212: {  	[tilespmem:s9], [sflag:$0x2] =	stream.strided.gather [hbm4b:s1+s10], $0x0, s11, s10, $0x38;
	(v2sf) =	vpush v1, $0xE;
	[tilespmem:$0x8600] =	vst v63  }
0x213: {  	s5 =	sadd.s32 s3, s5;
	s12 =	sadd.s32 $0x44C0, s22;
	s14 =	spop (v2sf)  }
0x214: {  	[tilespmem:s9], [sflag:$0x2] =	stream.linear.gather [hbm4b:s1+s13], $0x20, $0x38;
	(v2sf) =	vpush v0, $0xF;
	[tilespmem:$0x8600] =	vst v63  }
0x215: {  	s31 =	sand.u32 $0x1FFFFFF0, s2;
	s1 =	sand.u32 $0x1FFFFFF0, s14;
	s2 =	spop (v2sf)  }
0x216: {  	[tilespmem:s12], [sflag:$0x2] =	stream.strided.gather [hbm4b:s5+s10], $0x0, s11, s10, $0x38;
	(v2sf) =	vpush v1, $0xF;
	[tilespmem:$0x8600] =	vst v63  }
0x217: {  	s9 =	sadd.s32 $0x64C0, s22;
	s14 =	sadd.s32 s4, s0;
	s0 =	spop (v2sf)  }
0x218: {  	[tilespmem:s12], [sflag:$0x2] =	stream.linear.gather [hbm4b:s5+s13], $0x20, $0x38;
	[tilespmem:$0x8600] =	vst v63  }
0x219: {  	s5 =	sand.u32 $0x1FFFFFF0, s2;
	s0 =	sand.u32 $0x1FFFFFF0, s0;
	s2 =	spop (v2sf)  }
0x21a: {  	[tilespmem:s9], [sflag:$0x2] =	stream.strided.gather [hbm4b:s14+s10], $0x0, s11, s10, $0x38;
	[tilespmem:$0x8600] =	vst v63  }
0x21b: {  	s18 =	sadd.s32 s3, s25;
	s12 =	sadd.s32 $0x44E0, s22;
	s25 =	spop (v2sf)  }
0x21c: {  	[tilespmem:s9], [sflag:$0x2] =	stream.linear.gather [hbm4b:s14+s13], $0x20, $0x38;
	[tilespmem:$0x8600] =	vst v63  }
0x21d: {  	s29 =	sand.u32 $0x1FFFFFF0, s2;
	s28 =	sand.u32 $0x1FFFFFF0, s25;
	s2 =	spop (v2sf)  }
0x21e: {  	[tilespmem:s12], [sflag:$0x2] =	stream.strided.gather [hbm4b:s18+s10], $0x0, s11, s10, $0x38;
	[tilespmem:$0x8600] =	vst v63  }
0x21f: {  	s9 =	sadd.s32 $0x64E0, s22;
	s14 =	sadd.s32 s4, s23;
	s25 =	sand.u32 $0x1FFFFFF0, s2  }
0x220: {  	[tilespmem:s12], [sflag:$0x2] =	stream.linear.gather [hbm4b:s18+s13], $0x20, $0x38;
	[tilespmem:$0x8600] =	vst v63  }
0x221: {  	s26 =	spop (v2sf)  }
0x222: {  	[tilespmem:s9], [sflag:$0x2] =	stream.strided.gather [hbm4b:s14+s10], $0x0, s11, s10, $0x38;
	[tilespmem:$0x8600] =	vst v63  }
0x223: {  	s2 =	sadd.s32 $0x4500, s22;
	s12 =	sadd.s32 s3, s24;
	s18 =	spop (v2sf)  }
0x224: {  	[tilespmem:s9], [sflag:$0x2] =	stream.linear.gather [hbm4b:s14+s13], $0x20, $0x38;
	[tilespmem:$0x8600] =	vst v63  }
0x225: {  	s24 =	sand.u32 $0x1FFFFFF0, s18;
	s23 =	spop (v2sf)  }
0x226: {  	[tilespmem:s2], [sflag:$0x2] =	stream.strided.gather [hbm4b:s12+s10], $0x0, s11, s10, $0x38;
	[tilespmem:$0x8600] =	vst v63  }
0x227: {  	s9 =	sadd.s32 $0x6500, s22;
	s14 =	sadd.s32 s4, s30  }
0x228: {  	[tilespmem:s2], [sflag:$0x2] =	stream.linear.gather [hbm4b:s12+s13], $0x20, $0x38;
	[tilespmem:$0x8600] =	vst v63  }
0x229: {  	_ = 	snop  }
0x22a: {  	[tilespmem:s9], [sflag:$0x2] =	stream.strided.gather [hbm4b:s14+s10], $0x0, s11, s10, $0x38;
	[tilespmem:$0x8600] =	vst v63  }
0x22b: {  	s8 =	sadd.s32 s3, s8;
	s2 =	sadd.s32 $0x4520, s22  }
0x22c: {  	[tilespmem:s9], [sflag:$0x2] =	stream.linear.gather [hbm4b:s14+s13], $0x20, $0x38;
	[tilespmem:$0x8600] =	vst v63  }
0x22d: {  	_ = 	snop  }
0x22e: {  	[tilespmem:s2], [sflag:$0x2] =	stream.strided.gather [hbm4b:s8+s10], $0x0, s11, s10, $0x38;
	[tilespmem:$0x8600] =	vst v63  }
0x22f: {  	s6 =	sadd.s32 s4, s6;
	s9 =	sadd.s32 $0x6520, s22  }
0x230: {  	[tilespmem:s2], [sflag:$0x2] =	stream.linear.gather [hbm4b:s8+s13], $0x20, $0x38;
	[tilespmem:$0x8600] =	vst v63  }
0x231: {  	_ = 	snop  }
0x232: {  	[tilespmem:s9], [sflag:$0x2] =	stream.strided.gather [hbm4b:s6+s10], $0x0, s11, s10, $0x38;
	[tilespmem:$0x8600] =	vst v63  }
0x233: {  	s7 =	sadd.s32 s3, s7;
	s2 =	sadd.s32 $0x4540, s22  }
0x234: {  	[tilespmem:s9], [sflag:$0x2] =	stream.linear.gather [hbm4b:s6+s13], $0x20, $0x38;
	[tilespmem:$0x8600] =	vst v63  }
0x235: {  	_ = 	snop  }
0x236: {  	[tilespmem:s2], [sflag:$0x2] =	stream.strided.gather [hbm4b:s7+s10], $0x0, s11, s10, $0x38;
	[tilespmem:$0x8600] =	vst v63  }
0x237: {  	s8 =	sadd.s32 s4, s17;
	s6 =	sadd.s32 $0x6540, s22  }
0x238: {  	[tilespmem:s2], [sflag:$0x2] =	stream.linear.gather [hbm4b:s7+s13], $0x20, $0x38;
	[tilespmem:$0x8600] =	vst v63  }
0x239: {  	_ = 	snop  }
0x23a: {  	[tilespmem:s6], [sflag:$0x2] =	stream.strided.gather [hbm4b:s8+s10], $0x0, s11, s10, $0x38;
	[tilespmem:$0x8600] =	vst v63  }
0x23b: {  	s2 =	sadd.s32 $0x4560, s22;
	s7 =	sadd.s32 s3, s31  }
0x23c: {  	[tilespmem:s6], [sflag:$0x2] =	stream.linear.gather [hbm4b:s8+s13], $0x20, $0x38;
	[tilespmem:$0x8600] =	vst v63  }
0x23d: {  	s8 =	simm.s32 $0x0;
	_ =	sdelay $0x1  }
0x23e: {  	[tilespmem:s2], [sflag:$0x2] =	stream.strided.gather [hbm4b:s7+s10], $0x0, s11, s10, $0x38;
	[tilespmem:$0x8600] =	vst v63  }
0x23f: {  	s1 =	sadd.s32 s4, s1;
	s6 =	sadd.s32 $0x6560, s22  }
0x240: {  	[tilespmem:s2], [sflag:$0x2] =	stream.linear.gather [hbm4b:s7+s8], $0x20, $0x38;
	[tilespmem:$0x8600] =	vst v63  }
0x241: {  	_ = 	snop  }
0x242: {  	[tilespmem:s6], [sflag:$0x2] =	stream.strided.gather [hbm4b:s1+s10], $0x0, s11, s10, $0x38;
	[tilespmem:$0x8600] =	vst v63  }
0x243: {  	s5 =	sadd.s32 s3, s5;
	s2 =	sadd.s32 $0x4580, s22  }
0x244: {  	[tilespmem:s6], [sflag:$0x2] =	stream.linear.gather [hbm4b:s1+s8], $0x20, $0x38;
	[tilespmem:$0x8600] =	vst v63  }
0x245: {  	_ = 	snop  }
0x246: {  	[tilespmem:s2], [sflag:$0x2] =	stream.strided.gather [hbm4b:s5+s10], $0x0, s11, s10, $0x38;
	[tilespmem:$0x8600] =	vst v63  }
0x247: {  	s0 =	sadd.s32 s4, s0;
	s1 =	sadd.s32 $0x6580, s22  }
0x248: {  	[tilespmem:s2], [sflag:$0x2] =	stream.linear.gather [hbm4b:s5+s8], $0x20, $0x38;
	[tilespmem:$0x8600] =	vst v63  }
0x249: {  	_ = 	snop  }
0x24a: {  	[tilespmem:s1], [sflag:$0x2] =	stream.strided.gather [hbm4b:s0+s10], $0x0, s11, s10, $0x38;
	[tilespmem:$0x8600] =	vst v63  }
0x24b: {  	s2 =	sadd.s32 $0x45A0, s22;
	s5 =	sadd.s32 s3, s29  }
0x24c: {  	[tilespmem:s1], [sflag:$0x2] =	stream.linear.gather [hbm4b:s0+s8], $0x20, $0x38;
	[tilespmem:$0x8600] =	vst v63  }
0x24d: {  	_ = 	snop  }
0x24e: {  	[tilespmem:s2], [sflag:$0x2] =	stream.strided.gather [hbm4b:s5+s10], $0x0, s11, s10, $0x38;
	[tilespmem:$0x8600] =	vst v63  }
0x24f: {  	s0 =	sadd.s32 $0x65A0, s22;
	s1 =	sadd.s32 s4, s28  }
0x250: {  	[tilespmem:s2], [sflag:$0x2] =	stream.linear.gather [hbm4b:s5+s8], $0x20, $0x38;
	[tilespmem:$0x8600] =	vst v63  }
0x251: {  	_ = 	snop  }
0x252: {  	[tilespmem:s0], [sflag:$0x2] =	stream.strided.gather [hbm4b:s1+s10], $0x0, s11, s10, $0x38;
	[tilespmem:$0x8600] =	vst v63  }
0x253: {  	s2 =	sadd.s32 $0x45C0, s22;
	s5 =	sadd.s32 s3, s25  }
0x254: {  	[tilespmem:s0], [sflag:$0x2] =	stream.linear.gather [hbm4b:s1+s8], $0x20, $0x38;
	[tilespmem:$0x8600] =	vst v63  }
0x255: {  	s0 =	sand.u32 $0x1FFFFFF0, s26  }
0x256: {  	[tilespmem:s2], [sflag:$0x2] =	stream.strided.gather [hbm4b:s5+s10], $0x0, s11, s10, $0x38;
	[tilespmem:$0x8600] =	vst v63  }
0x257: {  	s1 =	sadd.s32 $0x65C0, s22;
	s0 =	sadd.s32 s4, s0  }
0x258: {  	[tilespmem:s2], [sflag:$0x2] =	stream.linear.gather [hbm4b:s5+s8], $0x20, $0x38;
	[tilespmem:$0x8600] =	vst v63  }
0x259: {  	_ = 	snop  }
0x25a: {  	[tilespmem:s1], [sflag:$0x2] =	stream.strided.gather [hbm4b:s0+s10], $0x0, s11, s10, $0x38;
	[tilespmem:$0x8600] =	vst v63  }
0x25b: {  	s2 =	sadd.s32 $0x45E0, s22;
	s5 =	sadd.s32 s3, s24  }
0x25c: {  	[tilespmem:s1], [sflag:$0x2] =	stream.linear.gather [hbm4b:s0+s8], $0x20, $0x38;
	[tilespmem:$0x8600] =	vst v63  }
0x25d: {  	s1 =	sand.u32 $0x1FFFFFF0, s23  }
0x25e: {  	[tilespmem:s2], [sflag:$0x2] =	stream.strided.gather [hbm4b:s5+s10], $0x0, s11, s10, $0x38;
	[tilespmem:$0x8600] =	vst v63  }
.Ltmp1:
0x25f: {  	_ = 	snop;
	(pc) =	sbr.rel @p0 .LBB2_4-.Ltmp1, $4  }
0x260: {  	s0 =	sadd.s32 $0x65E0, s22;
	s1 =	sadd.s32 s4, s1  }
0x261: {  	[tilespmem:s2], [sflag:$0x2] =	stream.linear.gather [hbm4b:s5+s8], $0x20, $0x38;
	[tilespmem:$0x8600] =	vst v63  }
0x262: {  	_ = 	snop  }
0x263: {  	[tilespmem:s0], [sflag:$0x2] =	stream.strided.gather [hbm4b:s1+s10], $0x0, s11, s10, $0x38;
	[tilespmem:$0x8600] =	vst v63  }
0x264: {  	[tilespmem:s0], [sflag:$0x2] =	stream.linear.gather [hbm4b:s1+s8], $0x20, $0x38;
	[tilespmem:$0x8600] =	vst v63  }
0x265: {  	s29 =	simm.s32 $0x1  }
0x266: {  	_ =	swait.ge [sflag:s29], $0x200  }
0x267: {  	[sflag:s29] =	ssyncset.done $0x0  }
0x268: {  	[sflag:s29] =	ssyncadd.s32 $0xFFFFFE00  }
0x269: {  	_ =	swait.ge [sflag:s29], $0x200  }
0x26a: {  	[sflag:s29] =	ssyncset.done $0x0  }
0x26b: {  	[sflag:s29] =	ssyncadd.s32 $0xFFFFFE00  }
0x26c: {  	_ =	swait.ge [sflag:s29], $0x200  }
0x26d: {  	[sflag:s29] =	ssyncset.done $0x0  }
0x26e: {  	[sflag:s29] =	ssyncadd.s32 $0xFFFFFE00  }
0x26f: {  	_ =	swait.ge [sflag:s29], $0x200  }
0x270: {  	[sflag:s29] =	ssyncset.done $0x0  }
0x271: {  	[sflag:s29] =	ssyncadd.s32 $0xFFFFFE00  }
0x272: {  	_ =	swait.ge [sflag:s29], $0x200  }
0x273: {  	[sflag:s29] =	ssyncset.done $0x0  }
0x274: {  	[sflag:s29] =	ssyncadd.s32 $0xFFFFFE00  }
0x275: {  	_ =	swait.ge [sflag:s29], $0x200  }
0x276: {  	[sflag:s29] =	ssyncset.done $0x0  }
0x277: {  	[sflag:s29] =	ssyncadd.s32 $0xFFFFFE00  }
0x278: {  	_ =	swait.ge [sflag:s29], $0x200  }
0x279: {  	[sflag:s29] =	ssyncset.done $0x0  }
0x27a: {  	[sflag:s29] =	ssyncadd.s32 $0xFFFFFE00  }
0x27b: {  	_ =	swait.ge [sflag:s29], $0x200  }
0x27c: {  	[sflag:s29] =	ssyncset.done $0x0  }
0x27d: {  	[sflag:s29] =	ssyncadd.s32 $0xFFFFFE00  }
0x27e: {  	_ =	swait.ge [sflag:s29], $0x200  }
0x27f: {  	[sflag:s29] =	ssyncset.done $0x0  }
0x280: {  	[sflag:s29] =	ssyncadd.s32 $0xFFFFFE00  }
0x281: {  	_ =	swait.ge [sflag:s29], $0x200  }
0x282: {  	[sflag:s29] =	ssyncset.done $0x0  }
0x283: {  	[sflag:s29] =	ssyncadd.s32 $0xFFFFFE00  }
0x284: {  	_ =	swait.ge [sflag:s29], $0x200  }
0x285: {  	[sflag:s29] =	ssyncset.done $0x0  }
0x286: {  	[sflag:s29] =	ssyncadd.s32 $0xFFFFFE00  }
0x287: {  	_ =	swait.ge [sflag:s29], $0x200  }
0x288: {  	[sflag:s29] =	ssyncset.done $0x0  }
0x289: {  	[sflag:s29] =	ssyncadd.s32 $0xFFFFFE00  }
0x28a: {  	_ =	swait.ge [sflag:s29], $0x200  }
0x28b: {  	[sflag:s29] =	ssyncset.done $0x0  }
0x28c: {  	[sflag:s29] =	ssyncadd.s32 $0xFFFFFE00  }
0x28d: {  	_ =	swait.ge [sflag:s29], $0x200  }
0x28e: {  	[sflag:s29] =	ssyncset.done $0x0  }
0x28f: {  	[sflag:s29] =	ssyncadd.s32 $0xFFFFFE00  }
0x290: {  	_ =	swait.ge [sflag:s29], $0x200  }
0x291: {  	[sflag:s29] =	ssyncset.done $0x0  }
0x292: {  	[sflag:s29] =	ssyncadd.s32 $0xFFFFFE00  }
0x293: {  	_ =	swait.ge [sflag:s29], $0x200  }
0x294: {  	[sflag:s29] =	ssyncset.done $0x0  }
0x295: {  	[sflag:s29] =	ssyncadd.s32 $0xFFFFFE00  }
0x296: {  	_ =	swait.ge [sflag:s29], $0x200  }
0x297: {  	[sflag:s29] =	ssyncset.done $0x0  }
0x298: {  	[sflag:s29] =	ssyncadd.s32 $0xFFFFFE00  }
0x299: {  	_ =	swait.ge [sflag:s29], $0x200  }
0x29a: {  	[sflag:s29] =	ssyncset.done $0x0  }
0x29b: {  	[sflag:s29] =	ssyncadd.s32 $0xFFFFFE00  }
0x29c: {  	_ =	swait.ge [sflag:s29], $0x200  }
0x29d: {  	[sflag:s29] =	ssyncset.done $0x0  }
0x29e: {  	[sflag:s29] =	ssyncadd.s32 $0xFFFFFE00  }
0x29f: {  	_ =	swait.ge [sflag:s29], $0x200  }
0x2a0: {  	[sflag:s29] =	ssyncset.done $0x0  }
0x2a1: {  	[sflag:s29] =	ssyncadd.s32 $0xFFFFFE00  }
0x2a2: {  	_ =	swait.ge [sflag:s29], $0x200  }
0x2a3: {  	[sflag:s29] =	ssyncset.done $0x0  }
0x2a4: {  	[sflag:s29] =	ssyncadd.s32 $0xFFFFFE00  }
0x2a5: {  	_ =	swait.ge [sflag:s29], $0x200  }
0x2a6: {  	[sflag:s29] =	ssyncset.done $0x0  }
0x2a7: {  	[sflag:s29] =	ssyncadd.s32 $0xFFFFFE00  }
0x2a8: {  	_ =	swait.ge [sflag:s29], $0x200  }
0x2a9: {  	[sflag:s29] =	ssyncset.done $0x0  }
0x2aa: {  	[sflag:s29] =	ssyncadd.s32 $0xFFFFFE00  }
0x2ab: {  	_ =	swait.ge [sflag:s29], $0x200  }
0x2ac: {  	[sflag:s29] =	ssyncset.done $0x0  }
0x2ad: {  	[sflag:s29] =	ssyncadd.s32 $0xFFFFFE00  }
0x2ae: {  	_ =	swait.ge [sflag:s29], $0x200  }
0x2af: {  	[sflag:s29] =	ssyncset.done $0x0  }
0x2b0: {  	[sflag:s29] =	ssyncadd.s32 $0xFFFFFE00  }
0x2b1: {  	_ =	swait.ge [sflag:s29], $0x200  }
0x2b2: {  	[sflag:s29] =	ssyncset.done $0x0  }
0x2b3: {  	[sflag:s29] =	ssyncadd.s32 $0xFFFFFE00  }
0x2b4: {  	_ =	swait.ge [sflag:s29], $0x200  }
0x2b5: {  	[sflag:s29] =	ssyncset.done $0x0  }
0x2b6: {  	[sflag:s29] =	ssyncadd.s32 $0xFFFFFE00  }
0x2b7: {  	_ =	swait.ge [sflag:s29], $0x200  }
0x2b8: {  	[sflag:s29] =	ssyncset.done $0x0  }
0x2b9: {  	[sflag:s29] =	ssyncadd.s32 $0xFFFFFE00  }
0x2ba: {  	_ =	swait.ge [sflag:s29], $0x200  }
0x2bb: {  	s30 =	simm.s32 $0x0;
	[sflag:s29] =	ssyncset.done $0x0  }
0x2bc: {  	v0 =	vmov s30;
	[sflag:s29] =	ssyncadd.s32 $0xFFFFFE00  }
0x2bd: {  	vm2 =	veq.s32 v0, v3;
	_ =	swait.ge [sflag:s29], $0x200  }
0x2be: {  	v0 =	vor.u32 s30, v3;
	vm2 =	vmand vm2, vm1;
	[sflag:s29] =	ssyncset.done $0x0  }
0x2bf: {  	v0 =	vshrl.u32 v0, $0x2;
	v1 =	vsel vm2, $0xFFFFFFFF, v35;
	[sflag:s29] =	ssyncadd.s32 $0xFFFFFE00  }
0x2c0: {  	v0 =	vadd.s32 v1, v0;
	_ =	swait.ge [sflag:s29], $0x200  }
0x2c1: {  	v2 =	vshll.u32 v0, $0x7;
	[sflag:s29] =	ssyncset.done $0x0  }
0x2c2: {  	v0 =	vor.u32 v4, v2;
	[sflag:s29] =	ssyncadd.s32 $0xFFFFFE00  }
0x2c3: {  	_ =	swait.ge [sflag:s29], $0x200  }
0x2c4: {  	v1 =	vor.u32 v6, v2;
	v5 =	vld [tilespmem:$0x1FF80]  }
0x2c5: {  	[sflag:s29] =	ssyncset.done $0x0;
	v16 =	vld [tilespmem:$0x1FF00]  }
0x2c6: {  	s1 =	simm.s32 $0x2400;
	v46 =	vor.u32 v11, v2;
	v19 =	vld [tilespmem:$0x1FF20];
	[sflag:s29] =	ssyncadd.s32 $0xFFFFFE00  }
0x2c7: {  	v47 =	vld.idx.msk [tilespmem:v0+s1+$0x0], $0xffff  }
0x2c8: {  	v48 =	vor.u32 v12, v2;
	v0 =	vld.idx.msk [tilespmem:v0+s11+$0x0], $0xffff  }
0x2c9: {  	v49 =	vld.idx.msk [tilespmem:v1+s11+$0x0], $0xffff  }
0x2ca: {  	v50 =	vor.u32 v17, v2;
	v1 =	vld.idx.msk [tilespmem:v1+s1+$0x0], $0xffff  }
0x2cb: {  	v51 =	vld.idx.msk [tilespmem:v46+s11+$0x0], $0xffff  }
0x2cc: {  	v52 =	vor.u32 v18, v2;
	v46 =	vld.idx.msk [tilespmem:v46+s1+$0x0], $0xffff  }
0x2cd: {  	v53 =	vld.idx.msk [tilespmem:v48+s11+$0x0], $0xffff  }
0x2ce: {  	v60 =	vld.idx.msk [tilespmem:v48+s1+$0x0], $0xffff;
	v0 =	vmul.f32 v47, v0  }
0x2cf: {  	v63 =	vor.u32 v23, v2;
	v54 =	vld.idx.msk [tilespmem:v50+s11+$0x0], $0xffff  }
0x2d0: {  	v57 =	vld.idx.msk [tilespmem:v50+s1+$0x0], $0xffff;
	v1 =	vmul.f32 v1, v49;
	v0 =	vadd.f32 $0.0e+00, v0  }
0x2d1: {  	v58 =	vor.u32 v24, v2;
	v55 =	vld.idx.msk [tilespmem:v52+s11+$0x0], $0xffff  }
0x2d2: {  	v0 =	vadd.f32 v1, v0;
	v1 =	vmul.f32 v46, v51;
	v46 =	vcombine.low v5, v38;
	v5 =	vld [tilespmem:$0x1FFA0]  }
0x2d3: {  	v61 =	vor.u32 v30, v2;
	v59 =	vld.idx.msk [tilespmem:v52+s1+$0x0], $0xffff  }
0x2d4: {  	v62 =	vld.idx.msk [tilespmem:v63+s11+$0x0], $0xffff  }
0x2d5: {  	v56 =	vsel vm0, v39, v25;
	v63 =	vld.idx.msk [tilespmem:v63+s1+$0x0], $0xffff  }
0x2d6: {  	v49 =	vld.idx.msk [tilespmem:v58+s1+$0x0], $0xffff;
	v0 =	vadd.f32 v1, v0;
	v1 =	vmul.f32 v60, v53;
	v60 =	vor.u32 v31, v2  }
0x2d7: {  	v47 =	vcombine.low v5, v56;
	v5 =	vld [tilespmem:$0x1FFC0]  }
0x2d8: {  	v51 =	vld.idx.msk [tilespmem:v61+s1+$0x0], $0xffff;
	v0 =	vadd.f32 v1, v0;
	v1 =	vmul.f32 v57, v54  }
0x2d9: {  	v50 =	vor.u32 v36, v2;
	v53 =	vld.idx.msk [tilespmem:v58+s11+$0x0], $0xffff  }
0x2da: {  	v54 =	vld.idx.msk [tilespmem:v61+s11+$0x0], $0xffff;
	v0 =	vadd.f32 v1, v0;
	v1 =	vmul.f32 v59, v55  }
0x2db: {  	v55 =	vor.u32 v37, v2;
	v59 =	vsel vm0, v40, v28;
	v57 =	vld.idx.msk [tilespmem:v60+s11+$0x0], $0xffff  }
0x2dc: {  	v0 =	vadd.f32 v1, v0;
	v1 =	vmul.f32 v63, v62;
	v48 =	vcombine.low v5, v59;
	v5 =	vld [tilespmem:$0x1FFE0]  }
0x2dd: {  	v58 =	vor.u32 v46, v2;
	v52 =	vld.idx.msk [tilespmem:v60+s1+$0x0], $0xffff  }
0x2de: {  	v60 =	vld.idx.msk [tilespmem:v50+s11+$0x0], $0xffff;
	v0 =	vadd.f32 v1, v0;
	v1 =	vmul.f32 v49, v53  }
0x2df: {  	v61 =	vor.u32 v47, v2;
	v53 =	vld.idx.msk [tilespmem:v50+s1+$0x0], $0xffff  }
0x2e0: {  	v62 =	vsel vm0, v41, v29;
	v63 =	vld.idx.msk [tilespmem:v55+s11+$0x0], $0xffff;
	v0 =	vadd.f32 v1, v0;
	v1 =	vmul.f32 v51, v54  }
0x2e1: {  	v54 =	vld.idx.msk [tilespmem:v55+s1+$0x0], $0xffff;
	v55 =	vor.u32 v48, v2;
	v49 =	vcombine.low v5, v62  }
0x2e2: {  	v8 =	vsel vm0, v43, v39;
	v7 =	vld.idx.msk [tilespmem:v58+s11+$0x0], $0xffff;
	v0 =	vadd.f32 v1, v0;
	v5 =	vsel vm0, v42, v34  }
0x2e3: {  	v1 =	vmul.f32 v52, v57;
	v57 =	vld.idx.msk [tilespmem:v58+s1+$0x0], $0xffff;
	v50 =	vcombine.low v26, v5;
	v58 =	vor.u32 v49, v2  }
0x2e4: {  	v9 =	vld.idx.msk [tilespmem:v61+s11+$0x0], $0xffff;
	v51 =	vcombine.low v27, v8  }
0x2e5: {  	v0 =	vadd.f32 v1, v0;
	v1 =	vmul.f32 v53, v60;
	v60 =	vld.idx.msk [tilespmem:v61+s1+$0x0], $0xffff;
	v61 =	vor.u32 v50, v2  }
0x2e6: {  	v10 =	vsel vm0, v44, v40;
	v13 =	vld.idx.msk [tilespmem:v55+s11+$0x0], $0xffff  }
0x2e7: {  	v55 =	vld.idx.msk [tilespmem:v55+s1+$0x0], $0xffff;
	v0 =	vadd.f32 v1, v0;
	v1 =	vmul.f32 v54, v63;
	v63 =	vor.u32 v51, v2  }
0x2e8: {  	v52 =	vcombine.low v32, v10;
	v15 =	vld.idx.msk [tilespmem:v58+s11+$0x0], $0xffff  }
0x2e9: {  	v0 =	vadd.f32 v1, v0;
	v1 =	vmul.f32 v57, v7;
	v7 =	vld.idx.msk [tilespmem:v58+s1+$0x0], $0xffff  }
0x2ea: {  	v57 =	vor.u32 v52, v2;
	v58 =	vld.idx.msk [tilespmem:v61+s11+$0x0], $0xffff  }
0x2eb: {  	v14 =	vsel vm0, v45, v41;
	v0 =	vadd.f32 v1, v0;
	v1 =	vmul.f32 v60, v9;
	v9 =	vld.idx.msk [tilespmem:v61+s1+$0x0], $0xffff  }
0x2ec: {  	v53 =	vcombine.low v33, v14;
	v61 =	vld.idx.msk [tilespmem:v63+s11+$0x0], $0xffff  }
0x2ed: {  	v0 =	vadd.f32 v1, v0;
	v1 =	vmul.f32 v55, v13;
	v13 =	vld.idx.msk [tilespmem:v63+s1+$0x0], $0xffff  }
0x2ee: {  	v20 =	vld [tilespmem:$0x1FF40];
	v16 =	vsel vm0, v16, v42;
	v60 =	vor.u32 v53, v2  }
0x2ef: {  	v54 =	vcombine.low v38, v16;
	v21 =	vld.idx.msk [tilespmem:v57+s11+$0x0], $0xffff  }
0x2f0: {  	v0 =	vadd.f32 v1, v0;
	v1 =	vmul.f32 v7, v15;
	v7 =	vld.idx.msk [tilespmem:v57+s1+$0x0], $0xffff  }
0x2f1: {  	v22 =	vld [tilespmem:$0x1FF50];
	v19 =	vsel vm0, v19, v43;
	v63 =	vor.u32 v54, v2  }
0x2f2: {  	v55 =	vcombine.low v56, v19;
	v13 =	vmul.f32 v13, v61;
	v61 =	vld [tilespmem:$0x1FF10]  }
0x2f3: {  	v0 =	vadd.f32 v1, v0;
	v1 =	vld.idx.msk [tilespmem:v60+s11+$0x0], $0xffff  }
0x2f4: {  	v15 =	vor.u32 v55, v2;
	v9 =	vmul.f32 v9, v58;
	v60 =	vld.idx.msk [tilespmem:v60+s1+$0x0], $0xffff  }
0x2f5: {  	v20 =	vsel vm0, v20, v44;
	v7 =	vmul.f32 v7, v21;
	v21 =	vld [tilespmem:$0x1FF30]  }
0x2f6: {  	v22 =	vsel vm0, v22, v45;
	v56 =	vcombine.low v59, v20;
	v0 =	vadd.f32 v9, v0;
	v9 =	vld.idx.msk [tilespmem:v63+s11+$0x0], $0xffff  }
0x2f7: {  	v57 =	vcombine.low v62, v22;
	v58 =	vcombine.low v5, v61;
	v5 =	vld.idx.msk [tilespmem:v63+s1+$0x0], $0xffff  }
0x2f8: {  	v62 =	vor.u32 v56, v2  }
0x2f9: {  	v0 =	vadd.f32 v13, v0;
	v13 =	vld.idx.msk [tilespmem:v15+s11+$0x0], $0xffff;
	v63 =	vor.u32 v57, v2  }
0x2fa: {  	v59 =	vcombine.low v8, v21;
	v21 =	vld [tilespmem:$0x1FF60]  }
0x2fb: {  	v8 =	vld.idx.msk [tilespmem:v15+s1+$0x0], $0xffff  }
0x2fc: {  	v1 =	vmul.f32 v60, v1;
	v0 =	vadd.f32 v7, v0;
	v5 =	vmul.f32 v5, v9;
	v9 =	vld [tilespmem:$0x1FF70]  }
0x2fd: {  	v7 =	vld.idx.msk [tilespmem:v62+s11+$0x0], $0xffff  }
0x2fe: {  	v15 =	vor.u32 v58, v2;
	v0 =	vadd.f32 v1, v0;
	v1 =	vld.idx.msk [tilespmem:v63+s11+$0x0], $0xffff  }
0x2ff: {  	v60 =	vcombine.low v10, v21;
	v10 =	vld.idx.msk [tilespmem:v62+s1+$0x0], $0xffff  }
0x300: {  	v8 =	vmul.f32 v8, v13;
	v13 =	vld [tilespmem:$0x1FF90]  }
0x301: {  	v61 =	vcombine.low v14, v9;
	v9 =	vld.idx.msk [tilespmem:v63+s1+$0x0], $0xffff  }
0x302: {  	v0 =	vadd.f32 v5, v0;
	v21 =	vor.u32 v59, v2  }
0x303: {  	v5 =	vld.idx.msk [tilespmem:v15+s11+$0x0], $0xffff  }
0x304: {  	v0 =	vadd.f32 v8, v0;
	v7 =	vmul.f32 v10, v7;
	v10 =	vld [tilespmem:$0x1FFB0]  }
0x305: {  	v14 =	vor.u32 v60, v2;
	v62 =	vcombine.low v16, v13;
	v13 =	vld.idx.msk [tilespmem:v15+s1+$0x0], $0xffff  }
0x306: {  	v7 =	vadd.f32 v7, v0;
	v1 =	vmul.f32 v9, v1;
	v0 =	vld [tilespmem:$0x1FFD0]  }
0x307: {  	v15 =	vor.u32 v61, v2;
	v8 =	vld.idx.msk [tilespmem:v21+s11+$0x0], $0xffff  }
0x308: {  	v7 =	vadd.f32 v1, v7;
	v1 =	vld [tilespmem:$0x1FFF0]  }
0x309: {  	v16 =	vor.u32 v62, v2;
	v63 =	vcombine.low v19, v10;
	v10 =	vld.idx.msk [tilespmem:v21+s1+$0x0], $0xffff  }
0x30a: {  	v9 =	vld.idx.msk [tilespmem:v14+s1+$0x0], $0xffff  }
0x30b: {  	v19 =	vld.idx.msk [tilespmem:v14+s11+$0x0], $0xffff;
	v0 =	vcombine.low v20, v0;
	v14 =	vor.u32 v63, v2  }
0x30c: {  	v5 =	vmul.f32 v13, v5;
	v13 =	vld.idx.msk [tilespmem:v15+s1+$0x0], $0xffff  }
0x30d: {  	v20 =	vld.idx.msk [tilespmem:v15+s11+$0x0], $0xffff;
	v1 =	vcombine.low v22, v1;
	v15 =	vor.u32 v0, v2  }
0x30e: {  	v5 =	vadd.f32 v5, v7;
	v7 =	vld.idx.msk [tilespmem:v16+s11+$0x0], $0xffff;
	v8 =	vmul.f32 v10, v8  }
0x30f: {  	v10 =	vld.idx.msk [tilespmem:v16+s1+$0x0], $0xffff;
	v2 =	vor.u32 v1, v2  }
0x310: {  	v16 =	vld.idx.msk [tilespmem:v14+s11+$0x0], $0xffff;
	v5 =	vadd.f32 v8, v5;
	v8 =	vmul.f32 v9, v19  }
0x311: {  	v9 =	vld.idx.msk [tilespmem:v14+s1+$0x0], $0xffff  }
0x312: {  	v14 =	vld.idx.msk [tilespmem:v15+s11+$0x0], $0xffff;
	v5 =	vadd.f32 v8, v5;
	v8 =	vmul.f32 v13, v20  }
0x313: {  	v13 =	vld.idx.msk [tilespmem:v15+s1+$0x0], $0xffff  }
0x314: {  	v7 =	vmul.f32 v10, v7;
	v15 =	vld.idx.msk [tilespmem:v2+s11+$0x0], $0xffff;
	v5 =	vadd.f32 v8, v5  }
0x315: {  	v2 =	vld.idx.msk [tilespmem:v2+s1+$0x0], $0xffff  }
0x316: {  	v5 =	vadd.f32 v7, v5;
	v7 =	vmul.f32 v9, v16;
	_ =	sdelay $0x1  }
0x317: {  	v5 =	vadd.f32 v7, v5;
	v7 =	vmul.f32 v13, v14;
	_ =	sdelay $0x1  }
0x318: {  	v2 =	vmul.f32 v2, v15;
	v5 =	vadd.f32 v7, v5;
	_ =	sdelay $0x1  }
0x319: {  	v2 =	vadd.f32 v2, v5;
	_ =	sdelay $0x1  }
0x31a: {  	v2 =	vsub.f32 $0.0e+00, v2;
	_ =	sdelay $0x1  }
0x31b: {  	v2 =	vmul.f32 $1.442695020e+00, v2;
	_ =	sdelay $0x1  }
0x31c: {  	(erf) = vpow2.f32 v2;
	_ =	sdelay $0x8  }
0x31d: {  	v2 =	vpop (erf)  }
0x31e: {  	v2 =	vadd.f32 $1.000000000e+00, v2  }
0x31f: {  	s31 =	simm.s32 $0x10  }
0x320: {  	v5 =	vmov s31;
	(erf) = vrcp.f32 v2  }
0x321: {  	vm2 =	veq.s32 v5, v3  }
0x322: {  	vm2 =	vmand vm2, vm1;
	v2 =	vor.u32 s31, v3  }
0x323: {  	v5 =	vsel vm2, $0xFFFFFFFF, v35;
	v2 =	vshrl.u32 v2, $0x2  }
0x324: {  	v2 =	vadd.s32 v5, v2  }
0x325: {  	v2 =	vshll.u32 v2, $0x7  }
0x326: {  	v5 =	vor.u32 v4, v2;
	_ =	sdelay $0x1  }
0x327: {  	v7 =	vor.u32 v6, v2  }
0x328: {  	s19 =	simm.s32 $0x8400;
	v8 =	vpop (erf)  }
0x329: {  	v9 =	vor.u32 v11, v2;
	[tilespmem:s19+$0x0] =	vst v8  }
0x32a: {  	v8 =	vld.idx.msk [tilespmem:v5+s1+$0x0], $0xffff  }
0x32b: {  	v10 =	vor.u32 v12, v2;
	v5 =	vld.idx.msk [tilespmem:v5+s11+$0x0], $0xffff  }
0x32c: {  	v13 =	vld.idx.msk [tilespmem:v7+s11+$0x0], $0xffff  }
0x32d: {  	v14 =	vor.u32 v17, v2;
	v7 =	vld.idx.msk [tilespmem:v7+s1+$0x0], $0xffff  }
0x32e: {  	v15 =	vld.idx.msk [tilespmem:v9+s11+$0x0], $0xffff  }
0x32f: {  	v16 =	vor.u32 v18, v2;
	v9 =	vld.idx.msk [tilespmem:v9+s1+$0x0], $0xffff  }
0x330: {  	v19 =	vld.idx.msk [tilespmem:v10+s11+$0x0], $0xffff;
	v5 =	vmul.f32 v8, v5  }
0x331: {  	v8 =	vld.idx.msk [tilespmem:v10+s1+$0x0], $0xffff;
	v10 =	vor.u32 v23, v2  }
0x332: {  	v20 =	vld.idx.msk [tilespmem:v14+s11+$0x0], $0xffff;
	v7 =	vmul.f32 v7, v13;
	v5 =	vadd.f32 $0.0e+00, v5  }
0x333: {  	v13 =	vld.idx.msk [tilespmem:v14+s1+$0x0], $0xffff;
	v14 =	vor.u32 v24, v2  }
0x334: {  	v9 =	vmul.f32 v9, v15;
	v15 =	vld.idx.msk [tilespmem:v16+s1+$0x0], $0xffff;
	v5 =	vadd.f32 v7, v5  }
0x335: {  	v7 =	vld.idx.msk [tilespmem:v16+s11+$0x0], $0xffff;
	v16 =	vor.u32 v30, v2  }
0x336: {  	v8 =	vmul.f32 v8, v19;
	v5 =	vadd.f32 v9, v5;
	v9 =	vld.idx.msk [tilespmem:v10+s11+$0x0], $0xffff  }
0x337: {  	v19 =	vor.u32 v31, v2;
	v10 =	vld.idx.msk [tilespmem:v10+s1+$0x0], $0xffff  }
0x338: {  	v13 =	vmul.f32 v13, v20;
	v5 =	vadd.f32 v8, v5;
	v8 =	vld.idx.msk [tilespmem:v14+s11+$0x0], $0xffff  }
0x339: {  	v20 =	vor.u32 v36, v2;
	v14 =	vld.idx.msk [tilespmem:v14+s1+$0x0], $0xffff  }
0x33a: {  	v7 =	vmul.f32 v15, v7;
	v15 =	vld.idx.msk [tilespmem:v16+s1+$0x0], $0xffff;
	v5 =	vadd.f32 v13, v5  }
0x33b: {  	v13 =	vld.idx.msk [tilespmem:v16+s11+$0x0], $0xffff;
	v16 =	vor.u32 v37, v2  }
0x33c: {  	v9 =	vmul.f32 v10, v9;
	v10 =	vld.idx.msk [tilespmem:v19+s1+$0x0], $0xffff;
	v5 =	vadd.f32 v7, v5  }
0x33d: {  	v7 =	vld.idx.msk [tilespmem:v19+s11+$0x0], $0xffff;
	v19 =	vor.u32 v46, v2  }
0x33e: {  	v8 =	vmul.f32 v14, v8;
	v14 =	vld.idx.msk [tilespmem:v20+s1+$0x0], $0xffff;
	v5 =	vadd.f32 v9, v5  }
0x33f: {  	v9 =	vld.idx.msk [tilespmem:v20+s11+$0x0], $0xffff;
	v20 =	vor.u32 v47, v2  }
0x340: {  	v13 =	vmul.f32 v15, v13;
	v15 =	vld.idx.msk [tilespmem:v16+s1+$0x0], $0xffff;
	v5 =	vadd.f32 v8, v5  }
0x341: {  	v8 =	vld.idx.msk [tilespmem:v16+s11+$0x0], $0xffff;
	v16 =	vor.u32 v48, v2  }
0x342: {  	v7 =	vmul.f32 v10, v7;
	v10 =	vld.idx.msk [tilespmem:v19+s1+$0x0], $0xffff;
	v5 =	vadd.f32 v13, v5  }
0x343: {  	v13 =	vld.idx.msk [tilespmem:v19+s11+$0x0], $0xffff;
	v19 =	vor.u32 v49, v2  }
0x344: {  	v9 =	vmul.f32 v14, v9;
	v14 =	vld.idx.msk [tilespmem:v20+s1+$0x0], $0xffff;
	v5 =	vadd.f32 v7, v5  }
0x345: {  	v7 =	vld.idx.msk [tilespmem:v20+s11+$0x0], $0xffff;
	v20 =	vor.u32 v50, v2  }
0x346: {  	v8 =	vmul.f32 v15, v8;
	v15 =	vld.idx.msk [tilespmem:v16+s1+$0x0], $0xffff;
	v5 =	vadd.f32 v9, v5  }
0x347: {  	v9 =	vld.idx.msk [tilespmem:v16+s11+$0x0], $0xffff;
	v16 =	vor.u32 v51, v2  }
0x348: {  	v10 =	vmul.f32 v10, v13;
	v13 =	vld.idx.msk [tilespmem:v19+s1+$0x0], $0xffff;
	v5 =	vadd.f32 v8, v5  }
0x349: {  	v8 =	vld.idx.msk [tilespmem:v19+s11+$0x0], $0xffff;
	v19 =	vor.u32 v52, v2  }
0x34a: {  	v7 =	vmul.f32 v14, v7;
	v14 =	vld.idx.msk [tilespmem:v20+s1+$0x0], $0xffff;
	v5 =	vadd.f32 v10, v5  }
0x34b: {  	v10 =	vld.idx.msk [tilespmem:v20+s11+$0x0], $0xffff;
	v20 =	vor.u32 v53, v2  }
0x34c: {  	v9 =	vmul.f32 v15, v9;
	v15 =	vld.idx.msk [tilespmem:v16+s1+$0x0], $0xffff;
	v5 =	vadd.f32 v7, v5  }
0x34d: {  	v7 =	vld.idx.msk [tilespmem:v16+s11+$0x0], $0xffff;
	v16 =	vor.u32 v54, v2  }
0x34e: {  	v8 =	vmul.f32 v13, v8;
	v13 =	vld.idx.msk [tilespmem:v19+s1+$0x0], $0xffff;
	v5 =	vadd.f32 v9, v5  }
0x34f: {  	v9 =	vld.idx.msk [tilespmem:v19+s11+$0x0], $0xffff;
	v19 =	vor.u32 v55, v2  }
0x350: {  	v10 =	vmul.f32 v14, v10;
	v14 =	vld.idx.msk [tilespmem:v20+s1+$0x0], $0xffff;
	v5 =	vadd.f32 v8, v5  }
0x351: {  	v8 =	vld.idx.msk [tilespmem:v20+s11+$0x0], $0xffff;
	v20 =	vor.u32 v56, v2  }
0x352: {  	v7 =	vmul.f32 v15, v7;
	v15 =	vld.idx.msk [tilespmem:v16+s1+$0x0], $0xffff;
	v5 =	vadd.f32 v10, v5  }
0x353: {  	v10 =	vld.idx.msk [tilespmem:v16+s11+$0x0], $0xffff;
	v16 =	vor.u32 v57, v2  }
0x354: {  	v9 =	vmul.f32 v13, v9;
	v13 =	vld.idx.msk [tilespmem:v19+s1+$0x0], $0xffff;
	v5 =	vadd.f32 v7, v5  }
0x355: {  	v7 =	vld.idx.msk [tilespmem:v19+s11+$0x0], $0xffff;
	v19 =	vor.u32 v58, v2  }
0x356: {  	v8 =	vmul.f32 v14, v8;
	v14 =	vld.idx.msk [tilespmem:v20+s1+$0x0], $0xffff;
	v5 =	vadd.f32 v9, v5  }
0x357: {  	v9 =	vld.idx.msk [tilespmem:v20+s11+$0x0], $0xffff;
	v20 =	vor.u32 v59, v2  }
0x358: {  	v10 =	vmul.f32 v15, v10;
	v15 =	vld.idx.msk [tilespmem:v16+s1+$0x0], $0xffff;
	v5 =	vadd.f32 v8, v5  }
0x359: {  	v8 =	vld.idx.msk [tilespmem:v16+s11+$0x0], $0xffff;
	v16 =	vor.u32 v60, v2  }
0x35a: {  	v7 =	vmul.f32 v13, v7;
	v13 =	vld.idx.msk [tilespmem:v19+s1+$0x0], $0xffff;
	v5 =	vadd.f32 v10, v5  }
0x35b: {  	v10 =	vld.idx.msk [tilespmem:v19+s11+$0x0], $0xffff;
	v19 =	vor.u32 v61, v2  }
0x35c: {  	v9 =	vmul.f32 v14, v9;
	v14 =	vld.idx.msk [tilespmem:v20+s1+$0x0], $0xffff;
	v5 =	vadd.f32 v7, v5  }
0x35d: {  	v7 =	vld.idx.msk [tilespmem:v20+s11+$0x0], $0xffff;
	v20 =	vor.u32 v62, v2  }
0x35e: {  	v8 =	vmul.f32 v15, v8;
	v15 =	vld.idx.msk [tilespmem:v16+s1+$0x0], $0xffff;
	v5 =	vadd.f32 v9, v5  }
0x35f: {  	v9 =	vld.idx.msk [tilespmem:v16+s11+$0x0], $0xffff;
	v16 =	vor.u32 v63, v2  }
0x360: {  	v10 =	vmul.f32 v13, v10;
	v13 =	vld.idx.msk [tilespmem:v19+s1+$0x0], $0xffff;
	v5 =	vadd.f32 v8, v5  }
0x361: {  	v8 =	vld.idx.msk [tilespmem:v19+s11+$0x0], $0xffff;
	v19 =	vor.u32 v0, v2  }
0x362: {  	v7 =	vmul.f32 v14, v7;
	v14 =	vld.idx.msk [tilespmem:v20+s1+$0x0], $0xffff;
	v5 =	vadd.f32 v10, v5  }
0x363: {  	v2 =	vor.u32 v1, v2;
	v10 =	vld.idx.msk [tilespmem:v20+s11+$0x0], $0xffff  }
0x364: {  	v5 =	vadd.f32 v7, v5;
	v7 =	vmul.f32 v15, v9;
	v9 =	vld.idx.msk [tilespmem:v16+s11+$0x0], $0xffff  }
0x365: {  	v15 =	vld.idx.msk [tilespmem:v16+s1+$0x0], $0xffff  }
0x366: {  	v5 =	vadd.f32 v7, v5;
	v7 =	vmul.f32 v13, v8;
	v8 =	vld.idx.msk [tilespmem:v19+s11+$0x0], $0xffff  }
0x367: {  	v13 =	vld.idx.msk [tilespmem:v19+s1+$0x0], $0xffff  }
0x368: {  	v5 =	vadd.f32 v7, v5;
	v7 =	vmul.f32 v14, v10;
	v10 =	vld.idx.msk [tilespmem:v2+s11+$0x0], $0xffff  }
0x369: {  	v2 =	vld.idx.msk [tilespmem:v2+s1+$0x0], $0xffff  }
0x36a: {  	v5 =	vadd.f32 v7, v5;
	v7 =	vmul.f32 v15, v9;
	_ =	sdelay $0x1  }
0x36b: {  	v5 =	vadd.f32 v7, v5;
	v7 =	vmul.f32 v13, v8;
	_ =	sdelay $0x1  }
0x36c: {  	v2 =	vmul.f32 v2, v10;
	v5 =	vadd.f32 v7, v5;
	_ =	sdelay $0x1  }
0x36d: {  	v2 =	vadd.f32 v2, v5;
	_ =	sdelay $0x1  }
0x36e: {  	v2 =	vsub.f32 $0.0e+00, v2;
	_ =	sdelay $0x1  }
0x36f: {  	v2 =	vmul.f32 $1.442695020e+00, v2;
	_ =	sdelay $0x1  }
0x370: {  	(erf) = vpow2.f32 v2;
	_ =	sdelay $0x8  }
0x371: {  	v2 =	vpop (erf)  }
0x372: {  	v2 =	vadd.f32 $1.000000000e+00, v2  }
0x373: {  	s20 =	simm.s32 $0x20  }
0x374: {  	v5 =	vmov s20;
	(erf) = vrcp.f32 v2  }
0x375: {  	s21 =	simm.s32 $0x30;
	vm2 =	veq.s32 v5, v3  }
.LBB2_6:
0x376: {  	p0 =	sne.s32 s21, $0xF0;
	v2 =	vor.u32 s20, v3;
	vm2 =	vmand vm2, vm1;
	s20 =	smov.u32 s21  }
0x377: {  	v2 =	vshrl.u32 v2, $0x2;
	v5 =	vsel vm2, $0xFFFFFFFF, v35  }
0x378: {  	v2 =	vadd.s32 v5, v2  }
0x379: {  	v2 =	vshll.u32 v2, $0x7  }
0x37a: {  	v5 =	vor.u32 v4, v2;
	_ =	sdelay $0x1  }
0x37b: {  	v7 =	vor.u32 v6, v2  }
0x37c: {  	s19 =	sadd.s32 $0x10, s19;
	v8 =	vpop (erf)  }
0x37d: {  	v9 =	vor.u32 v11, v2;
	[tilespmem:s19+$0x0] =	vst v8  }
0x37e: {  	v8 =	vld.idx.msk [tilespmem:v5+s1+$0x0], $0xffff  }
0x37f: {  	v10 =	vor.u32 v12, v2;
	v5 =	vld.idx.msk [tilespmem:v5+s11+$0x0], $0xffff  }
0x380: {  	v13 =	vld.idx.msk [tilespmem:v7+s11+$0x0], $0xffff  }
0x381: {  	v14 =	vor.u32 v17, v2;
	v7 =	vld.idx.msk [tilespmem:v7+s1+$0x0], $0xffff  }
0x382: {  	v15 =	vld.idx.msk [tilespmem:v9+s11+$0x0], $0xffff  }
0x383: {  	v16 =	vor.u32 v18, v2;
	v9 =	vld.idx.msk [tilespmem:v9+s1+$0x0], $0xffff  }
0x384: {  	v19 =	vld.idx.msk [tilespmem:v10+s11+$0x0], $0xffff  }
0x385: {  	v5 =	vmul.f32 v8, v5;
	v8 =	vld.idx.msk [tilespmem:v10+s1+$0x0], $0xffff;
	v10 =	vor.u32 v23, v2  }
0x386: {  	v20 =	vld.idx.msk [tilespmem:v14+s11+$0x0], $0xffff  }
0x387: {  	v5 =	vadd.f32 $0.0e+00, v5;
	v7 =	vmul.f32 v7, v13;
	v13 =	vld.idx.msk [tilespmem:v14+s1+$0x0], $0xffff;
	v14 =	vor.u32 v24, v2  }
0x388: {  	v21 =	vld.idx.msk [tilespmem:v16+s11+$0x0], $0xffff  }
0x389: {  	v5 =	vadd.f32 v7, v5;
	v7 =	vmul.f32 v9, v15;
	v15 =	vor.u32 v30, v2;
	v9 =	vld.idx.msk [tilespmem:v16+s1+$0x0], $0xffff  }
0x38a: {  	v16 =	vld.idx.msk [tilespmem:v10+s11+$0x0], $0xffff  }
0x38b: {  	v5 =	vadd.f32 v7, v5;
	v7 =	vmul.f32 v8, v19;
	v8 =	vld.idx.msk [tilespmem:v10+s1+$0x0], $0xffff;
	v10 =	vor.u32 v31, v2  }
0x38c: {  	v19 =	vld.idx.msk [tilespmem:v14+s11+$0x0], $0xffff  }
0x38d: {  	v5 =	vadd.f32 v7, v5;
	v7 =	vmul.f32 v13, v20;
	v13 =	vld.idx.msk [tilespmem:v14+s1+$0x0], $0xffff;
	v14 =	vor.u32 v36, v2  }
0x38e: {  	v20 =	vld.idx.msk [tilespmem:v15+s11+$0x0], $0xffff  }
0x38f: {  	v5 =	vadd.f32 v7, v5;
	v7 =	vmul.f32 v9, v21;
	v9 =	vld.idx.msk [tilespmem:v15+s1+$0x0], $0xffff;
	v15 =	vor.u32 v37, v2  }
0x390: {  	v21 =	vld.idx.msk [tilespmem:v10+s11+$0x0], $0xffff  }
0x391: {  	v5 =	vadd.f32 v7, v5;
	v7 =	vmul.f32 v8, v16;
	v8 =	vld.idx.msk [tilespmem:v10+s1+$0x0], $0xffff;
	v10 =	vor.u32 v46, v2  }
0x392: {  	v16 =	vld.idx.msk [tilespmem:v14+s11+$0x0], $0xffff  }
0x393: {  	v5 =	vadd.f32 v7, v5;
	v7 =	vmul.f32 v13, v19;
	v13 =	vld.idx.msk [tilespmem:v14+s1+$0x0], $0xffff;
	v14 =	vor.u32 v47, v2  }
0x394: {  	v19 =	vld.idx.msk [tilespmem:v15+s11+$0x0], $0xffff  }
0x395: {  	v5 =	vadd.f32 v7, v5;
	v7 =	vmul.f32 v9, v20;
	v9 =	vld.idx.msk [tilespmem:v15+s1+$0x0], $0xffff;
	v15 =	vor.u32 v48, v2  }
0x396: {  	v20 =	vld.idx.msk [tilespmem:v10+s11+$0x0], $0xffff  }
0x397: {  	v5 =	vadd.f32 v7, v5;
	v7 =	vmul.f32 v8, v21;
	v8 =	vld.idx.msk [tilespmem:v10+s1+$0x0], $0xffff;
	v10 =	vor.u32 v49, v2  }
0x398: {  	v21 =	vld.idx.msk [tilespmem:v14+s11+$0x0], $0xffff  }
0x399: {  	v5 =	vadd.f32 v7, v5;
	v7 =	vmul.f32 v13, v16;
	v13 =	vld.idx.msk [tilespmem:v14+s1+$0x0], $0xffff;
	v14 =	vor.u32 v50, v2  }
0x39a: {  	v16 =	vld.idx.msk [tilespmem:v15+s11+$0x0], $0xffff  }
0x39b: {  	v5 =	vadd.f32 v7, v5;
	v7 =	vmul.f32 v9, v19;
	v9 =	vld.idx.msk [tilespmem:v15+s1+$0x0], $0xffff;
	v15 =	vor.u32 v51, v2  }
0x39c: {  	v19 =	vld.idx.msk [tilespmem:v10+s11+$0x0], $0xffff  }
0x39d: {  	v5 =	vadd.f32 v7, v5;
	v7 =	vmul.f32 v8, v20;
	v8 =	vld.idx.msk [tilespmem:v10+s1+$0x0], $0xffff;
	v10 =	vor.u32 v52, v2  }
0x39e: {  	v20 =	vld.idx.msk [tilespmem:v14+s11+$0x0], $0xffff  }
0x39f: {  	v5 =	vadd.f32 v7, v5;
	v7 =	vmul.f32 v13, v21;
	v13 =	vld.idx.msk [tilespmem:v14+s1+$0x0], $0xffff;
	v14 =	vor.u32 v53, v2  }
0x3a0: {  	v21 =	vld.idx.msk [tilespmem:v15+s11+$0x0], $0xffff  }
0x3a1: {  	v5 =	vadd.f32 v7, v5;
	v7 =	vmul.f32 v9, v16;
	v9 =	vld.idx.msk [tilespmem:v15+s1+$0x0], $0xffff;
	v15 =	vor.u32 v54, v2  }
0x3a2: {  	v16 =	vld.idx.msk [tilespmem:v10+s11+$0x0], $0xffff  }
0x3a3: {  	v5 =	vadd.f32 v7, v5;
	v7 =	vmul.f32 v8, v19;
	v8 =	vld.idx.msk [tilespmem:v10+s1+$0x0], $0xffff;
	v10 =	vor.u32 v55, v2  }
0x3a4: {  	v19 =	vld.idx.msk [tilespmem:v14+s11+$0x0], $0xffff  }
0x3a5: {  	v5 =	vadd.f32 v7, v5;
	v7 =	vmul.f32 v13, v20;
	v13 =	vld.idx.msk [tilespmem:v14+s1+$0x0], $0xffff;
	v14 =	vor.u32 v56, v2  }
0x3a6: {  	v20 =	vld.idx.msk [tilespmem:v15+s11+$0x0], $0xffff  }
0x3a7: {  	v5 =	vadd.f32 v7, v5;
	v7 =	vmul.f32 v9, v21;
	v9 =	vld.idx.msk [tilespmem:v15+s1+$0x0], $0xffff;
	v15 =	vor.u32 v57, v2  }
0x3a8: {  	v21 =	vld.idx.msk [tilespmem:v10+s11+$0x0], $0xffff  }
0x3a9: {  	v5 =	vadd.f32 v7, v5;
	v7 =	vmul.f32 v8, v16;
	v8 =	vld.idx.msk [tilespmem:v10+s1+$0x0], $0xffff;
	v10 =	vor.u32 v58, v2  }
0x3aa: {  	v16 =	vld.idx.msk [tilespmem:v14+s11+$0x0], $0xffff  }
0x3ab: {  	v5 =	vadd.f32 v7, v5;
	v7 =	vmul.f32 v13, v19;
	v13 =	vld.idx.msk [tilespmem:v14+s1+$0x0], $0xffff;
	v14 =	vor.u32 v59, v2  }
0x3ac: {  	v19 =	vld.idx.msk [tilespmem:v15+s11+$0x0], $0xffff  }
0x3ad: {  	v5 =	vadd.f32 v7, v5;
	v7 =	vmul.f32 v9, v20;
	v9 =	vld.idx.msk [tilespmem:v15+s1+$0x0], $0xffff;
	v15 =	vor.u32 v60, v2  }
0x3ae: {  	v20 =	vld.idx.msk [tilespmem:v10+s11+$0x0], $0xffff  }
0x3af: {  	v5 =	vadd.f32 v7, v5;
	v7 =	vmul.f32 v8, v21;
	v8 =	vld.idx.msk [tilespmem:v10+s1+$0x0], $0xffff;
	v10 =	vor.u32 v61, v2  }
0x3b0: {  	v21 =	vld.idx.msk [tilespmem:v14+s11+$0x0], $0xffff  }
0x3b1: {  	v5 =	vadd.f32 v7, v5;
	v7 =	vmul.f32 v13, v16;
	v13 =	vld.idx.msk [tilespmem:v14+s1+$0x0], $0xffff;
	v14 =	vor.u32 v62, v2  }
0x3b2: {  	v16 =	vld.idx.msk [tilespmem:v15+s11+$0x0], $0xffff  }
0x3b3: {  	v5 =	vadd.f32 v7, v5;
	v7 =	vmul.f32 v9, v19;
	v9 =	vld.idx.msk [tilespmem:v15+s1+$0x0], $0xffff;
	v15 =	vor.u32 v63, v2  }
0x3b4: {  	v19 =	vld.idx.msk [tilespmem:v10+s11+$0x0], $0xffff  }
0x3b5: {  	v5 =	vadd.f32 v7, v5;
	v7 =	vmul.f32 v8, v20;
	v8 =	vld.idx.msk [tilespmem:v10+s1+$0x0], $0xffff;
	v10 =	vor.u32 v0, v2  }
0x3b6: {  	v20 =	vld.idx.msk [tilespmem:v14+s11+$0x0], $0xffff  }
0x3b7: {  	v2 =	vor.u32 v1, v2;
	v5 =	vadd.f32 v7, v5;
	v7 =	vmul.f32 v13, v21;
	v13 =	vld.idx.msk [tilespmem:v14+s1+$0x0], $0xffff  }
0x3b8: {  	v14 =	vld.idx.msk [tilespmem:v15+s11+$0x0], $0xffff  }
0x3b9: {  	v5 =	vadd.f32 v7, v5;
	v7 =	vmul.f32 v9, v16;
	v9 =	vld.idx.msk [tilespmem:v15+s1+$0x0], $0xffff  }
0x3ba: {  	v15 =	vld.idx.msk [tilespmem:v10+s11+$0x0], $0xffff  }
0x3bb: {  	v5 =	vadd.f32 v7, v5;
	v7 =	vmul.f32 v8, v19;
	v8 =	vld.idx.msk [tilespmem:v10+s1+$0x0], $0xffff  }
0x3bc: {  	v10 =	vld.idx.msk [tilespmem:v2+s11+$0x0], $0xffff  }
0x3bd: {  	v5 =	vadd.f32 v7, v5;
	v7 =	vmul.f32 v13, v20;
	v2 =	vld.idx.msk [tilespmem:v2+s1+$0x0], $0xffff;
	_ =	sdelay $0x1  }
0x3be: {  	v5 =	vadd.f32 v7, v5;
	v7 =	vmul.f32 v9, v14;
	_ =	sdelay $0x1  }
0x3bf: {  	v5 =	vadd.f32 v7, v5;
	v7 =	vmul.f32 v8, v15;
	_ =	sdelay $0x1  }
0x3c0: {  	v5 =	vadd.f32 v7, v5;
	v2 =	vmul.f32 v2, v10;
	_ =	sdelay $0x1  }
0x3c1: {  	v2 =	vadd.f32 v2, v5;
	_ =	sdelay $0x1  }
0x3c2: {  	v2 =	vsub.f32 $0.0e+00, v2;
	_ =	sdelay $0x1  }
0x3c3: {  	v2 =	vmul.f32 $1.442695020e+00, v2;
	_ =	sdelay $0x1  }
0x3c4: {  	(erf) = vpow2.f32 v2;
	_ =	sdelay $0x8  }
.Ltmp2:
0x3c5: {  	v2 =	vpop (erf);
	(pc) =	sbr.rel @p0 .LBB2_6-.Ltmp2, $3  }
0x3c6: {  	v2 =	vadd.f32 $1.000000000e+00, v2;
	_ =	sdelay $0x1  }
0x3c7: {  	v5 =	vmov s21;
	(erf) = vrcp.f32 v2  }
0x3c8: {  	s21 =	sadd.s32 $0x10, s21;
	vm2 =	veq.s32 v5, v3  }
0x3c9: {  	v2 =	vor.u32 s20, v3;
	vm2 =	vmand vm2, vm1  }
0x3ca: {  	v2 =	vshrl.u32 v2, $0x2;
	v5 =	vsel vm2, $0xFFFFFFFF, v35  }
0x3cb: {  	v2 =	vadd.s32 v5, v2  }
0x3cc: {  	v2 =	vshll.u32 v2, $0x7  }
0x3cd: {  	v5 =	vor.u32 v4, v2;
	_ =	sdelay $0x1  }
0x3ce: {  	v7 =	vor.u32 v6, v2  }
0x3cf: {  	s19 =	sadd.s32 $0x10, s19;
	v8 =	vpop (erf)  }
0x3d0: {  	v9 =	vor.u32 v11, v2;
	[tilespmem:s19+$0x0] =	vst v8  }
0x3d1: {  	v8 =	vld.idx.msk [tilespmem:v5+s1+$0x0], $0xffff  }
0x3d2: {  	v10 =	vor.u32 v12, v2;
	v5 =	vld.idx.msk [tilespmem:v5+s11+$0x0], $0xffff  }
0x3d3: {  	v13 =	vld.idx.msk [tilespmem:v7+s11+$0x0], $0xffff  }
0x3d4: {  	v14 =	vor.u32 v17, v2;
	v7 =	vld.idx.msk [tilespmem:v7+s1+$0x0], $0xffff  }
0x3d5: {  	v15 =	vld.idx.msk [tilespmem:v9+s11+$0x0], $0xffff  }
0x3d6: {  	v16 =	vor.u32 v18, v2;
	v9 =	vld.idx.msk [tilespmem:v9+s1+$0x0], $0xffff  }
0x3d7: {  	v19 =	vld.idx.msk [tilespmem:v10+s11+$0x0], $0xffff;
	v5 =	vmul.f32 v8, v5  }
0x3d8: {  	v8 =	vld.idx.msk [tilespmem:v10+s1+$0x0], $0xffff;
	v10 =	vor.u32 v23, v2  }
0x3d9: {  	v20 =	vld.idx.msk [tilespmem:v14+s11+$0x0], $0xffff;
	v7 =	vmul.f32 v7, v13;
	v5 =	vadd.f32 $0.0e+00, v5  }
0x3da: {  	v13 =	vld.idx.msk [tilespmem:v14+s1+$0x0], $0xffff;
	v14 =	vor.u32 v24, v2  }
0x3db: {  	v21 =	vld.idx.msk [tilespmem:v16+s11+$0x0], $0xffff;
	v5 =	vadd.f32 v7, v5;
	v7 =	vmul.f32 v9, v15  }
0x3dc: {  	v9 =	vld.idx.msk [tilespmem:v16+s1+$0x0], $0xffff;
	v15 =	vor.u32 v30, v2  }
0x3dd: {  	v16 =	vld.idx.msk [tilespmem:v10+s11+$0x0], $0xffff;
	v5 =	vadd.f32 v7, v5;
	v7 =	vmul.f32 v8, v19  }
0x3de: {  	v8 =	vld.idx.msk [tilespmem:v10+s1+$0x0], $0xffff;
	v10 =	vor.u32 v31, v2  }
0x3df: {  	v19 =	vld.idx.msk [tilespmem:v14+s11+$0x0], $0xffff;
	v5 =	vadd.f32 v7, v5;
	v7 =	vmul.f32 v13, v20  }
0x3e0: {  	v13 =	vld.idx.msk [tilespmem:v14+s1+$0x0], $0xffff;
	v14 =	vor.u32 v36, v2  }
0x3e1: {  	v20 =	vld.idx.msk [tilespmem:v15+s11+$0x0], $0xffff;
	v5 =	vadd.f32 v7, v5;
	v7 =	vmul.f32 v9, v21  }
0x3e2: {  	v9 =	vld.idx.msk [tilespmem:v15+s1+$0x0], $0xffff;
	v15 =	vor.u32 v37, v2  }
0x3e3: {  	v21 =	vld.idx.msk [tilespmem:v10+s11+$0x0], $0xffff;
	v5 =	vadd.f32 v7, v5;
	v7 =	vmul.f32 v8, v16  }
0x3e4: {  	v8 =	vld.idx.msk [tilespmem:v10+s1+$0x0], $0xffff;
	v10 =	vor.u32 v46, v2  }
0x3e5: {  	v16 =	vld.idx.msk [tilespmem:v14+s11+$0x0], $0xffff;
	v5 =	vadd.f32 v7, v5;
	v7 =	vmul.f32 v13, v19  }
0x3e6: {  	v13 =	vld.idx.msk [tilespmem:v14+s1+$0x0], $0xffff;
	v14 =	vor.u32 v47, v2  }
0x3e7: {  	v19 =	vld.idx.msk [tilespmem:v15+s11+$0x0], $0xffff;
	v5 =	vadd.f32 v7, v5;
	v7 =	vmul.f32 v9, v20  }
0x3e8: {  	v9 =	vld.idx.msk [tilespmem:v15+s1+$0x0], $0xffff;
	v15 =	vor.u32 v48, v2  }
0x3e9: {  	v20 =	vld.idx.msk [tilespmem:v10+s11+$0x0], $0xffff;
	v5 =	vadd.f32 v7, v5;
	v7 =	vmul.f32 v8, v21  }
0x3ea: {  	v8 =	vld.idx.msk [tilespmem:v10+s1+$0x0], $0xffff;
	v10 =	vor.u32 v49, v2  }
0x3eb: {  	v21 =	vld.idx.msk [tilespmem:v14+s11+$0x0], $0xffff;
	v5 =	vadd.f32 v7, v5;
	v7 =	vmul.f32 v13, v16  }
0x3ec: {  	v13 =	vld.idx.msk [tilespmem:v14+s1+$0x0], $0xffff;
	v14 =	vor.u32 v50, v2  }
0x3ed: {  	v16 =	vld.idx.msk [tilespmem:v15+s11+$0x0], $0xffff;
	v5 =	vadd.f32 v7, v5;
	v7 =	vmul.f32 v9, v19  }
0x3ee: {  	v9 =	vld.idx.msk [tilespmem:v15+s1+$0x0], $0xffff;
	v15 =	vor.u32 v51, v2  }
0x3ef: {  	v19 =	vld.idx.msk [tilespmem:v10+s11+$0x0], $0xffff;
	v5 =	vadd.f32 v7, v5;
	v7 =	vmul.f32 v8, v20  }
0x3f0: {  	v8 =	vld.idx.msk [tilespmem:v10+s1+$0x0], $0xffff;
	v10 =	vor.u32 v52, v2  }
0x3f1: {  	v20 =	vld.idx.msk [tilespmem:v14+s11+$0x0], $0xffff;
	v5 =	vadd.f32 v7, v5;
	v7 =	vmul.f32 v13, v21  }
0x3f2: {  	v13 =	vld.idx.msk [tilespmem:v14+s1+$0x0], $0xffff;
	v14 =	vor.u32 v53, v2  }
0x3f3: {  	v21 =	vld.idx.msk [tilespmem:v15+s11+$0x0], $0xffff;
	v5 =	vadd.f32 v7, v5;
	v7 =	vmul.f32 v9, v16  }
0x3f4: {  	v9 =	vld.idx.msk [tilespmem:v15+s1+$0x0], $0xffff;
	v15 =	vor.u32 v54, v2  }
0x3f5: {  	v16 =	vld.idx.msk [tilespmem:v10+s11+$0x0], $0xffff;
	v5 =	vadd.f32 v7, v5;
	v7 =	vmul.f32 v8, v19  }
0x3f6: {  	v8 =	vld.idx.msk [tilespmem:v10+s1+$0x0], $0xffff;
	v10 =	vor.u32 v55, v2  }
0x3f7: {  	v19 =	vld.idx.msk [tilespmem:v14+s11+$0x0], $0xffff;
	v5 =	vadd.f32 v7, v5;
	v7 =	vmul.f32 v13, v20  }
0x3f8: {  	v13 =	vld.idx.msk [tilespmem:v14+s1+$0x0], $0xffff;
	v14 =	vor.u32 v56, v2  }
0x3f9: {  	v20 =	vld.idx.msk [tilespmem:v15+s11+$0x0], $0xffff;
	v5 =	vadd.f32 v7, v5;
	v7 =	vmul.f32 v9, v21  }
0x3fa: {  	v9 =	vld.idx.msk [tilespmem:v15+s1+$0x0], $0xffff;
	v15 =	vor.u32 v57, v2  }
0x3fb: {  	v21 =	vld.idx.msk [tilespmem:v10+s11+$0x0], $0xffff;
	v5 =	vadd.f32 v7, v5;
	v7 =	vmul.f32 v8, v16  }
0x3fc: {  	v8 =	vld.idx.msk [tilespmem:v10+s1+$0x0], $0xffff;
	v10 =	vor.u32 v58, v2  }
0x3fd: {  	v16 =	vld.idx.msk [tilespmem:v14+s11+$0x0], $0xffff;
	v5 =	vadd.f32 v7, v5;
	v7 =	vmul.f32 v13, v19  }
0x3fe: {  	v13 =	vld.idx.msk [tilespmem:v14+s1+$0x0], $0xffff;
	v14 =	vor.u32 v59, v2  }
0x3ff: {  	v19 =	vld.idx.msk [tilespmem:v15+s11+$0x0], $0xffff;
	v5 =	vadd.f32 v7, v5;
	v7 =	vmul.f32 v9, v20  }
0x400: {  	v9 =	vld.idx.msk [tilespmem:v15+s1+$0x0], $0xffff;
	v15 =	vor.u32 v60, v2  }
0x401: {  	v20 =	vld.idx.msk [tilespmem:v10+s11+$0x0], $0xffff;
	v5 =	vadd.f32 v7, v5;
	v7 =	vmul.f32 v8, v21  }
0x402: {  	v8 =	vld.idx.msk [tilespmem:v10+s1+$0x0], $0xffff;
	v10 =	vor.u32 v61, v2  }
0x403: {  	v21 =	vld.idx.msk [tilespmem:v14+s11+$0x0], $0xffff;
	v5 =	vadd.f32 v7, v5;
	v7 =	vmul.f32 v13, v16  }
0x404: {  	v13 =	vld.idx.msk [tilespmem:v14+s1+$0x0], $0xffff;
	v14 =	vor.u32 v62, v2  }
0x405: {  	v16 =	vld.idx.msk [tilespmem:v15+s11+$0x0], $0xffff;
	v5 =	vadd.f32 v7, v5;
	v7 =	vmul.f32 v9, v19  }
0x406: {  	v9 =	vld.idx.msk [tilespmem:v15+s1+$0x0], $0xffff;
	v15 =	vor.u32 v63, v2  }
0x407: {  	v19 =	vld.idx.msk [tilespmem:v10+s11+$0x0], $0xffff;
	v5 =	vadd.f32 v7, v5;
	v7 =	vmul.f32 v8, v20  }
0x408: {  	v8 =	vld.idx.msk [tilespmem:v10+s1+$0x0], $0xffff;
	v10 =	vor.u32 v0, v2  }
0x409: {  	v20 =	vld.idx.msk [tilespmem:v14+s11+$0x0], $0xffff;
	v5 =	vadd.f32 v7, v5;
	v7 =	vmul.f32 v13, v21  }
0x40a: {  	v2 =	vor.u32 v1, v2;
	v13 =	vld.idx.msk [tilespmem:v14+s1+$0x0], $0xffff  }
0x40b: {  	v14 =	vld.idx.msk [tilespmem:v15+s11+$0x0], $0xffff;
	v5 =	vadd.f32 v7, v5;
	v7 =	vmul.f32 v9, v16  }
0x40c: {  	v9 =	vld.idx.msk [tilespmem:v15+s1+$0x0], $0xffff  }
0x40d: {  	v15 =	vld.idx.msk [tilespmem:v10+s11+$0x0], $0xffff;
	v5 =	vadd.f32 v7, v5;
	v7 =	vmul.f32 v8, v19  }
0x40e: {  	v8 =	vld.idx.msk [tilespmem:v10+s1+$0x0], $0xffff  }
0x40f: {  	v10 =	vld.idx.msk [tilespmem:v2+s11+$0x0], $0xffff;
	v5 =	vadd.f32 v7, v5;
	v7 =	vmul.f32 v13, v20  }
0x410: {  	v2 =	vld.idx.msk [tilespmem:v2+s1+$0x0], $0xffff  }
0x411: {  	v5 =	vadd.f32 v7, v5;
	v7 =	vmul.f32 v9, v14;
	_ =	sdelay $0x1  }
0x412: {  	v5 =	vadd.f32 v7, v5;
	v7 =	vmul.f32 v8, v15;
	_ =	sdelay $0x1  }
0x413: {  	v2 =	vmul.f32 v2, v10;
	v5 =	vadd.f32 v7, v5;
	_ =	sdelay $0x1  }
0x414: {  	v2 =	vadd.f32 v2, v5;
	_ =	sdelay $0x1  }
0x415: {  	v2 =	vsub.f32 $0.0e+00, v2;
	_ =	sdelay $0x1  }
0x416: {  	v2 =	vmul.f32 $1.442695020e+00, v2;
	_ =	sdelay $0x1  }
0x417: {  	(erf) = vpow2.f32 v2;
	_ =	sdelay $0x8  }
0x418: {  	v2 =	vpop (erf)  }
0x419: {  	v2 =	vadd.f32 $1.000000000e+00, v2;
	_ =	sdelay $0x1  }
0x41a: {  	(erf) = vrcp.f32 v2;
	_ =	sdelay $0x8  }
0x41b: {  	s0 =	sadd.s32 $0x10, s19;
	v2 =	vpop (erf)  }
0x41c: {  	s31 =	simm.s32 $0x2;
	[tilespmem:s0+$0x0] =	vst v2  }
0x41d: {  	_ =	swait.ge [sflag:s31], $0x200  }
0x41e: {  	[sflag:s31] =	ssyncset.done $0x0  }
0x41f: {  	[sflag:s31] =	ssyncadd.s32 $0xFFFFFE00  }
0x420: {  	_ =	swait.ge [sflag:s31], $0x200  }
0x421: {  	[sflag:s31] =	ssyncset.done $0x0  }
0x422: {  	[sflag:s31] =	ssyncadd.s32 $0xFFFFFE00  }
0x423: {  	_ =	swait.ge [sflag:s31], $0x200  }
0x424: {  	[sflag:s31] =	ssyncset.done $0x0  }
0x425: {  	[sflag:s31] =	ssyncadd.s32 $0xFFFFFE00  }
0x426: {  	_ =	swait.ge [sflag:s31], $0x200  }
0x427: {  	[sflag:s31] =	ssyncset.done $0x0  }
0x428: {  	[sflag:s31] =	ssyncadd.s32 $0xFFFFFE00  }
0x429: {  	_ =	swait.ge [sflag:s31], $0x200  }
0x42a: {  	[sflag:s31] =	ssyncset.done $0x0  }
0x42b: {  	[sflag:s31] =	ssyncadd.s32 $0xFFFFFE00  }
0x42c: {  	_ =	swait.ge [sflag:s31], $0x200  }
0x42d: {  	[sflag:s31] =	ssyncset.done $0x0  }
0x42e: {  	[sflag:s31] =	ssyncadd.s32 $0xFFFFFE00  }
0x42f: {  	_ =	swait.ge [sflag:s31], $0x200  }
0x430: {  	[sflag:s31] =	ssyncset.done $0x0  }
0x431: {  	[sflag:s31] =	ssyncadd.s32 $0xFFFFFE00  }
0x432: {  	_ =	swait.ge [sflag:s31], $0x200  }
0x433: {  	[sflag:s31] =	ssyncset.done $0x0  }
0x434: {  	[sflag:s31] =	ssyncadd.s32 $0xFFFFFE00  }
0x435: {  	_ =	swait.ge [sflag:s31], $0x200  }
0x436: {  	[sflag:s31] =	ssyncset.done $0x0  }
0x437: {  	[sflag:s31] =	ssyncadd.s32 $0xFFFFFE00  }
0x438: {  	_ =	swait.ge [sflag:s31], $0x200  }
0x439: {  	[sflag:s31] =	ssyncset.done $0x0  }
0x43a: {  	[sflag:s31] =	ssyncadd.s32 $0xFFFFFE00  }
0x43b: {  	_ =	swait.ge [sflag:s31], $0x200  }
0x43c: {  	[sflag:s31] =	ssyncset.done $0x0  }
0x43d: {  	[sflag:s31] =	ssyncadd.s32 $0xFFFFFE00  }
0x43e: {  	_ =	swait.ge [sflag:s31], $0x200  }
0x43f: {  	[sflag:s31] =	ssyncset.done $0x0  }
0x440: {  	[sflag:s31] =	ssyncadd.s32 $0xFFFFFE00  }
0x441: {  	_ =	swait.ge [sflag:s31], $0x200  }
0x442: {  	[sflag:s31] =	ssyncset.done $0x0  }
0x443: {  	[sflag:s31] =	ssyncadd.s32 $0xFFFFFE00  }
0x444: {  	_ =	swait.ge [sflag:s31], $0x200  }
0x445: {  	[sflag:s31] =	ssyncset.done $0x0  }
0x446: {  	[sflag:s31] =	ssyncadd.s32 $0xFFFFFE00  }
0x447: {  	_ =	swait.ge [sflag:s31], $0x200  }
0x448: {  	[sflag:s31] =	ssyncset.done $0x0  }
0x449: {  	[sflag:s31] =	ssyncadd.s32 $0xFFFFFE00  }
0x44a: {  	_ =	swait.ge [sflag:s31], $0x200  }
0x44b: {  	[sflag:s31] =	ssyncset.done $0x0  }
0x44c: {  	[sflag:s31] =	ssyncadd.s32 $0xFFFFFE00  }
0x44d: {  	_ =	swait.ge [sflag:s31], $0x200  }
0x44e: {  	[sflag:s31] =	ssyncset.done $0x0  }
0x44f: {  	[sflag:s31] =	ssyncadd.s32 $0xFFFFFE00  }
0x450: {  	_ =	swait.ge [sflag:s31], $0x200  }
0x451: {  	[sflag:s31] =	ssyncset.done $0x0  }
0x452: {  	[sflag:s31] =	ssyncadd.s32 $0xFFFFFE00  }
0x453: {  	_ =	swait.ge [sflag:s31], $0x200  }
0x454: {  	[sflag:s31] =	ssyncset.done $0x0  }
0x455: {  	[sflag:s31] =	ssyncadd.s32 $0xFFFFFE00  }
0x456: {  	_ =	swait.ge [sflag:s31], $0x200  }
0x457: {  	[sflag:s31] =	ssyncset.done $0x0  }
0x458: {  	[sflag:s31] =	ssyncadd.s32 $0xFFFFFE00  }
0x459: {  	_ =	swait.ge [sflag:s31], $0x200  }
0x45a: {  	[sflag:s31] =	ssyncset.done $0x0  }
0x45b: {  	[sflag:s31] =	ssyncadd.s32 $0xFFFFFE00  }
0x45c: {  	_ =	swait.ge [sflag:s31], $0x200  }
0x45d: {  	[sflag:s31] =	ssyncset.done $0x0  }
0x45e: {  	[sflag:s31] =	ssyncadd.s32 $0xFFFFFE00  }
0x45f: {  	_ =	swait.ge [sflag:s31], $0x200  }
0x460: {  	[sflag:s31] =	ssyncset.done $0x0  }
0x461: {  	[sflag:s31] =	ssyncadd.s32 $0xFFFFFE00  }
0x462: {  	_ =	swait.ge [sflag:s31], $0x200  }
0x463: {  	[sflag:s31] =	ssyncset.done $0x0  }
0x464: {  	[sflag:s31] =	ssyncadd.s32 $0xFFFFFE00  }
0x465: {  	_ =	swait.ge [sflag:s31], $0x200  }
0x466: {  	[sflag:s31] =	ssyncset.done $0x0  }
0x467: {  	[sflag:s31] =	ssyncadd.s32 $0xFFFFFE00  }
0x468: {  	_ =	swait.ge [sflag:s31], $0x200  }
0x469: {  	[sflag:s31] =	ssyncset.done $0x0  }
0x46a: {  	[sflag:s31] =	ssyncadd.s32 $0xFFFFFE00  }
0x46b: {  	_ =	swait.ge [sflag:s31], $0x200  }
0x46c: {  	[sflag:s31] =	ssyncset.done $0x0  }
0x46d: {  	[sflag:s31] =	ssyncadd.s32 $0xFFFFFE00  }
0x46e: {  	_ =	swait.ge [sflag:s31], $0x200  }
0x46f: {  	[sflag:s31] =	ssyncset.done $0x0  }
0x470: {  	[sflag:s31] =	ssyncadd.s32 $0xFFFFFE00  }
0x471: {  	s19 =	simm.s32 $0x0;
	_ =	swait.ge [sflag:s31], $0x200  }
0x472: {  	v2 =	vmov s19;
	[sflag:s31] =	ssyncset.done $0x0  }
0x473: {  	vm2 =	veq.s32 v2, v3;
	[sflag:s31] =	ssyncadd.s32 $0xFFFFFE00  }
0x474: {  	v2 =	vor.u32 s19, v3;
	vm2 =	vmand vm2, vm1;
	_ =	swait.ge [sflag:s31], $0x200  }
0x475: {  	v2 =	vshrl.u32 v2, $0x2;
	v5 =	vsel vm2, $0xFFFFFFFF, v35;
	[sflag:s31] =	ssyncset.done $0x0  }
0x476: {  	v2 =	vadd.s32 v5, v2;
	[sflag:s31] =	ssyncadd.s32 $0xFFFFFE00  }
0x477: {  	v2 =	vshll.u32 v2, $0x7;
	_ =	swait.ge [sflag:s31], $0x200  }
0x478: {  	v5 =	vor.u32 v4, v2;
	[sflag:s31] =	ssyncset.done $0x0  }
0x479: {  	[sflag:s31] =	ssyncadd.s32 $0xFFFFFE00  }
0x47a: {  	v7 =	vor.u32 v6, v2;
	_ =	swait.ge [sflag:s31], $0x200  }
0x47b: {  	[sflag:s31] =	ssyncset.done $0x0  }
0x47c: {  	v8 =	vor.u32 v11, v2;
	[sflag:s31] =	ssyncadd.s32 $0xFFFFFE00  }
0x47d: {  	v9 =	vld.idx.msk [tilespmem:v5+s16+$0x0], $0xffff  }
0x47e: {  	v10 =	vor.u32 v12, v2;
	v5 =	vld.idx.msk [tilespmem:v5+s15+$0x0], $0xffff  }
0x47f: {  	v13 =	vld.idx.msk [tilespmem:v7+s15+$0x0], $0xffff  }
0x480: {  	v14 =	vor.u32 v17, v2;
	v7 =	vld.idx.msk [tilespmem:v7+s16+$0x0], $0xffff  }
0x481: {  	v15 =	vld.idx.msk [tilespmem:v8+s15+$0x0], $0xffff  }
0x482: {  	v16 =	vor.u32 v18, v2;
	v8 =	vld.idx.msk [tilespmem:v8+s16+$0x0], $0xffff  }
0x483: {  	v19 =	vld.idx.msk [tilespmem:v10+s15+$0x0], $0xffff;
	v5 =	vmul.f32 v9, v5  }
0x484: {  	v9 =	vld.idx.msk [tilespmem:v10+s16+$0x0], $0xffff;
	v10 =	vor.u32 v23, v2  }
0x485: {  	v20 =	vld.idx.msk [tilespmem:v14+s15+$0x0], $0xffff;
	v7 =	vmul.f32 v7, v13;
	v5 =	vadd.f32 $0.0e+00, v5  }
0x486: {  	v13 =	vld.idx.msk [tilespmem:v14+s16+$0x0], $0xffff;
	v14 =	vor.u32 v24, v2  }
0x487: {  	v21 =	vld.idx.msk [tilespmem:v16+s15+$0x0], $0xffff;
	v5 =	vadd.f32 v7, v5;
	v7 =	vmul.f32 v8, v15  }
0x488: {  	v8 =	vld.idx.msk [tilespmem:v16+s16+$0x0], $0xffff;
	v15 =	vor.u32 v30, v2  }
0x489: {  	v16 =	vld.idx.msk [tilespmem:v10+s15+$0x0], $0xffff;
	v5 =	vadd.f32 v7, v5;
	v7 =	vmul.f32 v9, v19  }
0x48a: {  	v9 =	vld.idx.msk [tilespmem:v10+s16+$0x0], $0xffff;
	v10 =	vor.u32 v31, v2  }
0x48b: {  	v19 =	vld.idx.msk [tilespmem:v14+s15+$0x0], $0xffff;
	v5 =	vadd.f32 v7, v5;
	v7 =	vmul.f32 v13, v20  }
0x48c: {  	v13 =	vld.idx.msk [tilespmem:v14+s16+$0x0], $0xffff;
	v14 =	vor.u32 v36, v2  }
0x48d: {  	v20 =	vld.idx.msk [tilespmem:v15+s15+$0x0], $0xffff;
	v5 =	vadd.f32 v7, v5;
	v7 =	vmul.f32 v8, v21  }
0x48e: {  	v8 =	vld.idx.msk [tilespmem:v15+s16+$0x0], $0xffff;
	v15 =	vor.u32 v37, v2  }
0x48f: {  	v21 =	vld.idx.msk [tilespmem:v10+s15+$0x0], $0xffff;
	v5 =	vadd.f32 v7, v5;
	v7 =	vmul.f32 v9, v16  }
0x490: {  	v9 =	vld.idx.msk [tilespmem:v10+s16+$0x0], $0xffff;
	v10 =	vor.u32 v46, v2  }
0x491: {  	v16 =	vld.idx.msk [tilespmem:v14+s15+$0x0], $0xffff;
	v5 =	vadd.f32 v7, v5;
	v7 =	vmul.f32 v13, v19  }
0x492: {  	v13 =	vld.idx.msk [tilespmem:v14+s16+$0x0], $0xffff;
	v14 =	vor.u32 v47, v2  }
0x493: {  	v19 =	vld.idx.msk [tilespmem:v15+s15+$0x0], $0xffff;
	v5 =	vadd.f32 v7, v5;
	v7 =	vmul.f32 v8, v20  }
0x494: {  	v8 =	vld.idx.msk [tilespmem:v15+s16+$0x0], $0xffff;
	v15 =	vor.u32 v48, v2  }
0x495: {  	v20 =	vld.idx.msk [tilespmem:v10+s15+$0x0], $0xffff;
	v5 =	vadd.f32 v7, v5;
	v7 =	vmul.f32 v9, v21  }
0x496: {  	v9 =	vld.idx.msk [tilespmem:v10+s16+$0x0], $0xffff;
	v10 =	vor.u32 v49, v2  }
0x497: {  	v21 =	vld.idx.msk [tilespmem:v14+s15+$0x0], $0xffff;
	v5 =	vadd.f32 v7, v5;
	v7 =	vmul.f32 v13, v16  }
0x498: {  	v13 =	vld.idx.msk [tilespmem:v14+s16+$0x0], $0xffff;
	v14 =	vor.u32 v50, v2  }
0x499: {  	v16 =	vld.idx.msk [tilespmem:v15+s15+$0x0], $0xffff;
	v5 =	vadd.f32 v7, v5;
	v7 =	vmul.f32 v8, v19  }
0x49a: {  	v8 =	vld.idx.msk [tilespmem:v15+s16+$0x0], $0xffff;
	v15 =	vor.u32 v51, v2  }
0x49b: {  	v19 =	vld.idx.msk [tilespmem:v10+s15+$0x0], $0xffff;
	v5 =	vadd.f32 v7, v5;
	v7 =	vmul.f32 v9, v20  }
0x49c: {  	v9 =	vld.idx.msk [tilespmem:v10+s16+$0x0], $0xffff;
	v10 =	vor.u32 v52, v2  }
0x49d: {  	v20 =	vld.idx.msk [tilespmem:v14+s15+$0x0], $0xffff;
	v5 =	vadd.f32 v7, v5;
	v7 =	vmul.f32 v13, v21  }
0x49e: {  	v13 =	vld.idx.msk [tilespmem:v14+s16+$0x0], $0xffff;
	v14 =	vor.u32 v53, v2  }
0x49f: {  	v21 =	vld.idx.msk [tilespmem:v15+s15+$0x0], $0xffff;
	v5 =	vadd.f32 v7, v5;
	v7 =	vmul.f32 v8, v16  }
0x4a0: {  	v8 =	vld.idx.msk [tilespmem:v15+s16+$0x0], $0xffff;
	v15 =	vor.u32 v54, v2  }
0x4a1: {  	v16 =	vld.idx.msk [tilespmem:v10+s15+$0x0], $0xffff;
	v5 =	vadd.f32 v7, v5;
	v7 =	vmul.f32 v9, v19  }
0x4a2: {  	v9 =	vld.idx.msk [tilespmem:v10+s16+$0x0], $0xffff;
	v10 =	vor.u32 v55, v2  }
0x4a3: {  	v19 =	vld.idx.msk [tilespmem:v14+s15+$0x0], $0xffff;
	v5 =	vadd.f32 v7, v5;
	v7 =	vmul.f32 v13, v20  }
0x4a4: {  	v13 =	vld.idx.msk [tilespmem:v14+s16+$0x0], $0xffff;
	v14 =	vor.u32 v56, v2  }
0x4a5: {  	v20 =	vld.idx.msk [tilespmem:v15+s15+$0x0], $0xffff;
	v5 =	vadd.f32 v7, v5;
	v7 =	vmul.f32 v8, v21  }
0x4a6: {  	v8 =	vld.idx.msk [tilespmem:v15+s16+$0x0], $0xffff;
	v15 =	vor.u32 v57, v2  }
0x4a7: {  	v21 =	vld.idx.msk [tilespmem:v10+s15+$0x0], $0xffff;
	v5 =	vadd.f32 v7, v5;
	v7 =	vmul.f32 v9, v16  }
0x4a8: {  	v9 =	vld.idx.msk [tilespmem:v10+s16+$0x0], $0xffff;
	v10 =	vor.u32 v58, v2  }
0x4a9: {  	v16 =	vld.idx.msk [tilespmem:v14+s15+$0x0], $0xffff;
	v5 =	vadd.f32 v7, v5;
	v7 =	vmul.f32 v13, v19  }
0x4aa: {  	v13 =	vld.idx.msk [tilespmem:v14+s16+$0x0], $0xffff;
	v14 =	vor.u32 v59, v2  }
0x4ab: {  	v19 =	vld.idx.msk [tilespmem:v15+s15+$0x0], $0xffff;
	v5 =	vadd.f32 v7, v5;
	v7 =	vmul.f32 v8, v20  }
0x4ac: {  	v8 =	vld.idx.msk [tilespmem:v15+s16+$0x0], $0xffff;
	v15 =	vor.u32 v60, v2  }
0x4ad: {  	v20 =	vld.idx.msk [tilespmem:v10+s15+$0x0], $0xffff;
	v5 =	vadd.f32 v7, v5;
	v7 =	vmul.f32 v9, v21  }
0x4ae: {  	v9 =	vld.idx.msk [tilespmem:v10+s16+$0x0], $0xffff;
	v10 =	vor.u32 v61, v2  }
0x4af: {  	v21 =	vld.idx.msk [tilespmem:v14+s15+$0x0], $0xffff;
	v5 =	vadd.f32 v7, v5;
	v7 =	vmul.f32 v13, v16  }
0x4b0: {  	v13 =	vld.idx.msk [tilespmem:v14+s16+$0x0], $0xffff;
	v14 =	vor.u32 v62, v2  }
0x4b1: {  	v16 =	vld.idx.msk [tilespmem:v15+s15+$0x0], $0xffff;
	v5 =	vadd.f32 v7, v5;
	v7 =	vmul.f32 v8, v19  }
0x4b2: {  	v8 =	vld.idx.msk [tilespmem:v15+s16+$0x0], $0xffff;
	v15 =	vor.u32 v63, v2  }
0x4b3: {  	v19 =	vld.idx.msk [tilespmem:v10+s15+$0x0], $0xffff;
	v5 =	vadd.f32 v7, v5;
	v7 =	vmul.f32 v9, v20  }
0x4b4: {  	v9 =	vld.idx.msk [tilespmem:v10+s16+$0x0], $0xffff;
	v10 =	vor.u32 v0, v2  }
0x4b5: {  	v20 =	vld.idx.msk [tilespmem:v14+s15+$0x0], $0xffff;
	v5 =	vadd.f32 v7, v5;
	v7 =	vmul.f32 v13, v21  }
0x4b6: {  	v2 =	vor.u32 v1, v2;
	v13 =	vld.idx.msk [tilespmem:v14+s16+$0x0], $0xffff  }
0x4b7: {  	v14 =	vld.idx.msk [tilespmem:v15+s15+$0x0], $0xffff;
	v5 =	vadd.f32 v7, v5;
	v7 =	vmul.f32 v8, v16  }
0x4b8: {  	v8 =	vld.idx.msk [tilespmem:v15+s16+$0x0], $0xffff  }
0x4b9: {  	v15 =	vld.idx.msk [tilespmem:v10+s15+$0x0], $0xffff;
	v5 =	vadd.f32 v7, v5;
	v7 =	vmul.f32 v9, v19  }
0x4ba: {  	v9 =	vld.idx.msk [tilespmem:v10+s16+$0x0], $0xffff  }
0x4bb: {  	v10 =	vld.idx.msk [tilespmem:v2+s15+$0x0], $0xffff;
	v5 =	vadd.f32 v7, v5;
	v7 =	vmul.f32 v13, v20  }
0x4bc: {  	v2 =	vld.idx.msk [tilespmem:v2+s16+$0x0], $0xffff  }
0x4bd: {  	v5 =	vadd.f32 v7, v5;
	v7 =	vmul.f32 v8, v14;
	_ =	sdelay $0x1  }
0x4be: {  	v5 =	vadd.f32 v7, v5;
	v7 =	vmul.f32 v9, v15;
	_ =	sdelay $0x1  }
0x4bf: {  	v2 =	vmul.f32 v2, v10;
	v5 =	vadd.f32 v7, v5;
	_ =	sdelay $0x1  }
0x4c0: {  	v2 =	vadd.f32 v2, v5;
	_ =	sdelay $0x1  }
0x4c1: {  	v2 =	vsub.f32 $0.0e+00, v2;
	_ =	sdelay $0x1  }
0x4c2: {  	v2 =	vmul.f32 $1.442695020e+00, v2;
	_ =	sdelay $0x1  }
0x4c3: {  	(erf) = vpow2.f32 v2;
	_ =	sdelay $0x8  }
0x4c4: {  	v2 =	vpop (erf)  }
0x4c5: {  	v2 =	vadd.f32 $1.000000000e+00, v2  }
0x4c6: {  	s20 =	simm.s32 $0x10  }
0x4c7: {  	v5 =	vmov s20;
	(erf) = vrcp.f32 v2  }
0x4c8: {  	s21 =	simm.s32 $0x20;
	s1 =	simm.s32 $0x3;
	vm2 =	veq.s32 v5, v3  }
.LBB2_8:
0x4c9: {  	p0 =	sne.s32 s21, $0xF0;
	v2 =	vor.u32 s20, v3;
	vm2 =	vmand vm2, vm1  }
0x4ca: {  	v2 =	vshrl.u32 v2, $0x2;
	v5 =	vsel vm2, $0xFFFFFFFF, v35  }
0x4cb: {  	v2 =	vadd.s32 v5, v2  }
0x4cc: {  	v2 =	vshll.u32 v2, $0x7  }
0x4cd: {  	v5 =	vor.u32 v4, v2;
	_ =	sdelay $0x1  }
0x4ce: {  	v7 =	vor.u32 v6, v2  }
0x4cf: {  	s0 =	sand.u32 $0xF0, s19;
	s19 =	smov.u32 s20;
	s20 =	smov.u32 s21;
	v8 =	vpop (erf)  }
0x4d0: {  	v9 =	vor.u32 v11, v2;
	[tilespmem:s0+$0x8500] =	vst v8  }
0x4d1: {  	v8 =	vld.idx.msk [tilespmem:v5+s16+$0x0], $0xffff  }
0x4d2: {  	v10 =	vor.u32 v12, v2;
	v5 =	vld.idx.msk [tilespmem:v5+s15+$0x0], $0xffff  }
0x4d3: {  	v13 =	vld.idx.msk [tilespmem:v7+s15+$0x0], $0xffff  }
0x4d4: {  	v14 =	vor.u32 v17, v2;
	v7 =	vld.idx.msk [tilespmem:v7+s16+$0x0], $0xffff  }
0x4d5: {  	v15 =	vld.idx.msk [tilespmem:v9+s15+$0x0], $0xffff  }
0x4d6: {  	v16 =	vor.u32 v18, v2;
	v9 =	vld.idx.msk [tilespmem:v9+s16+$0x0], $0xffff  }
0x4d7: {  	v19 =	vld.idx.msk [tilespmem:v10+s15+$0x0], $0xffff  }
0x4d8: {  	v5 =	vmul.f32 v8, v5;
	v8 =	vld.idx.msk [tilespmem:v10+s16+$0x0], $0xffff;
	v10 =	vor.u32 v23, v2  }
0x4d9: {  	v20 =	vld.idx.msk [tilespmem:v14+s15+$0x0], $0xffff  }
0x4da: {  	v5 =	vadd.f32 $0.0e+00, v5;
	v7 =	vmul.f32 v7, v13;
	v13 =	vld.idx.msk [tilespmem:v14+s16+$0x0], $0xffff;
	v14 =	vor.u32 v24, v2  }
0x4db: {  	v21 =	vld.idx.msk [tilespmem:v16+s15+$0x0], $0xffff  }
0x4dc: {  	v5 =	vadd.f32 v7, v5;
	v7 =	vmul.f32 v9, v15;
	v15 =	vor.u32 v30, v2;
	v9 =	vld.idx.msk [tilespmem:v16+s16+$0x0], $0xffff  }
0x4dd: {  	v16 =	vld.idx.msk [tilespmem:v10+s15+$0x0], $0xffff  }
0x4de: {  	v5 =	vadd.f32 v7, v5;
	v7 =	vmul.f32 v8, v19;
	v8 =	vld.idx.msk [tilespmem:v10+s16+$0x0], $0xffff;
	v10 =	vor.u32 v31, v2  }
0x4df: {  	v19 =	vld.idx.msk [tilespmem:v14+s15+$0x0], $0xffff  }
0x4e0: {  	v5 =	vadd.f32 v7, v5;
	v7 =	vmul.f32 v13, v20;
	v13 =	vld.idx.msk [tilespmem:v14+s16+$0x0], $0xffff;
	v14 =	vor.u32 v36, v2  }
0x4e1: {  	v20 =	vld.idx.msk [tilespmem:v15+s15+$0x0], $0xffff  }
0x4e2: {  	v5 =	vadd.f32 v7, v5;
	v7 =	vmul.f32 v9, v21;
	v9 =	vld.idx.msk [tilespmem:v15+s16+$0x0], $0xffff;
	v15 =	vor.u32 v37, v2  }
0x4e3: {  	v21 =	vld.idx.msk [tilespmem:v10+s15+$0x0], $0xffff  }
0x4e4: {  	v5 =	vadd.f32 v7, v5;
	v7 =	vmul.f32 v8, v16;
	v8 =	vld.idx.msk [tilespmem:v10+s16+$0x0], $0xffff;
	v10 =	vor.u32 v46, v2  }
0x4e5: {  	v16 =	vld.idx.msk [tilespmem:v14+s15+$0x0], $0xffff  }
0x4e6: {  	v5 =	vadd.f32 v7, v5;
	v7 =	vmul.f32 v13, v19;
	v13 =	vld.idx.msk [tilespmem:v14+s16+$0x0], $0xffff;
	v14 =	vor.u32 v47, v2  }
0x4e7: {  	v19 =	vld.idx.msk [tilespmem:v15+s15+$0x0], $0xffff  }
0x4e8: {  	v5 =	vadd.f32 v7, v5;
	v7 =	vmul.f32 v9, v20;
	v9 =	vld.idx.msk [tilespmem:v15+s16+$0x0], $0xffff;
	v15 =	vor.u32 v48, v2  }
0x4e9: {  	v20 =	vld.idx.msk [tilespmem:v10+s15+$0x0], $0xffff  }
0x4ea: {  	v5 =	vadd.f32 v7, v5;
	v7 =	vmul.f32 v8, v21;
	v8 =	vld.idx.msk [tilespmem:v10+s16+$0x0], $0xffff;
	v10 =	vor.u32 v49, v2  }
0x4eb: {  	v21 =	vld.idx.msk [tilespmem:v14+s15+$0x0], $0xffff  }
0x4ec: {  	v5 =	vadd.f32 v7, v5;
	v7 =	vmul.f32 v13, v16;
	v13 =	vld.idx.msk [tilespmem:v14+s16+$0x0], $0xffff;
	v14 =	vor.u32 v50, v2  }
0x4ed: {  	v16 =	vld.idx.msk [tilespmem:v15+s15+$0x0], $0xffff  }
0x4ee: {  	v5 =	vadd.f32 v7, v5;
	v7 =	vmul.f32 v9, v19;
	v9 =	vld.idx.msk [tilespmem:v15+s16+$0x0], $0xffff;
	v15 =	vor.u32 v51, v2  }
0x4ef: {  	v19 =	vld.idx.msk [tilespmem:v10+s15+$0x0], $0xffff  }
0x4f0: {  	v5 =	vadd.f32 v7, v5;
	v7 =	vmul.f32 v8, v20;
	v8 =	vld.idx.msk [tilespmem:v10+s16+$0x0], $0xffff;
	v10 =	vor.u32 v52, v2  }
0x4f1: {  	v20 =	vld.idx.msk [tilespmem:v14+s15+$0x0], $0xffff  }
0x4f2: {  	v5 =	vadd.f32 v7, v5;
	v7 =	vmul.f32 v13, v21;
	v13 =	vld.idx.msk [tilespmem:v14+s16+$0x0], $0xffff;
	v14 =	vor.u32 v53, v2  }
0x4f3: {  	v21 =	vld.idx.msk [tilespmem:v15+s15+$0x0], $0xffff  }
0x4f4: {  	v5 =	vadd.f32 v7, v5;
	v7 =	vmul.f32 v9, v16;
	v9 =	vld.idx.msk [tilespmem:v15+s16+$0x0], $0xffff;
	v15 =	vor.u32 v54, v2  }
0x4f5: {  	v16 =	vld.idx.msk [tilespmem:v10+s15+$0x0], $0xffff  }
0x4f6: {  	v5 =	vadd.f32 v7, v5;
	v7 =	vmul.f32 v8, v19;
	v8 =	vld.idx.msk [tilespmem:v10+s16+$0x0], $0xffff;
	v10 =	vor.u32 v55, v2  }
0x4f7: {  	v19 =	vld.idx.msk [tilespmem:v14+s15+$0x0], $0xffff  }
0x4f8: {  	v5 =	vadd.f32 v7, v5;
	v7 =	vmul.f32 v13, v20;
	v13 =	vld.idx.msk [tilespmem:v14+s16+$0x0], $0xffff;
	v14 =	vor.u32 v56, v2  }
0x4f9: {  	v20 =	vld.idx.msk [tilespmem:v15+s15+$0x0], $0xffff  }
0x4fa: {  	v5 =	vadd.f32 v7, v5;
	v7 =	vmul.f32 v9, v21;
	v9 =	vld.idx.msk [tilespmem:v15+s16+$0x0], $0xffff;
	v15 =	vor.u32 v57, v2  }
0x4fb: {  	v21 =	vld.idx.msk [tilespmem:v10+s15+$0x0], $0xffff  }
0x4fc: {  	v5 =	vadd.f32 v7, v5;
	v7 =	vmul.f32 v8, v16;
	v8 =	vld.idx.msk [tilespmem:v10+s16+$0x0], $0xffff;
	v10 =	vor.u32 v58, v2  }
0x4fd: {  	v16 =	vld.idx.msk [tilespmem:v14+s15+$0x0], $0xffff  }
0x4fe: {  	v5 =	vadd.f32 v7, v5;
	v7 =	vmul.f32 v13, v19;
	v13 =	vld.idx.msk [tilespmem:v14+s16+$0x0], $0xffff;
	v14 =	vor.u32 v59, v2  }
0x4ff: {  	v19 =	vld.idx.msk [tilespmem:v15+s15+$0x0], $0xffff  }
0x500: {  	v5 =	vadd.f32 v7, v5;
	v7 =	vmul.f32 v9, v20;
	v9 =	vld.idx.msk [tilespmem:v15+s16+$0x0], $0xffff;
	v15 =	vor.u32 v60, v2  }
0x501: {  	v20 =	vld.idx.msk [tilespmem:v10+s15+$0x0], $0xffff  }
0x502: {  	v5 =	vadd.f32 v7, v5;
	v7 =	vmul.f32 v8, v21;
	v8 =	vld.idx.msk [tilespmem:v10+s16+$0x0], $0xffff;
	v10 =	vor.u32 v61, v2  }
0x503: {  	v21 =	vld.idx.msk [tilespmem:v14+s15+$0x0], $0xffff  }
0x504: {  	v5 =	vadd.f32 v7, v5;
	v7 =	vmul.f32 v13, v16;
	v13 =	vld.idx.msk [tilespmem:v14+s16+$0x0], $0xffff;
	v14 =	vor.u32 v62, v2  }
0x505: {  	v16 =	vld.idx.msk [tilespmem:v15+s15+$0x0], $0xffff  }
0x506: {  	v5 =	vadd.f32 v7, v5;
	v7 =	vmul.f32 v9, v19;
	v9 =	vld.idx.msk [tilespmem:v15+s16+$0x0], $0xffff;
	v15 =	vor.u32 v63, v2  }
0x507: {  	v19 =	vld.idx.msk [tilespmem:v10+s15+$0x0], $0xffff  }
0x508: {  	v5 =	vadd.f32 v7, v5;
	v7 =	vmul.f32 v8, v20;
	v8 =	vld.idx.msk [tilespmem:v10+s16+$0x0], $0xffff;
	v10 =	vor.u32 v0, v2  }
0x509: {  	v20 =	vld.idx.msk [tilespmem:v14+s15+$0x0], $0xffff  }
0x50a: {  	v2 =	vor.u32 v1, v2;
	v5 =	vadd.f32 v7, v5;
	v7 =	vmul.f32 v13, v21;
	v13 =	vld.idx.msk [tilespmem:v14+s16+$0x0], $0xffff  }
0x50b: {  	v14 =	vld.idx.msk [tilespmem:v15+s15+$0x0], $0xffff  }
0x50c: {  	v5 =	vadd.f32 v7, v5;
	v7 =	vmul.f32 v9, v16;
	v9 =	vld.idx.msk [tilespmem:v15+s16+$0x0], $0xffff  }
0x50d: {  	v15 =	vld.idx.msk [tilespmem:v10+s15+$0x0], $0xffff  }
0x50e: {  	v5 =	vadd.f32 v7, v5;
	v7 =	vmul.f32 v8, v19;
	v8 =	vld.idx.msk [tilespmem:v10+s16+$0x0], $0xffff  }
0x50f: {  	v10 =	vld.idx.msk [tilespmem:v2+s15+$0x0], $0xffff  }
0x510: {  	v5 =	vadd.f32 v7, v5;
	v7 =	vmul.f32 v13, v20;
	v2 =	vld.idx.msk [tilespmem:v2+s16+$0x0], $0xffff;
	_ =	sdelay $0x1  }
0x511: {  	v5 =	vadd.f32 v7, v5;
	v7 =	vmul.f32 v9, v14;
	_ =	sdelay $0x1  }
0x512: {  	v5 =	vadd.f32 v7, v5;
	v7 =	vmul.f32 v8, v15;
	_ =	sdelay $0x1  }
0x513: {  	v5 =	vadd.f32 v7, v5;
	v2 =	vmul.f32 v2, v10;
	_ =	sdelay $0x1  }
0x514: {  	v2 =	vadd.f32 v2, v5;
	_ =	sdelay $0x1  }
0x515: {  	v2 =	vsub.f32 $0.0e+00, v2;
	_ =	sdelay $0x1  }
0x516: {  	v2 =	vmul.f32 $1.442695020e+00, v2;
	_ =	sdelay $0x1  }
0x517: {  	(erf) = vpow2.f32 v2;
	_ =	sdelay $0x8  }
.Ltmp3:
0x518: {  	v2 =	vpop (erf);
	(pc) =	sbr.rel @p0 .LBB2_8-.Ltmp3, $3  }
0x519: {  	v2 =	vadd.f32 $1.000000000e+00, v2;
	_ =	sdelay $0x1  }
0x51a: {  	v5 =	vmov s21;
	(erf) = vrcp.f32 v2  }
0x51b: {  	s21 =	sadd.s32 $0x10, s21;
	vm2 =	veq.s32 v5, v3  }
0x51c: {  	v2 =	vor.u32 s20, v3;
	vm2 =	vmand vm2, vm1  }
0x51d: {  	v2 =	vshrl.u32 v2, $0x2;
	v5 =	vsel vm2, $0xFFFFFFFF, v35  }
0x51e: {  	v2 =	vadd.s32 v5, v2  }
0x51f: {  	v2 =	vshll.u32 v2, $0x7  }
0x520: {  	v5 =	vor.u32 v4, v2;
	_ =	sdelay $0x1  }
0x521: {  	v7 =	vor.u32 v6, v2  }
0x522: {  	s0 =	sand.u32 $0xF0, s19;
	v8 =	vpop (erf)  }
0x523: {  	v9 =	vor.u32 v11, v2;
	[tilespmem:s0+$0x8500] =	vst v8  }
0x524: {  	v8 =	vld.idx.msk [tilespmem:v5+s16+$0x0], $0xffff  }
0x525: {  	v10 =	vor.u32 v12, v2;
	v5 =	vld.idx.msk [tilespmem:v5+s15+$0x0], $0xffff  }
0x526: {  	v13 =	vld.idx.msk [tilespmem:v7+s15+$0x0], $0xffff  }
0x527: {  	v14 =	vor.u32 v17, v2;
	v7 =	vld.idx.msk [tilespmem:v7+s16+$0x0], $0xffff  }
0x528: {  	v15 =	vld.idx.msk [tilespmem:v9+s15+$0x0], $0xffff  }
0x529: {  	v16 =	vor.u32 v18, v2;
	v9 =	vld.idx.msk [tilespmem:v9+s16+$0x0], $0xffff  }
0x52a: {  	v19 =	vld.idx.msk [tilespmem:v10+s15+$0x0], $0xffff;
	v5 =	vmul.f32 v8, v5  }
0x52b: {  	v8 =	vld.idx.msk [tilespmem:v10+s16+$0x0], $0xffff;
	v10 =	vor.u32 v23, v2  }
0x52c: {  	v20 =	vld.idx.msk [tilespmem:v14+s15+$0x0], $0xffff;
	v7 =	vmul.f32 v7, v13;
	v5 =	vadd.f32 $0.0e+00, v5  }
0x52d: {  	v13 =	vld.idx.msk [tilespmem:v14+s16+$0x0], $0xffff;
	v14 =	vor.u32 v24, v2  }
0x52e: {  	v21 =	vld.idx.msk [tilespmem:v16+s15+$0x0], $0xffff;
	v5 =	vadd.f32 v7, v5;
	v7 =	vmul.f32 v9, v15  }
0x52f: {  	v9 =	vld.idx.msk [tilespmem:v16+s16+$0x0], $0xffff;
	v15 =	vor.u32 v30, v2  }
0x530: {  	v16 =	vld.idx.msk [tilespmem:v10+s15+$0x0], $0xffff;
	v5 =	vadd.f32 v7, v5;
	v7 =	vmul.f32 v8, v19  }
0x531: {  	v8 =	vld.idx.msk [tilespmem:v10+s16+$0x0], $0xffff;
	v10 =	vor.u32 v31, v2  }
0x532: {  	v19 =	vld.idx.msk [tilespmem:v14+s15+$0x0], $0xffff;
	v5 =	vadd.f32 v7, v5;
	v7 =	vmul.f32 v13, v20  }
0x533: {  	v13 =	vld.idx.msk [tilespmem:v14+s16+$0x0], $0xffff;
	v14 =	vor.u32 v36, v2  }
0x534: {  	v20 =	vld.idx.msk [tilespmem:v15+s15+$0x0], $0xffff;
	v5 =	vadd.f32 v7, v5;
	v7 =	vmul.f32 v9, v21  }
0x535: {  	v9 =	vld.idx.msk [tilespmem:v15+s16+$0x0], $0xffff;
	v15 =	vor.u32 v37, v2  }
0x536: {  	v21 =	vld.idx.msk [tilespmem:v10+s15+$0x0], $0xffff;
	v5 =	vadd.f32 v7, v5;
	v7 =	vmul.f32 v8, v16  }
0x537: {  	v8 =	vld.idx.msk [tilespmem:v10+s16+$0x0], $0xffff;
	v10 =	vor.u32 v46, v2  }
0x538: {  	v16 =	vld.idx.msk [tilespmem:v14+s15+$0x0], $0xffff;
	v5 =	vadd.f32 v7, v5;
	v7 =	vmul.f32 v13, v19  }
0x539: {  	v13 =	vld.idx.msk [tilespmem:v14+s16+$0x0], $0xffff;
	v14 =	vor.u32 v47, v2  }
0x53a: {  	v19 =	vld.idx.msk [tilespmem:v15+s15+$0x0], $0xffff;
	v5 =	vadd.f32 v7, v5;
	v7 =	vmul.f32 v9, v20  }
0x53b: {  	v9 =	vld.idx.msk [tilespmem:v15+s16+$0x0], $0xffff;
	v15 =	vor.u32 v48, v2  }
0x53c: {  	v20 =	vld.idx.msk [tilespmem:v10+s15+$0x0], $0xffff;
	v5 =	vadd.f32 v7, v5;
	v7 =	vmul.f32 v8, v21  }
0x53d: {  	v8 =	vld.idx.msk [tilespmem:v10+s16+$0x0], $0xffff;
	v10 =	vor.u32 v49, v2  }
0x53e: {  	v21 =	vld.idx.msk [tilespmem:v14+s15+$0x0], $0xffff;
	v5 =	vadd.f32 v7, v5;
	v7 =	vmul.f32 v13, v16  }
0x53f: {  	v13 =	vld.idx.msk [tilespmem:v14+s16+$0x0], $0xffff;
	v14 =	vor.u32 v50, v2  }
0x540: {  	v16 =	vld.idx.msk [tilespmem:v15+s15+$0x0], $0xffff;
	v5 =	vadd.f32 v7, v5;
	v7 =	vmul.f32 v9, v19  }
0x541: {  	v9 =	vld.idx.msk [tilespmem:v15+s16+$0x0], $0xffff;
	v15 =	vor.u32 v51, v2  }
0x542: {  	v19 =	vld.idx.msk [tilespmem:v10+s15+$0x0], $0xffff;
	v5 =	vadd.f32 v7, v5;
	v7 =	vmul.f32 v8, v20  }
0x543: {  	v8 =	vld.idx.msk [tilespmem:v10+s16+$0x0], $0xffff;
	v10 =	vor.u32 v52, v2  }
0x544: {  	v20 =	vld.idx.msk [tilespmem:v14+s15+$0x0], $0xffff;
	v5 =	vadd.f32 v7, v5;
	v7 =	vmul.f32 v13, v21  }
0x545: {  	v13 =	vld.idx.msk [tilespmem:v14+s16+$0x0], $0xffff;
	v14 =	vor.u32 v53, v2  }
0x546: {  	v21 =	vld.idx.msk [tilespmem:v15+s15+$0x0], $0xffff;
	v5 =	vadd.f32 v7, v5;
	v7 =	vmul.f32 v9, v16  }
0x547: {  	v9 =	vld.idx.msk [tilespmem:v15+s16+$0x0], $0xffff;
	v15 =	vor.u32 v54, v2  }
0x548: {  	v16 =	vld.idx.msk [tilespmem:v10+s15+$0x0], $0xffff;
	v5 =	vadd.f32 v7, v5;
	v7 =	vmul.f32 v8, v19  }
0x549: {  	v8 =	vld.idx.msk [tilespmem:v10+s16+$0x0], $0xffff;
	v10 =	vor.u32 v55, v2  }
0x54a: {  	v19 =	vld.idx.msk [tilespmem:v14+s15+$0x0], $0xffff;
	v5 =	vadd.f32 v7, v5;
	v7 =	vmul.f32 v13, v20  }
0x54b: {  	v13 =	vld.idx.msk [tilespmem:v14+s16+$0x0], $0xffff;
	v14 =	vor.u32 v56, v2  }
0x54c: {  	v20 =	vld.idx.msk [tilespmem:v15+s15+$0x0], $0xffff;
	v5 =	vadd.f32 v7, v5;
	v7 =	vmul.f32 v9, v21  }
0x54d: {  	v9 =	vld.idx.msk [tilespmem:v15+s16+$0x0], $0xffff;
	v15 =	vor.u32 v57, v2  }
0x54e: {  	v21 =	vld.idx.msk [tilespmem:v10+s15+$0x0], $0xffff;
	v5 =	vadd.f32 v7, v5;
	v7 =	vmul.f32 v8, v16  }
0x54f: {  	v8 =	vld.idx.msk [tilespmem:v10+s16+$0x0], $0xffff;
	v10 =	vor.u32 v58, v2  }
0x550: {  	v16 =	vld.idx.msk [tilespmem:v14+s15+$0x0], $0xffff;
	v5 =	vadd.f32 v7, v5;
	v7 =	vmul.f32 v13, v19  }
0x551: {  	v13 =	vld.idx.msk [tilespmem:v14+s16+$0x0], $0xffff;
	v14 =	vor.u32 v59, v2  }
0x552: {  	v19 =	vld.idx.msk [tilespmem:v15+s15+$0x0], $0xffff;
	v5 =	vadd.f32 v7, v5;
	v7 =	vmul.f32 v9, v20  }
0x553: {  	v9 =	vld.idx.msk [tilespmem:v15+s16+$0x0], $0xffff;
	v15 =	vor.u32 v60, v2  }
0x554: {  	v20 =	vld.idx.msk [tilespmem:v10+s15+$0x0], $0xffff;
	v5 =	vadd.f32 v7, v5;
	v7 =	vmul.f32 v8, v21  }
0x555: {  	v8 =	vld.idx.msk [tilespmem:v10+s16+$0x0], $0xffff;
	v10 =	vor.u32 v61, v2  }
0x556: {  	v21 =	vld.idx.msk [tilespmem:v14+s15+$0x0], $0xffff;
	v5 =	vadd.f32 v7, v5;
	v7 =	vmul.f32 v13, v16  }
0x557: {  	v13 =	vld.idx.msk [tilespmem:v14+s16+$0x0], $0xffff;
	v14 =	vor.u32 v62, v2  }
0x558: {  	v16 =	vld.idx.msk [tilespmem:v15+s15+$0x0], $0xffff;
	v5 =	vadd.f32 v7, v5;
	v7 =	vmul.f32 v9, v19  }
0x559: {  	v9 =	vld.idx.msk [tilespmem:v15+s16+$0x0], $0xffff;
	v15 =	vor.u32 v63, v2  }
0x55a: {  	v19 =	vld.idx.msk [tilespmem:v10+s15+$0x0], $0xffff;
	v5 =	vadd.f32 v7, v5;
	v7 =	vmul.f32 v8, v20  }
0x55b: {  	v0 =	vor.u32 v0, v2;
	v8 =	vld.idx.msk [tilespmem:v10+s16+$0x0], $0xffff  }
0x55c: {  	v10 =	vld.idx.msk [tilespmem:v14+s15+$0x0], $0xffff;
	v5 =	vadd.f32 v7, v5;
	v7 =	vmul.f32 v13, v21  }
0x55d: {  	v1 =	vor.u32 v1, v2;
	v13 =	vld.idx.msk [tilespmem:v14+s16+$0x0], $0xffff  }
0x55e: {  	v2 =	vld.idx.msk [tilespmem:v15+s15+$0x0], $0xffff;
	v5 =	vadd.f32 v7, v5;
	v7 =	vmul.f32 v9, v16  }
0x55f: {  	v9 =	vld.idx.msk [tilespmem:v15+s16+$0x0], $0xffff  }
0x560: {  	v14 =	vld.idx.msk [tilespmem:v0+s15+$0x0], $0xffff;
	v5 =	vadd.f32 v7, v5;
	v7 =	vmul.f32 v8, v19  }
0x561: {  	v0 =	vld.idx.msk [tilespmem:v0+s16+$0x0], $0xffff  }
0x562: {  	v8 =	vld.idx.msk [tilespmem:v1+s15+$0x0], $0xffff;
	v5 =	vadd.f32 v7, v5;
	v7 =	vmul.f32 v13, v10  }
0x563: {  	v1 =	vld.idx.msk [tilespmem:v1+s16+$0x0], $0xffff  }
0x564: {  	v2 =	vmul.f32 v9, v2;
	v5 =	vadd.f32 v7, v5;
	_ =	sdelay $0x1  }
0x565: {  	v0 =	vmul.f32 v0, v14;
	v2 =	vadd.f32 v2, v5;
	_ =	sdelay $0x1  }
0x566: {  	v1 =	vmul.f32 v1, v8;
	v0 =	vadd.f32 v0, v2;
	_ =	sdelay $0x1  }
0x567: {  	v0 =	vadd.f32 v1, v0;
	_ =	sdelay $0x1  }
0x568: {  	v0 =	vsub.f32 $0.0e+00, v0;
	_ =	sdelay $0x1  }
0x569: {  	v0 =	vmul.f32 $1.442695020e+00, v0;
	_ =	sdelay $0x1  }
0x56a: {  	(erf) = vpow2.f32 v0;
	_ =	sdelay $0x8  }
0x56b: {  	v0 =	vpop (erf)  }
0x56c: {  	v0 =	vadd.f32 $1.000000000e+00, v0;
	_ =	sdelay $0x1  }
0x56d: {  	(erf) = vrcp.f32 v0;
	_ =	sdelay $0x8  }
0x56e: {  	s28 =	sand.u32 $0xF0, s20;
	v0 =	vpop (erf)  }
0x56f: {  	s29 =	rddreg [dreg:$0x5];
	s2 =	simm.s32 $0x8400;
	[tilespmem:s28+$0x8500] =	vst v0  }
0x570: {  	[hbm4b:s29+s8] =	stream.linear.scatter [tilespmem:s2], [sflag:$0x3], $0x200, $0x38;
	[tilespmem:$0x8600] =	vst v63  }
0x571: {  	_ =	swait.ge [sflag:s1], $0x200  }
0x572: {  	s30 =	rddreg [dreg:$0x7]  }
0x573: {  	s31 =	rddreg [dreg:$0x6];
	s2 =	sadd.s32 $0x1, s30  }
0x574: {  	p0 =	sne.s32 s2, s31  }
.Ltmp4:
0x575: {  	_ = 	snop;
	(pc) =	sbr.rel @p0 .LBB2_1-.Ltmp4, $3  }
0x576: {  	_ =	sdelay $0x1  }
0x577: {  	[sflag:s1] =	ssyncset.done $0x0  }
0x578: {  	[sflag:s1] =	ssyncadd.s32 $0xFFFFFE00  }
0x579: {  	_ =	sfence.sel $0x180000  }
0x57a: {  	[bflag:$0x0] =	sbarrier.arrive $0xFFFF  }
0x57b: {  	_ =	strace $0x90000047  }
0x57c: {  	s0 =	stileid.u32;
	[bflag:$0x2] =	sbarrier.arrive $0xFFFF  }
0x57d: {  	p0 =	sne.s32 s0, $0x0;
	s0 =	rddreg [dreg:$0x2]  }
0x57e: {  	s0 =	sadd.s32 @!p0 $0x100000, s0  }
0x57f: {  	[sflag:s0] =	ssyncadd.tile.s32 @!p0 $0x1;
	_ =	shalt  }
.Lfunc_end2:
_tile_overlayer_lowered:
.L_overlay_start_2:
0x580: {  	(tag) =	ssettag $0x2  }
0x581: {  	s0 =	rddreg [dreg:$0x0];
	s2 =	stileid.u32  }
0x582: {  	s1 =	rddreg [dreg:$0x1];
	p0 =	sne.s32 s2, $0x0  }
0x583: {  	s3 =	rddreg [dreg:$0x2];
	[bflag:$0x3] =	sbarrier.arrive $0xFFFF;
	s2 =	simm.s32 @!p0 $0x1C03  }
0x584: {  	[timem:s3], [sflag:s2] =	dma.local @!p0 [hbm:s0], s1  }
0x585: {  	s0 =	simm.s32 @!p0 $0x3  }
0x586: {  	_ =	swait.ge @!p0 [sflag:s0], s1  }
0x587: {  	s1 =	ssub.s32 @!p0 $0x0, s1;
	[sflag:s0] =	ssyncset.done @!p0 $0x0  }
0x588: {  	[sflag:s0] =	ssyncadd.s32 @!p0 s1  }
0x589: {  	[bflag:$0x3] =	sbarrier.arrive $0xFFFF  }
0x58a: {  	_ =	shalt  }

</sc_bundles>
